<compile_context>
chip_gen: v7x
topology: tpu7x:2x2x1
jax: 0.10.2.dev20260603
libtpu: 0.0.44.dev20260713+nightly
codegen_flags: <defaults>
</compile_context>

<pallas_src>
import functools

import jax
import jax.numpy as jnp
from jax import lax
from jax.experimental import pallas as pl
from jax.experimental.pallas import tpu as pltpu
from jax.experimental.pallas import tpu_sc as plsc

NEG = -1.0e30
_B, _MAXT, _MAXU, _A = 8, 200, 51, 512
_ED, _UD = 256, 64
_NC, _NS, _L = 2, 16, 16
_NW = _NC * _NS
_ROWS_PER_W = _ED // _NW
_ROWLEN = _B * _UD
_CHUNK = _ROWS_PER_W * _ROWLEN
_GCH = 128



def _sc_body(lp_hbm, labels_hbm, outB_hbm, outL_hbm, idx_v, rows_v, lab_v, sem):
    wid = lax.axis_index("s") * _NC + lax.axis_index("c")

    for b in range(_B):
        pltpu.sync_copy(labels_hbm.at[b], lab_v.at[b, pl.ds(0, _MAXU - 1)])

    def do_array(out_hbm, is_label):
        maxu = (_MAXU - 1) if is_label else _MAXU
        lane = lax.broadcasted_iota(jnp.int32, (_L,), 0)

        def coords(i):
            d = wid * _ROWS_PER_W + i // (_ROWLEN // _L)
            r = i % (_ROWLEN // _L)
            b = r // (_UD // _L)
            u = (r % (_UD // _L)) * _L + lane
            t = d - u
            valid = (t >= 0) & (t < _MAXT) & (u < maxu)
            return b, u, t, valid

        def build(i, _):
            b, u, t, valid = coords(i)
            tc = jnp.clip(t, 0, _MAXT - 1)
            uc = jnp.clip(u, 0, _MAXU - 1)
            if is_label:
                sel = jnp.where(u < _MAXU - 1,
                                lab_v[b, pl.ds((i % 4) * _L, _L)], 0)
            else:
                sel = 0
            idx = ((b * _MAXT + tc) * _MAXU + uc) * _A + sel
            idx_v[pl.ds(i * _L, _L)] = idx
            return 0

        lax.fori_loop(0, _CHUNK // _L, build, 0, unroll=4)

        copies = [
            pltpu.make_async_copy(
                lp_hbm.at[idx_v.at[pl.ds(k * _GCH, _GCH)]],
                rows_v.at[pl.ds(k * _GCH, _GCH)],
                sem,
            )
            for k in range(_CHUNK // _GCH)
        ]
        for c in copies:
            c.start()
        for c in copies:
            c.wait()

        def fix(i, _):
            _, _, _, valid = coords(i)
            x = rows_v[pl.ds(i * _L, _L)]
            rows_v[pl.ds(i * _L, _L)] = jnp.where(valid, x, NEG)
            return 0

        lax.fori_loop(0, _CHUNK // _L, fix, 0, unroll=4)
        pltpu.sync_copy(rows_v, out_hbm.at[pl.ds(wid * _CHUNK, _CHUNK)])

    do_array(outB_hbm, False)
    do_array(outL_hbm, True)


@functools.partial(
    pl.kernel,
    mesh=plsc.VectorSubcoreMesh(core_axis_name="c", subcore_axis_name="s"),
    out_type=[
        jax.ShapeDtypeStruct((_ED * _B * _UD,), jnp.float32),
        jax.ShapeDtypeStruct((_ED * _B * _UD,), jnp.float32),
    ],
    scratch_types=[
        pltpu.VMEM((_CHUNK,), jnp.int32),
        pltpu.VMEM((_CHUNK,), jnp.float32),
        pltpu.VMEM((_B, _UD), jnp.int32),
        pltpu.SemaphoreType.DMA,
    ],
)
def _sc_gather(lp_hbm, labels_hbm, outB_hbm, outL_hbm, idx_v, rows_v, lab_v, sem):
    _sc_body(lp_hbm, labels_hbm, outB_hbm, outL_hbm, idx_v, rows_v, lab_v, sem)



def _lae(x, y):
    m = jnp.maximum(x, y)
    return m + jnp.log1p(jnp.exp(-jnp.abs(x - y)))


def _dp_kernel(skewB_ref, skewL_ref, dstar_ref, umat_ref, out_ref):
    iota_u = jax.lax.broadcasted_iota(jnp.int32, (_B, _UD), 1)
    dstar = dstar_ref[...]
    mask_u = iota_u == umat_ref[...]

    a0 = jnp.where((iota_u == 0), 0.0, NEG).astype(jnp.float32)
    acc0 = jnp.zeros((_B, _UD), jnp.float32)
    negcol = jnp.full((_B, 1), NEG, jnp.float32)

    def body(d, carry):
        a, acc = carry
        bv = skewB_ref[d - 1]
        lv = skewL_ref[d - 1]
        c = a + lv
        shifted = jnp.concatenate([negcol, c[:, : _UD - 1]], axis=1)
        a_new = _lae(a + bv, shifted)
        bd = skewB_ref[d]
        hit = mask_u & (dstar == d)
        acc = acc + jnp.where(hit, a_new + bd, 0.0)
        return a_new, acc

    _, acc = jax.lax.fori_loop(1, _MAXT + _MAXU - 1, body, (a0, acc0))
    out_ref[...] = -jnp.sum(acc, keepdims=True) / _B


@jax.jit
def kernel(log_probs, labels, T, U):
    lp_flat = log_probs.reshape(-1)
    skewB_flat, skewL_flat = _sc_gather(lp_flat, labels.astype(jnp.int32))
    skewB = skewB_flat.reshape(_ED, _B, _UD)
    skewL = skewL_flat.reshape(_ED, _B, _UD)

    dstar = (T + U - 1).astype(jnp.int32)
    dstar_mat = jnp.broadcast_to(dstar[:, None], (_B, _UD))
    umat = jnp.broadcast_to(U.astype(jnp.int32)[:, None], (_B, _UD))

    out = pl.pallas_call(
        _dp_kernel,
        out_shape=jax.ShapeDtypeStruct((1, 1), jnp.float32),
        in_specs=[
            pl.BlockSpec(memory_space=pltpu.VMEM),
            pl.BlockSpec(memory_space=pltpu.VMEM),
            pl.BlockSpec(memory_space=pltpu.VMEM),
            pl.BlockSpec(memory_space=pltpu.VMEM),
        ],
        out_specs=pl.BlockSpec(memory_space=pltpu.VMEM),
    )(skewB, skewL, dstar_mat, umat)
    return out[0, 0]

# --- scband reference (transcript-rebuilt; emitter-appended) ---
"""Pipeline reference for scband-transducer-loss-51994874085539 (READ-ONLY COPY).

The authoritative reference and input builder live on the scoring server;
editing this copy changes nothing except your own understanding.
"""

import jax, jax.numpy as jnp
import numpy as np

BLANK = 0


def _run(init_row, bt_rows, lt_rows):
    # Generic lattice recursion: row[s,0] = prev[0] + bt[s,0];
    # row[s,v] = logaddexp(prev[v] + bt[s,v], row[s,v-1] + lt[s,v-1])
    def row_step(prev_row, x):
        bt, lt = x
        first = prev_row[0] + bt[0]
        def inner(c, y):
            pb, la = y
            v = jnp.logaddexp(pb, c + la)
            return v, v
        _, rest = jax.lax.scan(inner, first, (prev_row[1:] + bt[1:], lt))
        row = jnp.concatenate([first[None], rest])
        return row, row
    _, rows = jax.lax.scan(row_step, init_row, (bt_rows, lt_rows))
    return jnp.concatenate([init_row[None], rows], axis=0)


def _per_example(lp, lab, Tb, Ub):
    maxT, maxU, A = lp.shape
    lp_blank = lp[:, :, BLANK]                       # [maxT, maxU]
    lp_label = lp[:, jnp.arange(maxU - 1), lab]      # [maxT, maxU-1]

    # ---- alpha (forward variable) ----
    # alpha[0,0]=0; alpha[t,0]=alpha[t-1,0]+lp_blank[t-1,0];
    # alpha[0,u]=alpha[0,u-1]+lp_label[0,u-1];
    # alpha[t,u]=logaddexp(alpha[t-1,u]+lp_blank[t-1,u], alpha[t,u-1]+lp_label[t,u-1])
    alpha0 = jnp.concatenate([jnp.zeros((1,), lp.dtype), jnp.cumsum(lp_label[0])])
    alpha = _run(alpha0, lp_blank[:maxT - 1], lp_label[1:])
    log_p_alpha = alpha[Tb - 1, Ub] + lp_blank[Tb - 1, Ub]

    # ---- beta (backward variable), computed on reversed/shifted lattice ----
    # beta'[s,v] = beta[Tb-1-s, Ub-v]; recursion mirrors alpha with gathered terms.
    ti = jnp.clip(Tb - 1 - jnp.arange(maxT), 0, maxT - 1)
    ui = jnp.clip(Ub - jnp.arange(maxU), 0, maxU - 1)
    uw = jnp.clip(Ub - 1 - jnp.arange(maxU - 1), 0, maxU - 2)
    Ab = lp_blank[ti[:, None], ui[None, :]]
    Al = lp_label[ti[:, None], uw[None, :]]
    beta0 = Ab[0, 0] + jnp.concatenate([jnp.zeros((1,), lp.dtype), jnp.cumsum(Al[0])])
    betar = _run(beta0, Ab[1:], Al[1:])
    log_p_beta = betar[Tb - 1, Ub]
    return log_p_alpha, log_p_beta


def _loss(log_probs, labels, T, U):
    la, lb = jax.vmap(_per_example)(log_probs, labels, T, U)
    # reduction == 'mean' : -(log_p_alpha + log_p_beta)/2, averaged over batch
    return jnp.mean(-(la + lb) / 2.0)


def setup_inputs(seed: int = 0):
    key = jax.random.key(seed)
    k1, k2, k3, k4 = jax.random.split(key, 4)
    logits = jax.random.normal(k1, (8, 200, 51, 512), dtype=jnp.float32)
    log_probs = jax.nn.log_softmax(logits, axis=-1)
    labels = jax.random.randint(k2, (8, 50), 1, 512).astype(jnp.int32)
    T = jax.random.randint(k3, (8,), 100, 201).astype(jnp.int32)
    U = jax.random.randint(k4, (8,), 10, 51).astype(jnp.int32)
    return {"log_probs": log_probs, "labels": labels, "T": T, "U": U}


def reference(log_probs, labels, T, U):
    return _loss(log_probs, labels, T, U)

if __name__ == "__main__":
    import jax
    _d = setup_inputs()
    print(jax.jit(kernel)(*tuple(_d.values())))

</pallas_src>

<mosaic_0001>
#map = affine_map<(d0, d1) -> (0)>
#map1 = affine_map<(d0, d1) -> (0, 0)>
module attributes {stable_mosaic.version = 14 : i64} {
  func.func @_sc_gather(%arg0: i32, %arg1: i32, %arg2: memref<41779200xf32, #tpu.memory_space<hbm>>, %arg3: memref<8x50xi32, #tpu.memory_space<hbm>>, %arg4: memref<131072xf32, #tpu.memory_space<hbm>>, %arg5: memref<131072xf32, #tpu.memory_space<hbm>>, %arg6: memref<4096xi32, #tpu.memory_space<vmem>>, %arg7: memref<4096xf32, #tpu.memory_space<vmem>>, %arg8: memref<8x64xi32, #tpu.memory_space<vmem>>, %arg9: memref<!tpu.dma_semaphore, #tpu.memory_space<semaphore_mem>>) attributes {dimension_semantics = [#tpu.dimension_semantics<core_parallel>, #tpu.dimension_semantics<subcore_parallel>], iteration_bounds = array<i64: 2, 16>, scalar_prefetch = 0 : i64, scratch_operands = 4 : i64, tpu.core_type = #tpu.core_type<sc_vector_subcore>, window_params = [{transform_indices = #map}, {transform_indices = #map1}, {transform_indices = #map}, {transform_indices = #map}]} {
    %mul3A = arith.constant 2 : i32
    %mul3A_0 = arith.muli %arg1, %mul3A : i32
    %add3A = arith.addi %mul3A_0, %arg0 : i32
    %run_scoped3A = arith.constant 0 : i32
    %run_scoped3A_1 = arith.constant 0 : i32
    "tpu.region"() ({
      %run_scoped3A_814 = tpu.sem_alloc : memref<!tpu.dma_semaphore, #tpu.memory_space<semaphore_mem>>
      %dma_start3A_815 = arith.constant 0 : i32
      %dma_start3A_816 = tpu.memref_slice %arg8[%run_scoped3A_1, %dma_start3A_815] : memref<8x64xi32, #tpu.memory_space<vmem>> -> memref<1x50xi32, #tpu.memory_space<vmem>>
      %dma_start3A_817 = tpu.memref_squeeze %dma_start3A_816 : memref<1x50xi32, #tpu.memory_space<vmem>> -> memref<50xi32, #tpu.memory_space<vmem>>
      %dma_start3A_818 = arith.constant 0 : i32
      %dma_start3A_819 = tpu.memref_slice %arg3[%run_scoped3A, %dma_start3A_818] : memref<8x50xi32, #tpu.memory_space<hbm>> -> memref<1x50xi32, #tpu.memory_space<hbm>>
      %dma_start3A_820 = tpu.memref_squeeze %dma_start3A_819 : memref<1x50xi32, #tpu.memory_space<hbm>> -> memref<50xi32, #tpu.memory_space<hbm>>
      %dma_start3A_821 = arith.constant 0 : i32
      %dma_start3A_822 = tpu.memref_slice %arg8[%run_scoped3A_1, %dma_start3A_821] : memref<8x64xi32, #tpu.memory_space<vmem>> -> memref<1x50xi32, #tpu.memory_space<vmem>>
      %dma_start3A_823 = tpu.memref_squeeze %dma_start3A_822 : memref<1x50xi32, #tpu.memory_space<vmem>> -> memref<50xi32, #tpu.memory_space<vmem>>
      %dma_start3A_824 = arith.constant 0 : i32
      %dma_start3A_825 = tpu.memref_slice %arg3[%run_scoped3A, %dma_start3A_824] : memref<8x50xi32, #tpu.memory_space<hbm>> -> memref<1x50xi32, #tpu.memory_space<hbm>>
      %dma_start3A_826 = tpu.memref_squeeze %dma_start3A_825 : memref<1x50xi32, #tpu.memory_space<hbm>> -> memref<50xi32, #tpu.memory_space<hbm>>
      tpu.enqueue_dma source(%dma_start3A_826 : memref<50xi32, #tpu.memory_space<hbm>>) target(%dma_start3A_823 : memref<50xi32, #tpu.memory_space<vmem>>) target_semaphore(%run_scoped3A_814 : memref<!tpu.dma_semaphore, #tpu.memory_space<semaphore_mem>>)
      %dma_wait3A_827 = arith.constant 0 : i32
      %dma_wait3A_828 = tpu.memref_slice %arg8[%run_scoped3A_1, %dma_wait3A_827] : memref<8x64xi32, #tpu.memory_space<vmem>> -> memref<1x50xi32, #tpu.memory_space<vmem>>
      %dma_wait3A_829 = tpu.memref_squeeze %dma_wait3A_828 : memref<1x50xi32, #tpu.memory_space<vmem>> -> memref<50xi32, #tpu.memory_space<vmem>>
      %dma_wait3A_830 = arith.constant 0 : i32
      %dma_wait3A_831 = tpu.memref_slice %arg3[%run_scoped3A, %dma_wait3A_830] : memref<8x50xi32, #tpu.memory_space<hbm>> -> memref<1x50xi32, #tpu.memory_space<hbm>>
      %dma_wait3A_832 = tpu.memref_squeeze %dma_wait3A_831 : memref<1x50xi32, #tpu.memory_space<hbm>> -> memref<50xi32, #tpu.memory_space<hbm>>
      %dma_wait3A_833 = arith.constant 0 : i32
      %dma_wait3A_834 = tpu.memref_slice %arg8[%run_scoped3A_1, %dma_wait3A_833] : memref<8x64xi32, #tpu.memory_space<vmem>> -> memref<1x50xi32, #tpu.memory_space<vmem>>
      %dma_wait3A_835 = tpu.memref_squeeze %dma_wait3A_834 : memref<1x50xi32, #tpu.memory_space<vmem>> -> memref<50xi32, #tpu.memory_space<vmem>>
      %dma_wait3A_836 = arith.constant 0 : i32
      %dma_wait3A_837 = tpu.memref_slice %arg3[%run_scoped3A, %dma_wait3A_836] : memref<8x50xi32, #tpu.memory_space<hbm>> -> memref<1x50xi32, #tpu.memory_space<hbm>>
      %dma_wait3A_838 = tpu.memref_squeeze %dma_wait3A_837 : memref<1x50xi32, #tpu.memory_space<hbm>> -> memref<50xi32, #tpu.memory_space<hbm>>
      tpu.wait_dma2 semaphore(%run_scoped3A_814 : memref<!tpu.dma_semaphore, #tpu.memory_space<semaphore_mem>>) src(%dma_wait3A_838 : memref<50xi32, #tpu.memory_space<hbm>>) dst(%dma_wait3A_835 : memref<50xi32, #tpu.memory_space<vmem>>)
      tpu.yield
    }) : () -> ()
    %run_scoped3A_2 = arith.constant 1 : i32
    %run_scoped3A_3 = arith.constant 1 : i32
    "tpu.region"() ({
      %run_scoped3A_814 = tpu.sem_alloc : memref<!tpu.dma_semaphore, #tpu.memory_space<semaphore_mem>>
      %dma_start3A_815 = arith.constant 0 : i32
      %dma_start3A_816 = tpu.memref_slice %arg8[%run_scoped3A_3, %dma_start3A_815] : memref<8x64xi32, #tpu.memory_space<vmem>> -> memref<1x50xi32, #tpu.memory_space<vmem>>
      %dma_start3A_817 = tpu.memref_squeeze %dma_start3A_816 : memref<1x50xi32, #tpu.memory_space<vmem>> -> memref<50xi32, #tpu.memory_space<vmem>>
      %dma_start3A_818 = arith.constant 0 : i32
      %dma_start3A_819 = tpu.memref_slice %arg3[%run_scoped3A_2, %dma_start3A_818] : memref<8x50xi32, #tpu.memory_space<hbm>> -> memref<1x50xi32, #tpu.memory_space<hbm>>
      %dma_start3A_820 = tpu.memref_squeeze %dma_start3A_819 : memref<1x50xi32, #tpu.memory_space<hbm>> -> memref<50xi32, #tpu.memory_space<hbm>>
      %dma_start3A_821 = arith.constant 0 : i32
      %dma_start3A_822 = tpu.memref_slice %arg8[%run_scoped3A_3, %dma_start3A_821] : memref<8x64xi32, #tpu.memory_space<vmem>> -> memref<1x50xi32, #tpu.memory_space<vmem>>
      %dma_start3A_823 = tpu.memref_squeeze %dma_start3A_822 : memref<1x50xi32, #tpu.memory_space<vmem>> -> memref<50xi32, #tpu.memory_space<vmem>>
      %dma_start3A_824 = arith.constant 0 : i32
      %dma_start3A_825 = tpu.memref_slice %arg3[%run_scoped3A_2, %dma_start3A_824] : memref<8x50xi32, #tpu.memory_space<hbm>> -> memref<1x50xi32, #tpu.memory_space<hbm>>
      %dma_start3A_826 = tpu.memref_squeeze %dma_start3A_825 : memref<1x50xi32, #tpu.memory_space<hbm>> -> memref<50xi32, #tpu.memory_space<hbm>>
      tpu.enqueue_dma source(%dma_start3A_826 : memref<50xi32, #tpu.memory_space<hbm>>) target(%dma_start3A_823 : memref<50xi32, #tpu.memory_space<vmem>>) target_semaphore(%run_scoped3A_814 : memref<!tpu.dma_semaphore, #tpu.memory_space<semaphore_mem>>)
      %dma_wait3A_827 = arith.constant 0 : i32
      %dma_wait3A_828 = tpu.memref_slice %arg8[%run_scoped3A_3, %dma_wait3A_827] : memref<8x64xi32, #tpu.memory_space<vmem>> -> memref<1x50xi32, #tpu.memory_space<vmem>>
      %dma_wait3A_829 = tpu.memref_squeeze %dma_wait3A_828 : memref<1x50xi32, #tpu.memory_space<vmem>> -> memref<50xi32, #tpu.memory_space<vmem>>
      %dma_wait3A_830 = arith.constant 0 : i32
      %dma_wait3A_831 = tpu.memref_slice %arg3[%run_scoped3A_2, %dma_wait3A_830] : memref<8x50xi32, #tpu.memory_space<hbm>> -> memref<1x50xi32, #tpu.memory_space<hbm>>
      %dma_wait3A_832 = tpu.memref_squeeze %dma_wait3A_831 : memref<1x50xi32, #tpu.memory_space<hbm>> -> memref<50xi32, #tpu.memory_space<hbm>>
      %dma_wait3A_833 = arith.constant 0 : i32
      %dma_wait3A_834 = tpu.memref_slice %arg8[%run_scoped3A_3, %dma_wait3A_833] : memref<8x64xi32, #tpu.memory_space<vmem>> -> memref<1x50xi32, #tpu.memory_space<vmem>>
      %dma_wait3A_835 = tpu.memref_squeeze %dma_wait3A_834 : memref<1x50xi32, #tpu.memory_space<vmem>> -> memref<50xi32, #tpu.memory_space<vmem>>
      %dma_wait3A_836 = arith.constant 0 : i32
      %dma_wait3A_837 = tpu.memref_slice %arg3[%run_scoped3A_2, %dma_wait3A_836] : memref<8x50xi32, #tpu.memory_space<hbm>> -> memref<1x50xi32, #tpu.memory_space<hbm>>
      %dma_wait3A_838 = tpu.memref_squeeze %dma_wait3A_837 : memref<1x50xi32, #tpu.memory_space<hbm>> -> memref<50xi32, #tpu.memory_space<hbm>>
      tpu.wait_dma2 semaphore(%run_scoped3A_814 : memref<!tpu.dma_semaphore, #tpu.memory_space<semaphore_mem>>) src(%dma_wait3A_838 : memref<50xi32, #tpu.memory_space<hbm>>) dst(%dma_wait3A_835 : memref<50xi32, #tpu.memory_space<vmem>>)
      tpu.yield
    }) : () -> ()
    %run_scoped3A_4 = arith.constant 2 : i32
    %run_scoped3A_5 = arith.constant 2 : i32
    "tpu.region"() ({
      %run_scoped3A_814 = tpu.sem_alloc : memref<!tpu.dma_semaphore, #tpu.memory_space<semaphore_mem>>
      %dma_start3A_815 = arith.constant 0 : i32
      %dma_start3A_816 = tpu.memref_slice %arg8[%run_scoped3A_5, %dma_start3A_815] : memref<8x64xi32, #tpu.memory_space<vmem>> -> memref<1x50xi32, #tpu.memory_space<vmem>>
      %dma_start3A_817 = tpu.memref_squeeze %dma_start3A_816 : memref<1x50xi32, #tpu.memory_space<vmem>> -> memref<50xi32, #tpu.memory_space<vmem>>
      %dma_start3A_818 = arith.constant 0 : i32
      %dma_start3A_819 = tpu.memref_slice %arg3[%run_scoped3A_4, %dma_start3A_818] : memref<8x50xi32, #tpu.memory_space<hbm>> -> memref<1x50xi32, #tpu.memory_space<hbm>>
      %dma_start3A_820 = tpu.memref_squeeze %dma_start3A_819 : memref<1x50xi32, #tpu.memory_space<hbm>> -> memref<50xi32, #tpu.memory_space<hbm>>
      %dma_start3A_821 = arith.constant 0 : i32
      %dma_start3A_822 = tpu.memref_slice %arg8[%run_scoped3A_5, %dma_start3A_821] : memref<8x64xi32, #tpu.memory_space<vmem>> -> memref<1x50xi32, #tpu.memory_space<vmem>>
      %dma_start3A_823 = tpu.memref_squeeze %dma_start3A_822 : memref<1x50xi32, #tpu.memory_space<vmem>> -> memref<50xi32, #tpu.memory_space<vmem>>
      %dma_start3A_824 = arith.constant 0 : i32
      %dma_start3A_825 = tpu.memref_slice %arg3[%run_scoped3A_4, %dma_start3A_824] : memref<8x50xi32, #tpu.memory_space<hbm>> -> memref<1x50xi32, #tpu.memory_space<hbm>>
      %dma_start3A_826 = tpu.memref_squeeze %dma_start3A_825 : memref<1x50xi32, #tpu.memory_space<hbm>> -> memref<50xi32, #tpu.memory_space<hbm>>
      tpu.enqueue_dma source(%dma_start3A_826 : memref<50xi32, #tpu.memory_space<hbm>>) target(%dma_start3A_823 : memref<50xi32, #tpu.memory_space<vmem>>) target_semaphore(%run_scoped3A_814 : memref<!tpu.dma_semaphore, #tpu.memory_space<semaphore_mem>>)
      %dma_wait3A_827 = arith.constant 0 : i32
      %dma_wait3A_828 = tpu.memref_slice %arg8[%run_scoped3A_5, %dma_wait3A_827] : memref<8x64xi32, #tpu.memory_space<vmem>> -> memref<1x50xi32, #tpu.memory_space<vmem>>
      %dma_wait3A_829 = tpu.memref_squeeze %dma_wait3A_828 : memref<1x50xi32, #tpu.memory_space<vmem>> -> memref<50xi32, #tpu.memory_space<vmem>>
      %dma_wait3A_830 = arith.constant 0 : i32
      %dma_wait3A_831 = tpu.memref_slice %arg3[%run_scoped3A_4, %dma_wait3A_830] : memref<8x50xi32, #tpu.memory_space<hbm>> -> memref<1x50xi32, #tpu.memory_space<hbm>>
      %dma_wait3A_832 = tpu.memref_squeeze %dma_wait3A_831 : memref<1x50xi32, #tpu.memory_space<hbm>> -> memref<50xi32, #tpu.memory_space<hbm>>
      %dma_wait3A_833 = arith.constant 0 : i32
      %dma_wait3A_834 = tpu.memref_slice %arg8[%run_scoped3A_5, %dma_wait3A_833] : memref<8x64xi32, #tpu.memory_space<vmem>> -> memref<1x50xi32, #tpu.memory_space<vmem>>
      %dma_wait3A_835 = tpu.memref_squeeze %dma_wait3A_834 : memref<1x50xi32, #tpu.memory_space<vmem>> -> memref<50xi32, #tpu.memory_space<vmem>>
      %dma_wait3A_836 = arith.constant 0 : i32
      %dma_wait3A_837 = tpu.memref_slice %arg3[%run_scoped3A_4, %dma_wait3A_836] : memref<8x50xi32, #tpu.memory_space<hbm>> -> memref<1x50xi32, #tpu.memory_space<hbm>>
      %dma_wait3A_838 = tpu.memref_squeeze %dma_wait3A_837 : memref<1x50xi32, #tpu.memory_space<hbm>> -> memref<50xi32, #tpu.memory_space<hbm>>
      tpu.wait_dma2 semaphore(%run_scoped3A_814 : memref<!tpu.dma_semaphore, #tpu.memory_space<semaphore_mem>>) src(%dma_wait3A_838 : memref<50xi32, #tpu.memory_space<hbm>>) dst(%dma_wait3A_835 : memref<50xi32, #tpu.memory_space<vmem>>)
      tpu.yield
    }) : () -> ()
    %run_scoped3A_6 = arith.constant 3 : i32
    %run_scoped3A_7 = arith.constant 3 : i32
    "tpu.region"() ({
      %run_scoped3A_814 = tpu.sem_alloc : memref<!tpu.dma_semaphore, #tpu.memory_space<semaphore_mem>>
      %dma_start3A_815 = arith.constant 0 : i32
      %dma_start3A_816 = tpu.memref_slice %arg8[%run_scoped3A_7, %dma_start3A_815] : memref<8x64xi32, #tpu.memory_space<vmem>> -> memref<1x50xi32, #tpu.memory_space<vmem>>
      %dma_start3A_817 = tpu.memref_squeeze %dma_start3A_816 : memref<1x50xi32, #tpu.memory_space<vmem>> -> memref<50xi32, #tpu.memory_space<vmem>>
      %dma_start3A_818 = arith.constant 0 : i32
      %dma_start3A_819 = tpu.memref_slice %arg3[%run_scoped3A_6, %dma_start3A_818] : memref<8x50xi32, #tpu.memory_space<hbm>> -> memref<1x50xi32, #tpu.memory_space<hbm>>
      %dma_start3A_820 = tpu.memref_squeeze %dma_start3A_819 : memref<1x50xi32, #tpu.memory_space<hbm>> -> memref<50xi32, #tpu.memory_space<hbm>>
      %dma_start3A_821 = arith.constant 0 : i32
      %dma_start3A_822 = tpu.memref_slice %arg8[%run_scoped3A_7, %dma_start3A_821] : memref<8x64xi32, #tpu.memory_space<vmem>> -> memref<1x50xi32, #tpu.memory_space<vmem>>
      %dma_start3A_823 = tpu.memref_squeeze %dma_start3A_822 : memref<1x50xi32, #tpu.memory_space<vmem>> -> memref<50xi32, #tpu.memory_space<vmem>>
      %dma_start3A_824 = arith.constant 0 : i32
      %dma_start3A_825 = tpu.memref_slice %arg3[%run_scoped3A_6, %dma_start3A_824] : memref<8x50xi32, #tpu.memory_space<hbm>> -> memref<1x50xi32, #tpu.memory_space<hbm>>
      %dma_start3A_826 = tpu.memref_squeeze %dma_start3A_825 : memref<1x50xi32, #tpu.memory_space<hbm>> -> memref<50xi32, #tpu.memory_space<hbm>>
      tpu.enqueue_dma source(%dma_start3A_826 : memref<50xi32, #tpu.memory_space<hbm>>) target(%dma_start3A_823 : memref<50xi32, #tpu.memory_space<vmem>>) target_semaphore(%run_scoped3A_814 : memref<!tpu.dma_semaphore, #tpu.memory_space<semaphore_mem>>)
      %dma_wait3A_827 = arith.constant 0 : i32
      %dma_wait3A_828 = tpu.memref_slice %arg8[%run_scoped3A_7, %dma_wait3A_827] : memref<8x64xi32, #tpu.memory_space<vmem>> -> memref<1x50xi32, #tpu.memory_space<vmem>>
      %dma_wait3A_829 = tpu.memref_squeeze %dma_wait3A_828 : memref<1x50xi32, #tpu.memory_space<vmem>> -> memref<50xi32, #tpu.memory_space<vmem>>
      %dma_wait3A_830 = arith.constant 0 : i32
      %dma_wait3A_831 = tpu.memref_slice %arg3[%run_scoped3A_6, %dma_wait3A_830] : memref<8x50xi32, #tpu.memory_space<hbm>> -> memref<1x50xi32, #tpu.memory_space<hbm>>
      %dma_wait3A_832 = tpu.memref_squeeze %dma_wait3A_831 : memref<1x50xi32, #tpu.memory_space<hbm>> -> memref<50xi32, #tpu.memory_space<hbm>>
      %dma_wait3A_833 = arith.constant 0 : i32
      %dma_wait3A_834 = tpu.memref_slice %arg8[%run_scoped3A_7, %dma_wait3A_833] : memref<8x64xi32, #tpu.memory_space<vmem>> -> memref<1x50xi32, #tpu.memory_space<vmem>>
      %dma_wait3A_835 = tpu.memref_squeeze %dma_wait3A_834 : memref<1x50xi32, #tpu.memory_space<vmem>> -> memref<50xi32, #tpu.memory_space<vmem>>
      %dma_wait3A_836 = arith.constant 0 : i32
      %dma_wait3A_837 = tpu.memref_slice %arg3[%run_scoped3A_6, %dma_wait3A_836] : memref<8x50xi32, #tpu.memory_space<hbm>> -> memref<1x50xi32, #tpu.memory_space<hbm>>
      %dma_wait3A_838 = tpu.memref_squeeze %dma_wait3A_837 : memref<1x50xi32, #tpu.memory_space<hbm>> -> memref<50xi32, #tpu.memory_space<hbm>>
      tpu.wait_dma2 semaphore(%run_scoped3A_814 : memref<!tpu.dma_semaphore, #tpu.memory_space<semaphore_mem>>) src(%dma_wait3A_838 : memref<50xi32, #tpu.memory_space<hbm>>) dst(%dma_wait3A_835 : memref<50xi32, #tpu.memory_space<vmem>>)
      tpu.yield
    }) : () -> ()
    %run_scoped3A_8 = arith.constant 4 : i32
    %run_scoped3A_9 = arith.constant 4 : i32
    "tpu.region"() ({
      %run_scoped3A_814 = tpu.sem_alloc : memref<!tpu.dma_semaphore, #tpu.memory_space<semaphore_mem>>
      %dma_start3A_815 = arith.constant 0 : i32
      %dma_start3A_816 = tpu.memref_slice %arg8[%run_scoped3A_9, %dma_start3A_815] : memref<8x64xi32, #tpu.memory_space<vmem>> -> memref<1x50xi32, #tpu.memory_space<vmem>>
      %dma_start3A_817 = tpu.memref_squeeze %dma_start3A_816 : memref<1x50xi32, #tpu.memory_space<vmem>> -> memref<50xi32, #tpu.memory_space<vmem>>
      %dma_start3A_818 = arith.constant 0 : i32
      %dma_start3A_819 = tpu.memref_slice %arg3[%run_scoped3A_8, %dma_start3A_818] : memref<8x50xi32, #tpu.memory_space<hbm>> -> memref<1x50xi32, #tpu.memory_space<hbm>>
      %dma_start3A_820 = tpu.memref_squeeze %dma_start3A_819 : memref<1x50xi32, #tpu.memory_space<hbm>> -> memref<50xi32, #tpu.memory_space<hbm>>
      %dma_start3A_821 = arith.constant 0 : i32
      %dma_start3A_822 = tpu.memref_slice %arg8[%run_scoped3A_9, %dma_start3A_821] : memref<8x64xi32, #tpu.memory_space<vmem>> -> memref<1x50xi32, #tpu.memory_space<vmem>>
      %dma_start3A_823 = tpu.memref_squeeze %dma_start3A_822 : memref<1x50xi32, #tpu.memory_space<vmem>> -> memref<50xi32, #tpu.memory_space<vmem>>
      %dma_start3A_824 = arith.constant 0 : i32
      %dma_start3A_825 = tpu.memref_slice %arg3[%run_scoped3A_8, %dma_start3A_824] : memref<8x50xi32, #tpu.memory_space<hbm>> -> memref<1x50xi32, #tpu.memory_space<hbm>>
      %dma_start3A_826 = tpu.memref_squeeze %dma_start3A_825 : memref<1x50xi32, #tpu.memory_space<hbm>> -> memref<50xi32, #tpu.memory_space<hbm>>
      tpu.enqueue_dma source(%dma_start3A_826 : memref<50xi32, #tpu.memory_space<hbm>>) target(%dma_start3A_823 : memref<50xi32, #tpu.memory_space<vmem>>) target_semaphore(%run_scoped3A_814 : memref<!tpu.dma_semaphore, #tpu.memory_space<semaphore_mem>>)
      %dma_wait3A_827 = arith.constant 0 : i32
      %dma_wait3A_828 = tpu.memref_slice %arg8[%run_scoped3A_9, %dma_wait3A_827] : memref<8x64xi32, #tpu.memory_space<vmem>> -> memref<1x50xi32, #tpu.memory_space<vmem>>
      %dma_wait3A_829 = tpu.memref_squeeze %dma_wait3A_828 : memref<1x50xi32, #tpu.memory_space<vmem>> -> memref<50xi32, #tpu.memory_space<vmem>>
      %dma_wait3A_830 = arith.constant 0 : i32
      %dma_wait3A_831 = tpu.memref_slice %arg3[%run_scoped3A_8, %dma_wait3A_830] : memref<8x50xi32, #tpu.memory_space<hbm>> -> memref<1x50xi32, #tpu.memory_space<hbm>>
      %dma_wait3A_832 = tpu.memref_squeeze %dma_wait3A_831 : memref<1x50xi32, #tpu.memory_space<hbm>> -> memref<50xi32, #tpu.memory_space<hbm>>
      %dma_wait3A_833 = arith.constant 0 : i32
      %dma_wait3A_834 = tpu.memref_slice %arg8[%run_scoped3A_9, %dma_wait3A_833] : memref<8x64xi32, #tpu.memory_space<vmem>> -> memref<1x50xi32, #tpu.memory_space<vmem>>
      %dma_wait3A_835 = tpu.memref_squeeze %dma_wait3A_834 : memref<1x50xi32, #tpu.memory_space<vmem>> -> memref<50xi32, #tpu.memory_space<vmem>>
      %dma_wait3A_836 = arith.constant 0 : i32
      %dma_wait3A_837 = tpu.memref_slice %arg3[%run_scoped3A_8, %dma_wait3A_836] : memref<8x50xi32, #tpu.memory_space<hbm>> -> memref<1x50xi32, #tpu.memory_space<hbm>>
      %dma_wait3A_838 = tpu.memref_squeeze %dma_wait3A_837 : memref<1x50xi32, #tpu.memory_space<hbm>> -> memref<50xi32, #tpu.memory_space<hbm>>
      tpu.wait_dma2 semaphore(%run_scoped3A_814 : memref<!tpu.dma_semaphore, #tpu.memory_space<semaphore_mem>>) src(%dma_wait3A_838 : memref<50xi32, #tpu.memory_space<hbm>>) dst(%dma_wait3A_835 : memref<50xi32, #tpu.memory_space<vmem>>)
      tpu.yield
    }) : () -> ()
    %run_scoped3A_10 = arith.constant 5 : i32
    %run_scoped3A_11 = arith.constant 5 : i32
    "tpu.region"() ({
      %run_scoped3A_814 = tpu.sem_alloc : memref<!tpu.dma_semaphore, #tpu.memory_space<semaphore_mem>>
      %dma_start3A_815 = arith.constant 0 : i32
      %dma_start3A_816 = tpu.memref_slice %arg8[%run_scoped3A_11, %dma_start3A_815] : memref<8x64xi32, #tpu.memory_space<vmem>> -> memref<1x50xi32, #tpu.memory_space<vmem>>
      %dma_start3A_817 = tpu.memref_squeeze %dma_start3A_816 : memref<1x50xi32, #tpu.memory_space<vmem>> -> memref<50xi32, #tpu.memory_space<vmem>>
      %dma_start3A_818 = arith.constant 0 : i32
      %dma_start3A_819 = tpu.memref_slice %arg3[%run_scoped3A_10, %dma_start3A_818] : memref<8x50xi32, #tpu.memory_space<hbm>> -> memref<1x50xi32, #tpu.memory_space<hbm>>
      %dma_start3A_820 = tpu.memref_squeeze %dma_start3A_819 : memref<1x50xi32, #tpu.memory_space<hbm>> -> memref<50xi32, #tpu.memory_space<hbm>>
      %dma_start3A_821 = arith.constant 0 : i32
      %dma_start3A_822 = tpu.memref_slice %arg8[%run_scoped3A_11, %dma_start3A_821] : memref<8x64xi32, #tpu.memory_space<vmem>> -> memref<1x50xi32, #tpu.memory_space<vmem>>
      %dma_start3A_823 = tpu.memref_squeeze %dma_start3A_822 : memref<1x50xi32, #tpu.memory_space<vmem>> -> memref<50xi32, #tpu.memory_space<vmem>>
      %dma_start3A_824 = arith.constant 0 : i32
      %dma_start3A_825 = tpu.memref_slice %arg3[%run_scoped3A_10, %dma_start3A_824] : memref<8x50xi32, #tpu.memory_space<hbm>> -> memref<1x50xi32, #tpu.memory_space<hbm>>
      %dma_start3A_826 = tpu.memref_squeeze %dma_start3A_825 : memref<1x50xi32, #tpu.memory_space<hbm>> -> memref<50xi32, #tpu.memory_space<hbm>>
      tpu.enqueue_dma source(%dma_start3A_826 : memref<50xi32, #tpu.memory_space<hbm>>) target(%dma_start3A_823 : memref<50xi32, #tpu.memory_space<vmem>>) target_semaphore(%run_scoped3A_814 : memref<!tpu.dma_semaphore, #tpu.memory_space<semaphore_mem>>)
      %dma_wait3A_827 = arith.constant 0 : i32
      %dma_wait3A_828 = tpu.memref_slice %arg8[%run_scoped3A_11, %dma_wait3A_827] : memref<8x64xi32, #tpu.memory_space<vmem>> -> memref<1x50xi32, #tpu.memory_space<vmem>>
      %dma_wait3A_829 = tpu.memref_squeeze %dma_wait3A_828 : memref<1x50xi32, #tpu.memory_space<vmem>> -> memref<50xi32, #tpu.memory_space<vmem>>
      %dma_wait3A_830 = arith.constant 0 : i32
      %dma_wait3A_831 = tpu.memref_slice %arg3[%run_scoped3A_10, %dma_wait3A_830] : memref<8x50xi32, #tpu.memory_space<hbm>> -> memref<1x50xi32, #tpu.memory_space<hbm>>
      %dma_wait3A_832 = tpu.memref_squeeze %dma_wait3A_831 : memref<1x50xi32, #tpu.memory_space<hbm>> -> memref<50xi32, #tpu.memory_space<hbm>>
      %dma_wait3A_833 = arith.constant 0 : i32
      %dma_wait3A_834 = tpu.memref_slice %arg8[%run_scoped3A_11, %dma_wait3A_833] : memref<8x64xi32, #tpu.memory_space<vmem>> -> memref<1x50xi32, #tpu.memory_space<vmem>>
      %dma_wait3A_835 = tpu.memref_squeeze %dma_wait3A_834 : memref<1x50xi32, #tpu.memory_space<vmem>> -> memref<50xi32, #tpu.memory_space<vmem>>
      %dma_wait3A_836 = arith.constant 0 : i32
      %dma_wait3A_837 = tpu.memref_slice %arg3[%run_scoped3A_10, %dma_wait3A_836] : memref<8x50xi32, #tpu.memory_space<hbm>> -> memref<1x50xi32, #tpu.memory_space<hbm>>
      %dma_wait3A_838 = tpu.memref_squeeze %dma_wait3A_837 : memref<1x50xi32, #tpu.memory_space<hbm>> -> memref<50xi32, #tpu.memory_space<hbm>>
      tpu.wait_dma2 semaphore(%run_scoped3A_814 : memref<!tpu.dma_semaphore, #tpu.memory_space<semaphore_mem>>) src(%dma_wait3A_838 : memref<50xi32, #tpu.memory_space<hbm>>) dst(%dma_wait3A_835 : memref<50xi32, #tpu.memory_space<vmem>>)
      tpu.yield
    }) : () -> ()
    %run_scoped3A_12 = arith.constant 6 : i32
    %run_scoped3A_13 = arith.constant 6 : i32
    "tpu.region"() ({
      %run_scoped3A_814 = tpu.sem_alloc : memref<!tpu.dma_semaphore, #tpu.memory_space<semaphore_mem>>
      %dma_start3A_815 = arith.constant 0 : i32
      %dma_start3A_816 = tpu.memref_slice %arg8[%run_scoped3A_13, %dma_start3A_815] : memref<8x64xi32, #tpu.memory_space<vmem>> -> memref<1x50xi32, #tpu.memory_space<vmem>>
      %dma_start3A_817 = tpu.memref_squeeze %dma_start3A_816 : memref<1x50xi32, #tpu.memory_space<vmem>> -> memref<50xi32, #tpu.memory_space<vmem>>
      %dma_start3A_818 = arith.constant 0 : i32
      %dma_start3A_819 = tpu.memref_slice %arg3[%run_scoped3A_12, %dma_start3A_818] : memref<8x50xi32, #tpu.memory_space<hbm>> -> memref<1x50xi32, #tpu.memory_space<hbm>>
      %dma_start3A_820 = tpu.memref_squeeze %dma_start3A_819 : memref<1x50xi32, #tpu.memory_space<hbm>> -> memref<50xi32, #tpu.memory_space<hbm>>
      %dma_start3A_821 = arith.constant 0 : i32
      %dma_start3A_822 = tpu.memref_slice %arg8[%run_scoped3A_13, %dma_start3A_821] : memref<8x64xi32, #tpu.memory_space<vmem>> -> memref<1x50xi32, #tpu.memory_space<vmem>>
      %dma_start3A_823 = tpu.memref_squeeze %dma_start3A_822 : memref<1x50xi32, #tpu.memory_space<vmem>> -> memref<50xi32, #tpu.memory_space<vmem>>
      %dma_start3A_824 = arith.constant 0 : i32
      %dma_start3A_825 = tpu.memref_slice %arg3[%run_scoped3A_12, %dma_start3A_824] : memref<8x50xi32, #tpu.memory_space<hbm>> -> memref<1x50xi32, #tpu.memory_space<hbm>>
      %dma_start3A_826 = tpu.memref_squeeze %dma_start3A_825 : memref<1x50xi32, #tpu.memory_space<hbm>> -> memref<50xi32, #tpu.memory_space<hbm>>
      tpu.enqueue_dma source(%dma_start3A_826 : memref<50xi32, #tpu.memory_space<hbm>>) target(%dma_start3A_823 : memref<50xi32, #tpu.memory_space<vmem>>) target_semaphore(%run_scoped3A_814 : memref<!tpu.dma_semaphore, #tpu.memory_space<semaphore_mem>>)
      %dma_wait3A_827 = arith.constant 0 : i32
      %dma_wait3A_828 = tpu.memref_slice %arg8[%run_scoped3A_13, %dma_wait3A_827] : memref<8x64xi32, #tpu.memory_space<vmem>> -> memref<1x50xi32, #tpu.memory_space<vmem>>
      %dma_wait3A_829 = tpu.memref_squeeze %dma_wait3A_828 : memref<1x50xi32, #tpu.memory_space<vmem>> -> memref<50xi32, #tpu.memory_space<vmem>>
      %dma_wait3A_830 = arith.constant 0 : i32
      %dma_wait3A_831 = tpu.memref_slice %arg3[%run_scoped3A_12, %dma_wait3A_830] : memref<8x50xi32, #tpu.memory_space<hbm>> -> memref<1x50xi32, #tpu.memory_space<hbm>>
      %dma_wait3A_832 = tpu.memref_squeeze %dma_wait3A_831 : memref<1x50xi32, #tpu.memory_space<hbm>> -> memref<50xi32, #tpu.memory_space<hbm>>
      %dma_wait3A_833 = arith.constant 0 : i32
      %dma_wait3A_834 = tpu.memref_slice %arg8[%run_scoped3A_13, %dma_wait3A_833] : memref<8x64xi32, #tpu.memory_space<vmem>> -> memref<1x50xi32, #tpu.memory_space<vmem>>
      %dma_wait3A_835 = tpu.memref_squeeze %dma_wait3A_834 : memref<1x50xi32, #tpu.memory_space<vmem>> -> memref<50xi32, #tpu.memory_space<vmem>>
      %dma_wait3A_836 = arith.constant 0 : i32
      %dma_wait3A_837 = tpu.memref_slice %arg3[%run_scoped3A_12, %dma_wait3A_836] : memref<8x50xi32, #tpu.memory_space<hbm>> -> memref<1x50xi32, #tpu.memory_space<hbm>>
      %dma_wait3A_838 = tpu.memref_squeeze %dma_wait3A_837 : memref<1x50xi32, #tpu.memory_space<hbm>> -> memref<50xi32, #tpu.memory_space<hbm>>
      tpu.wait_dma2 semaphore(%run_scoped3A_814 : memref<!tpu.dma_semaphore, #tpu.memory_space<semaphore_mem>>) src(%dma_wait3A_838 : memref<50xi32, #tpu.memory_space<hbm>>) dst(%dma_wait3A_835 : memref<50xi32, #tpu.memory_space<vmem>>)
      tpu.yield
    }) : () -> ()
    %run_scoped3A_14 = arith.constant 7 : i32
    %run_scoped3A_15 = arith.constant 7 : i32
    "tpu.region"() ({
      %run_scoped3A_814 = tpu.sem_alloc : memref<!tpu.dma_semaphore, #tpu.memory_space<semaphore_mem>>
      %dma_start3A_815 = arith.constant 0 : i32
      %dma_start3A_816 = tpu.memref_slice %arg8[%run_scoped3A_15, %dma_start3A_815] : memref<8x64xi32, #tpu.memory_space<vmem>> -> memref<1x50xi32, #tpu.memory_space<vmem>>
      %dma_start3A_817 = tpu.memref_squeeze %dma_start3A_816 : memref<1x50xi32, #tpu.memory_space<vmem>> -> memref<50xi32, #tpu.memory_space<vmem>>
      %dma_start3A_818 = arith.constant 0 : i32
      %dma_start3A_819 = tpu.memref_slice %arg3[%run_scoped3A_14, %dma_start3A_818] : memref<8x50xi32, #tpu.memory_space<hbm>> -> memref<1x50xi32, #tpu.memory_space<hbm>>
      %dma_start3A_820 = tpu.memref_squeeze %dma_start3A_819 : memref<1x50xi32, #tpu.memory_space<hbm>> -> memref<50xi32, #tpu.memory_space<hbm>>
      %dma_start3A_821 = arith.constant 0 : i32
      %dma_start3A_822 = tpu.memref_slice %arg8[%run_scoped3A_15, %dma_start3A_821] : memref<8x64xi32, #tpu.memory_space<vmem>> -> memref<1x50xi32, #tpu.memory_space<vmem>>
      %dma_start3A_823 = tpu.memref_squeeze %dma_start3A_822 : memref<1x50xi32, #tpu.memory_space<vmem>> -> memref<50xi32, #tpu.memory_space<vmem>>
      %dma_start3A_824 = arith.constant 0 : i32
      %dma_start3A_825 = tpu.memref_slice %arg3[%run_scoped3A_14, %dma_start3A_824] : memref<8x50xi32, #tpu.memory_space<hbm>> -> memref<1x50xi32, #tpu.memory_space<hbm>>
      %dma_start3A_826 = tpu.memref_squeeze %dma_start3A_825 : memref<1x50xi32, #tpu.memory_space<hbm>> -> memref<50xi32, #tpu.memory_space<hbm>>
      tpu.enqueue_dma source(%dma_start3A_826 : memref<50xi32, #tpu.memory_space<hbm>>) target(%dma_start3A_823 : memref<50xi32, #tpu.memory_space<vmem>>) target_semaphore(%run_scoped3A_814 : memref<!tpu.dma_semaphore, #tpu.memory_space<semaphore_mem>>)
      %dma_wait3A_827 = arith.constant 0 : i32
      %dma_wait3A_828 = tpu.memref_slice %arg8[%run_scoped3A_15, %dma_wait3A_827] : memref<8x64xi32, #tpu.memory_space<vmem>> -> memref<1x50xi32, #tpu.memory_space<vmem>>
      %dma_wait3A_829 = tpu.memref_squeeze %dma_wait3A_828 : memref<1x50xi32, #tpu.memory_space<vmem>> -> memref<50xi32, #tpu.memory_space<vmem>>
      %dma_wait3A_830 = arith.constant 0 : i32
      %dma_wait3A_831 = tpu.memref_slice %arg3[%run_scoped3A_14, %dma_wait3A_830] : memref<8x50xi32, #tpu.memory_space<hbm>> -> memref<1x50xi32, #tpu.memory_space<hbm>>
      %dma_wait3A_832 = tpu.memref_squeeze %dma_wait3A_831 : memref<1x50xi32, #tpu.memory_space<hbm>> -> memref<50xi32, #tpu.memory_space<hbm>>
      %dma_wait3A_833 = arith.constant 0 : i32
      %dma_wait3A_834 = tpu.memref_slice %arg8[%run_scoped3A_15, %dma_wait3A_833] : memref<8x64xi32, #tpu.memory_space<vmem>> -> memref<1x50xi32, #tpu.memory_space<vmem>>
      %dma_wait3A_835 = tpu.memref_squeeze %dma_wait3A_834 : memref<1x50xi32, #tpu.memory_space<vmem>> -> memref<50xi32, #tpu.memory_space<vmem>>
      %dma_wait3A_836 = arith.constant 0 : i32
      %dma_wait3A_837 = tpu.memref_slice %arg3[%run_scoped3A_14, %dma_wait3A_836] : memref<8x50xi32, #tpu.memory_space<hbm>> -> memref<1x50xi32, #tpu.memory_space<hbm>>
      %dma_wait3A_838 = tpu.memref_squeeze %dma_wait3A_837 : memref<1x50xi32, #tpu.memory_space<hbm>> -> memref<50xi32, #tpu.memory_space<hbm>>
      tpu.wait_dma2 semaphore(%run_scoped3A_814 : memref<!tpu.dma_semaphore, #tpu.memory_space<semaphore_mem>>) src(%dma_wait3A_838 : memref<50xi32, #tpu.memory_space<hbm>>) dst(%dma_wait3A_835 : memref<50xi32, #tpu.memory_space<vmem>>)
      tpu.yield
    }) : () -> ()
    %iota3A = tpu.iota {dimensions = array<i32: 0>} : vector<16xi32>
    %scan3A = arith.constant 0 : i32
    %scan3A_16 = arith.constant 0 : i32
    %scan3A_17 = arith.constant 256 : i32
    %scan3A_18 = arith.addi %scan3A_16, %scan3A_17 : i32
    %scan3A_19 = arith.constant 4 : i32
    %scan3A_20 = scf.for %scan3A_814 = %scan3A_16 to %scan3A_18 step %scan3A_19 iter_args(%scan3A_815 = %scan3A) -> (i32)  : i32 {
      %mul3A_816 = arith.constant 8 : i32
      %mul3A_817 = arith.muli %add3A, %mul3A_816 : i32
      %jit3A = arith.constant 32 : i32
      %div3A = arith.divsi %scan3A_814, %jit3A : i32
      %sign3A = arith.constant 0 : i32
      %sign3A_818 = arith.cmpi sgt, %scan3A_814, %sign3A : i32
      %sign3A_819 = arith.extui %sign3A_818 : i1 to i32
      %sign3A_820 = arith.constant 0 : i32
      %sign3A_821 = arith.cmpi slt, %scan3A_814, %sign3A_820 : i32
      %sign3A_822 = arith.extui %sign3A_821 : i1 to i32
      %sign3A_823 = arith.subi %sign3A_819, %sign3A_822 : i32
      %sign3A_824 = arith.constant 0 : i32
      %sign3A_825 = arith.cmpi sgt, %jit3A, %sign3A_824 : i32
      %sign3A_826 = arith.extui %sign3A_825 : i1 to i32
      %sign3A_827 = arith.constant 0 : i32
      %sign3A_828 = arith.cmpi slt, %jit3A, %sign3A_827 : i32
      %sign3A_829 = arith.extui %sign3A_828 : i1 to i32
      %sign3A_830 = arith.subi %sign3A_826, %sign3A_829 : i32
      %ne3A = arith.cmpi ne, %sign3A_823, %sign3A_830 : i32
      %rem3A = arith.remsi %scan3A_814, %jit3A : i32
      %ne3A_831 = arith.constant 0 : i32
      %ne3A_832 = arith.cmpi ne, %rem3A, %ne3A_831 : i32
      %and3A = arith.andi %ne3A, %ne3A_832 : i1
      %sub3A = arith.constant 1 : i32
      %sub3A_833 = arith.subi %div3A, %sub3A : i32
      %select_n3A = arith.select %and3A, %sub3A_833, %div3A : i32
      %add3A_834 = arith.addi %mul3A_817, %select_n3A : i32
      %jit3A_835 = arith.constant 32 : i32
      %eq3A = arith.constant 0 : i32
      %eq3A_836 = arith.cmpi eq, %jit3A_835, %eq3A : i32
      %jit3A_837 = arith.constant 1 : i32
      %select_n3A_838 = arith.select %eq3A_836, %jit3A_837, %jit3A_835 : i32
      %rem3A_839 = arith.remsi %scan3A_814, %select_n3A_838 : i32
      %ne3A_840 = arith.constant 0 : i32
      %ne3A_841 = arith.cmpi ne, %rem3A_839, %ne3A_840 : i32
      %lt3A = arith.constant 0 : i32
      %lt3A_842 = arith.cmpi slt, %rem3A_839, %lt3A : i32
      %lt3A_843 = arith.constant 0 : i32
      %lt3A_844 = arith.cmpi slt, %select_n3A_838, %lt3A_843 : i32
      %ne3A_845 = arith.xori %lt3A_842, %lt3A_844 : i1
      %and3A_846 = arith.andi %ne3A_845, %ne3A_841 : i1
      %add3A_847 = arith.addi %rem3A_839, %select_n3A_838 : i32
      %select_n3A_848 = arith.select %and3A_846, %add3A_847, %rem3A_839 : i32
      %jit3A_849 = arith.constant 4 : i32
      %div3A_850 = arith.divsi %select_n3A_848, %jit3A_849 : i32
      %sign3A_851 = arith.constant 0 : i32
      %sign3A_852 = arith.cmpi sgt, %select_n3A_848, %sign3A_851 : i32
      %sign3A_853 = arith.extui %sign3A_852 : i1 to i32
      %sign3A_854 = arith.constant 0 : i32
      %sign3A_855 = arith.cmpi slt, %select_n3A_848, %sign3A_854 : i32
      %sign3A_856 = arith.extui %sign3A_855 : i1 to i32
      %sign3A_857 = arith.subi %sign3A_853, %sign3A_856 : i32
      %sign3A_858 = arith.constant 0 : i32
      %sign3A_859 = arith.cmpi sgt, %jit3A_849, %sign3A_858 : i32
      %sign3A_860 = arith.extui %sign3A_859 : i1 to i32
      %sign3A_861 = arith.constant 0 : i32
      %sign3A_862 = arith.cmpi slt, %jit3A_849, %sign3A_861 : i32
      %sign3A_863 = arith.extui %sign3A_862 : i1 to i32
      %sign3A_864 = arith.subi %sign3A_860, %sign3A_863 : i32
      %ne3A_865 = arith.cmpi ne, %sign3A_857, %sign3A_864 : i32
      %rem3A_866 = arith.remsi %select_n3A_848, %jit3A_849 : i32
      %ne3A_867 = arith.constant 0 : i32
      %ne3A_868 = arith.cmpi ne, %rem3A_866, %ne3A_867 : i32
      %and3A_869 = arith.andi %ne3A_865, %ne3A_868 : i1
      %sub3A_870 = arith.constant 1 : i32
      %sub3A_871 = arith.subi %div3A_850, %sub3A_870 : i32
      %select_n3A_872 = arith.select %and3A_869, %sub3A_871, %div3A_850 : i32
      %jit3A_873 = arith.constant 4 : i32
      %eq3A_874 = arith.constant 0 : i32
      %eq3A_875 = arith.cmpi eq, %jit3A_873, %eq3A_874 : i32
      %jit3A_876 = arith.constant 1 : i32
      %select_n3A_877 = arith.select %eq3A_875, %jit3A_876, %jit3A_873 : i32
      %rem3A_878 = arith.remsi %select_n3A_848, %select_n3A_877 : i32
      %ne3A_879 = arith.constant 0 : i32
      %ne3A_880 = arith.cmpi ne, %rem3A_878, %ne3A_879 : i32
      %lt3A_881 = arith.constant 0 : i32
      %lt3A_882 = arith.cmpi slt, %rem3A_878, %lt3A_881 : i32
      %lt3A_883 = arith.constant 0 : i32
      %lt3A_884 = arith.cmpi slt, %select_n3A_877, %lt3A_883 : i32
      %ne3A_885 = arith.xori %lt3A_882, %lt3A_884 : i1
      %and3A_886 = arith.andi %ne3A_885, %ne3A_880 : i1
      %add3A_887 = arith.addi %rem3A_878, %select_n3A_877 : i32
      %select_n3A_888 = arith.select %and3A_886, %add3A_887, %rem3A_878 : i32
      %mul3A_889 = arith.constant 16 : i32
      %mul3A_890 = arith.muli %select_n3A_888, %mul3A_889 : i32
      %add3A_891 = vector.broadcast %mul3A_890 : i32 to vector<16xi32>
      %add3A_892 = arith.addi %add3A_891, %iota3A : vector<16xi32>
      %sub3A_893 = vector.broadcast %add3A_834 : i32 to vector<16xi32>
      %sub3A_894 = arith.subi %sub3A_893, %add3A_892 : vector<16xi32>
      %ge3A = arith.constant 0 : i32
      %ge3A_895 = vector.broadcast %ge3A : i32 to vector<16xi32>
      %ge3A_896 = arith.cmpi sge, %sub3A_894, %ge3A_895 : vector<16xi32>
      %lt3A_897 = arith.constant 200 : i32
      %lt3A_898 = vector.broadcast %lt3A_897 : i32 to vector<16xi32>
      %lt3A_899 = arith.cmpi slt, %sub3A_894, %lt3A_898 : vector<16xi32>
      %and3A_900 = arith.andi %ge3A_896, %lt3A_899 : vector<16xi1>
      %lt3A_901 = arith.constant 51 : i32
      %lt3A_902 = vector.broadcast %lt3A_901 : i32 to vector<16xi32>
      %lt3A_903 = arith.cmpi slt, %add3A_892, %lt3A_902 : vector<16xi32>
      %and3A_904 = arith.andi %and3A_900, %lt3A_903 : vector<16xi1>
      %jit3A_905 = arith.constant 0 : i32
      %jit3A_906 = arith.constant 199 : i32
      %max3A = vector.broadcast %jit3A_905 : i32 to vector<16xi32>
      %max3A_907 = arith.maxsi %max3A, %sub3A_894 : vector<16xi32>
      %min3A = vector.broadcast %jit3A_906 : i32 to vector<16xi32>
      %min3A_908 = arith.minsi %min3A, %max3A_907 : vector<16xi32>
      %jit3A_909 = arith.constant 0 : i32
      %jit3A_910 = arith.constant 50 : i32
      %max3A_911 = vector.broadcast %jit3A_909 : i32 to vector<16xi32>
      %max3A_912 = arith.maxsi %max3A_911, %add3A_892 : vector<16xi32>
      %min3A_913 = vector.broadcast %jit3A_910 : i32 to vector<16xi32>
      %min3A_914 = arith.minsi %min3A_913, %max3A_912 : vector<16xi32>
      %mul3A_915 = arith.constant 200 : i32
      %mul3A_916 = arith.muli %select_n3A_872, %mul3A_915 : i32
      %add3A_917 = vector.broadcast %mul3A_916 : i32 to vector<16xi32>
      %add3A_918 = arith.addi %add3A_917, %min3A_908 : vector<16xi32>
      %mul3A_919 = arith.constant 51 : i32
      %mul3A_920 = vector.broadcast %mul3A_919 : i32 to vector<16xi32>
      %mul3A_921 = arith.muli %add3A_918, %mul3A_920 : vector<16xi32>
      %add3A_922 = arith.addi %mul3A_921, %min3A_914 : vector<16xi32>
      %mul3A_923 = arith.constant 512 : i32
      %mul3A_924 = vector.broadcast %mul3A_923 : i32 to vector<16xi32>
      %mul3A_925 = arith.muli %add3A_922, %mul3A_924 : vector<16xi32>
      %add3A_926 = arith.constant 0 : i32
      %add3A_927 = vector.broadcast %add3A_926 : i32 to vector<16xi32>
      %add3A_928 = arith.addi %mul3A_925, %add3A_927 : vector<16xi32>
      %mul3A_929 = arith.constant 16 : i32
      %mul3A_930 = arith.muli %scan3A_814, %mul3A_929 : i32
      %swap3A = arith.index_cast %mul3A_930 : i32 to index
      %swap3A_931 = tpu.vector_load %arg6[%swap3A] {strides = array<i32>} : memref<4096xi32, #tpu.memory_space<vmem>>, vector<16xi32>,
      %swap3A_932 = vector.shape_cast %swap3A_931 : vector<16xi32> to vector<16xi32>
      %swap3A_933 = vector.shape_cast %add3A_928 : vector<16xi32> to vector<16xi32>
      tpu.vector_store %arg6[%swap3A], %swap3A_933 {strides = array<i32>} : memref<4096xi32, #tpu.memory_space<vmem>>, vector<16xi32>,
      %scan3A_934 = arith.constant 0 : i32
      %scan3A_935 = arith.constant 1 : i32
      %scan3A_936 = arith.addi %scan3A_814, %scan3A_935 : i32
      %mul3A_937 = arith.constant 8 : i32
      %mul3A_938 = arith.muli %add3A, %mul3A_937 : i32
      %jit3A_939 = arith.constant 32 : i32
      %div3A_940 = arith.divsi %scan3A_936, %jit3A_939 : i32
      %sign3A_941 = arith.constant 0 : i32
      %sign3A_942 = arith.cmpi sgt, %scan3A_936, %sign3A_941 : i32
      %sign3A_943 = arith.extui %sign3A_942 : i1 to i32
      %sign3A_944 = arith.constant 0 : i32
      %sign3A_945 = arith.cmpi slt, %scan3A_936, %sign3A_944 : i32
      %sign3A_946 = arith.extui %sign3A_945 : i1 to i32
      %sign3A_947 = arith.subi %sign3A_943, %sign3A_946 : i32
      %sign3A_948 = arith.constant 0 : i32
      %sign3A_949 = arith.cmpi sgt, %jit3A_939, %sign3A_948 : i32
      %sign3A_950 = arith.extui %sign3A_949 : i1 to i32
      %sign3A_951 = arith.constant 0 : i32
      %sign3A_952 = arith.cmpi slt, %jit3A_939, %sign3A_951 : i32
      %sign3A_953 = arith.extui %sign3A_952 : i1 to i32
      %sign3A_954 = arith.subi %sign3A_950, %sign3A_953 : i32
      %ne3A_955 = arith.cmpi ne, %sign3A_947, %sign3A_954 : i32
      %rem3A_956 = arith.remsi %scan3A_936, %jit3A_939 : i32
      %ne3A_957 = arith.constant 0 : i32
      %ne3A_958 = arith.cmpi ne, %rem3A_956, %ne3A_957 : i32
      %and3A_959 = arith.andi %ne3A_955, %ne3A_958 : i1
      %sub3A_960 = arith.constant 1 : i32
      %sub3A_961 = arith.subi %div3A_940, %sub3A_960 : i32
      %select_n3A_962 = arith.select %and3A_959, %sub3A_961, %div3A_940 : i32
      %add3A_963 = arith.addi %mul3A_938, %select_n3A_962 : i32
      %jit3A_964 = arith.constant 32 : i32
      %eq3A_965 = arith.constant 0 : i32
      %eq3A_966 = arith.cmpi eq, %jit3A_964, %eq3A_965 : i32
      %jit3A_967 = arith.constant 1 : i32
      %select_n3A_968 = arith.select %eq3A_966, %jit3A_967, %jit3A_964 : i32
      %rem3A_969 = arith.remsi %scan3A_936, %select_n3A_968 : i32
      %ne3A_970 = arith.constant 0 : i32
      %ne3A_971 = arith.cmpi ne, %rem3A_969, %ne3A_970 : i32
      %lt3A_972 = arith.constant 0 : i32
      %lt3A_973 = arith.cmpi slt, %rem3A_969, %lt3A_972 : i32
      %lt3A_974 = arith.constant 0 : i32
      %lt3A_975 = arith.cmpi slt, %select_n3A_968, %lt3A_974 : i32
      %ne3A_976 = arith.xori %lt3A_973, %lt3A_975 : i1
      %and3A_977 = arith.andi %ne3A_976, %ne3A_971 : i1
      %add3A_978 = arith.addi %rem3A_969, %select_n3A_968 : i32
      %select_n3A_979 = arith.select %and3A_977, %add3A_978, %rem3A_969 : i32
      %jit3A_980 = arith.constant 4 : i32
      %div3A_981 = arith.divsi %select_n3A_979, %jit3A_980 : i32
      %sign3A_982 = arith.constant 0 : i32
      %sign3A_983 = arith.cmpi sgt, %select_n3A_979, %sign3A_982 : i32
      %sign3A_984 = arith.extui %sign3A_983 : i1 to i32
      %sign3A_985 = arith.constant 0 : i32
      %sign3A_986 = arith.cmpi slt, %select_n3A_979, %sign3A_985 : i32
      %sign3A_987 = arith.extui %sign3A_986 : i1 to i32
      %sign3A_988 = arith.subi %sign3A_984, %sign3A_987 : i32
      %sign3A_989 = arith.constant 0 : i32
      %sign3A_990 = arith.cmpi sgt, %jit3A_980, %sign3A_989 : i32
      %sign3A_991 = arith.extui %sign3A_990 : i1 to i32
      %sign3A_992 = arith.constant 0 : i32
      %sign3A_993 = arith.cmpi slt, %jit3A_980, %sign3A_992 : i32
      %sign3A_994 = arith.extui %sign3A_993 : i1 to i32
      %sign3A_995 = arith.subi %sign3A_991, %sign3A_994 : i32
      %ne3A_996 = arith.cmpi ne, %sign3A_988, %sign3A_995 : i32
      %rem3A_997 = arith.remsi %select_n3A_979, %jit3A_980 : i32
      %ne3A_998 = arith.constant 0 : i32
      %ne3A_999 = arith.cmpi ne, %rem3A_997, %ne3A_998 : i32
      %and3A_1000 = arith.andi %ne3A_996, %ne3A_999 : i1
      %sub3A_1001 = arith.constant 1 : i32
      %sub3A_1002 = arith.subi %div3A_981, %sub3A_1001 : i32
      %select_n3A_1003 = arith.select %and3A_1000, %sub3A_1002, %div3A_981 : i32
      %jit3A_1004 = arith.constant 4 : i32
      %eq3A_1005 = arith.constant 0 : i32
      %eq3A_1006 = arith.cmpi eq, %jit3A_1004, %eq3A_1005 : i32
      %jit3A_1007 = arith.constant 1 : i32
      %select_n3A_1008 = arith.select %eq3A_1006, %jit3A_1007, %jit3A_1004 : i32
      %rem3A_1009 = arith.remsi %select_n3A_979, %select_n3A_1008 : i32
      %ne3A_1010 = arith.constant 0 : i32
      %ne3A_1011 = arith.cmpi ne, %rem3A_1009, %ne3A_1010 : i32
      %lt3A_1012 = arith.constant 0 : i32
      %lt3A_1013 = arith.cmpi slt, %rem3A_1009, %lt3A_1012 : i32
      %lt3A_1014 = arith.constant 0 : i32
      %lt3A_1015 = arith.cmpi slt, %select_n3A_1008, %lt3A_1014 : i32
      %ne3A_1016 = arith.xori %lt3A_1013, %lt3A_1015 : i1
      %and3A_1017 = arith.andi %ne3A_1016, %ne3A_1011 : i1
      %add3A_1018 = arith.addi %rem3A_1009, %select_n3A_1008 : i32
      %select_n3A_1019 = arith.select %and3A_1017, %add3A_1018, %rem3A_1009 : i32
      %mul3A_1020 = arith.constant 16 : i32
      %mul3A_1021 = arith.muli %select_n3A_1019, %mul3A_1020 : i32
      %add3A_1022 = vector.broadcast %mul3A_1021 : i32 to vector<16xi32>
      %add3A_1023 = arith.addi %add3A_1022, %iota3A : vector<16xi32>
      %sub3A_1024 = vector.broadcast %add3A_963 : i32 to vector<16xi32>
      %sub3A_1025 = arith.subi %sub3A_1024, %add3A_1023 : vector<16xi32>
      %ge3A_1026 = arith.constant 0 : i32
      %ge3A_1027 = vector.broadcast %ge3A_1026 : i32 to vector<16xi32>
      %ge3A_1028 = arith.cmpi sge, %sub3A_1025, %ge3A_1027 : vector<16xi32>
      %lt3A_1029 = arith.constant 200 : i32
      %lt3A_1030 = vector.broadcast %lt3A_1029 : i32 to vector<16xi32>
      %lt3A_1031 = arith.cmpi slt, %sub3A_1025, %lt3A_1030 : vector<16xi32>
      %and3A_1032 = arith.andi %ge3A_1028, %lt3A_1031 : vector<16xi1>
      %lt3A_1033 = arith.constant 51 : i32
      %lt3A_1034 = vector.broadcast %lt3A_1033 : i32 to vector<16xi32>
      %lt3A_1035 = arith.cmpi slt, %add3A_1023, %lt3A_1034 : vector<16xi32>
      %and3A_1036 = arith.andi %and3A_1032, %lt3A_1035 : vector<16xi1>
      %jit3A_1037 = arith.constant 0 : i32
      %jit3A_1038 = arith.constant 199 : i32
      %max3A_1039 = vector.broadcast %jit3A_1037 : i32 to vector<16xi32>
      %max3A_1040 = arith.maxsi %max3A_1039, %sub3A_1025 : vector<16xi32>
      %min3A_1041 = vector.broadcast %jit3A_1038 : i32 to vector<16xi32>
      %min3A_1042 = arith.minsi %min3A_1041, %max3A_1040 : vector<16xi32>
      %jit3A_1043 = arith.constant 0 : i32
      %jit3A_1044 = arith.constant 50 : i32
      %max3A_1045 = vector.broadcast %jit3A_1043 : i32 to vector<16xi32>
      %max3A_1046 = arith.maxsi %max3A_1045, %add3A_1023 : vector<16xi32>
      %min3A_1047 = vector.broadcast %jit3A_1044 : i32 to vector<16xi32>
      %min3A_1048 = arith.minsi %min3A_1047, %max3A_1046 : vector<16xi32>
      %mul3A_1049 = arith.constant 200 : i32
      %mul3A_1050 = arith.muli %select_n3A_1003, %mul3A_1049 : i32
      %add3A_1051 = vector.broadcast %mul3A_1050 : i32 to vector<16xi32>
      %add3A_1052 = arith.addi %add3A_1051, %min3A_1042 : vector<16xi32>
      %mul3A_1053 = arith.constant 51 : i32
      %mul3A_1054 = vector.broadcast %mul3A_1053 : i32 to vector<16xi32>
      %mul3A_1055 = arith.muli %add3A_1052, %mul3A_1054 : vector<16xi32>
      %add3A_1056 = arith.addi %mul3A_1055, %min3A_1048 : vector<16xi32>
      %mul3A_1057 = arith.constant 512 : i32
      %mul3A_1058 = vector.broadcast %mul3A_1057 : i32 to vector<16xi32>
      %mul3A_1059 = arith.muli %add3A_1056, %mul3A_1058 : vector<16xi32>
      %add3A_1060 = arith.constant 0 : i32
      %add3A_1061 = vector.broadcast %add3A_1060 : i32 to vector<16xi32>
      %add3A_1062 = arith.addi %mul3A_1059, %add3A_1061 : vector<16xi32>
      %mul3A_1063 = arith.constant 16 : i32
      %mul3A_1064 = arith.muli %scan3A_936, %mul3A_1063 : i32
      %swap3A_1065 = arith.index_cast %mul3A_1064 : i32 to index
      %swap3A_1066 = tpu.vector_load %arg6[%swap3A_1065] {strides = array<i32>} : memref<4096xi32, #tpu.memory_space<vmem>>, vector<16xi32>,
      %swap3A_1067 = vector.shape_cast %swap3A_1066 : vector<16xi32> to vector<16xi32>
      %swap3A_1068 = vector.shape_cast %add3A_1062 : vector<16xi32> to vector<16xi32>
      tpu.vector_store %arg6[%swap3A_1065], %swap3A_1068 {strides = array<i32>} : memref<4096xi32, #tpu.memory_space<vmem>>, vector<16xi32>,
      %scan3A_1069 = arith.constant 0 : i32
      %scan3A_1070 = arith.constant 2 : i32
      %scan3A_1071 = arith.addi %scan3A_814, %scan3A_1070 : i32
      %mul3A_1072 = arith.constant 8 : i32
      %mul3A_1073 = arith.muli %add3A, %mul3A_1072 : i32
      %jit3A_1074 = arith.constant 32 : i32
      %div3A_1075 = arith.divsi %scan3A_1071, %jit3A_1074 : i32
      %sign3A_1076 = arith.constant 0 : i32
      %sign3A_1077 = arith.cmpi sgt, %scan3A_1071, %sign3A_1076 : i32
      %sign3A_1078 = arith.extui %sign3A_1077 : i1 to i32
      %sign3A_1079 = arith.constant 0 : i32
      %sign3A_1080 = arith.cmpi slt, %scan3A_1071, %sign3A_1079 : i32
      %sign3A_1081 = arith.extui %sign3A_1080 : i1 to i32
      %sign3A_1082 = arith.subi %sign3A_1078, %sign3A_1081 : i32
      %sign3A_1083 = arith.constant 0 : i32
      %sign3A_1084 = arith.cmpi sgt, %jit3A_1074, %sign3A_1083 : i32
      %sign3A_1085 = arith.extui %sign3A_1084 : i1 to i32
      %sign3A_1086 = arith.constant 0 : i32
      %sign3A_1087 = arith.cmpi slt, %jit3A_1074, %sign3A_1086 : i32
      %sign3A_1088 = arith.extui %sign3A_1087 : i1 to i32
      %sign3A_1089 = arith.subi %sign3A_1085, %sign3A_1088 : i32
      %ne3A_1090 = arith.cmpi ne, %sign3A_1082, %sign3A_1089 : i32
      %rem3A_1091 = arith.remsi %scan3A_1071, %jit3A_1074 : i32
      %ne3A_1092 = arith.constant 0 : i32
      %ne3A_1093 = arith.cmpi ne, %rem3A_1091, %ne3A_1092 : i32
      %and3A_1094 = arith.andi %ne3A_1090, %ne3A_1093 : i1
      %sub3A_1095 = arith.constant 1 : i32
      %sub3A_1096 = arith.subi %div3A_1075, %sub3A_1095 : i32
      %select_n3A_1097 = arith.select %and3A_1094, %sub3A_1096, %div3A_1075 : i32
      %add3A_1098 = arith.addi %mul3A_1073, %select_n3A_1097 : i32
      %jit3A_1099 = arith.constant 32 : i32
      %eq3A_1100 = arith.constant 0 : i32
      %eq3A_1101 = arith.cmpi eq, %jit3A_1099, %eq3A_1100 : i32
      %jit3A_1102 = arith.constant 1 : i32
      %select_n3A_1103 = arith.select %eq3A_1101, %jit3A_1102, %jit3A_1099 : i32
      %rem3A_1104 = arith.remsi %scan3A_1071, %select_n3A_1103 : i32
      %ne3A_1105 = arith.constant 0 : i32
      %ne3A_1106 = arith.cmpi ne, %rem3A_1104, %ne3A_1105 : i32
      %lt3A_1107 = arith.constant 0 : i32
      %lt3A_1108 = arith.cmpi slt, %rem3A_1104, %lt3A_1107 : i32
      %lt3A_1109 = arith.constant 0 : i32
      %lt3A_1110 = arith.cmpi slt, %select_n3A_1103, %lt3A_1109 : i32
      %ne3A_1111 = arith.xori %lt3A_1108, %lt3A_1110 : i1
      %and3A_1112 = arith.andi %ne3A_1111, %ne3A_1106 : i1
      %add3A_1113 = arith.addi %rem3A_1104, %select_n3A_1103 : i32
      %select_n3A_1114 = arith.select %and3A_1112, %add3A_1113, %rem3A_1104 : i32
      %jit3A_1115 = arith.constant 4 : i32
      %div3A_1116 = arith.divsi %select_n3A_1114, %jit3A_1115 : i32
      %sign3A_1117 = arith.constant 0 : i32
      %sign3A_1118 = arith.cmpi sgt, %select_n3A_1114, %sign3A_1117 : i32
      %sign3A_1119 = arith.extui %sign3A_1118 : i1 to i32
      %sign3A_1120 = arith.constant 0 : i32
      %sign3A_1121 = arith.cmpi slt, %select_n3A_1114, %sign3A_1120 : i32
      %sign3A_1122 = arith.extui %sign3A_1121 : i1 to i32
      %sign3A_1123 = arith.subi %sign3A_1119, %sign3A_1122 : i32
      %sign3A_1124 = arith.constant 0 : i32
      %sign3A_1125 = arith.cmpi sgt, %jit3A_1115, %sign3A_1124 : i32
      %sign3A_1126 = arith.extui %sign3A_1125 : i1 to i32
      %sign3A_1127 = arith.constant 0 : i32
      %sign3A_1128 = arith.cmpi slt, %jit3A_1115, %sign3A_1127 : i32
      %sign3A_1129 = arith.extui %sign3A_1128 : i1 to i32
      %sign3A_1130 = arith.subi %sign3A_1126, %sign3A_1129 : i32
      %ne3A_1131 = arith.cmpi ne, %sign3A_1123, %sign3A_1130 : i32
      %rem3A_1132 = arith.remsi %select_n3A_1114, %jit3A_1115 : i32
      %ne3A_1133 = arith.constant 0 : i32
      %ne3A_1134 = arith.cmpi ne, %rem3A_1132, %ne3A_1133 : i32
      %and3A_1135 = arith.andi %ne3A_1131, %ne3A_1134 : i1
      %sub3A_1136 = arith.constant 1 : i32
      %sub3A_1137 = arith.subi %div3A_1116, %sub3A_1136 : i32
      %select_n3A_1138 = arith.select %and3A_1135, %sub3A_1137, %div3A_1116 : i32
      %jit3A_1139 = arith.constant 4 : i32
      %eq3A_1140 = arith.constant 0 : i32
      %eq3A_1141 = arith.cmpi eq, %jit3A_1139, %eq3A_1140 : i32
      %jit3A_1142 = arith.constant 1 : i32
      %select_n3A_1143 = arith.select %eq3A_1141, %jit3A_1142, %jit3A_1139 : i32
      %rem3A_1144 = arith.remsi %select_n3A_1114, %select_n3A_1143 : i32
      %ne3A_1145 = arith.constant 0 : i32
      %ne3A_1146 = arith.cmpi ne, %rem3A_1144, %ne3A_1145 : i32
      %lt3A_1147 = arith.constant 0 : i32
      %lt3A_1148 = arith.cmpi slt, %rem3A_1144, %lt3A_1147 : i32
      %lt3A_1149 = arith.constant 0 : i32
      %lt3A_1150 = arith.cmpi slt, %select_n3A_1143, %lt3A_1149 : i32
      %ne3A_1151 = arith.xori %lt3A_1148, %lt3A_1150 : i1
      %and3A_1152 = arith.andi %ne3A_1151, %ne3A_1146 : i1
      %add3A_1153 = arith.addi %rem3A_1144, %select_n3A_1143 : i32
      %select_n3A_1154 = arith.select %and3A_1152, %add3A_1153, %rem3A_1144 : i32
      %mul3A_1155 = arith.constant 16 : i32
      %mul3A_1156 = arith.muli %select_n3A_1154, %mul3A_1155 : i32
      %add3A_1157 = vector.broadcast %mul3A_1156 : i32 to vector<16xi32>
      %add3A_1158 = arith.addi %add3A_1157, %iota3A : vector<16xi32>
      %sub3A_1159 = vector.broadcast %add3A_1098 : i32 to vector<16xi32>
      %sub3A_1160 = arith.subi %sub3A_1159, %add3A_1158 : vector<16xi32>
      %ge3A_1161 = arith.constant 0 : i32
      %ge3A_1162 = vector.broadcast %ge3A_1161 : i32 to vector<16xi32>
      %ge3A_1163 = arith.cmpi sge, %sub3A_1160, %ge3A_1162 : vector<16xi32>
      %lt3A_1164 = arith.constant 200 : i32
      %lt3A_1165 = vector.broadcast %lt3A_1164 : i32 to vector<16xi32>
      %lt3A_1166 = arith.cmpi slt, %sub3A_1160, %lt3A_1165 : vector<16xi32>
      %and3A_1167 = arith.andi %ge3A_1163, %lt3A_1166 : vector<16xi1>
      %lt3A_1168 = arith.constant 51 : i32
      %lt3A_1169 = vector.broadcast %lt3A_1168 : i32 to vector<16xi32>
      %lt3A_1170 = arith.cmpi slt, %add3A_1158, %lt3A_1169 : vector<16xi32>
      %and3A_1171 = arith.andi %and3A_1167, %lt3A_1170 : vector<16xi1>
      %jit3A_1172 = arith.constant 0 : i32
      %jit3A_1173 = arith.constant 199 : i32
      %max3A_1174 = vector.broadcast %jit3A_1172 : i32 to vector<16xi32>
      %max3A_1175 = arith.maxsi %max3A_1174, %sub3A_1160 : vector<16xi32>
      %min3A_1176 = vector.broadcast %jit3A_1173 : i32 to vector<16xi32>
      %min3A_1177 = arith.minsi %min3A_1176, %max3A_1175 : vector<16xi32>
      %jit3A_1178 = arith.constant 0 : i32
      %jit3A_1179 = arith.constant 50 : i32
      %max3A_1180 = vector.broadcast %jit3A_1178 : i32 to vector<16xi32>
      %max3A_1181 = arith.maxsi %max3A_1180, %add3A_1158 : vector<16xi32>
      %min3A_1182 = vector.broadcast %jit3A_1179 : i32 to vector<16xi32>
      %min3A_1183 = arith.minsi %min3A_1182, %max3A_1181 : vector<16xi32>
      %mul3A_1184 = arith.constant 200 : i32
      %mul3A_1185 = arith.muli %select_n3A_1138, %mul3A_1184 : i32
      %add3A_1186 = vector.broadcast %mul3A_1185 : i32 to vector<16xi32>
      %add3A_1187 = arith.addi %add3A_1186, %min3A_1177 : vector<16xi32>
      %mul3A_1188 = arith.constant 51 : i32
      %mul3A_1189 = vector.broadcast %mul3A_1188 : i32 to vector<16xi32>
      %mul3A_1190 = arith.muli %add3A_1187, %mul3A_1189 : vector<16xi32>
      %add3A_1191 = arith.addi %mul3A_1190, %min3A_1183 : vector<16xi32>
      %mul3A_1192 = arith.constant 512 : i32
      %mul3A_1193 = vector.broadcast %mul3A_1192 : i32 to vector<16xi32>
      %mul3A_1194 = arith.muli %add3A_1191, %mul3A_1193 : vector<16xi32>
      %add3A_1195 = arith.constant 0 : i32
      %add3A_1196 = vector.broadcast %add3A_1195 : i32 to vector<16xi32>
      %add3A_1197 = arith.addi %mul3A_1194, %add3A_1196 : vector<16xi32>
      %mul3A_1198 = arith.constant 16 : i32
      %mul3A_1199 = arith.muli %scan3A_1071, %mul3A_1198 : i32
      %swap3A_1200 = arith.index_cast %mul3A_1199 : i32 to index
      %swap3A_1201 = tpu.vector_load %arg6[%swap3A_1200] {strides = array<i32>} : memref<4096xi32, #tpu.memory_space<vmem>>, vector<16xi32>,
      %swap3A_1202 = vector.shape_cast %swap3A_1201 : vector<16xi32> to vector<16xi32>
      %swap3A_1203 = vector.shape_cast %add3A_1197 : vector<16xi32> to vector<16xi32>
      tpu.vector_store %arg6[%swap3A_1200], %swap3A_1203 {strides = array<i32>} : memref<4096xi32, #tpu.memory_space<vmem>>, vector<16xi32>,
      %scan3A_1204 = arith.constant 0 : i32
      %scan3A_1205 = arith.constant 3 : i32
      %scan3A_1206 = arith.addi %scan3A_814, %scan3A_1205 : i32
      %mul3A_1207 = arith.constant 8 : i32
      %mul3A_1208 = arith.muli %add3A, %mul3A_1207 : i32
      %jit3A_1209 = arith.constant 32 : i32
      %div3A_1210 = arith.divsi %scan3A_1206, %jit3A_1209 : i32
      %sign3A_1211 = arith.constant 0 : i32
      %sign3A_1212 = arith.cmpi sgt, %scan3A_1206, %sign3A_1211 : i32
      %sign3A_1213 = arith.extui %sign3A_1212 : i1 to i32
      %sign3A_1214 = arith.constant 0 : i32
      %sign3A_1215 = arith.cmpi slt, %scan3A_1206, %sign3A_1214 : i32
      %sign3A_1216 = arith.extui %sign3A_1215 : i1 to i32
      %sign3A_1217 = arith.subi %sign3A_1213, %sign3A_1216 : i32
      %sign3A_1218 = arith.constant 0 : i32
      %sign3A_1219 = arith.cmpi sgt, %jit3A_1209, %sign3A_1218 : i32
      %sign3A_1220 = arith.extui %sign3A_1219 : i1 to i32
      %sign3A_1221 = arith.constant 0 : i32
      %sign3A_1222 = arith.cmpi slt, %jit3A_1209, %sign3A_1221 : i32
      %sign3A_1223 = arith.extui %sign3A_1222 : i1 to i32
      %sign3A_1224 = arith.subi %sign3A_1220, %sign3A_1223 : i32
      %ne3A_1225 = arith.cmpi ne, %sign3A_1217, %sign3A_1224 : i32
      %rem3A_1226 = arith.remsi %scan3A_1206, %jit3A_1209 : i32
      %ne3A_1227 = arith.constant 0 : i32
      %ne3A_1228 = arith.cmpi ne, %rem3A_1226, %ne3A_1227 : i32
      %and3A_1229 = arith.andi %ne3A_1225, %ne3A_1228 : i1
      %sub3A_1230 = arith.constant 1 : i32
      %sub3A_1231 = arith.subi %div3A_1210, %sub3A_1230 : i32
      %select_n3A_1232 = arith.select %and3A_1229, %sub3A_1231, %div3A_1210 : i32
      %add3A_1233 = arith.addi %mul3A_1208, %select_n3A_1232 : i32
      %jit3A_1234 = arith.constant 32 : i32
      %eq3A_1235 = arith.constant 0 : i32
      %eq3A_1236 = arith.cmpi eq, %jit3A_1234, %eq3A_1235 : i32
      %jit3A_1237 = arith.constant 1 : i32
      %select_n3A_1238 = arith.select %eq3A_1236, %jit3A_1237, %jit3A_1234 : i32
      %rem3A_1239 = arith.remsi %scan3A_1206, %select_n3A_1238 : i32
      %ne3A_1240 = arith.constant 0 : i32
      %ne3A_1241 = arith.cmpi ne, %rem3A_1239, %ne3A_1240 : i32
      %lt3A_1242 = arith.constant 0 : i32
      %lt3A_1243 = arith.cmpi slt, %rem3A_1239, %lt3A_1242 : i32
      %lt3A_1244 = arith.constant 0 : i32
      %lt3A_1245 = arith.cmpi slt, %select_n3A_1238, %lt3A_1244 : i32
      %ne3A_1246 = arith.xori %lt3A_1243, %lt3A_1245 : i1
      %and3A_1247 = arith.andi %ne3A_1246, %ne3A_1241 : i1
      %add3A_1248 = arith.addi %rem3A_1239, %select_n3A_1238 : i32
      %select_n3A_1249 = arith.select %and3A_1247, %add3A_1248, %rem3A_1239 : i32
      %jit3A_1250 = arith.constant 4 : i32
      %div3A_1251 = arith.divsi %select_n3A_1249, %jit3A_1250 : i32
      %sign3A_1252 = arith.constant 0 : i32
      %sign3A_1253 = arith.cmpi sgt, %select_n3A_1249, %sign3A_1252 : i32
      %sign3A_1254 = arith.extui %sign3A_1253 : i1 to i32
      %sign3A_1255 = arith.constant 0 : i32
      %sign3A_1256 = arith.cmpi slt, %select_n3A_1249, %sign3A_1255 : i32
      %sign3A_1257 = arith.extui %sign3A_1256 : i1 to i32
      %sign3A_1258 = arith.subi %sign3A_1254, %sign3A_1257 : i32
      %sign3A_1259 = arith.constant 0 : i32
      %sign3A_1260 = arith.cmpi sgt, %jit3A_1250, %sign3A_1259 : i32
      %sign3A_1261 = arith.extui %sign3A_1260 : i1 to i32
      %sign3A_1262 = arith.constant 0 : i32
      %sign3A_1263 = arith.cmpi slt, %jit3A_1250, %sign3A_1262 : i32
      %sign3A_1264 = arith.extui %sign3A_1263 : i1 to i32
      %sign3A_1265 = arith.subi %sign3A_1261, %sign3A_1264 : i32
      %ne3A_1266 = arith.cmpi ne, %sign3A_1258, %sign3A_1265 : i32
      %rem3A_1267 = arith.remsi %select_n3A_1249, %jit3A_1250 : i32
      %ne3A_1268 = arith.constant 0 : i32
      %ne3A_1269 = arith.cmpi ne, %rem3A_1267, %ne3A_1268 : i32
      %and3A_1270 = arith.andi %ne3A_1266, %ne3A_1269 : i1
      %sub3A_1271 = arith.constant 1 : i32
      %sub3A_1272 = arith.subi %div3A_1251, %sub3A_1271 : i32
      %select_n3A_1273 = arith.select %and3A_1270, %sub3A_1272, %div3A_1251 : i32
      %jit3A_1274 = arith.constant 4 : i32
      %eq3A_1275 = arith.constant 0 : i32
      %eq3A_1276 = arith.cmpi eq, %jit3A_1274, %eq3A_1275 : i32
      %jit3A_1277 = arith.constant 1 : i32
      %select_n3A_1278 = arith.select %eq3A_1276, %jit3A_1277, %jit3A_1274 : i32
      %rem3A_1279 = arith.remsi %select_n3A_1249, %select_n3A_1278 : i32
      %ne3A_1280 = arith.constant 0 : i32
      %ne3A_1281 = arith.cmpi ne, %rem3A_1279, %ne3A_1280 : i32
      %lt3A_1282 = arith.constant 0 : i32
      %lt3A_1283 = arith.cmpi slt, %rem3A_1279, %lt3A_1282 : i32
      %lt3A_1284 = arith.constant 0 : i32
      %lt3A_1285 = arith.cmpi slt, %select_n3A_1278, %lt3A_1284 : i32
      %ne3A_1286 = arith.xori %lt3A_1283, %lt3A_1285 : i1
      %and3A_1287 = arith.andi %ne3A_1286, %ne3A_1281 : i1
      %add3A_1288 = arith.addi %rem3A_1279, %select_n3A_1278 : i32
      %select_n3A_1289 = arith.select %and3A_1287, %add3A_1288, %rem3A_1279 : i32
      %mul3A_1290 = arith.constant 16 : i32
      %mul3A_1291 = arith.muli %select_n3A_1289, %mul3A_1290 : i32
      %add3A_1292 = vector.broadcast %mul3A_1291 : i32 to vector<16xi32>
      %add3A_1293 = arith.addi %add3A_1292, %iota3A : vector<16xi32>
      %sub3A_1294 = vector.broadcast %add3A_1233 : i32 to vector<16xi32>
      %sub3A_1295 = arith.subi %sub3A_1294, %add3A_1293 : vector<16xi32>
      %ge3A_1296 = arith.constant 0 : i32
      %ge3A_1297 = vector.broadcast %ge3A_1296 : i32 to vector<16xi32>
      %ge3A_1298 = arith.cmpi sge, %sub3A_1295, %ge3A_1297 : vector<16xi32>
      %lt3A_1299 = arith.constant 200 : i32
      %lt3A_1300 = vector.broadcast %lt3A_1299 : i32 to vector<16xi32>
      %lt3A_1301 = arith.cmpi slt, %sub3A_1295, %lt3A_1300 : vector<16xi32>
      %and3A_1302 = arith.andi %ge3A_1298, %lt3A_1301 : vector<16xi1>
      %lt3A_1303 = arith.constant 51 : i32
      %lt3A_1304 = vector.broadcast %lt3A_1303 : i32 to vector<16xi32>
      %lt3A_1305 = arith.cmpi slt, %add3A_1293, %lt3A_1304 : vector<16xi32>
      %and3A_1306 = arith.andi %and3A_1302, %lt3A_1305 : vector<16xi1>
      %jit3A_1307 = arith.constant 0 : i32
      %jit3A_1308 = arith.constant 199 : i32
      %max3A_1309 = vector.broadcast %jit3A_1307 : i32 to vector<16xi32>
      %max3A_1310 = arith.maxsi %max3A_1309, %sub3A_1295 : vector<16xi32>
      %min3A_1311 = vector.broadcast %jit3A_1308 : i32 to vector<16xi32>
      %min3A_1312 = arith.minsi %min3A_1311, %max3A_1310 : vector<16xi32>
      %jit3A_1313 = arith.constant 0 : i32
      %jit3A_1314 = arith.constant 50 : i32
      %max3A_1315 = vector.broadcast %jit3A_1313 : i32 to vector<16xi32>
      %max3A_1316 = arith.maxsi %max3A_1315, %add3A_1293 : vector<16xi32>
      %min3A_1317 = vector.broadcast %jit3A_1314 : i32 to vector<16xi32>
      %min3A_1318 = arith.minsi %min3A_1317, %max3A_1316 : vector<16xi32>
      %mul3A_1319 = arith.constant 200 : i32
      %mul3A_1320 = arith.muli %select_n3A_1273, %mul3A_1319 : i32
      %add3A_1321 = vector.broadcast %mul3A_1320 : i32 to vector<16xi32>
      %add3A_1322 = arith.addi %add3A_1321, %min3A_1312 : vector<16xi32>
      %mul3A_1323 = arith.constant 51 : i32
      %mul3A_1324 = vector.broadcast %mul3A_1323 : i32 to vector<16xi32>
      %mul3A_1325 = arith.muli %add3A_1322, %mul3A_1324 : vector<16xi32>
      %add3A_1326 = arith.addi %mul3A_1325, %min3A_1318 : vector<16xi32>
      %mul3A_1327 = arith.constant 512 : i32
      %mul3A_1328 = vector.broadcast %mul3A_1327 : i32 to vector<16xi32>
      %mul3A_1329 = arith.muli %add3A_1326, %mul3A_1328 : vector<16xi32>
      %add3A_1330 = arith.constant 0 : i32
      %add3A_1331 = vector.broadcast %add3A_1330 : i32 to vector<16xi32>
      %add3A_1332 = arith.addi %mul3A_1329, %add3A_1331 : vector<16xi32>
      %mul3A_1333 = arith.constant 16 : i32
      %mul3A_1334 = arith.muli %scan3A_1206, %mul3A_1333 : i32
      %swap3A_1335 = arith.index_cast %mul3A_1334 : i32 to index
      %swap3A_1336 = tpu.vector_load %arg6[%swap3A_1335] {strides = array<i32>} : memref<4096xi32, #tpu.memory_space<vmem>>, vector<16xi32>,
      %swap3A_1337 = vector.shape_cast %swap3A_1336 : vector<16xi32> to vector<16xi32>
      %swap3A_1338 = vector.shape_cast %add3A_1332 : vector<16xi32> to vector<16xi32>
      tpu.vector_store %arg6[%swap3A_1335], %swap3A_1338 {strides = array<i32>} : memref<4096xi32, #tpu.memory_space<vmem>>, vector<16xi32>,
      %scan3A_1339 = arith.constant 0 : i32
      scf.yield %scan3A_1339 : i32
    }
    %scan3A_21 = arith.constant 256 : i32
    %dma_start3A = arith.constant 0 : i32
    %dma_start3A_22 = tpu.memref_slice %arg7[%dma_start3A] : memref<4096xf32, #tpu.memory_space<vmem>> -> memref<128xf32, #tpu.memory_space<vmem>>
    %dma_start3A_23 = arith.constant 0 : i32
    %dma_start3A_24 = tpu.memref_slice %arg6[%dma_start3A_23] : memref<4096xi32, #tpu.memory_space<vmem>> -> memref<128xi32, #tpu.memory_space<vmem>>
    %dma_start3A_25 = arith.constant 0 : i32
    %dma_start3A_26 = tpu.memref_slice %arg2[%dma_start3A_25] : memref<41779200xf32, #tpu.memory_space<hbm>> -> memref<41779200xf32, #tpu.memory_space<hbm>>
    tpu.enqueue_indirect_dma source(%dma_start3A_26 : memref<41779200xf32, #tpu.memory_space<hbm>>) target(%dma_start3A_22 : memref<128xf32, #tpu.memory_space<vmem>>) offsets(%dma_start3A_24 : memref<128xi32, #tpu.memory_space<vmem>>) semaphore(%arg9 : memref<!tpu.dma_semaphore, #tpu.memory_space<semaphore_mem>>)
    %dma_start3A_27 = arith.constant 128 : i32
    %dma_start3A_28 = tpu.memref_slice %arg7[%dma_start3A_27] : memref<4096xf32, #tpu.memory_space<vmem>> -> memref<128xf32, #tpu.memory_space<vmem>>
    %dma_start3A_29 = arith.constant 128 : i32
    %dma_start3A_30 = tpu.memref_slice %arg6[%dma_start3A_29] : memref<4096xi32, #tpu.memory_space<vmem>> -> memref<128xi32, #tpu.memory_space<vmem>>
    %dma_start3A_31 = arith.constant 0 : i32
    %dma_start3A_32 = tpu.memref_slice %arg2[%dma_start3A_31] : memref<41779200xf32, #tpu.memory_space<hbm>> -> memref<41779200xf32, #tpu.memory_space<hbm>>
    tpu.enqueue_indirect_dma source(%dma_start3A_32 : memref<41779200xf32, #tpu.memory_space<hbm>>) target(%dma_start3A_28 : memref<128xf32, #tpu.memory_space<vmem>>) offsets(%dma_start3A_30 : memref<128xi32, #tpu.memory_space<vmem>>) semaphore(%arg9 : memref<!tpu.dma_semaphore, #tpu.memory_space<semaphore_mem>>)
    %dma_start3A_33 = arith.constant 256 : i32
    %dma_start3A_34 = tpu.memref_slice %arg7[%dma_start3A_33] : memref<4096xf32, #tpu.memory_space<vmem>> -> memref<128xf32, #tpu.memory_space<vmem>>
    %dma_start3A_35 = arith.constant 256 : i32
    %dma_start3A_36 = tpu.memref_slice %arg6[%dma_start3A_35] : memref<4096xi32, #tpu.memory_space<vmem>> -> memref<128xi32, #tpu.memory_space<vmem>>
    %dma_start3A_37 = arith.constant 0 : i32
    %dma_start3A_38 = tpu.memref_slice %arg2[%dma_start3A_37] : memref<41779200xf32, #tpu.memory_space<hbm>> -> memref<41779200xf32, #tpu.memory_space<hbm>>
    tpu.enqueue_indirect_dma source(%dma_start3A_38 : memref<41779200xf32, #tpu.memory_space<hbm>>) target(%dma_start3A_34 : memref<128xf32, #tpu.memory_space<vmem>>) offsets(%dma_start3A_36 : memref<128xi32, #tpu.memory_space<vmem>>) semaphore(%arg9 : memref<!tpu.dma_semaphore, #tpu.memory_space<semaphore_mem>>)
    %dma_start3A_39 = arith.constant 384 : i32
    %dma_start3A_40 = tpu.memref_slice %arg7[%dma_start3A_39] : memref<4096xf32, #tpu.memory_space<vmem>> -> memref<128xf32, #tpu.memory_space<vmem>>
    %dma_start3A_41 = arith.constant 384 : i32
    %dma_start3A_42 = tpu.memref_slice %arg6[%dma_start3A_41] : memref<4096xi32, #tpu.memory_space<vmem>> -> memref<128xi32, #tpu.memory_space<vmem>>
    %dma_start3A_43 = arith.constant 0 : i32
    %dma_start3A_44 = tpu.memref_slice %arg2[%dma_start3A_43] : memref<41779200xf32, #tpu.memory_space<hbm>> -> memref<41779200xf32, #tpu.memory_space<hbm>>
    tpu.enqueue_indirect_dma source(%dma_start3A_44 : memref<41779200xf32, #tpu.memory_space<hbm>>) target(%dma_start3A_40 : memref<128xf32, #tpu.memory_space<vmem>>) offsets(%dma_start3A_42 : memref<128xi32, #tpu.memory_space<vmem>>) semaphore(%arg9 : memref<!tpu.dma_semaphore, #tpu.memory_space<semaphore_mem>>)
    %dma_start3A_45 = arith.constant 512 : i32
    %dma_start3A_46 = tpu.memref_slice %arg7[%dma_start3A_45] : memref<4096xf32, #tpu.memory_space<vmem>> -> memref<128xf32, #tpu.memory_space<vmem>>
    %dma_start3A_47 = arith.constant 512 : i32
    %dma_start3A_48 = tpu.memref_slice %arg6[%dma_start3A_47] : memref<4096xi32, #tpu.memory_space<vmem>> -> memref<128xi32, #tpu.memory_space<vmem>>
    %dma_start3A_49 = arith.constant 0 : i32
    %dma_start3A_50 = tpu.memref_slice %arg2[%dma_start3A_49] : memref<41779200xf32, #tpu.memory_space<hbm>> -> memref<41779200xf32, #tpu.memory_space<hbm>>
    tpu.enqueue_indirect_dma source(%dma_start3A_50 : memref<41779200xf32, #tpu.memory_space<hbm>>) target(%dma_start3A_46 : memref<128xf32, #tpu.memory_space<vmem>>) offsets(%dma_start3A_48 : memref<128xi32, #tpu.memory_space<vmem>>) semaphore(%arg9 : memref<!tpu.dma_semaphore, #tpu.memory_space<semaphore_mem>>)
    %dma_start3A_51 = arith.constant 640 : i32
    %dma_start3A_52 = tpu.memref_slice %arg7[%dma_start3A_51] : memref<4096xf32, #tpu.memory_space<vmem>> -> memref<128xf32, #tpu.memory_space<vmem>>
    %dma_start3A_53 = arith.constant 640 : i32
    %dma_start3A_54 = tpu.memref_slice %arg6[%dma_start3A_53] : memref<4096xi32, #tpu.memory_space<vmem>> -> memref<128xi32, #tpu.memory_space<vmem>>
    %dma_start3A_55 = arith.constant 0 : i32
    %dma_start3A_56 = tpu.memref_slice %arg2[%dma_start3A_55] : memref<41779200xf32, #tpu.memory_space<hbm>> -> memref<41779200xf32, #tpu.memory_space<hbm>>
    tpu.enqueue_indirect_dma source(%dma_start3A_56 : memref<41779200xf32, #tpu.memory_space<hbm>>) target(%dma_start3A_52 : memref<128xf32, #tpu.memory_space<vmem>>) offsets(%dma_start3A_54 : memref<128xi32, #tpu.memory_space<vmem>>) semaphore(%arg9 : memref<!tpu.dma_semaphore, #tpu.memory_space<semaphore_mem>>)
    %dma_start3A_57 = arith.constant 768 : i32
    %dma_start3A_58 = tpu.memref_slice %arg7[%dma_start3A_57] : memref<4096xf32, #tpu.memory_space<vmem>> -> memref<128xf32, #tpu.memory_space<vmem>>
    %dma_start3A_59 = arith.constant 768 : i32
    %dma_start3A_60 = tpu.memref_slice %arg6[%dma_start3A_59] : memref<4096xi32, #tpu.memory_space<vmem>> -> memref<128xi32, #tpu.memory_space<vmem>>
    %dma_start3A_61 = arith.constant 0 : i32
    %dma_start3A_62 = tpu.memref_slice %arg2[%dma_start3A_61] : memref<41779200xf32, #tpu.memory_space<hbm>> -> memref<41779200xf32, #tpu.memory_space<hbm>>
    tpu.enqueue_indirect_dma source(%dma_start3A_62 : memref<41779200xf32, #tpu.memory_space<hbm>>) target(%dma_start3A_58 : memref<128xf32, #tpu.memory_space<vmem>>) offsets(%dma_start3A_60 : memref<128xi32, #tpu.memory_space<vmem>>) semaphore(%arg9 : memref<!tpu.dma_semaphore, #tpu.memory_space<semaphore_mem>>)
    %dma_start3A_63 = arith.constant 896 : i32
    %dma_start3A_64 = tpu.memref_slice %arg7[%dma_start3A_63] : memref<4096xf32, #tpu.memory_space<vmem>> -> memref<128xf32, #tpu.memory_space<vmem>>
    %dma_start3A_65 = arith.constant 896 : i32
    %dma_start3A_66 = tpu.memref_slice %arg6[%dma_start3A_65] : memref<4096xi32, #tpu.memory_space<vmem>> -> memref<128xi32, #tpu.memory_space<vmem>>
    %dma_start3A_67 = arith.constant 0 : i32
    %dma_start3A_68 = tpu.memref_slice %arg2[%dma_start3A_67] : memref<41779200xf32, #tpu.memory_space<hbm>> -> memref<41779200xf32, #tpu.memory_space<hbm>>
    tpu.enqueue_indirect_dma source(%dma_start3A_68 : memref<41779200xf32, #tpu.memory_space<hbm>>) target(%dma_start3A_64 : memref<128xf32, #tpu.memory_space<vmem>>) offsets(%dma_start3A_66 : memref<128xi32, #tpu.memory_space<vmem>>) semaphore(%arg9 : memref<!tpu.dma_semaphore, #tpu.memory_space<semaphore_mem>>)
    %dma_start3A_69 = arith.constant 1024 : i32
    %dma_start3A_70 = tpu.memref_slice %arg7[%dma_start3A_69] : memref<4096xf32, #tpu.memory_space<vmem>> -> memref<128xf32, #tpu.memory_space<vmem>>
    %dma_start3A_71 = arith.constant 1024 : i32
    %dma_start3A_72 = tpu.memref_slice %arg6[%dma_start3A_71] : memref<4096xi32, #tpu.memory_space<vmem>> -> memref<128xi32, #tpu.memory_space<vmem>>
    %dma_start3A_73 = arith.constant 0 : i32
    %dma_start3A_74 = tpu.memref_slice %arg2[%dma_start3A_73] : memref<41779200xf32, #tpu.memory_space<hbm>> -> memref<41779200xf32, #tpu.memory_space<hbm>>
    tpu.enqueue_indirect_dma source(%dma_start3A_74 : memref<41779200xf32, #tpu.memory_space<hbm>>) target(%dma_start3A_70 : memref<128xf32, #tpu.memory_space<vmem>>) offsets(%dma_start3A_72 : memref<128xi32, #tpu.memory_space<vmem>>) semaphore(%arg9 : memref<!tpu.dma_semaphore, #tpu.memory_space<semaphore_mem>>)
    %dma_start3A_75 = arith.constant 1152 : i32
    %dma_start3A_76 = tpu.memref_slice %arg7[%dma_start3A_75] : memref<4096xf32, #tpu.memory_space<vmem>> -> memref<128xf32, #tpu.memory_space<vmem>>
    %dma_start3A_77 = arith.constant 1152 : i32
    %dma_start3A_78 = tpu.memref_slice %arg6[%dma_start3A_77] : memref<4096xi32, #tpu.memory_space<vmem>> -> memref<128xi32, #tpu.memory_space<vmem>>
    %dma_start3A_79 = arith.constant 0 : i32
    %dma_start3A_80 = tpu.memref_slice %arg2[%dma_start3A_79] : memref<41779200xf32, #tpu.memory_space<hbm>> -> memref<41779200xf32, #tpu.memory_space<hbm>>
    tpu.enqueue_indirect_dma source(%dma_start3A_80 : memref<41779200xf32, #tpu.memory_space<hbm>>) target(%dma_start3A_76 : memref<128xf32, #tpu.memory_space<vmem>>) offsets(%dma_start3A_78 : memref<128xi32, #tpu.memory_space<vmem>>) semaphore(%arg9 : memref<!tpu.dma_semaphore, #tpu.memory_space<semaphore_mem>>)
    %dma_start3A_81 = arith.constant 1280 : i32
    %dma_start3A_82 = tpu.memref_slice %arg7[%dma_start3A_81] : memref<4096xf32, #tpu.memory_space<vmem>> -> memref<128xf32, #tpu.memory_space<vmem>>
    %dma_start3A_83 = arith.constant 1280 : i32
    %dma_start3A_84 = tpu.memref_slice %arg6[%dma_start3A_83] : memref<4096xi32, #tpu.memory_space<vmem>> -> memref<128xi32, #tpu.memory_space<vmem>>
    %dma_start3A_85 = arith.constant 0 : i32
    %dma_start3A_86 = tpu.memref_slice %arg2[%dma_start3A_85] : memref<41779200xf32, #tpu.memory_space<hbm>> -> memref<41779200xf32, #tpu.memory_space<hbm>>
    tpu.enqueue_indirect_dma source(%dma_start3A_86 : memref<41779200xf32, #tpu.memory_space<hbm>>) target(%dma_start3A_82 : memref<128xf32, #tpu.memory_space<vmem>>) offsets(%dma_start3A_84 : memref<128xi32, #tpu.memory_space<vmem>>) semaphore(%arg9 : memref<!tpu.dma_semaphore, #tpu.memory_space<semaphore_mem>>)
    %dma_start3A_87 = arith.constant 1408 : i32
    %dma_start3A_88 = tpu.memref_slice %arg7[%dma_start3A_87] : memref<4096xf32, #tpu.memory_space<vmem>> -> memref<128xf32, #tpu.memory_space<vmem>>
    %dma_start3A_89 = arith.constant 1408 : i32
    %dma_start3A_90 = tpu.memref_slice %arg6[%dma_start3A_89] : memref<4096xi32, #tpu.memory_space<vmem>> -> memref<128xi32, #tpu.memory_space<vmem>>
    %dma_start3A_91 = arith.constant 0 : i32
    %dma_start3A_92 = tpu.memref_slice %arg2[%dma_start3A_91] : memref<41779200xf32, #tpu.memory_space<hbm>> -> memref<41779200xf32, #tpu.memory_space<hbm>>
    tpu.enqueue_indirect_dma source(%dma_start3A_92 : memref<41779200xf32, #tpu.memory_space<hbm>>) target(%dma_start3A_88 : memref<128xf32, #tpu.memory_space<vmem>>) offsets(%dma_start3A_90 : memref<128xi32, #tpu.memory_space<vmem>>) semaphore(%arg9 : memref<!tpu.dma_semaphore, #tpu.memory_space<semaphore_mem>>)
    %dma_start3A_93 = arith.constant 1536 : i32
    %dma_start3A_94 = tpu.memref_slice %arg7[%dma_start3A_93] : memref<4096xf32, #tpu.memory_space<vmem>> -> memref<128xf32, #tpu.memory_space<vmem>>
    %dma_start3A_95 = arith.constant 1536 : i32
    %dma_start3A_96 = tpu.memref_slice %arg6[%dma_start3A_95] : memref<4096xi32, #tpu.memory_space<vmem>> -> memref<128xi32, #tpu.memory_space<vmem>>
    %dma_start3A_97 = arith.constant 0 : i32
    %dma_start3A_98 = tpu.memref_slice %arg2[%dma_start3A_97] : memref<41779200xf32, #tpu.memory_space<hbm>> -> memref<41779200xf32, #tpu.memory_space<hbm>>
    tpu.enqueue_indirect_dma source(%dma_start3A_98 : memref<41779200xf32, #tpu.memory_space<hbm>>) target(%dma_start3A_94 : memref<128xf32, #tpu.memory_space<vmem>>) offsets(%dma_start3A_96 : memref<128xi32, #tpu.memory_space<vmem>>) semaphore(%arg9 : memref<!tpu.dma_semaphore, #tpu.memory_space<semaphore_mem>>)
    %dma_start3A_99 = arith.constant 1664 : i32
    %dma_start3A_100 = tpu.memref_slice %arg7[%dma_start3A_99] : memref<4096xf32, #tpu.memory_space<vmem>> -> memref<128xf32, #tpu.memory_space<vmem>>
    %dma_start3A_101 = arith.constant 1664 : i32
    %dma_start3A_102 = tpu.memref_slice %arg6[%dma_start3A_101] : memref<4096xi32, #tpu.memory_space<vmem>> -> memref<128xi32, #tpu.memory_space<vmem>>
    %dma_start3A_103 = arith.constant 0 : i32
    %dma_start3A_104 = tpu.memref_slice %arg2[%dma_start3A_103] : memref<41779200xf32, #tpu.memory_space<hbm>> -> memref<41779200xf32, #tpu.memory_space<hbm>>
    tpu.enqueue_indirect_dma source(%dma_start3A_104 : memref<41779200xf32, #tpu.memory_space<hbm>>) target(%dma_start3A_100 : memref<128xf32, #tpu.memory_space<vmem>>) offsets(%dma_start3A_102 : memref<128xi32, #tpu.memory_space<vmem>>) semaphore(%arg9 : memref<!tpu.dma_semaphore, #tpu.memory_space<semaphore_mem>>)
    %dma_start3A_105 = arith.constant 1792 : i32
    %dma_start3A_106 = tpu.memref_slice %arg7[%dma_start3A_105] : memref<4096xf32, #tpu.memory_space<vmem>> -> memref<128xf32, #tpu.memory_space<vmem>>
    %dma_start3A_107 = arith.constant 1792 : i32
    %dma_start3A_108 = tpu.memref_slice %arg6[%dma_start3A_107] : memref<4096xi32, #tpu.memory_space<vmem>> -> memref<128xi32, #tpu.memory_space<vmem>>
    %dma_start3A_109 = arith.constant 0 : i32
    %dma_start3A_110 = tpu.memref_slice %arg2[%dma_start3A_109] : memref<41779200xf32, #tpu.memory_space<hbm>> -> memref<41779200xf32, #tpu.memory_space<hbm>>
    tpu.enqueue_indirect_dma source(%dma_start3A_110 : memref<41779200xf32, #tpu.memory_space<hbm>>) target(%dma_start3A_106 : memref<128xf32, #tpu.memory_space<vmem>>) offsets(%dma_start3A_108 : memref<128xi32, #tpu.memory_space<vmem>>) semaphore(%arg9 : memref<!tpu.dma_semaphore, #tpu.memory_space<semaphore_mem>>)
    %dma_start3A_111 = arith.constant 1920 : i32
    %dma_start3A_112 = tpu.memref_slice %arg7[%dma_start3A_111] : memref<4096xf32, #tpu.memory_space<vmem>> -> memref<128xf32, #tpu.memory_space<vmem>>
    %dma_start3A_113 = arith.constant 1920 : i32
    %dma_start3A_114 = tpu.memref_slice %arg6[%dma_start3A_113] : memref<4096xi32, #tpu.memory_space<vmem>> -> memref<128xi32, #tpu.memory_space<vmem>>
    %dma_start3A_115 = arith.constant 0 : i32
    %dma_start3A_116 = tpu.memref_slice %arg2[%dma_start3A_115] : memref<41779200xf32, #tpu.memory_space<hbm>> -> memref<41779200xf32, #tpu.memory_space<hbm>>
    tpu.enqueue_indirect_dma source(%dma_start3A_116 : memref<41779200xf32, #tpu.memory_space<hbm>>) target(%dma_start3A_112 : memref<128xf32, #tpu.memory_space<vmem>>) offsets(%dma_start3A_114 : memref<128xi32, #tpu.memory_space<vmem>>) semaphore(%arg9 : memref<!tpu.dma_semaphore, #tpu.memory_space<semaphore_mem>>)
    %dma_start3A_117 = arith.constant 2048 : i32
    %dma_start3A_118 = tpu.memref_slice %arg7[%dma_start3A_117] : memref<4096xf32, #tpu.memory_space<vmem>> -> memref<128xf32, #tpu.memory_space<vmem>>
    %dma_start3A_119 = arith.constant 2048 : i32
    %dma_start3A_120 = tpu.memref_slice %arg6[%dma_start3A_119] : memref<4096xi32, #tpu.memory_space<vmem>> -> memref<128xi32, #tpu.memory_space<vmem>>
    %dma_start3A_121 = arith.constant 0 : i32
    %dma_start3A_122 = tpu.memref_slice %arg2[%dma_start3A_121] : memref<41779200xf32, #tpu.memory_space<hbm>> -> memref<41779200xf32, #tpu.memory_space<hbm>>
    tpu.enqueue_indirect_dma source(%dma_start3A_122 : memref<41779200xf32, #tpu.memory_space<hbm>>) target(%dma_start3A_118 : memref<128xf32, #tpu.memory_space<vmem>>) offsets(%dma_start3A_120 : memref<128xi32, #tpu.memory_space<vmem>>) semaphore(%arg9 : memref<!tpu.dma_semaphore, #tpu.memory_space<semaphore_mem>>)
    %dma_start3A_123 = arith.constant 2176 : i32
    %dma_start3A_124 = tpu.memref_slice %arg7[%dma_start3A_123] : memref<4096xf32, #tpu.memory_space<vmem>> -> memref<128xf32, #tpu.memory_space<vmem>>
    %dma_start3A_125 = arith.constant 2176 : i32
    %dma_start3A_126 = tpu.memref_slice %arg6[%dma_start3A_125] : memref<4096xi32, #tpu.memory_space<vmem>> -> memref<128xi32, #tpu.memory_space<vmem>>
    %dma_start3A_127 = arith.constant 0 : i32
    %dma_start3A_128 = tpu.memref_slice %arg2[%dma_start3A_127] : memref<41779200xf32, #tpu.memory_space<hbm>> -> memref<41779200xf32, #tpu.memory_space<hbm>>
    tpu.enqueue_indirect_dma source(%dma_start3A_128 : memref<41779200xf32, #tpu.memory_space<hbm>>) target(%dma_start3A_124 : memref<128xf32, #tpu.memory_space<vmem>>) offsets(%dma_start3A_126 : memref<128xi32, #tpu.memory_space<vmem>>) semaphore(%arg9 : memref<!tpu.dma_semaphore, #tpu.memory_space<semaphore_mem>>)
    %dma_start3A_129 = arith.constant 2304 : i32
    %dma_start3A_130 = tpu.memref_slice %arg7[%dma_start3A_129] : memref<4096xf32, #tpu.memory_space<vmem>> -> memref<128xf32, #tpu.memory_space<vmem>>
    %dma_start3A_131 = arith.constant 2304 : i32
    %dma_start3A_132 = tpu.memref_slice %arg6[%dma_start3A_131] : memref<4096xi32, #tpu.memory_space<vmem>> -> memref<128xi32, #tpu.memory_space<vmem>>
    %dma_start3A_133 = arith.constant 0 : i32
    %dma_start3A_134 = tpu.memref_slice %arg2[%dma_start3A_133] : memref<41779200xf32, #tpu.memory_space<hbm>> -> memref<41779200xf32, #tpu.memory_space<hbm>>
    tpu.enqueue_indirect_dma source(%dma_start3A_134 : memref<41779200xf32, #tpu.memory_space<hbm>>) target(%dma_start3A_130 : memref<128xf32, #tpu.memory_space<vmem>>) offsets(%dma_start3A_132 : memref<128xi32, #tpu.memory_space<vmem>>) semaphore(%arg9 : memref<!tpu.dma_semaphore, #tpu.memory_space<semaphore_mem>>)
    %dma_start3A_135 = arith.constant 2432 : i32
    %dma_start3A_136 = tpu.memref_slice %arg7[%dma_start3A_135] : memref<4096xf32, #tpu.memory_space<vmem>> -> memref<128xf32, #tpu.memory_space<vmem>>
    %dma_start3A_137 = arith.constant 2432 : i32
    %dma_start3A_138 = tpu.memref_slice %arg6[%dma_start3A_137] : memref<4096xi32, #tpu.memory_space<vmem>> -> memref<128xi32, #tpu.memory_space<vmem>>
    %dma_start3A_139 = arith.constant 0 : i32
    %dma_start3A_140 = tpu.memref_slice %arg2[%dma_start3A_139] : memref<41779200xf32, #tpu.memory_space<hbm>> -> memref<41779200xf32, #tpu.memory_space<hbm>>
    tpu.enqueue_indirect_dma source(%dma_start3A_140 : memref<41779200xf32, #tpu.memory_space<hbm>>) target(%dma_start3A_136 : memref<128xf32, #tpu.memory_space<vmem>>) offsets(%dma_start3A_138 : memref<128xi32, #tpu.memory_space<vmem>>) semaphore(%arg9 : memref<!tpu.dma_semaphore, #tpu.memory_space<semaphore_mem>>)
    %dma_start3A_141 = arith.constant 2560 : i32
    %dma_start3A_142 = tpu.memref_slice %arg7[%dma_start3A_141] : memref<4096xf32, #tpu.memory_space<vmem>> -> memref<128xf32, #tpu.memory_space<vmem>>
    %dma_start3A_143 = arith.constant 2560 : i32
    %dma_start3A_144 = tpu.memref_slice %arg6[%dma_start3A_143] : memref<4096xi32, #tpu.memory_space<vmem>> -> memref<128xi32, #tpu.memory_space<vmem>>
    %dma_start3A_145 = arith.constant 0 : i32
    %dma_start3A_146 = tpu.memref_slice %arg2[%dma_start3A_145] : memref<41779200xf32, #tpu.memory_space<hbm>> -> memref<41779200xf32, #tpu.memory_space<hbm>>
    tpu.enqueue_indirect_dma source(%dma_start3A_146 : memref<41779200xf32, #tpu.memory_space<hbm>>) target(%dma_start3A_142 : memref<128xf32, #tpu.memory_space<vmem>>) offsets(%dma_start3A_144 : memref<128xi32, #tpu.memory_space<vmem>>) semaphore(%arg9 : memref<!tpu.dma_semaphore, #tpu.memory_space<semaphore_mem>>)
    %dma_start3A_147 = arith.constant 2688 : i32
    %dma_start3A_148 = tpu.memref_slice %arg7[%dma_start3A_147] : memref<4096xf32, #tpu.memory_space<vmem>> -> memref<128xf32, #tpu.memory_space<vmem>>
    %dma_start3A_149 = arith.constant 2688 : i32
    %dma_start3A_150 = tpu.memref_slice %arg6[%dma_start3A_149] : memref<4096xi32, #tpu.memory_space<vmem>> -> memref<128xi32, #tpu.memory_space<vmem>>
    %dma_start3A_151 = arith.constant 0 : i32
    %dma_start3A_152 = tpu.memref_slice %arg2[%dma_start3A_151] : memref<41779200xf32, #tpu.memory_space<hbm>> -> memref<41779200xf32, #tpu.memory_space<hbm>>
    tpu.enqueue_indirect_dma source(%dma_start3A_152 : memref<41779200xf32, #tpu.memory_space<hbm>>) target(%dma_start3A_148 : memref<128xf32, #tpu.memory_space<vmem>>) offsets(%dma_start3A_150 : memref<128xi32, #tpu.memory_space<vmem>>) semaphore(%arg9 : memref<!tpu.dma_semaphore, #tpu.memory_space<semaphore_mem>>)
    %dma_start3A_153 = arith.constant 2816 : i32
    %dma_start3A_154 = tpu.memref_slice %arg7[%dma_start3A_153] : memref<4096xf32, #tpu.memory_space<vmem>> -> memref<128xf32, #tpu.memory_space<vmem>>
    %dma_start3A_155 = arith.constant 2816 : i32
    %dma_start3A_156 = tpu.memref_slice %arg6[%dma_start3A_155] : memref<4096xi32, #tpu.memory_space<vmem>> -> memref<128xi32, #tpu.memory_space<vmem>>
    %dma_start3A_157 = arith.constant 0 : i32
    %dma_start3A_158 = tpu.memref_slice %arg2[%dma_start3A_157] : memref<41779200xf32, #tpu.memory_space<hbm>> -> memref<41779200xf32, #tpu.memory_space<hbm>>
    tpu.enqueue_indirect_dma source(%dma_start3A_158 : memref<41779200xf32, #tpu.memory_space<hbm>>) target(%dma_start3A_154 : memref<128xf32, #tpu.memory_space<vmem>>) offsets(%dma_start3A_156 : memref<128xi32, #tpu.memory_space<vmem>>) semaphore(%arg9 : memref<!tpu.dma_semaphore, #tpu.memory_space<semaphore_mem>>)
    %dma_start3A_159 = arith.constant 2944 : i32
    %dma_start3A_160 = tpu.memref_slice %arg7[%dma_start3A_159] : memref<4096xf32, #tpu.memory_space<vmem>> -> memref<128xf32, #tpu.memory_space<vmem>>
    %dma_start3A_161 = arith.constant 2944 : i32
    %dma_start3A_162 = tpu.memref_slice %arg6[%dma_start3A_161] : memref<4096xi32, #tpu.memory_space<vmem>> -> memref<128xi32, #tpu.memory_space<vmem>>
    %dma_start3A_163 = arith.constant 0 : i32
    %dma_start3A_164 = tpu.memref_slice %arg2[%dma_start3A_163] : memref<41779200xf32, #tpu.memory_space<hbm>> -> memref<41779200xf32, #tpu.memory_space<hbm>>
    tpu.enqueue_indirect_dma source(%dma_start3A_164 : memref<41779200xf32, #tpu.memory_space<hbm>>) target(%dma_start3A_160 : memref<128xf32, #tpu.memory_space<vmem>>) offsets(%dma_start3A_162 : memref<128xi32, #tpu.memory_space<vmem>>) semaphore(%arg9 : memref<!tpu.dma_semaphore, #tpu.memory_space<semaphore_mem>>)
    %dma_start3A_165 = arith.constant 3072 : i32
    %dma_start3A_166 = tpu.memref_slice %arg7[%dma_start3A_165] : memref<4096xf32, #tpu.memory_space<vmem>> -> memref<128xf32, #tpu.memory_space<vmem>>
    %dma_start3A_167 = arith.constant 3072 : i32
    %dma_start3A_168 = tpu.memref_slice %arg6[%dma_start3A_167] : memref<4096xi32, #tpu.memory_space<vmem>> -> memref<128xi32, #tpu.memory_space<vmem>>
    %dma_start3A_169 = arith.constant 0 : i32
    %dma_start3A_170 = tpu.memref_slice %arg2[%dma_start3A_169] : memref<41779200xf32, #tpu.memory_space<hbm>> -> memref<41779200xf32, #tpu.memory_space<hbm>>
    tpu.enqueue_indirect_dma source(%dma_start3A_170 : memref<41779200xf32, #tpu.memory_space<hbm>>) target(%dma_start3A_166 : memref<128xf32, #tpu.memory_space<vmem>>) offsets(%dma_start3A_168 : memref<128xi32, #tpu.memory_space<vmem>>) semaphore(%arg9 : memref<!tpu.dma_semaphore, #tpu.memory_space<semaphore_mem>>)
    %dma_start3A_171 = arith.constant 3200 : i32
    %dma_start3A_172 = tpu.memref_slice %arg7[%dma_start3A_171] : memref<4096xf32, #tpu.memory_space<vmem>> -> memref<128xf32, #tpu.memory_space<vmem>>
    %dma_start3A_173 = arith.constant 3200 : i32
    %dma_start3A_174 = tpu.memref_slice %arg6[%dma_start3A_173] : memref<4096xi32, #tpu.memory_space<vmem>> -> memref<128xi32, #tpu.memory_space<vmem>>
    %dma_start3A_175 = arith.constant 0 : i32
    %dma_start3A_176 = tpu.memref_slice %arg2[%dma_start3A_175] : memref<41779200xf32, #tpu.memory_space<hbm>> -> memref<41779200xf32, #tpu.memory_space<hbm>>
    tpu.enqueue_indirect_dma source(%dma_start3A_176 : memref<41779200xf32, #tpu.memory_space<hbm>>) target(%dma_start3A_172 : memref<128xf32, #tpu.memory_space<vmem>>) offsets(%dma_start3A_174 : memref<128xi32, #tpu.memory_space<vmem>>) semaphore(%arg9 : memref<!tpu.dma_semaphore, #tpu.memory_space<semaphore_mem>>)
    %dma_start3A_177 = arith.constant 3328 : i32
    %dma_start3A_178 = tpu.memref_slice %arg7[%dma_start3A_177] : memref<4096xf32, #tpu.memory_space<vmem>> -> memref<128xf32, #tpu.memory_space<vmem>>
    %dma_start3A_179 = arith.constant 3328 : i32
    %dma_start3A_180 = tpu.memref_slice %arg6[%dma_start3A_179] : memref<4096xi32, #tpu.memory_space<vmem>> -> memref<128xi32, #tpu.memory_space<vmem>>
    %dma_start3A_181 = arith.constant 0 : i32
    %dma_start3A_182 = tpu.memref_slice %arg2[%dma_start3A_181] : memref<41779200xf32, #tpu.memory_space<hbm>> -> memref<41779200xf32, #tpu.memory_space<hbm>>
    tpu.enqueue_indirect_dma source(%dma_start3A_182 : memref<41779200xf32, #tpu.memory_space<hbm>>) target(%dma_start3A_178 : memref<128xf32, #tpu.memory_space<vmem>>) offsets(%dma_start3A_180 : memref<128xi32, #tpu.memory_space<vmem>>) semaphore(%arg9 : memref<!tpu.dma_semaphore, #tpu.memory_space<semaphore_mem>>)
    %dma_start3A_183 = arith.constant 3456 : i32
    %dma_start3A_184 = tpu.memref_slice %arg7[%dma_start3A_183] : memref<4096xf32, #tpu.memory_space<vmem>> -> memref<128xf32, #tpu.memory_space<vmem>>
    %dma_start3A_185 = arith.constant 3456 : i32
    %dma_start3A_186 = tpu.memref_slice %arg6[%dma_start3A_185] : memref<4096xi32, #tpu.memory_space<vmem>> -> memref<128xi32, #tpu.memory_space<vmem>>
    %dma_start3A_187 = arith.constant 0 : i32
    %dma_start3A_188 = tpu.memref_slice %arg2[%dma_start3A_187] : memref<41779200xf32, #tpu.memory_space<hbm>> -> memref<41779200xf32, #tpu.memory_space<hbm>>
    tpu.enqueue_indirect_dma source(%dma_start3A_188 : memref<41779200xf32, #tpu.memory_space<hbm>>) target(%dma_start3A_184 : memref<128xf32, #tpu.memory_space<vmem>>) offsets(%dma_start3A_186 : memref<128xi32, #tpu.memory_space<vmem>>) semaphore(%arg9 : memref<!tpu.dma_semaphore, #tpu.memory_space<semaphore_mem>>)
    %dma_start3A_189 = arith.constant 3584 : i32
    %dma_start3A_190 = tpu.memref_slice %arg7[%dma_start3A_189] : memref<4096xf32, #tpu.memory_space<vmem>> -> memref<128xf32, #tpu.memory_space<vmem>>
    %dma_start3A_191 = arith.constant 3584 : i32
    %dma_start3A_192 = tpu.memref_slice %arg6[%dma_start3A_191] : memref<4096xi32, #tpu.memory_space<vmem>> -> memref<128xi32, #tpu.memory_space<vmem>>
    %dma_start3A_193 = arith.constant 0 : i32
    %dma_start3A_194 = tpu.memref_slice %arg2[%dma_start3A_193] : memref<41779200xf32, #tpu.memory_space<hbm>> -> memref<41779200xf32, #tpu.memory_space<hbm>>
    tpu.enqueue_indirect_dma source(%dma_start3A_194 : memref<41779200xf32, #tpu.memory_space<hbm>>) target(%dma_start3A_190 : memref<128xf32, #tpu.memory_space<vmem>>) offsets(%dma_start3A_192 : memref<128xi32, #tpu.memory_space<vmem>>) semaphore(%arg9 : memref<!tpu.dma_semaphore, #tpu.memory_space<semaphore_mem>>)
    %dma_start3A_195 = arith.constant 3712 : i32
    %dma_start3A_196 = tpu.memref_slice %arg7[%dma_start3A_195] : memref<4096xf32, #tpu.memory_space<vmem>> -> memref<128xf32, #tpu.memory_space<vmem>>
    %dma_start3A_197 = arith.constant 3712 : i32
    %dma_start3A_198 = tpu.memref_slice %arg6[%dma_start3A_197] : memref<4096xi32, #tpu.memory_space<vmem>> -> memref<128xi32, #tpu.memory_space<vmem>>
    %dma_start3A_199 = arith.constant 0 : i32
    %dma_start3A_200 = tpu.memref_slice %arg2[%dma_start3A_199] : memref<41779200xf32, #tpu.memory_space<hbm>> -> memref<41779200xf32, #tpu.memory_space<hbm>>
    tpu.enqueue_indirect_dma source(%dma_start3A_200 : memref<41779200xf32, #tpu.memory_space<hbm>>) target(%dma_start3A_196 : memref<128xf32, #tpu.memory_space<vmem>>) offsets(%dma_start3A_198 : memref<128xi32, #tpu.memory_space<vmem>>) semaphore(%arg9 : memref<!tpu.dma_semaphore, #tpu.memory_space<semaphore_mem>>)
    %dma_start3A_201 = arith.constant 3840 : i32
    %dma_start3A_202 = tpu.memref_slice %arg7[%dma_start3A_201] : memref<4096xf32, #tpu.memory_space<vmem>> -> memref<128xf32, #tpu.memory_space<vmem>>
    %dma_start3A_203 = arith.constant 3840 : i32
    %dma_start3A_204 = tpu.memref_slice %arg6[%dma_start3A_203] : memref<4096xi32, #tpu.memory_space<vmem>> -> memref<128xi32, #tpu.memory_space<vmem>>
    %dma_start3A_205 = arith.constant 0 : i32
    %dma_start3A_206 = tpu.memref_slice %arg2[%dma_start3A_205] : memref<41779200xf32, #tpu.memory_space<hbm>> -> memref<41779200xf32, #tpu.memory_space<hbm>>
    tpu.enqueue_indirect_dma source(%dma_start3A_206 : memref<41779200xf32, #tpu.memory_space<hbm>>) target(%dma_start3A_202 : memref<128xf32, #tpu.memory_space<vmem>>) offsets(%dma_start3A_204 : memref<128xi32, #tpu.memory_space<vmem>>) semaphore(%arg9 : memref<!tpu.dma_semaphore, #tpu.memory_space<semaphore_mem>>)
    %dma_start3A_207 = arith.constant 3968 : i32
    %dma_start3A_208 = tpu.memref_slice %arg7[%dma_start3A_207] : memref<4096xf32, #tpu.memory_space<vmem>> -> memref<128xf32, #tpu.memory_space<vmem>>
    %dma_start3A_209 = arith.constant 3968 : i32
    %dma_start3A_210 = tpu.memref_slice %arg6[%dma_start3A_209] : memref<4096xi32, #tpu.memory_space<vmem>> -> memref<128xi32, #tpu.memory_space<vmem>>
    %dma_start3A_211 = arith.constant 0 : i32
    %dma_start3A_212 = tpu.memref_slice %arg2[%dma_start3A_211] : memref<41779200xf32, #tpu.memory_space<hbm>> -> memref<41779200xf32, #tpu.memory_space<hbm>>
    tpu.enqueue_indirect_dma source(%dma_start3A_212 : memref<41779200xf32, #tpu.memory_space<hbm>>) target(%dma_start3A_208 : memref<128xf32, #tpu.memory_space<vmem>>) offsets(%dma_start3A_210 : memref<128xi32, #tpu.memory_space<vmem>>) semaphore(%arg9 : memref<!tpu.dma_semaphore, #tpu.memory_space<semaphore_mem>>)
    %dma_wait3A = arith.constant 0 : i32
    %dma_wait3A_213 = tpu.memref_slice %arg7[%dma_wait3A] : memref<4096xf32, #tpu.memory_space<vmem>> -> memref<128xf32, #tpu.memory_space<vmem>>
    %dma_wait3A_214 = arith.constant 0 : i32
    %dma_wait3A_215 = tpu.memref_slice %arg6[%dma_wait3A_214] : memref<4096xi32, #tpu.memory_space<vmem>> -> memref<128xi32, #tpu.memory_space<vmem>>
    %dma_wait3A_216 = arith.constant 0 : i32
    %dma_wait3A_217 = tpu.memref_slice %arg2[%dma_wait3A_216] : memref<41779200xf32, #tpu.memory_space<hbm>> -> memref<41779200xf32, #tpu.memory_space<hbm>>
    tpu.wait_indirect_dma semaphore(%arg9 : memref<!tpu.dma_semaphore, #tpu.memory_space<semaphore_mem>>) src(%dma_wait3A_217 : memref<41779200xf32, #tpu.memory_space<hbm>>) dst(%dma_wait3A_213 : memref<128xf32, #tpu.memory_space<vmem>>)
    %dma_wait3A_218 = arith.constant 128 : i32
    %dma_wait3A_219 = tpu.memref_slice %arg7[%dma_wait3A_218] : memref<4096xf32, #tpu.memory_space<vmem>> -> memref<128xf32, #tpu.memory_space<vmem>>
    %dma_wait3A_220 = arith.constant 128 : i32
    %dma_wait3A_221 = tpu.memref_slice %arg6[%dma_wait3A_220] : memref<4096xi32, #tpu.memory_space<vmem>> -> memref<128xi32, #tpu.memory_space<vmem>>
    %dma_wait3A_222 = arith.constant 0 : i32
    %dma_wait3A_223 = tpu.memref_slice %arg2[%dma_wait3A_222] : memref<41779200xf32, #tpu.memory_space<hbm>> -> memref<41779200xf32, #tpu.memory_space<hbm>>
    tpu.wait_indirect_dma semaphore(%arg9 : memref<!tpu.dma_semaphore, #tpu.memory_space<semaphore_mem>>) src(%dma_wait3A_223 : memref<41779200xf32, #tpu.memory_space<hbm>>) dst(%dma_wait3A_219 : memref<128xf32, #tpu.memory_space<vmem>>)
    %dma_wait3A_224 = arith.constant 256 : i32
    %dma_wait3A_225 = tpu.memref_slice %arg7[%dma_wait3A_224] : memref<4096xf32, #tpu.memory_space<vmem>> -> memref<128xf32, #tpu.memory_space<vmem>>
    %dma_wait3A_226 = arith.constant 256 : i32
    %dma_wait3A_227 = tpu.memref_slice %arg6[%dma_wait3A_226] : memref<4096xi32, #tpu.memory_space<vmem>> -> memref<128xi32, #tpu.memory_space<vmem>>
    %dma_wait3A_228 = arith.constant 0 : i32
    %dma_wait3A_229 = tpu.memref_slice %arg2[%dma_wait3A_228] : memref<41779200xf32, #tpu.memory_space<hbm>> -> memref<41779200xf32, #tpu.memory_space<hbm>>
    tpu.wait_indirect_dma semaphore(%arg9 : memref<!tpu.dma_semaphore, #tpu.memory_space<semaphore_mem>>) src(%dma_wait3A_229 : memref<41779200xf32, #tpu.memory_space<hbm>>) dst(%dma_wait3A_225 : memref<128xf32, #tpu.memory_space<vmem>>)
    %dma_wait3A_230 = arith.constant 384 : i32
    %dma_wait3A_231 = tpu.memref_slice %arg7[%dma_wait3A_230] : memref<4096xf32, #tpu.memory_space<vmem>> -> memref<128xf32, #tpu.memory_space<vmem>>
    %dma_wait3A_232 = arith.constant 384 : i32
    %dma_wait3A_233 = tpu.memref_slice %arg6[%dma_wait3A_232] : memref<4096xi32, #tpu.memory_space<vmem>> -> memref<128xi32, #tpu.memory_space<vmem>>
    %dma_wait3A_234 = arith.constant 0 : i32
    %dma_wait3A_235 = tpu.memref_slice %arg2[%dma_wait3A_234] : memref<41779200xf32, #tpu.memory_space<hbm>> -> memref<41779200xf32, #tpu.memory_space<hbm>>
    tpu.wait_indirect_dma semaphore(%arg9 : memref<!tpu.dma_semaphore, #tpu.memory_space<semaphore_mem>>) src(%dma_wait3A_235 : memref<41779200xf32, #tpu.memory_space<hbm>>) dst(%dma_wait3A_231 : memref<128xf32, #tpu.memory_space<vmem>>)
    %dma_wait3A_236 = arith.constant 512 : i32
    %dma_wait3A_237 = tpu.memref_slice %arg7[%dma_wait3A_236] : memref<4096xf32, #tpu.memory_space<vmem>> -> memref<128xf32, #tpu.memory_space<vmem>>
    %dma_wait3A_238 = arith.constant 512 : i32
    %dma_wait3A_239 = tpu.memref_slice %arg6[%dma_wait3A_238] : memref<4096xi32, #tpu.memory_space<vmem>> -> memref<128xi32, #tpu.memory_space<vmem>>
    %dma_wait3A_240 = arith.constant 0 : i32
    %dma_wait3A_241 = tpu.memref_slice %arg2[%dma_wait3A_240] : memref<41779200xf32, #tpu.memory_space<hbm>> -> memref<41779200xf32, #tpu.memory_space<hbm>>
    tpu.wait_indirect_dma semaphore(%arg9 : memref<!tpu.dma_semaphore, #tpu.memory_space<semaphore_mem>>) src(%dma_wait3A_241 : memref<41779200xf32, #tpu.memory_space<hbm>>) dst(%dma_wait3A_237 : memref<128xf32, #tpu.memory_space<vmem>>)
    %dma_wait3A_242 = arith.constant 640 : i32
    %dma_wait3A_243 = tpu.memref_slice %arg7[%dma_wait3A_242] : memref<4096xf32, #tpu.memory_space<vmem>> -> memref<128xf32, #tpu.memory_space<vmem>>
    %dma_wait3A_244 = arith.constant 640 : i32
    %dma_wait3A_245 = tpu.memref_slice %arg6[%dma_wait3A_244] : memref<4096xi32, #tpu.memory_space<vmem>> -> memref<128xi32, #tpu.memory_space<vmem>>
    %dma_wait3A_246 = arith.constant 0 : i32
    %dma_wait3A_247 = tpu.memref_slice %arg2[%dma_wait3A_246] : memref<41779200xf32, #tpu.memory_space<hbm>> -> memref<41779200xf32, #tpu.memory_space<hbm>>
    tpu.wait_indirect_dma semaphore(%arg9 : memref<!tpu.dma_semaphore, #tpu.memory_space<semaphore_mem>>) src(%dma_wait3A_247 : memref<41779200xf32, #tpu.memory_space<hbm>>) dst(%dma_wait3A_243 : memref<128xf32, #tpu.memory_space<vmem>>)
    %dma_wait3A_248 = arith.constant 768 : i32
    %dma_wait3A_249 = tpu.memref_slice %arg7[%dma_wait3A_248] : memref<4096xf32, #tpu.memory_space<vmem>> -> memref<128xf32, #tpu.memory_space<vmem>>
    %dma_wait3A_250 = arith.constant 768 : i32
    %dma_wait3A_251 = tpu.memref_slice %arg6[%dma_wait3A_250] : memref<4096xi32, #tpu.memory_space<vmem>> -> memref<128xi32, #tpu.memory_space<vmem>>
    %dma_wait3A_252 = arith.constant 0 : i32
    %dma_wait3A_253 = tpu.memref_slice %arg2[%dma_wait3A_252] : memref<41779200xf32, #tpu.memory_space<hbm>> -> memref<41779200xf32, #tpu.memory_space<hbm>>
    tpu.wait_indirect_dma semaphore(%arg9 : memref<!tpu.dma_semaphore, #tpu.memory_space<semaphore_mem>>) src(%dma_wait3A_253 : memref<41779200xf32, #tpu.memory_space<hbm>>) dst(%dma_wait3A_249 : memref<128xf32, #tpu.memory_space<vmem>>)
    %dma_wait3A_254 = arith.constant 896 : i32
    %dma_wait3A_255 = tpu.memref_slice %arg7[%dma_wait3A_254] : memref<4096xf32, #tpu.memory_space<vmem>> -> memref<128xf32, #tpu.memory_space<vmem>>
    %dma_wait3A_256 = arith.constant 896 : i32
    %dma_wait3A_257 = tpu.memref_slice %arg6[%dma_wait3A_256] : memref<4096xi32, #tpu.memory_space<vmem>> -> memref<128xi32, #tpu.memory_space<vmem>>
    %dma_wait3A_258 = arith.constant 0 : i32
    %dma_wait3A_259 = tpu.memref_slice %arg2[%dma_wait3A_258] : memref<41779200xf32, #tpu.memory_space<hbm>> -> memref<41779200xf32, #tpu.memory_space<hbm>>
    tpu.wait_indirect_dma semaphore(%arg9 : memref<!tpu.dma_semaphore, #tpu.memory_space<semaphore_mem>>) src(%dma_wait3A_259 : memref<41779200xf32, #tpu.memory_space<hbm>>) dst(%dma_wait3A_255 : memref<128xf32, #tpu.memory_space<vmem>>)
    %dma_wait3A_260 = arith.constant 1024 : i32
    %dma_wait3A_261 = tpu.memref_slice %arg7[%dma_wait3A_260] : memref<4096xf32, #tpu.memory_space<vmem>> -> memref<128xf32, #tpu.memory_space<vmem>>
    %dma_wait3A_262 = arith.constant 1024 : i32
    %dma_wait3A_263 = tpu.memref_slice %arg6[%dma_wait3A_262] : memref<4096xi32, #tpu.memory_space<vmem>> -> memref<128xi32, #tpu.memory_space<vmem>>
    %dma_wait3A_264 = arith.constant 0 : i32
    %dma_wait3A_265 = tpu.memref_slice %arg2[%dma_wait3A_264] : memref<41779200xf32, #tpu.memory_space<hbm>> -> memref<41779200xf32, #tpu.memory_space<hbm>>
    tpu.wait_indirect_dma semaphore(%arg9 : memref<!tpu.dma_semaphore, #tpu.memory_space<semaphore_mem>>) src(%dma_wait3A_265 : memref<41779200xf32, #tpu.memory_space<hbm>>) dst(%dma_wait3A_261 : memref<128xf32, #tpu.memory_space<vmem>>)
    %dma_wait3A_266 = arith.constant 1152 : i32
    %dma_wait3A_267 = tpu.memref_slice %arg7[%dma_wait3A_266] : memref<4096xf32, #tpu.memory_space<vmem>> -> memref<128xf32, #tpu.memory_space<vmem>>
    %dma_wait3A_268 = arith.constant 1152 : i32
    %dma_wait3A_269 = tpu.memref_slice %arg6[%dma_wait3A_268] : memref<4096xi32, #tpu.memory_space<vmem>> -> memref<128xi32, #tpu.memory_space<vmem>>
    %dma_wait3A_270 = arith.constant 0 : i32
    %dma_wait3A_271 = tpu.memref_slice %arg2[%dma_wait3A_270] : memref<41779200xf32, #tpu.memory_space<hbm>> -> memref<41779200xf32, #tpu.memory_space<hbm>>
    tpu.wait_indirect_dma semaphore(%arg9 : memref<!tpu.dma_semaphore, #tpu.memory_space<semaphore_mem>>) src(%dma_wait3A_271 : memref<41779200xf32, #tpu.memory_space<hbm>>) dst(%dma_wait3A_267 : memref<128xf32, #tpu.memory_space<vmem>>)
    %dma_wait3A_272 = arith.constant 1280 : i32
    %dma_wait3A_273 = tpu.memref_slice %arg7[%dma_wait3A_272] : memref<4096xf32, #tpu.memory_space<vmem>> -> memref<128xf32, #tpu.memory_space<vmem>>
    %dma_wait3A_274 = arith.constant 1280 : i32
    %dma_wait3A_275 = tpu.memref_slice %arg6[%dma_wait3A_274] : memref<4096xi32, #tpu.memory_space<vmem>> -> memref<128xi32, #tpu.memory_space<vmem>>
    %dma_wait3A_276 = arith.constant 0 : i32
    %dma_wait3A_277 = tpu.memref_slice %arg2[%dma_wait3A_276] : memref<41779200xf32, #tpu.memory_space<hbm>> -> memref<41779200xf32, #tpu.memory_space<hbm>>
    tpu.wait_indirect_dma semaphore(%arg9 : memref<!tpu.dma_semaphore, #tpu.memory_space<semaphore_mem>>) src(%dma_wait3A_277 : memref<41779200xf32, #tpu.memory_space<hbm>>) dst(%dma_wait3A_273 : memref<128xf32, #tpu.memory_space<vmem>>)
    %dma_wait3A_278 = arith.constant 1408 : i32
    %dma_wait3A_279 = tpu.memref_slice %arg7[%dma_wait3A_278] : memref<4096xf32, #tpu.memory_space<vmem>> -> memref<128xf32, #tpu.memory_space<vmem>>
    %dma_wait3A_280 = arith.constant 1408 : i32
    %dma_wait3A_281 = tpu.memref_slice %arg6[%dma_wait3A_280] : memref<4096xi32, #tpu.memory_space<vmem>> -> memref<128xi32, #tpu.memory_space<vmem>>
    %dma_wait3A_282 = arith.constant 0 : i32
    %dma_wait3A_283 = tpu.memref_slice %arg2[%dma_wait3A_282] : memref<41779200xf32, #tpu.memory_space<hbm>> -> memref<41779200xf32, #tpu.memory_space<hbm>>
    tpu.wait_indirect_dma semaphore(%arg9 : memref<!tpu.dma_semaphore, #tpu.memory_space<semaphore_mem>>) src(%dma_wait3A_283 : memref<41779200xf32, #tpu.memory_space<hbm>>) dst(%dma_wait3A_279 : memref<128xf32, #tpu.memory_space<vmem>>)
    %dma_wait3A_284 = arith.constant 1536 : i32
    %dma_wait3A_285 = tpu.memref_slice %arg7[%dma_wait3A_284] : memref<4096xf32, #tpu.memory_space<vmem>> -> memref<128xf32, #tpu.memory_space<vmem>>
    %dma_wait3A_286 = arith.constant 1536 : i32
    %dma_wait3A_287 = tpu.memref_slice %arg6[%dma_wait3A_286] : memref<4096xi32, #tpu.memory_space<vmem>> -> memref<128xi32, #tpu.memory_space<vmem>>
    %dma_wait3A_288 = arith.constant 0 : i32
    %dma_wait3A_289 = tpu.memref_slice %arg2[%dma_wait3A_288] : memref<41779200xf32, #tpu.memory_space<hbm>> -> memref<41779200xf32, #tpu.memory_space<hbm>>
    tpu.wait_indirect_dma semaphore(%arg9 : memref<!tpu.dma_semaphore, #tpu.memory_space<semaphore_mem>>) src(%dma_wait3A_289 : memref<41779200xf32, #tpu.memory_space<hbm>>) dst(%dma_wait3A_285 : memref<128xf32, #tpu.memory_space<vmem>>)
    %dma_wait3A_290 = arith.constant 1664 : i32
    %dma_wait3A_291 = tpu.memref_slice %arg7[%dma_wait3A_290] : memref<4096xf32, #tpu.memory_space<vmem>> -> memref<128xf32, #tpu.memory_space<vmem>>
    %dma_wait3A_292 = arith.constant 1664 : i32
    %dma_wait3A_293 = tpu.memref_slice %arg6[%dma_wait3A_292] : memref<4096xi32, #tpu.memory_space<vmem>> -> memref<128xi32, #tpu.memory_space<vmem>>
    %dma_wait3A_294 = arith.constant 0 : i32
    %dma_wait3A_295 = tpu.memref_slice %arg2[%dma_wait3A_294] : memref<41779200xf32, #tpu.memory_space<hbm>> -> memref<41779200xf32, #tpu.memory_space<hbm>>
    tpu.wait_indirect_dma semaphore(%arg9 : memref<!tpu.dma_semaphore, #tpu.memory_space<semaphore_mem>>) src(%dma_wait3A_295 : memref<41779200xf32, #tpu.memory_space<hbm>>) dst(%dma_wait3A_291 : memref<128xf32, #tpu.memory_space<vmem>>)
    %dma_wait3A_296 = arith.constant 1792 : i32
    %dma_wait3A_297 = tpu.memref_slice %arg7[%dma_wait3A_296] : memref<4096xf32, #tpu.memory_space<vmem>> -> memref<128xf32, #tpu.memory_space<vmem>>
    %dma_wait3A_298 = arith.constant 1792 : i32
    %dma_wait3A_299 = tpu.memref_slice %arg6[%dma_wait3A_298] : memref<4096xi32, #tpu.memory_space<vmem>> -> memref<128xi32, #tpu.memory_space<vmem>>
    %dma_wait3A_300 = arith.constant 0 : i32
    %dma_wait3A_301 = tpu.memref_slice %arg2[%dma_wait3A_300] : memref<41779200xf32, #tpu.memory_space<hbm>> -> memref<41779200xf32, #tpu.memory_space<hbm>>
    tpu.wait_indirect_dma semaphore(%arg9 : memref<!tpu.dma_semaphore, #tpu.memory_space<semaphore_mem>>) src(%dma_wait3A_301 : memref<41779200xf32, #tpu.memory_space<hbm>>) dst(%dma_wait3A_297 : memref<128xf32, #tpu.memory_space<vmem>>)
    %dma_wait3A_302 = arith.constant 1920 : i32
    %dma_wait3A_303 = tpu.memref_slice %arg7[%dma_wait3A_302] : memref<4096xf32, #tpu.memory_space<vmem>> -> memref<128xf32, #tpu.memory_space<vmem>>
    %dma_wait3A_304 = arith.constant 1920 : i32
    %dma_wait3A_305 = tpu.memref_slice %arg6[%dma_wait3A_304] : memref<4096xi32, #tpu.memory_space<vmem>> -> memref<128xi32, #tpu.memory_space<vmem>>
    %dma_wait3A_306 = arith.constant 0 : i32
    %dma_wait3A_307 = tpu.memref_slice %arg2[%dma_wait3A_306] : memref<41779200xf32, #tpu.memory_space<hbm>> -> memref<41779200xf32, #tpu.memory_space<hbm>>
    tpu.wait_indirect_dma semaphore(%arg9 : memref<!tpu.dma_semaphore, #tpu.memory_space<semaphore_mem>>) src(%dma_wait3A_307 : memref<41779200xf32, #tpu.memory_space<hbm>>) dst(%dma_wait3A_303 : memref<128xf32, #tpu.memory_space<vmem>>)
    %dma_wait3A_308 = arith.constant 2048 : i32
    %dma_wait3A_309 = tpu.memref_slice %arg7[%dma_wait3A_308] : memref<4096xf32, #tpu.memory_space<vmem>> -> memref<128xf32, #tpu.memory_space<vmem>>
    %dma_wait3A_310 = arith.constant 2048 : i32
    %dma_wait3A_311 = tpu.memref_slice %arg6[%dma_wait3A_310] : memref<4096xi32, #tpu.memory_space<vmem>> -> memref<128xi32, #tpu.memory_space<vmem>>
    %dma_wait3A_312 = arith.constant 0 : i32
    %dma_wait3A_313 = tpu.memref_slice %arg2[%dma_wait3A_312] : memref<41779200xf32, #tpu.memory_space<hbm>> -> memref<41779200xf32, #tpu.memory_space<hbm>>
    tpu.wait_indirect_dma semaphore(%arg9 : memref<!tpu.dma_semaphore, #tpu.memory_space<semaphore_mem>>) src(%dma_wait3A_313 : memref<41779200xf32, #tpu.memory_space<hbm>>) dst(%dma_wait3A_309 : memref<128xf32, #tpu.memory_space<vmem>>)
    %dma_wait3A_314 = arith.constant 2176 : i32
    %dma_wait3A_315 = tpu.memref_slice %arg7[%dma_wait3A_314] : memref<4096xf32, #tpu.memory_space<vmem>> -> memref<128xf32, #tpu.memory_space<vmem>>
    %dma_wait3A_316 = arith.constant 2176 : i32
    %dma_wait3A_317 = tpu.memref_slice %arg6[%dma_wait3A_316] : memref<4096xi32, #tpu.memory_space<vmem>> -> memref<128xi32, #tpu.memory_space<vmem>>
    %dma_wait3A_318 = arith.constant 0 : i32
    %dma_wait3A_319 = tpu.memref_slice %arg2[%dma_wait3A_318] : memref<41779200xf32, #tpu.memory_space<hbm>> -> memref<41779200xf32, #tpu.memory_space<hbm>>
    tpu.wait_indirect_dma semaphore(%arg9 : memref<!tpu.dma_semaphore, #tpu.memory_space<semaphore_mem>>) src(%dma_wait3A_319 : memref<41779200xf32, #tpu.memory_space<hbm>>) dst(%dma_wait3A_315 : memref<128xf32, #tpu.memory_space<vmem>>)
    %dma_wait3A_320 = arith.constant 2304 : i32
    %dma_wait3A_321 = tpu.memref_slice %arg7[%dma_wait3A_320] : memref<4096xf32, #tpu.memory_space<vmem>> -> memref<128xf32, #tpu.memory_space<vmem>>
    %dma_wait3A_322 = arith.constant 2304 : i32
    %dma_wait3A_323 = tpu.memref_slice %arg6[%dma_wait3A_322] : memref<4096xi32, #tpu.memory_space<vmem>> -> memref<128xi32, #tpu.memory_space<vmem>>
    %dma_wait3A_324 = arith.constant 0 : i32
    %dma_wait3A_325 = tpu.memref_slice %arg2[%dma_wait3A_324] : memref<41779200xf32, #tpu.memory_space<hbm>> -> memref<41779200xf32, #tpu.memory_space<hbm>>
    tpu.wait_indirect_dma semaphore(%arg9 : memref<!tpu.dma_semaphore, #tpu.memory_space<semaphore_mem>>) src(%dma_wait3A_325 : memref<41779200xf32, #tpu.memory_space<hbm>>) dst(%dma_wait3A_321 : memref<128xf32, #tpu.memory_space<vmem>>)
    %dma_wait3A_326 = arith.constant 2432 : i32
    %dma_wait3A_327 = tpu.memref_slice %arg7[%dma_wait3A_326] : memref<4096xf32, #tpu.memory_space<vmem>> -> memref<128xf32, #tpu.memory_space<vmem>>
    %dma_wait3A_328 = arith.constant 2432 : i32
    %dma_wait3A_329 = tpu.memref_slice %arg6[%dma_wait3A_328] : memref<4096xi32, #tpu.memory_space<vmem>> -> memref<128xi32, #tpu.memory_space<vmem>>
    %dma_wait3A_330 = arith.constant 0 : i32
    %dma_wait3A_331 = tpu.memref_slice %arg2[%dma_wait3A_330] : memref<41779200xf32, #tpu.memory_space<hbm>> -> memref<41779200xf32, #tpu.memory_space<hbm>>
    tpu.wait_indirect_dma semaphore(%arg9 : memref<!tpu.dma_semaphore, #tpu.memory_space<semaphore_mem>>) src(%dma_wait3A_331 : memref<41779200xf32, #tpu.memory_space<hbm>>) dst(%dma_wait3A_327 : memref<128xf32, #tpu.memory_space<vmem>>)
    %dma_wait3A_332 = arith.constant 2560 : i32
    %dma_wait3A_333 = tpu.memref_slice %arg7[%dma_wait3A_332] : memref<4096xf32, #tpu.memory_space<vmem>> -> memref<128xf32, #tpu.memory_space<vmem>>
    %dma_wait3A_334 = arith.constant 2560 : i32
    %dma_wait3A_335 = tpu.memref_slice %arg6[%dma_wait3A_334] : memref<4096xi32, #tpu.memory_space<vmem>> -> memref<128xi32, #tpu.memory_space<vmem>>
    %dma_wait3A_336 = arith.constant 0 : i32
    %dma_wait3A_337 = tpu.memref_slice %arg2[%dma_wait3A_336] : memref<41779200xf32, #tpu.memory_space<hbm>> -> memref<41779200xf32, #tpu.memory_space<hbm>>
    tpu.wait_indirect_dma semaphore(%arg9 : memref<!tpu.dma_semaphore, #tpu.memory_space<semaphore_mem>>) src(%dma_wait3A_337 : memref<41779200xf32, #tpu.memory_space<hbm>>) dst(%dma_wait3A_333 : memref<128xf32, #tpu.memory_space<vmem>>)
    %dma_wait3A_338 = arith.constant 2688 : i32
    %dma_wait3A_339 = tpu.memref_slice %arg7[%dma_wait3A_338] : memref<4096xf32, #tpu.memory_space<vmem>> -> memref<128xf32, #tpu.memory_space<vmem>>
    %dma_wait3A_340 = arith.constant 2688 : i32
    %dma_wait3A_341 = tpu.memref_slice %arg6[%dma_wait3A_340] : memref<4096xi32, #tpu.memory_space<vmem>> -> memref<128xi32, #tpu.memory_space<vmem>>
    %dma_wait3A_342 = arith.constant 0 : i32
    %dma_wait3A_343 = tpu.memref_slice %arg2[%dma_wait3A_342] : memref<41779200xf32, #tpu.memory_space<hbm>> -> memref<41779200xf32, #tpu.memory_space<hbm>>
    tpu.wait_indirect_dma semaphore(%arg9 : memref<!tpu.dma_semaphore, #tpu.memory_space<semaphore_mem>>) src(%dma_wait3A_343 : memref<41779200xf32, #tpu.memory_space<hbm>>) dst(%dma_wait3A_339 : memref<128xf32, #tpu.memory_space<vmem>>)
    %dma_wait3A_344 = arith.constant 2816 : i32
    %dma_wait3A_345 = tpu.memref_slice %arg7[%dma_wait3A_344] : memref<4096xf32, #tpu.memory_space<vmem>> -> memref<128xf32, #tpu.memory_space<vmem>>
    %dma_wait3A_346 = arith.constant 2816 : i32
    %dma_wait3A_347 = tpu.memref_slice %arg6[%dma_wait3A_346] : memref<4096xi32, #tpu.memory_space<vmem>> -> memref<128xi32, #tpu.memory_space<vmem>>
    %dma_wait3A_348 = arith.constant 0 : i32
    %dma_wait3A_349 = tpu.memref_slice %arg2[%dma_wait3A_348] : memref<41779200xf32, #tpu.memory_space<hbm>> -> memref<41779200xf32, #tpu.memory_space<hbm>>
    tpu.wait_indirect_dma semaphore(%arg9 : memref<!tpu.dma_semaphore, #tpu.memory_space<semaphore_mem>>) src(%dma_wait3A_349 : memref<41779200xf32, #tpu.memory_space<hbm>>) dst(%dma_wait3A_345 : memref<128xf32, #tpu.memory_space<vmem>>)
    %dma_wait3A_350 = arith.constant 2944 : i32
    %dma_wait3A_351 = tpu.memref_slice %arg7[%dma_wait3A_350] : memref<4096xf32, #tpu.memory_space<vmem>> -> memref<128xf32, #tpu.memory_space<vmem>>
    %dma_wait3A_352 = arith.constant 2944 : i32
    %dma_wait3A_353 = tpu.memref_slice %arg6[%dma_wait3A_352] : memref<4096xi32, #tpu.memory_space<vmem>> -> memref<128xi32, #tpu.memory_space<vmem>>
    %dma_wait3A_354 = arith.constant 0 : i32
    %dma_wait3A_355 = tpu.memref_slice %arg2[%dma_wait3A_354] : memref<41779200xf32, #tpu.memory_space<hbm>> -> memref<41779200xf32, #tpu.memory_space<hbm>>
    tpu.wait_indirect_dma semaphore(%arg9 : memref<!tpu.dma_semaphore, #tpu.memory_space<semaphore_mem>>) src(%dma_wait3A_355 : memref<41779200xf32, #tpu.memory_space<hbm>>) dst(%dma_wait3A_351 : memref<128xf32, #tpu.memory_space<vmem>>)
    %dma_wait3A_356 = arith.constant 3072 : i32
    %dma_wait3A_357 = tpu.memref_slice %arg7[%dma_wait3A_356] : memref<4096xf32, #tpu.memory_space<vmem>> -> memref<128xf32, #tpu.memory_space<vmem>>
    %dma_wait3A_358 = arith.constant 3072 : i32
    %dma_wait3A_359 = tpu.memref_slice %arg6[%dma_wait3A_358] : memref<4096xi32, #tpu.memory_space<vmem>> -> memref<128xi32, #tpu.memory_space<vmem>>
    %dma_wait3A_360 = arith.constant 0 : i32
    %dma_wait3A_361 = tpu.memref_slice %arg2[%dma_wait3A_360] : memref<41779200xf32, #tpu.memory_space<hbm>> -> memref<41779200xf32, #tpu.memory_space<hbm>>
    tpu.wait_indirect_dma semaphore(%arg9 : memref<!tpu.dma_semaphore, #tpu.memory_space<semaphore_mem>>) src(%dma_wait3A_361 : memref<41779200xf32, #tpu.memory_space<hbm>>) dst(%dma_wait3A_357 : memref<128xf32, #tpu.memory_space<vmem>>)
    %dma_wait3A_362 = arith.constant 3200 : i32
    %dma_wait3A_363 = tpu.memref_slice %arg7[%dma_wait3A_362] : memref<4096xf32, #tpu.memory_space<vmem>> -> memref<128xf32, #tpu.memory_space<vmem>>
    %dma_wait3A_364 = arith.constant 3200 : i32
    %dma_wait3A_365 = tpu.memref_slice %arg6[%dma_wait3A_364] : memref<4096xi32, #tpu.memory_space<vmem>> -> memref<128xi32, #tpu.memory_space<vmem>>
    %dma_wait3A_366 = arith.constant 0 : i32
    %dma_wait3A_367 = tpu.memref_slice %arg2[%dma_wait3A_366] : memref<41779200xf32, #tpu.memory_space<hbm>> -> memref<41779200xf32, #tpu.memory_space<hbm>>
    tpu.wait_indirect_dma semaphore(%arg9 : memref<!tpu.dma_semaphore, #tpu.memory_space<semaphore_mem>>) src(%dma_wait3A_367 : memref<41779200xf32, #tpu.memory_space<hbm>>) dst(%dma_wait3A_363 : memref<128xf32, #tpu.memory_space<vmem>>)
    %dma_wait3A_368 = arith.constant 3328 : i32
    %dma_wait3A_369 = tpu.memref_slice %arg7[%dma_wait3A_368] : memref<4096xf32, #tpu.memory_space<vmem>> -> memref<128xf32, #tpu.memory_space<vmem>>
    %dma_wait3A_370 = arith.constant 3328 : i32
    %dma_wait3A_371 = tpu.memref_slice %arg6[%dma_wait3A_370] : memref<4096xi32, #tpu.memory_space<vmem>> -> memref<128xi32, #tpu.memory_space<vmem>>
    %dma_wait3A_372 = arith.constant 0 : i32
    %dma_wait3A_373 = tpu.memref_slice %arg2[%dma_wait3A_372] : memref<41779200xf32, #tpu.memory_space<hbm>> -> memref<41779200xf32, #tpu.memory_space<hbm>>
    tpu.wait_indirect_dma semaphore(%arg9 : memref<!tpu.dma_semaphore, #tpu.memory_space<semaphore_mem>>) src(%dma_wait3A_373 : memref<41779200xf32, #tpu.memory_space<hbm>>) dst(%dma_wait3A_369 : memref<128xf32, #tpu.memory_space<vmem>>)
    %dma_wait3A_374 = arith.constant 3456 : i32
    %dma_wait3A_375 = tpu.memref_slice %arg7[%dma_wait3A_374] : memref<4096xf32, #tpu.memory_space<vmem>> -> memref<128xf32, #tpu.memory_space<vmem>>
    %dma_wait3A_376 = arith.constant 3456 : i32
    %dma_wait3A_377 = tpu.memref_slice %arg6[%dma_wait3A_376] : memref<4096xi32, #tpu.memory_space<vmem>> -> memref<128xi32, #tpu.memory_space<vmem>>
    %dma_wait3A_378 = arith.constant 0 : i32
    %dma_wait3A_379 = tpu.memref_slice %arg2[%dma_wait3A_378] : memref<41779200xf32, #tpu.memory_space<hbm>> -> memref<41779200xf32, #tpu.memory_space<hbm>>
    tpu.wait_indirect_dma semaphore(%arg9 : memref<!tpu.dma_semaphore, #tpu.memory_space<semaphore_mem>>) src(%dma_wait3A_379 : memref<41779200xf32, #tpu.memory_space<hbm>>) dst(%dma_wait3A_375 : memref<128xf32, #tpu.memory_space<vmem>>)
    %dma_wait3A_380 = arith.constant 3584 : i32
    %dma_wait3A_381 = tpu.memref_slice %arg7[%dma_wait3A_380] : memref<4096xf32, #tpu.memory_space<vmem>> -> memref<128xf32, #tpu.memory_space<vmem>>
    %dma_wait3A_382 = arith.constant 3584 : i32
    %dma_wait3A_383 = tpu.memref_slice %arg6[%dma_wait3A_382] : memref<4096xi32, #tpu.memory_space<vmem>> -> memref<128xi32, #tpu.memory_space<vmem>>
    %dma_wait3A_384 = arith.constant 0 : i32
    %dma_wait3A_385 = tpu.memref_slice %arg2[%dma_wait3A_384] : memref<41779200xf32, #tpu.memory_space<hbm>> -> memref<41779200xf32, #tpu.memory_space<hbm>>
    tpu.wait_indirect_dma semaphore(%arg9 : memref<!tpu.dma_semaphore, #tpu.memory_space<semaphore_mem>>) src(%dma_wait3A_385 : memref<41779200xf32, #tpu.memory_space<hbm>>) dst(%dma_wait3A_381 : memref<128xf32, #tpu.memory_space<vmem>>)
    %dma_wait3A_386 = arith.constant 3712 : i32
    %dma_wait3A_387 = tpu.memref_slice %arg7[%dma_wait3A_386] : memref<4096xf32, #tpu.memory_space<vmem>> -> memref<128xf32, #tpu.memory_space<vmem>>
    %dma_wait3A_388 = arith.constant 3712 : i32
    %dma_wait3A_389 = tpu.memref_slice %arg6[%dma_wait3A_388] : memref<4096xi32, #tpu.memory_space<vmem>> -> memref<128xi32, #tpu.memory_space<vmem>>
    %dma_wait3A_390 = arith.constant 0 : i32
    %dma_wait3A_391 = tpu.memref_slice %arg2[%dma_wait3A_390] : memref<41779200xf32, #tpu.memory_space<hbm>> -> memref<41779200xf32, #tpu.memory_space<hbm>>
    tpu.wait_indirect_dma semaphore(%arg9 : memref<!tpu.dma_semaphore, #tpu.memory_space<semaphore_mem>>) src(%dma_wait3A_391 : memref<41779200xf32, #tpu.memory_space<hbm>>) dst(%dma_wait3A_387 : memref<128xf32, #tpu.memory_space<vmem>>)
    %dma_wait3A_392 = arith.constant 3840 : i32
    %dma_wait3A_393 = tpu.memref_slice %arg7[%dma_wait3A_392] : memref<4096xf32, #tpu.memory_space<vmem>> -> memref<128xf32, #tpu.memory_space<vmem>>
    %dma_wait3A_394 = arith.constant 3840 : i32
    %dma_wait3A_395 = tpu.memref_slice %arg6[%dma_wait3A_394] : memref<4096xi32, #tpu.memory_space<vmem>> -> memref<128xi32, #tpu.memory_space<vmem>>
    %dma_wait3A_396 = arith.constant 0 : i32
    %dma_wait3A_397 = tpu.memref_slice %arg2[%dma_wait3A_396] : memref<41779200xf32, #tpu.memory_space<hbm>> -> memref<41779200xf32, #tpu.memory_space<hbm>>
    tpu.wait_indirect_dma semaphore(%arg9 : memref<!tpu.dma_semaphore, #tpu.memory_space<semaphore_mem>>) src(%dma_wait3A_397 : memref<41779200xf32, #tpu.memory_space<hbm>>) dst(%dma_wait3A_393 : memref<128xf32, #tpu.memory_space<vmem>>)
    %dma_wait3A_398 = arith.constant 3968 : i32
    %dma_wait3A_399 = tpu.memref_slice %arg7[%dma_wait3A_398] : memref<4096xf32, #tpu.memory_space<vmem>> -> memref<128xf32, #tpu.memory_space<vmem>>
    %dma_wait3A_400 = arith.constant 3968 : i32
    %dma_wait3A_401 = tpu.memref_slice %arg6[%dma_wait3A_400] : memref<4096xi32, #tpu.memory_space<vmem>> -> memref<128xi32, #tpu.memory_space<vmem>>
    %dma_wait3A_402 = arith.constant 0 : i32
    %dma_wait3A_403 = tpu.memref_slice %arg2[%dma_wait3A_402] : memref<41779200xf32, #tpu.memory_space<hbm>> -> memref<41779200xf32, #tpu.memory_space<hbm>>
    tpu.wait_indirect_dma semaphore(%arg9 : memref<!tpu.dma_semaphore, #tpu.memory_space<semaphore_mem>>) src(%dma_wait3A_403 : memref<41779200xf32, #tpu.memory_space<hbm>>) dst(%dma_wait3A_399 : memref<128xf32, #tpu.memory_space<vmem>>)
    %scan3A_404 = arith.constant 0 : i32
    %scan3A_405 = arith.constant 0 : i32
    %scan3A_406 = arith.constant 256 : i32
    %scan3A_407 = arith.addi %scan3A_405, %scan3A_406 : i32
    %scan3A_408 = arith.constant 4 : i32
    %scan3A_409 = scf.for %scan3A_814 = %scan3A_405 to %scan3A_407 step %scan3A_408 iter_args(%scan3A_815 = %scan3A_404) -> (i32)  : i32 {
      %mul3A_816 = arith.constant 8 : i32
      %mul3A_817 = arith.muli %add3A, %mul3A_816 : i32
      %jit3A = arith.constant 32 : i32
      %div3A = arith.divsi %scan3A_814, %jit3A : i32
      %sign3A = arith.constant 0 : i32
      %sign3A_818 = arith.cmpi sgt, %scan3A_814, %sign3A : i32
      %sign3A_819 = arith.extui %sign3A_818 : i1 to i32
      %sign3A_820 = arith.constant 0 : i32
      %sign3A_821 = arith.cmpi slt, %scan3A_814, %sign3A_820 : i32
      %sign3A_822 = arith.extui %sign3A_821 : i1 to i32
      %sign3A_823 = arith.subi %sign3A_819, %sign3A_822 : i32
      %sign3A_824 = arith.constant 0 : i32
      %sign3A_825 = arith.cmpi sgt, %jit3A, %sign3A_824 : i32
      %sign3A_826 = arith.extui %sign3A_825 : i1 to i32
      %sign3A_827 = arith.constant 0 : i32
      %sign3A_828 = arith.cmpi slt, %jit3A, %sign3A_827 : i32
      %sign3A_829 = arith.extui %sign3A_828 : i1 to i32
      %sign3A_830 = arith.subi %sign3A_826, %sign3A_829 : i32
      %ne3A = arith.cmpi ne, %sign3A_823, %sign3A_830 : i32
      %rem3A = arith.remsi %scan3A_814, %jit3A : i32
      %ne3A_831 = arith.constant 0 : i32
      %ne3A_832 = arith.cmpi ne, %rem3A, %ne3A_831 : i32
      %and3A = arith.andi %ne3A, %ne3A_832 : i1
      %sub3A = arith.constant 1 : i32
      %sub3A_833 = arith.subi %div3A, %sub3A : i32
      %select_n3A = arith.select %and3A, %sub3A_833, %div3A : i32
      %add3A_834 = arith.addi %mul3A_817, %select_n3A : i32
      %jit3A_835 = arith.constant 32 : i32
      %eq3A = arith.constant 0 : i32
      %eq3A_836 = arith.cmpi eq, %jit3A_835, %eq3A : i32
      %jit3A_837 = arith.constant 1 : i32
      %select_n3A_838 = arith.select %eq3A_836, %jit3A_837, %jit3A_835 : i32
      %rem3A_839 = arith.remsi %scan3A_814, %select_n3A_838 : i32
      %ne3A_840 = arith.constant 0 : i32
      %ne3A_841 = arith.cmpi ne, %rem3A_839, %ne3A_840 : i32
      %lt3A = arith.constant 0 : i32
      %lt3A_842 = arith.cmpi slt, %rem3A_839, %lt3A : i32
      %lt3A_843 = arith.constant 0 : i32
      %lt3A_844 = arith.cmpi slt, %select_n3A_838, %lt3A_843 : i32
      %ne3A_845 = arith.xori %lt3A_842, %lt3A_844 : i1
      %and3A_846 = arith.andi %ne3A_845, %ne3A_841 : i1
      %add3A_847 = arith.addi %rem3A_839, %select_n3A_838 : i32
      %select_n3A_848 = arith.select %and3A_846, %add3A_847, %rem3A_839 : i32
      %jit3A_849 = arith.constant 4 : i32
      %div3A_850 = arith.divsi %select_n3A_848, %jit3A_849 : i32
      %sign3A_851 = arith.constant 0 : i32
      %sign3A_852 = arith.cmpi sgt, %select_n3A_848, %sign3A_851 : i32
      %sign3A_853 = arith.extui %sign3A_852 : i1 to i32
      %sign3A_854 = arith.constant 0 : i32
      %sign3A_855 = arith.cmpi slt, %select_n3A_848, %sign3A_854 : i32
      %sign3A_856 = arith.extui %sign3A_855 : i1 to i32
      %sign3A_857 = arith.subi %sign3A_853, %sign3A_856 : i32
      %sign3A_858 = arith.constant 0 : i32
      %sign3A_859 = arith.cmpi sgt, %jit3A_849, %sign3A_858 : i32
      %sign3A_860 = arith.extui %sign3A_859 : i1 to i32
      %sign3A_861 = arith.constant 0 : i32
      %sign3A_862 = arith.cmpi slt, %jit3A_849, %sign3A_861 : i32
      %sign3A_863 = arith.extui %sign3A_862 : i1 to i32
      %sign3A_864 = arith.subi %sign3A_860, %sign3A_863 : i32
      %ne3A_865 = arith.cmpi ne, %sign3A_857, %sign3A_864 : i32
      %rem3A_866 = arith.remsi %select_n3A_848, %jit3A_849 : i32
      %ne3A_867 = arith.constant 0 : i32
      %ne3A_868 = arith.cmpi ne, %rem3A_866, %ne3A_867 : i32
      %and3A_869 = arith.andi %ne3A_865, %ne3A_868 : i1
      %sub3A_870 = arith.constant 1 : i32
      %sub3A_871 = arith.subi %div3A_850, %sub3A_870 : i32
      %select_n3A_872 = arith.select %and3A_869, %sub3A_871, %div3A_850 : i32
      %jit3A_873 = arith.constant 4 : i32
      %eq3A_874 = arith.constant 0 : i32
      %eq3A_875 = arith.cmpi eq, %jit3A_873, %eq3A_874 : i32
      %jit3A_876 = arith.constant 1 : i32
      %select_n3A_877 = arith.select %eq3A_875, %jit3A_876, %jit3A_873 : i32
      %rem3A_878 = arith.remsi %select_n3A_848, %select_n3A_877 : i32
      %ne3A_879 = arith.constant 0 : i32
      %ne3A_880 = arith.cmpi ne, %rem3A_878, %ne3A_879 : i32
      %lt3A_881 = arith.constant 0 : i32
      %lt3A_882 = arith.cmpi slt, %rem3A_878, %lt3A_881 : i32
      %lt3A_883 = arith.constant 0 : i32
      %lt3A_884 = arith.cmpi slt, %select_n3A_877, %lt3A_883 : i32
      %ne3A_885 = arith.xori %lt3A_882, %lt3A_884 : i1
      %and3A_886 = arith.andi %ne3A_885, %ne3A_880 : i1
      %add3A_887 = arith.addi %rem3A_878, %select_n3A_877 : i32
      %select_n3A_888 = arith.select %and3A_886, %add3A_887, %rem3A_878 : i32
      %mul3A_889 = arith.constant 16 : i32
      %mul3A_890 = arith.muli %select_n3A_888, %mul3A_889 : i32
      %add3A_891 = vector.broadcast %mul3A_890 : i32 to vector<16xi32>
      %add3A_892 = arith.addi %add3A_891, %iota3A : vector<16xi32>
      %sub3A_893 = vector.broadcast %add3A_834 : i32 to vector<16xi32>
      %sub3A_894 = arith.subi %sub3A_893, %add3A_892 : vector<16xi32>
      %ge3A = arith.constant 0 : i32
      %ge3A_895 = vector.broadcast %ge3A : i32 to vector<16xi32>
      %ge3A_896 = arith.cmpi sge, %sub3A_894, %ge3A_895 : vector<16xi32>
      %lt3A_897 = arith.constant 200 : i32
      %lt3A_898 = vector.broadcast %lt3A_897 : i32 to vector<16xi32>
      %lt3A_899 = arith.cmpi slt, %sub3A_894, %lt3A_898 : vector<16xi32>
      %and3A_900 = arith.andi %ge3A_896, %lt3A_899 : vector<16xi1>
      %lt3A_901 = arith.constant 51 : i32
      %lt3A_902 = vector.broadcast %lt3A_901 : i32 to vector<16xi32>
      %lt3A_903 = arith.cmpi slt, %add3A_892, %lt3A_902 : vector<16xi32>
      %and3A_904 = arith.andi %and3A_900, %lt3A_903 : vector<16xi1>
      %mul3A_905 = arith.constant 16 : i32
      %mul3A_906 = arith.muli %scan3A_814, %mul3A_905 : i32
      %get3A = arith.index_cast %mul3A_906 : i32 to index
      %get3A_907 = tpu.vector_load %arg7[%get3A] {strides = array<i32>} : memref<4096xf32, #tpu.memory_space<vmem>>, vector<16xf32>,
      %get3A_908 = vector.shape_cast %get3A_907 : vector<16xf32> to vector<16xf32>
      %jit3A_909 = arith.constant -1.000000e+30 : f32
      %broadcast_in_dim3A = vector.broadcast %jit3A_909 : f32 to vector<16xf32>
      %select_n3A_910 = arith.select %and3A_904, %get3A_908, %broadcast_in_dim3A : vector<16xi1>, vector<16xf32>
      %mul3A_911 = arith.constant 16 : i32
      %mul3A_912 = arith.muli %scan3A_814, %mul3A_911 : i32
      %swap3A = arith.index_cast %mul3A_912 : i32 to index
      %swap3A_913 = tpu.vector_load %arg7[%swap3A] {strides = array<i32>} : memref<4096xf32, #tpu.memory_space<vmem>>, vector<16xf32>,
      %swap3A_914 = vector.shape_cast %swap3A_913 : vector<16xf32> to vector<16xf32>
      %swap3A_915 = vector.shape_cast %select_n3A_910 : vector<16xf32> to vector<16xf32>
      tpu.vector_store %arg7[%swap3A], %swap3A_915 {strides = array<i32>} : memref<4096xf32, #tpu.memory_space<vmem>>, vector<16xf32>,
      %scan3A_916 = arith.constant 0 : i32
      %scan3A_917 = arith.constant 1 : i32
      %scan3A_918 = arith.addi %scan3A_814, %scan3A_917 : i32
      %mul3A_919 = arith.constant 8 : i32
      %mul3A_920 = arith.muli %add3A, %mul3A_919 : i32
      %jit3A_921 = arith.constant 32 : i32
      %div3A_922 = arith.divsi %scan3A_918, %jit3A_921 : i32
      %sign3A_923 = arith.constant 0 : i32
      %sign3A_924 = arith.cmpi sgt, %scan3A_918, %sign3A_923 : i32
      %sign3A_925 = arith.extui %sign3A_924 : i1 to i32
      %sign3A_926 = arith.constant 0 : i32
      %sign3A_927 = arith.cmpi slt, %scan3A_918, %sign3A_926 : i32
      %sign3A_928 = arith.extui %sign3A_927 : i1 to i32
      %sign3A_929 = arith.subi %sign3A_925, %sign3A_928 : i32
      %sign3A_930 = arith.constant 0 : i32
      %sign3A_931 = arith.cmpi sgt, %jit3A_921, %sign3A_930 : i32
      %sign3A_932 = arith.extui %sign3A_931 : i1 to i32
      %sign3A_933 = arith.constant 0 : i32
      %sign3A_934 = arith.cmpi slt, %jit3A_921, %sign3A_933 : i32
      %sign3A_935 = arith.extui %sign3A_934 : i1 to i32
      %sign3A_936 = arith.subi %sign3A_932, %sign3A_935 : i32
      %ne3A_937 = arith.cmpi ne, %sign3A_929, %sign3A_936 : i32
      %rem3A_938 = arith.remsi %scan3A_918, %jit3A_921 : i32
      %ne3A_939 = arith.constant 0 : i32
      %ne3A_940 = arith.cmpi ne, %rem3A_938, %ne3A_939 : i32
      %and3A_941 = arith.andi %ne3A_937, %ne3A_940 : i1
      %sub3A_942 = arith.constant 1 : i32
      %sub3A_943 = arith.subi %div3A_922, %sub3A_942 : i32
      %select_n3A_944 = arith.select %and3A_941, %sub3A_943, %div3A_922 : i32
      %add3A_945 = arith.addi %mul3A_920, %select_n3A_944 : i32
      %jit3A_946 = arith.constant 32 : i32
      %eq3A_947 = arith.constant 0 : i32
      %eq3A_948 = arith.cmpi eq, %jit3A_946, %eq3A_947 : i32
      %jit3A_949 = arith.constant 1 : i32
      %select_n3A_950 = arith.select %eq3A_948, %jit3A_949, %jit3A_946 : i32
      %rem3A_951 = arith.remsi %scan3A_918, %select_n3A_950 : i32
      %ne3A_952 = arith.constant 0 : i32
      %ne3A_953 = arith.cmpi ne, %rem3A_951, %ne3A_952 : i32
      %lt3A_954 = arith.constant 0 : i32
      %lt3A_955 = arith.cmpi slt, %rem3A_951, %lt3A_954 : i32
      %lt3A_956 = arith.constant 0 : i32
      %lt3A_957 = arith.cmpi slt, %select_n3A_950, %lt3A_956 : i32
      %ne3A_958 = arith.xori %lt3A_955, %lt3A_957 : i1
      %and3A_959 = arith.andi %ne3A_958, %ne3A_953 : i1
      %add3A_960 = arith.addi %rem3A_951, %select_n3A_950 : i32
      %select_n3A_961 = arith.select %and3A_959, %add3A_960, %rem3A_951 : i32
      %jit3A_962 = arith.constant 4 : i32
      %div3A_963 = arith.divsi %select_n3A_961, %jit3A_962 : i32
      %sign3A_964 = arith.constant 0 : i32
      %sign3A_965 = arith.cmpi sgt, %select_n3A_961, %sign3A_964 : i32
      %sign3A_966 = arith.extui %sign3A_965 : i1 to i32
      %sign3A_967 = arith.constant 0 : i32
      %sign3A_968 = arith.cmpi slt, %select_n3A_961, %sign3A_967 : i32
      %sign3A_969 = arith.extui %sign3A_968 : i1 to i32
      %sign3A_970 = arith.subi %sign3A_966, %sign3A_969 : i32
      %sign3A_971 = arith.constant 0 : i32
      %sign3A_972 = arith.cmpi sgt, %jit3A_962, %sign3A_971 : i32
      %sign3A_973 = arith.extui %sign3A_972 : i1 to i32
      %sign3A_974 = arith.constant 0 : i32
      %sign3A_975 = arith.cmpi slt, %jit3A_962, %sign3A_974 : i32
      %sign3A_976 = arith.extui %sign3A_975 : i1 to i32
      %sign3A_977 = arith.subi %sign3A_973, %sign3A_976 : i32
      %ne3A_978 = arith.cmpi ne, %sign3A_970, %sign3A_977 : i32
      %rem3A_979 = arith.remsi %select_n3A_961, %jit3A_962 : i32
      %ne3A_980 = arith.constant 0 : i32
      %ne3A_981 = arith.cmpi ne, %rem3A_979, %ne3A_980 : i32
      %and3A_982 = arith.andi %ne3A_978, %ne3A_981 : i1
      %sub3A_983 = arith.constant 1 : i32
      %sub3A_984 = arith.subi %div3A_963, %sub3A_983 : i32
      %select_n3A_985 = arith.select %and3A_982, %sub3A_984, %div3A_963 : i32
      %jit3A_986 = arith.constant 4 : i32
      %eq3A_987 = arith.constant 0 : i32
      %eq3A_988 = arith.cmpi eq, %jit3A_986, %eq3A_987 : i32
      %jit3A_989 = arith.constant 1 : i32
      %select_n3A_990 = arith.select %eq3A_988, %jit3A_989, %jit3A_986 : i32
      %rem3A_991 = arith.remsi %select_n3A_961, %select_n3A_990 : i32
      %ne3A_992 = arith.constant 0 : i32
      %ne3A_993 = arith.cmpi ne, %rem3A_991, %ne3A_992 : i32
      %lt3A_994 = arith.constant 0 : i32
      %lt3A_995 = arith.cmpi slt, %rem3A_991, %lt3A_994 : i32
      %lt3A_996 = arith.constant 0 : i32
      %lt3A_997 = arith.cmpi slt, %select_n3A_990, %lt3A_996 : i32
      %ne3A_998 = arith.xori %lt3A_995, %lt3A_997 : i1
      %and3A_999 = arith.andi %ne3A_998, %ne3A_993 : i1
      %add3A_1000 = arith.addi %rem3A_991, %select_n3A_990 : i32
      %select_n3A_1001 = arith.select %and3A_999, %add3A_1000, %rem3A_991 : i32
      %mul3A_1002 = arith.constant 16 : i32
      %mul3A_1003 = arith.muli %select_n3A_1001, %mul3A_1002 : i32
      %add3A_1004 = vector.broadcast %mul3A_1003 : i32 to vector<16xi32>
      %add3A_1005 = arith.addi %add3A_1004, %iota3A : vector<16xi32>
      %sub3A_1006 = vector.broadcast %add3A_945 : i32 to vector<16xi32>
      %sub3A_1007 = arith.subi %sub3A_1006, %add3A_1005 : vector<16xi32>
      %ge3A_1008 = arith.constant 0 : i32
      %ge3A_1009 = vector.broadcast %ge3A_1008 : i32 to vector<16xi32>
      %ge3A_1010 = arith.cmpi sge, %sub3A_1007, %ge3A_1009 : vector<16xi32>
      %lt3A_1011 = arith.constant 200 : i32
      %lt3A_1012 = vector.broadcast %lt3A_1011 : i32 to vector<16xi32>
      %lt3A_1013 = arith.cmpi slt, %sub3A_1007, %lt3A_1012 : vector<16xi32>
      %and3A_1014 = arith.andi %ge3A_1010, %lt3A_1013 : vector<16xi1>
      %lt3A_1015 = arith.constant 51 : i32
      %lt3A_1016 = vector.broadcast %lt3A_1015 : i32 to vector<16xi32>
      %lt3A_1017 = arith.cmpi slt, %add3A_1005, %lt3A_1016 : vector<16xi32>
      %and3A_1018 = arith.andi %and3A_1014, %lt3A_1017 : vector<16xi1>
      %mul3A_1019 = arith.constant 16 : i32
      %mul3A_1020 = arith.muli %scan3A_918, %mul3A_1019 : i32
      %get3A_1021 = arith.index_cast %mul3A_1020 : i32 to index
      %get3A_1022 = tpu.vector_load %arg7[%get3A_1021] {strides = array<i32>} : memref<4096xf32, #tpu.memory_space<vmem>>, vector<16xf32>,
      %get3A_1023 = vector.shape_cast %get3A_1022 : vector<16xf32> to vector<16xf32>
      %jit3A_1024 = arith.constant -1.000000e+30 : f32
      %broadcast_in_dim3A_1025 = vector.broadcast %jit3A_1024 : f32 to vector<16xf32>
      %select_n3A_1026 = arith.select %and3A_1018, %get3A_1023, %broadcast_in_dim3A_1025 : vector<16xi1>, vector<16xf32>
      %mul3A_1027 = arith.constant 16 : i32
      %mul3A_1028 = arith.muli %scan3A_918, %mul3A_1027 : i32
      %swap3A_1029 = arith.index_cast %mul3A_1028 : i32 to index
      %swap3A_1030 = tpu.vector_load %arg7[%swap3A_1029] {strides = array<i32>} : memref<4096xf32, #tpu.memory_space<vmem>>, vector<16xf32>,
      %swap3A_1031 = vector.shape_cast %swap3A_1030 : vector<16xf32> to vector<16xf32>
      %swap3A_1032 = vector.shape_cast %select_n3A_1026 : vector<16xf32> to vector<16xf32>
      tpu.vector_store %arg7[%swap3A_1029], %swap3A_1032 {strides = array<i32>} : memref<4096xf32, #tpu.memory_space<vmem>>, vector<16xf32>,
      %scan3A_1033 = arith.constant 0 : i32
      %scan3A_1034 = arith.constant 2 : i32
      %scan3A_1035 = arith.addi %scan3A_814, %scan3A_1034 : i32
      %mul3A_1036 = arith.constant 8 : i32
      %mul3A_1037 = arith.muli %add3A, %mul3A_1036 : i32
      %jit3A_1038 = arith.constant 32 : i32
      %div3A_1039 = arith.divsi %scan3A_1035, %jit3A_1038 : i32
      %sign3A_1040 = arith.constant 0 : i32
      %sign3A_1041 = arith.cmpi sgt, %scan3A_1035, %sign3A_1040 : i32
      %sign3A_1042 = arith.extui %sign3A_1041 : i1 to i32
      %sign3A_1043 = arith.constant 0 : i32
      %sign3A_1044 = arith.cmpi slt, %scan3A_1035, %sign3A_1043 : i32
      %sign3A_1045 = arith.extui %sign3A_1044 : i1 to i32
      %sign3A_1046 = arith.subi %sign3A_1042, %sign3A_1045 : i32
      %sign3A_1047 = arith.constant 0 : i32
      %sign3A_1048 = arith.cmpi sgt, %jit3A_1038, %sign3A_1047 : i32
      %sign3A_1049 = arith.extui %sign3A_1048 : i1 to i32
      %sign3A_1050 = arith.constant 0 : i32
      %sign3A_1051 = arith.cmpi slt, %jit3A_1038, %sign3A_1050 : i32
      %sign3A_1052 = arith.extui %sign3A_1051 : i1 to i32
      %sign3A_1053 = arith.subi %sign3A_1049, %sign3A_1052 : i32
      %ne3A_1054 = arith.cmpi ne, %sign3A_1046, %sign3A_1053 : i32
      %rem3A_1055 = arith.remsi %scan3A_1035, %jit3A_1038 : i32
      %ne3A_1056 = arith.constant 0 : i32
      %ne3A_1057 = arith.cmpi ne, %rem3A_1055, %ne3A_1056 : i32
      %and3A_1058 = arith.andi %ne3A_1054, %ne3A_1057 : i1
      %sub3A_1059 = arith.constant 1 : i32
      %sub3A_1060 = arith.subi %div3A_1039, %sub3A_1059 : i32
      %select_n3A_1061 = arith.select %and3A_1058, %sub3A_1060, %div3A_1039 : i32
      %add3A_1062 = arith.addi %mul3A_1037, %select_n3A_1061 : i32
      %jit3A_1063 = arith.constant 32 : i32
      %eq3A_1064 = arith.constant 0 : i32
      %eq3A_1065 = arith.cmpi eq, %jit3A_1063, %eq3A_1064 : i32
      %jit3A_1066 = arith.constant 1 : i32
      %select_n3A_1067 = arith.select %eq3A_1065, %jit3A_1066, %jit3A_1063 : i32
      %rem3A_1068 = arith.remsi %scan3A_1035, %select_n3A_1067 : i32
      %ne3A_1069 = arith.constant 0 : i32
      %ne3A_1070 = arith.cmpi ne, %rem3A_1068, %ne3A_1069 : i32
      %lt3A_1071 = arith.constant 0 : i32
      %lt3A_1072 = arith.cmpi slt, %rem3A_1068, %lt3A_1071 : i32
      %lt3A_1073 = arith.constant 0 : i32
      %lt3A_1074 = arith.cmpi slt, %select_n3A_1067, %lt3A_1073 : i32
      %ne3A_1075 = arith.xori %lt3A_1072, %lt3A_1074 : i1
      %and3A_1076 = arith.andi %ne3A_1075, %ne3A_1070 : i1
      %add3A_1077 = arith.addi %rem3A_1068, %select_n3A_1067 : i32
      %select_n3A_1078 = arith.select %and3A_1076, %add3A_1077, %rem3A_1068 : i32
      %jit3A_1079 = arith.constant 4 : i32
      %div3A_1080 = arith.divsi %select_n3A_1078, %jit3A_1079 : i32
      %sign3A_1081 = arith.constant 0 : i32
      %sign3A_1082 = arith.cmpi sgt, %select_n3A_1078, %sign3A_1081 : i32
      %sign3A_1083 = arith.extui %sign3A_1082 : i1 to i32
      %sign3A_1084 = arith.constant 0 : i32
      %sign3A_1085 = arith.cmpi slt, %select_n3A_1078, %sign3A_1084 : i32
      %sign3A_1086 = arith.extui %sign3A_1085 : i1 to i32
      %sign3A_1087 = arith.subi %sign3A_1083, %sign3A_1086 : i32
      %sign3A_1088 = arith.constant 0 : i32
      %sign3A_1089 = arith.cmpi sgt, %jit3A_1079, %sign3A_1088 : i32
      %sign3A_1090 = arith.extui %sign3A_1089 : i1 to i32
      %sign3A_1091 = arith.constant 0 : i32
      %sign3A_1092 = arith.cmpi slt, %jit3A_1079, %sign3A_1091 : i32
      %sign3A_1093 = arith.extui %sign3A_1092 : i1 to i32
      %sign3A_1094 = arith.subi %sign3A_1090, %sign3A_1093 : i32
      %ne3A_1095 = arith.cmpi ne, %sign3A_1087, %sign3A_1094 : i32
      %rem3A_1096 = arith.remsi %select_n3A_1078, %jit3A_1079 : i32
      %ne3A_1097 = arith.constant 0 : i32
      %ne3A_1098 = arith.cmpi ne, %rem3A_1096, %ne3A_1097 : i32
      %and3A_1099 = arith.andi %ne3A_1095, %ne3A_1098 : i1
      %sub3A_1100 = arith.constant 1 : i32
      %sub3A_1101 = arith.subi %div3A_1080, %sub3A_1100 : i32
      %select_n3A_1102 = arith.select %and3A_1099, %sub3A_1101, %div3A_1080 : i32
      %jit3A_1103 = arith.constant 4 : i32
      %eq3A_1104 = arith.constant 0 : i32
      %eq3A_1105 = arith.cmpi eq, %jit3A_1103, %eq3A_1104 : i32
      %jit3A_1106 = arith.constant 1 : i32
      %select_n3A_1107 = arith.select %eq3A_1105, %jit3A_1106, %jit3A_1103 : i32
      %rem3A_1108 = arith.remsi %select_n3A_1078, %select_n3A_1107 : i32
      %ne3A_1109 = arith.constant 0 : i32
      %ne3A_1110 = arith.cmpi ne, %rem3A_1108, %ne3A_1109 : i32
      %lt3A_1111 = arith.constant 0 : i32
      %lt3A_1112 = arith.cmpi slt, %rem3A_1108, %lt3A_1111 : i32
      %lt3A_1113 = arith.constant 0 : i32
      %lt3A_1114 = arith.cmpi slt, %select_n3A_1107, %lt3A_1113 : i32
      %ne3A_1115 = arith.xori %lt3A_1112, %lt3A_1114 : i1
      %and3A_1116 = arith.andi %ne3A_1115, %ne3A_1110 : i1
      %add3A_1117 = arith.addi %rem3A_1108, %select_n3A_1107 : i32
      %select_n3A_1118 = arith.select %and3A_1116, %add3A_1117, %rem3A_1108 : i32
      %mul3A_1119 = arith.constant 16 : i32
      %mul3A_1120 = arith.muli %select_n3A_1118, %mul3A_1119 : i32
      %add3A_1121 = vector.broadcast %mul3A_1120 : i32 to vector<16xi32>
      %add3A_1122 = arith.addi %add3A_1121, %iota3A : vector<16xi32>
      %sub3A_1123 = vector.broadcast %add3A_1062 : i32 to vector<16xi32>
      %sub3A_1124 = arith.subi %sub3A_1123, %add3A_1122 : vector<16xi32>
      %ge3A_1125 = arith.constant 0 : i32
      %ge3A_1126 = vector.broadcast %ge3A_1125 : i32 to vector<16xi32>
      %ge3A_1127 = arith.cmpi sge, %sub3A_1124, %ge3A_1126 : vector<16xi32>
      %lt3A_1128 = arith.constant 200 : i32
      %lt3A_1129 = vector.broadcast %lt3A_1128 : i32 to vector<16xi32>
      %lt3A_1130 = arith.cmpi slt, %sub3A_1124, %lt3A_1129 : vector<16xi32>
      %and3A_1131 = arith.andi %ge3A_1127, %lt3A_1130 : vector<16xi1>
      %lt3A_1132 = arith.constant 51 : i32
      %lt3A_1133 = vector.broadcast %lt3A_1132 : i32 to vector<16xi32>
      %lt3A_1134 = arith.cmpi slt, %add3A_1122, %lt3A_1133 : vector<16xi32>
      %and3A_1135 = arith.andi %and3A_1131, %lt3A_1134 : vector<16xi1>
      %mul3A_1136 = arith.constant 16 : i32
      %mul3A_1137 = arith.muli %scan3A_1035, %mul3A_1136 : i32
      %get3A_1138 = arith.index_cast %mul3A_1137 : i32 to index
      %get3A_1139 = tpu.vector_load %arg7[%get3A_1138] {strides = array<i32>} : memref<4096xf32, #tpu.memory_space<vmem>>, vector<16xf32>,
      %get3A_1140 = vector.shape_cast %get3A_1139 : vector<16xf32> to vector<16xf32>
      %jit3A_1141 = arith.constant -1.000000e+30 : f32
      %broadcast_in_dim3A_1142 = vector.broadcast %jit3A_1141 : f32 to vector<16xf32>
      %select_n3A_1143 = arith.select %and3A_1135, %get3A_1140, %broadcast_in_dim3A_1142 : vector<16xi1>, vector<16xf32>
      %mul3A_1144 = arith.constant 16 : i32
      %mul3A_1145 = arith.muli %scan3A_1035, %mul3A_1144 : i32
      %swap3A_1146 = arith.index_cast %mul3A_1145 : i32 to index
      %swap3A_1147 = tpu.vector_load %arg7[%swap3A_1146] {strides = array<i32>} : memref<4096xf32, #tpu.memory_space<vmem>>, vector<16xf32>,
      %swap3A_1148 = vector.shape_cast %swap3A_1147 : vector<16xf32> to vector<16xf32>
      %swap3A_1149 = vector.shape_cast %select_n3A_1143 : vector<16xf32> to vector<16xf32>
      tpu.vector_store %arg7[%swap3A_1146], %swap3A_1149 {strides = array<i32>} : memref<4096xf32, #tpu.memory_space<vmem>>, vector<16xf32>,
      %scan3A_1150 = arith.constant 0 : i32
      %scan3A_1151 = arith.constant 3 : i32
      %scan3A_1152 = arith.addi %scan3A_814, %scan3A_1151 : i32
      %mul3A_1153 = arith.constant 8 : i32
      %mul3A_1154 = arith.muli %add3A, %mul3A_1153 : i32
      %jit3A_1155 = arith.constant 32 : i32
      %div3A_1156 = arith.divsi %scan3A_1152, %jit3A_1155 : i32
      %sign3A_1157 = arith.constant 0 : i32
      %sign3A_1158 = arith.cmpi sgt, %scan3A_1152, %sign3A_1157 : i32
      %sign3A_1159 = arith.extui %sign3A_1158 : i1 to i32
      %sign3A_1160 = arith.constant 0 : i32
      %sign3A_1161 = arith.cmpi slt, %scan3A_1152, %sign3A_1160 : i32
      %sign3A_1162 = arith.extui %sign3A_1161 : i1 to i32
      %sign3A_1163 = arith.subi %sign3A_1159, %sign3A_1162 : i32
      %sign3A_1164 = arith.constant 0 : i32
      %sign3A_1165 = arith.cmpi sgt, %jit3A_1155, %sign3A_1164 : i32
      %sign3A_1166 = arith.extui %sign3A_1165 : i1 to i32
      %sign3A_1167 = arith.constant 0 : i32
      %sign3A_1168 = arith.cmpi slt, %jit3A_1155, %sign3A_1167 : i32
      %sign3A_1169 = arith.extui %sign3A_1168 : i1 to i32
      %sign3A_1170 = arith.subi %sign3A_1166, %sign3A_1169 : i32
      %ne3A_1171 = arith.cmpi ne, %sign3A_1163, %sign3A_1170 : i32
      %rem3A_1172 = arith.remsi %scan3A_1152, %jit3A_1155 : i32
      %ne3A_1173 = arith.constant 0 : i32
      %ne3A_1174 = arith.cmpi ne, %rem3A_1172, %ne3A_1173 : i32
      %and3A_1175 = arith.andi %ne3A_1171, %ne3A_1174 : i1
      %sub3A_1176 = arith.constant 1 : i32
      %sub3A_1177 = arith.subi %div3A_1156, %sub3A_1176 : i32
      %select_n3A_1178 = arith.select %and3A_1175, %sub3A_1177, %div3A_1156 : i32
      %add3A_1179 = arith.addi %mul3A_1154, %select_n3A_1178 : i32
      %jit3A_1180 = arith.constant 32 : i32
      %eq3A_1181 = arith.constant 0 : i32
      %eq3A_1182 = arith.cmpi eq, %jit3A_1180, %eq3A_1181 : i32
      %jit3A_1183 = arith.constant 1 : i32
      %select_n3A_1184 = arith.select %eq3A_1182, %jit3A_1183, %jit3A_1180 : i32
      %rem3A_1185 = arith.remsi %scan3A_1152, %select_n3A_1184 : i32
      %ne3A_1186 = arith.constant 0 : i32
      %ne3A_1187 = arith.cmpi ne, %rem3A_1185, %ne3A_1186 : i32
      %lt3A_1188 = arith.constant 0 : i32
      %lt3A_1189 = arith.cmpi slt, %rem3A_1185, %lt3A_1188 : i32
      %lt3A_1190 = arith.constant 0 : i32
      %lt3A_1191 = arith.cmpi slt, %select_n3A_1184, %lt3A_1190 : i32
      %ne3A_1192 = arith.xori %lt3A_1189, %lt3A_1191 : i1
      %and3A_1193 = arith.andi %ne3A_1192, %ne3A_1187 : i1
      %add3A_1194 = arith.addi %rem3A_1185, %select_n3A_1184 : i32
      %select_n3A_1195 = arith.select %and3A_1193, %add3A_1194, %rem3A_1185 : i32
      %jit3A_1196 = arith.constant 4 : i32
      %div3A_1197 = arith.divsi %select_n3A_1195, %jit3A_1196 : i32
      %sign3A_1198 = arith.constant 0 : i32
      %sign3A_1199 = arith.cmpi sgt, %select_n3A_1195, %sign3A_1198 : i32
      %sign3A_1200 = arith.extui %sign3A_1199 : i1 to i32
      %sign3A_1201 = arith.constant 0 : i32
      %sign3A_1202 = arith.cmpi slt, %select_n3A_1195, %sign3A_1201 : i32
      %sign3A_1203 = arith.extui %sign3A_1202 : i1 to i32
      %sign3A_1204 = arith.subi %sign3A_1200, %sign3A_1203 : i32
      %sign3A_1205 = arith.constant 0 : i32
      %sign3A_1206 = arith.cmpi sgt, %jit3A_1196, %sign3A_1205 : i32
      %sign3A_1207 = arith.extui %sign3A_1206 : i1 to i32
      %sign3A_1208 = arith.constant 0 : i32
      %sign3A_1209 = arith.cmpi slt, %jit3A_1196, %sign3A_1208 : i32
      %sign3A_1210 = arith.extui %sign3A_1209 : i1 to i32
      %sign3A_1211 = arith.subi %sign3A_1207, %sign3A_1210 : i32
      %ne3A_1212 = arith.cmpi ne, %sign3A_1204, %sign3A_1211 : i32
      %rem3A_1213 = arith.remsi %select_n3A_1195, %jit3A_1196 : i32
      %ne3A_1214 = arith.constant 0 : i32
      %ne3A_1215 = arith.cmpi ne, %rem3A_1213, %ne3A_1214 : i32
      %and3A_1216 = arith.andi %ne3A_1212, %ne3A_1215 : i1
      %sub3A_1217 = arith.constant 1 : i32
      %sub3A_1218 = arith.subi %div3A_1197, %sub3A_1217 : i32
      %select_n3A_1219 = arith.select %and3A_1216, %sub3A_1218, %div3A_1197 : i32
      %jit3A_1220 = arith.constant 4 : i32
      %eq3A_1221 = arith.constant 0 : i32
      %eq3A_1222 = arith.cmpi eq, %jit3A_1220, %eq3A_1221 : i32
      %jit3A_1223 = arith.constant 1 : i32
      %select_n3A_1224 = arith.select %eq3A_1222, %jit3A_1223, %jit3A_1220 : i32
      %rem3A_1225 = arith.remsi %select_n3A_1195, %select_n3A_1224 : i32
      %ne3A_1226 = arith.constant 0 : i32
      %ne3A_1227 = arith.cmpi ne, %rem3A_1225, %ne3A_1226 : i32
      %lt3A_1228 = arith.constant 0 : i32
      %lt3A_1229 = arith.cmpi slt, %rem3A_1225, %lt3A_1228 : i32
      %lt3A_1230 = arith.constant 0 : i32
      %lt3A_1231 = arith.cmpi slt, %select_n3A_1224, %lt3A_1230 : i32
      %ne3A_1232 = arith.xori %lt3A_1229, %lt3A_1231 : i1
      %and3A_1233 = arith.andi %ne3A_1232, %ne3A_1227 : i1
      %add3A_1234 = arith.addi %rem3A_1225, %select_n3A_1224 : i32
      %select_n3A_1235 = arith.select %and3A_1233, %add3A_1234, %rem3A_1225 : i32
      %mul3A_1236 = arith.constant 16 : i32
      %mul3A_1237 = arith.muli %select_n3A_1235, %mul3A_1236 : i32
      %add3A_1238 = vector.broadcast %mul3A_1237 : i32 to vector<16xi32>
      %add3A_1239 = arith.addi %add3A_1238, %iota3A : vector<16xi32>
      %sub3A_1240 = vector.broadcast %add3A_1179 : i32 to vector<16xi32>
      %sub3A_1241 = arith.subi %sub3A_1240, %add3A_1239 : vector<16xi32>
      %ge3A_1242 = arith.constant 0 : i32
      %ge3A_1243 = vector.broadcast %ge3A_1242 : i32 to vector<16xi32>
      %ge3A_1244 = arith.cmpi sge, %sub3A_1241, %ge3A_1243 : vector<16xi32>
      %lt3A_1245 = arith.constant 200 : i32
      %lt3A_1246 = vector.broadcast %lt3A_1245 : i32 to vector<16xi32>
      %lt3A_1247 = arith.cmpi slt, %sub3A_1241, %lt3A_1246 : vector<16xi32>
      %and3A_1248 = arith.andi %ge3A_1244, %lt3A_1247 : vector<16xi1>
      %lt3A_1249 = arith.constant 51 : i32
      %lt3A_1250 = vector.broadcast %lt3A_1249 : i32 to vector<16xi32>
      %lt3A_1251 = arith.cmpi slt, %add3A_1239, %lt3A_1250 : vector<16xi32>
      %and3A_1252 = arith.andi %and3A_1248, %lt3A_1251 : vector<16xi1>
      %mul3A_1253 = arith.constant 16 : i32
      %mul3A_1254 = arith.muli %scan3A_1152, %mul3A_1253 : i32
      %get3A_1255 = arith.index_cast %mul3A_1254 : i32 to index
      %get3A_1256 = tpu.vector_load %arg7[%get3A_1255] {strides = array<i32>} : memref<4096xf32, #tpu.memory_space<vmem>>, vector<16xf32>,
      %get3A_1257 = vector.shape_cast %get3A_1256 : vector<16xf32> to vector<16xf32>
      %jit3A_1258 = arith.constant -1.000000e+30 : f32
      %broadcast_in_dim3A_1259 = vector.broadcast %jit3A_1258 : f32 to vector<16xf32>
      %select_n3A_1260 = arith.select %and3A_1252, %get3A_1257, %broadcast_in_dim3A_1259 : vector<16xi1>, vector<16xf32>
      %mul3A_1261 = arith.constant 16 : i32
      %mul3A_1262 = arith.muli %scan3A_1152, %mul3A_1261 : i32
      %swap3A_1263 = arith.index_cast %mul3A_1262 : i32 to index
      %swap3A_1264 = tpu.vector_load %arg7[%swap3A_1263] {strides = array<i32>} : memref<4096xf32, #tpu.memory_space<vmem>>, vector<16xf32>,
      %swap3A_1265 = vector.shape_cast %swap3A_1264 : vector<16xf32> to vector<16xf32>
      %swap3A_1266 = vector.shape_cast %select_n3A_1260 : vector<16xf32> to vector<16xf32>
      tpu.vector_store %arg7[%swap3A_1263], %swap3A_1266 {strides = array<i32>} : memref<4096xf32, #tpu.memory_space<vmem>>, vector<16xf32>,
      %scan3A_1267 = arith.constant 0 : i32
      scf.yield %scan3A_1267 : i32
    }
    %scan3A_410 = arith.constant 256 : i32
    %mul3A_411 = arith.constant 4096 : i32
    %mul3A_412 = arith.muli %add3A, %mul3A_411 : i32
    "tpu.region"() ({
      %run_scoped3A_814 = tpu.sem_alloc : memref<!tpu.dma_semaphore, #tpu.memory_space<semaphore_mem>>
      %dma_start3A_815 = tpu.memref_slice %arg4[%mul3A_412] : memref<131072xf32, #tpu.memory_space<hbm>> -> memref<4096xf32, #tpu.memory_space<hbm>>
      %dma_start3A_816 = tpu.memref_slice %arg4[%mul3A_412] : memref<131072xf32, #tpu.memory_space<hbm>> -> memref<4096xf32, #tpu.memory_space<hbm>>
      tpu.enqueue_dma source(%arg7 : memref<4096xf32, #tpu.memory_space<vmem>>) target(%dma_start3A_816 : memref<4096xf32, #tpu.memory_space<hbm>>) target_semaphore(%run_scoped3A_814 : memref<!tpu.dma_semaphore, #tpu.memory_space<semaphore_mem>>)
      %dma_wait3A_817 = tpu.memref_slice %arg4[%mul3A_412] : memref<131072xf32, #tpu.memory_space<hbm>> -> memref<4096xf32, #tpu.memory_space<hbm>>
      %dma_wait3A_818 = tpu.memref_slice %arg4[%mul3A_412] : memref<131072xf32, #tpu.memory_space<hbm>> -> memref<4096xf32, #tpu.memory_space<hbm>>
      tpu.wait_dma2 semaphore(%run_scoped3A_814 : memref<!tpu.dma_semaphore, #tpu.memory_space<semaphore_mem>>) src(%arg7 : memref<4096xf32, #tpu.memory_space<vmem>>) dst(%dma_wait3A_818 : memref<4096xf32, #tpu.memory_space<hbm>>)
      tpu.yield
    }) : () -> ()
    %iota3A_413 = tpu.iota {dimensions = array<i32: 0>} : vector<16xi32>
    %scan3A_414 = arith.constant 0 : i32
    %scan3A_415 = arith.constant 0 : i32
    %scan3A_416 = arith.constant 256 : i32
    %scan3A_417 = arith.addi %scan3A_415, %scan3A_416 : i32
    %scan3A_418 = arith.constant 4 : i32
    %scan3A_419 = scf.for %scan3A_814 = %scan3A_415 to %scan3A_417 step %scan3A_418 iter_args(%scan3A_815 = %scan3A_414) -> (i32)  : i32 {
      %mul3A_816 = arith.constant 8 : i32
      %mul3A_817 = arith.muli %add3A, %mul3A_816 : i32
      %jit3A = arith.constant 32 : i32
      %div3A = arith.divsi %scan3A_814, %jit3A : i32
      %sign3A = arith.constant 0 : i32
      %sign3A_818 = arith.cmpi sgt, %scan3A_814, %sign3A : i32
      %sign3A_819 = arith.extui %sign3A_818 : i1 to i32
      %sign3A_820 = arith.constant 0 : i32
      %sign3A_821 = arith.cmpi slt, %scan3A_814, %sign3A_820 : i32
      %sign3A_822 = arith.extui %sign3A_821 : i1 to i32
      %sign3A_823 = arith.subi %sign3A_819, %sign3A_822 : i32
      %sign3A_824 = arith.constant 0 : i32
      %sign3A_825 = arith.cmpi sgt, %jit3A, %sign3A_824 : i32
      %sign3A_826 = arith.extui %sign3A_825 : i1 to i32
      %sign3A_827 = arith.constant 0 : i32
      %sign3A_828 = arith.cmpi slt, %jit3A, %sign3A_827 : i32
      %sign3A_829 = arith.extui %sign3A_828 : i1 to i32
      %sign3A_830 = arith.subi %sign3A_826, %sign3A_829 : i32
      %ne3A = arith.cmpi ne, %sign3A_823, %sign3A_830 : i32
      %rem3A = arith.remsi %scan3A_814, %jit3A : i32
      %ne3A_831 = arith.constant 0 : i32
      %ne3A_832 = arith.cmpi ne, %rem3A, %ne3A_831 : i32
      %and3A = arith.andi %ne3A, %ne3A_832 : i1
      %sub3A = arith.constant 1 : i32
      %sub3A_833 = arith.subi %div3A, %sub3A : i32
      %select_n3A = arith.select %and3A, %sub3A_833, %div3A : i32
      %add3A_834 = arith.addi %mul3A_817, %select_n3A : i32
      %jit3A_835 = arith.constant 32 : i32
      %eq3A = arith.constant 0 : i32
      %eq3A_836 = arith.cmpi eq, %jit3A_835, %eq3A : i32
      %jit3A_837 = arith.constant 1 : i32
      %select_n3A_838 = arith.select %eq3A_836, %jit3A_837, %jit3A_835 : i32
      %rem3A_839 = arith.remsi %scan3A_814, %select_n3A_838 : i32
      %ne3A_840 = arith.constant 0 : i32
      %ne3A_841 = arith.cmpi ne, %rem3A_839, %ne3A_840 : i32
      %lt3A = arith.constant 0 : i32
      %lt3A_842 = arith.cmpi slt, %rem3A_839, %lt3A : i32
      %lt3A_843 = arith.constant 0 : i32
      %lt3A_844 = arith.cmpi slt, %select_n3A_838, %lt3A_843 : i32
      %ne3A_845 = arith.xori %lt3A_842, %lt3A_844 : i1
      %and3A_846 = arith.andi %ne3A_845, %ne3A_841 : i1
      %add3A_847 = arith.addi %rem3A_839, %select_n3A_838 : i32
      %select_n3A_848 = arith.select %and3A_846, %add3A_847, %rem3A_839 : i32
      %jit3A_849 = arith.constant 4 : i32
      %div3A_850 = arith.divsi %select_n3A_848, %jit3A_849 : i32
      %sign3A_851 = arith.constant 0 : i32
      %sign3A_852 = arith.cmpi sgt, %select_n3A_848, %sign3A_851 : i32
      %sign3A_853 = arith.extui %sign3A_852 : i1 to i32
      %sign3A_854 = arith.constant 0 : i32
      %sign3A_855 = arith.cmpi slt, %select_n3A_848, %sign3A_854 : i32
      %sign3A_856 = arith.extui %sign3A_855 : i1 to i32
      %sign3A_857 = arith.subi %sign3A_853, %sign3A_856 : i32
      %sign3A_858 = arith.constant 0 : i32
      %sign3A_859 = arith.cmpi sgt, %jit3A_849, %sign3A_858 : i32
      %sign3A_860 = arith.extui %sign3A_859 : i1 to i32
      %sign3A_861 = arith.constant 0 : i32
      %sign3A_862 = arith.cmpi slt, %jit3A_849, %sign3A_861 : i32
      %sign3A_863 = arith.extui %sign3A_862 : i1 to i32
      %sign3A_864 = arith.subi %sign3A_860, %sign3A_863 : i32
      %ne3A_865 = arith.cmpi ne, %sign3A_857, %sign3A_864 : i32
      %rem3A_866 = arith.remsi %select_n3A_848, %jit3A_849 : i32
      %ne3A_867 = arith.constant 0 : i32
      %ne3A_868 = arith.cmpi ne, %rem3A_866, %ne3A_867 : i32
      %and3A_869 = arith.andi %ne3A_865, %ne3A_868 : i1
      %sub3A_870 = arith.constant 1 : i32
      %sub3A_871 = arith.subi %div3A_850, %sub3A_870 : i32
      %select_n3A_872 = arith.select %and3A_869, %sub3A_871, %div3A_850 : i32
      %jit3A_873 = arith.constant 4 : i32
      %eq3A_874 = arith.constant 0 : i32
      %eq3A_875 = arith.cmpi eq, %jit3A_873, %eq3A_874 : i32
      %jit3A_876 = arith.constant 1 : i32
      %select_n3A_877 = arith.select %eq3A_875, %jit3A_876, %jit3A_873 : i32
      %rem3A_878 = arith.remsi %select_n3A_848, %select_n3A_877 : i32
      %ne3A_879 = arith.constant 0 : i32
      %ne3A_880 = arith.cmpi ne, %rem3A_878, %ne3A_879 : i32
      %lt3A_881 = arith.constant 0 : i32
      %lt3A_882 = arith.cmpi slt, %rem3A_878, %lt3A_881 : i32
      %lt3A_883 = arith.constant 0 : i32
      %lt3A_884 = arith.cmpi slt, %select_n3A_877, %lt3A_883 : i32
      %ne3A_885 = arith.xori %lt3A_882, %lt3A_884 : i1
      %and3A_886 = arith.andi %ne3A_885, %ne3A_880 : i1
      %add3A_887 = arith.addi %rem3A_878, %select_n3A_877 : i32
      %select_n3A_888 = arith.select %and3A_886, %add3A_887, %rem3A_878 : i32
      %mul3A_889 = arith.constant 16 : i32
      %mul3A_890 = arith.muli %select_n3A_888, %mul3A_889 : i32
      %add3A_891 = vector.broadcast %mul3A_890 : i32 to vector<16xi32>
      %add3A_892 = arith.addi %add3A_891, %iota3A_413 : vector<16xi32>
      %sub3A_893 = vector.broadcast %add3A_834 : i32 to vector<16xi32>
      %sub3A_894 = arith.subi %sub3A_893, %add3A_892 : vector<16xi32>
      %ge3A = arith.constant 0 : i32
      %ge3A_895 = vector.broadcast %ge3A : i32 to vector<16xi32>
      %ge3A_896 = arith.cmpi sge, %sub3A_894, %ge3A_895 : vector<16xi32>
      %lt3A_897 = arith.constant 200 : i32
      %lt3A_898 = vector.broadcast %lt3A_897 : i32 to vector<16xi32>
      %lt3A_899 = arith.cmpi slt, %sub3A_894, %lt3A_898 : vector<16xi32>
      %and3A_900 = arith.andi %ge3A_896, %lt3A_899 : vector<16xi1>
      %lt3A_901 = arith.constant 50 : i32
      %lt3A_902 = vector.broadcast %lt3A_901 : i32 to vector<16xi32>
      %lt3A_903 = arith.cmpi slt, %add3A_892, %lt3A_902 : vector<16xi32>
      %and3A_904 = arith.andi %and3A_900, %lt3A_903 : vector<16xi1>
      %jit3A_905 = arith.constant 0 : i32
      %jit3A_906 = arith.constant 199 : i32
      %max3A = vector.broadcast %jit3A_905 : i32 to vector<16xi32>
      %max3A_907 = arith.maxsi %max3A, %sub3A_894 : vector<16xi32>
      %min3A = vector.broadcast %jit3A_906 : i32 to vector<16xi32>
      %min3A_908 = arith.minsi %min3A, %max3A_907 : vector<16xi32>
      %jit3A_909 = arith.constant 0 : i32
      %jit3A_910 = arith.constant 50 : i32
      %max3A_911 = vector.broadcast %jit3A_909 : i32 to vector<16xi32>
      %max3A_912 = arith.maxsi %max3A_911, %add3A_892 : vector<16xi32>
      %min3A_913 = vector.broadcast %jit3A_910 : i32 to vector<16xi32>
      %min3A_914 = arith.minsi %min3A_913, %max3A_912 : vector<16xi32>
      %lt3A_915 = arith.constant 50 : i32
      %lt3A_916 = vector.broadcast %lt3A_915 : i32 to vector<16xi32>
      %lt3A_917 = arith.cmpi slt, %add3A_892, %lt3A_916 : vector<16xi32>
      %jit3A_918 = arith.constant 4 : i32
      %eq3A_919 = arith.constant 0 : i32
      %eq3A_920 = arith.cmpi eq, %jit3A_918, %eq3A_919 : i32
      %jit3A_921 = arith.constant 1 : i32
      %select_n3A_922 = arith.select %eq3A_920, %jit3A_921, %jit3A_918 : i32
      %rem3A_923 = arith.remsi %scan3A_814, %select_n3A_922 : i32
      %ne3A_924 = arith.constant 0 : i32
      %ne3A_925 = arith.cmpi ne, %rem3A_923, %ne3A_924 : i32
      %lt3A_926 = arith.constant 0 : i32
      %lt3A_927 = arith.cmpi slt, %rem3A_923, %lt3A_926 : i32
      %lt3A_928 = arith.constant 0 : i32
      %lt3A_929 = arith.cmpi slt, %select_n3A_922, %lt3A_928 : i32
      %ne3A_930 = arith.xori %lt3A_927, %lt3A_929 : i1
      %and3A_931 = arith.andi %ne3A_930, %ne3A_925 : i1
      %add3A_932 = arith.addi %rem3A_923, %select_n3A_922 : i32
      %select_n3A_933 = arith.select %and3A_931, %add3A_932, %rem3A_923 : i32
      %mul3A_934 = arith.constant 16 : i32
      %mul3A_935 = arith.muli %select_n3A_933, %mul3A_934 : i32
      %get3A = arith.index_cast %select_n3A_872 : i32 to index
      %get3A_936 = arith.index_cast %mul3A_935 : i32 to index
      %get3A_937 = tpu.vector_load %arg8[%get3A, %get3A_936] {strides = array<i32>} : memref<8x64xi32, #tpu.memory_space<vmem>>, vector<1x16xi32>,
      %get3A_938 = vector.shape_cast %get3A_937 : vector<1x16xi32> to vector<16xi32>
      %jit3A_939 = arith.constant 0 : i32
      %broadcast_in_dim3A = vector.broadcast %jit3A_939 : i32 to vector<16xi32>
      %select_n3A_940 = arith.select %lt3A_917, %get3A_938, %broadcast_in_dim3A : vector<16xi1>, vector<16xi32>
      %mul3A_941 = arith.constant 200 : i32
      %mul3A_942 = arith.muli %select_n3A_872, %mul3A_941 : i32
      %add3A_943 = vector.broadcast %mul3A_942 : i32 to vector<16xi32>
      %add3A_944 = arith.addi %add3A_943, %min3A_908 : vector<16xi32>
      %mul3A_945 = arith.constant 51 : i32
      %mul3A_946 = vector.broadcast %mul3A_945 : i32 to vector<16xi32>
      %mul3A_947 = arith.muli %add3A_944, %mul3A_946 : vector<16xi32>
      %add3A_948 = arith.addi %mul3A_947, %min3A_914 : vector<16xi32>
      %mul3A_949 = arith.constant 512 : i32
      %mul3A_950 = vector.broadcast %mul3A_949 : i32 to vector<16xi32>
      %mul3A_951 = arith.muli %add3A_948, %mul3A_950 : vector<16xi32>
      %add3A_952 = arith.addi %mul3A_951, %select_n3A_940 : vector<16xi32>
      %mul3A_953 = arith.constant 16 : i32
      %mul3A_954 = arith.muli %scan3A_814, %mul3A_953 : i32
      %swap3A = arith.index_cast %mul3A_954 : i32 to index
      %swap3A_955 = tpu.vector_load %arg6[%swap3A] {strides = array<i32>} : memref<4096xi32, #tpu.memory_space<vmem>>, vector<16xi32>,
      %swap3A_956 = vector.shape_cast %swap3A_955 : vector<16xi32> to vector<16xi32>
      %swap3A_957 = vector.shape_cast %add3A_952 : vector<16xi32> to vector<16xi32>
      tpu.vector_store %arg6[%swap3A], %swap3A_957 {strides = array<i32>} : memref<4096xi32, #tpu.memory_space<vmem>>, vector<16xi32>,
      %scan3A_958 = arith.constant 0 : i32
      %scan3A_959 = arith.constant 1 : i32
      %scan3A_960 = arith.addi %scan3A_814, %scan3A_959 : i32
      %mul3A_961 = arith.constant 8 : i32
      %mul3A_962 = arith.muli %add3A, %mul3A_961 : i32
      %jit3A_963 = arith.constant 32 : i32
      %div3A_964 = arith.divsi %scan3A_960, %jit3A_963 : i32
      %sign3A_965 = arith.constant 0 : i32
      %sign3A_966 = arith.cmpi sgt, %scan3A_960, %sign3A_965 : i32
      %sign3A_967 = arith.extui %sign3A_966 : i1 to i32
      %sign3A_968 = arith.constant 0 : i32
      %sign3A_969 = arith.cmpi slt, %scan3A_960, %sign3A_968 : i32
      %sign3A_970 = arith.extui %sign3A_969 : i1 to i32
      %sign3A_971 = arith.subi %sign3A_967, %sign3A_970 : i32
      %sign3A_972 = arith.constant 0 : i32
      %sign3A_973 = arith.cmpi sgt, %jit3A_963, %sign3A_972 : i32
      %sign3A_974 = arith.extui %sign3A_973 : i1 to i32
      %sign3A_975 = arith.constant 0 : i32
      %sign3A_976 = arith.cmpi slt, %jit3A_963, %sign3A_975 : i32
      %sign3A_977 = arith.extui %sign3A_976 : i1 to i32
      %sign3A_978 = arith.subi %sign3A_974, %sign3A_977 : i32
      %ne3A_979 = arith.cmpi ne, %sign3A_971, %sign3A_978 : i32
      %rem3A_980 = arith.remsi %scan3A_960, %jit3A_963 : i32
      %ne3A_981 = arith.constant 0 : i32
      %ne3A_982 = arith.cmpi ne, %rem3A_980, %ne3A_981 : i32
      %and3A_983 = arith.andi %ne3A_979, %ne3A_982 : i1
      %sub3A_984 = arith.constant 1 : i32
      %sub3A_985 = arith.subi %div3A_964, %sub3A_984 : i32
      %select_n3A_986 = arith.select %and3A_983, %sub3A_985, %div3A_964 : i32
      %add3A_987 = arith.addi %mul3A_962, %select_n3A_986 : i32
      %jit3A_988 = arith.constant 32 : i32
      %eq3A_989 = arith.constant 0 : i32
      %eq3A_990 = arith.cmpi eq, %jit3A_988, %eq3A_989 : i32
      %jit3A_991 = arith.constant 1 : i32
      %select_n3A_992 = arith.select %eq3A_990, %jit3A_991, %jit3A_988 : i32
      %rem3A_993 = arith.remsi %scan3A_960, %select_n3A_992 : i32
      %ne3A_994 = arith.constant 0 : i32
      %ne3A_995 = arith.cmpi ne, %rem3A_993, %ne3A_994 : i32
      %lt3A_996 = arith.constant 0 : i32
      %lt3A_997 = arith.cmpi slt, %rem3A_993, %lt3A_996 : i32
      %lt3A_998 = arith.constant 0 : i32
      %lt3A_999 = arith.cmpi slt, %select_n3A_992, %lt3A_998 : i32
      %ne3A_1000 = arith.xori %lt3A_997, %lt3A_999 : i1
      %and3A_1001 = arith.andi %ne3A_1000, %ne3A_995 : i1
      %add3A_1002 = arith.addi %rem3A_993, %select_n3A_992 : i32
      %select_n3A_1003 = arith.select %and3A_1001, %add3A_1002, %rem3A_993 : i32
      %jit3A_1004 = arith.constant 4 : i32
      %div3A_1005 = arith.divsi %select_n3A_1003, %jit3A_1004 : i32
      %sign3A_1006 = arith.constant 0 : i32
      %sign3A_1007 = arith.cmpi sgt, %select_n3A_1003, %sign3A_1006 : i32
      %sign3A_1008 = arith.extui %sign3A_1007 : i1 to i32
      %sign3A_1009 = arith.constant 0 : i32
      %sign3A_1010 = arith.cmpi slt, %select_n3A_1003, %sign3A_1009 : i32
      %sign3A_1011 = arith.extui %sign3A_1010 : i1 to i32
      %sign3A_1012 = arith.subi %sign3A_1008, %sign3A_1011 : i32
      %sign3A_1013 = arith.constant 0 : i32
      %sign3A_1014 = arith.cmpi sgt, %jit3A_1004, %sign3A_1013 : i32
      %sign3A_1015 = arith.extui %sign3A_1014 : i1 to i32
      %sign3A_1016 = arith.constant 0 : i32
      %sign3A_1017 = arith.cmpi slt, %jit3A_1004, %sign3A_1016 : i32
      %sign3A_1018 = arith.extui %sign3A_1017 : i1 to i32
      %sign3A_1019 = arith.subi %sign3A_1015, %sign3A_1018 : i32
      %ne3A_1020 = arith.cmpi ne, %sign3A_1012, %sign3A_1019 : i32
      %rem3A_1021 = arith.remsi %select_n3A_1003, %jit3A_1004 : i32
      %ne3A_1022 = arith.constant 0 : i32
      %ne3A_1023 = arith.cmpi ne, %rem3A_1021, %ne3A_1022 : i32
      %and3A_1024 = arith.andi %ne3A_1020, %ne3A_1023 : i1
      %sub3A_1025 = arith.constant 1 : i32
      %sub3A_1026 = arith.subi %div3A_1005, %sub3A_1025 : i32
      %select_n3A_1027 = arith.select %and3A_1024, %sub3A_1026, %div3A_1005 : i32
      %jit3A_1028 = arith.constant 4 : i32
      %eq3A_1029 = arith.constant 0 : i32
      %eq3A_1030 = arith.cmpi eq, %jit3A_1028, %eq3A_1029 : i32
      %jit3A_1031 = arith.constant 1 : i32
      %select_n3A_1032 = arith.select %eq3A_1030, %jit3A_1031, %jit3A_1028 : i32
      %rem3A_1033 = arith.remsi %select_n3A_1003, %select_n3A_1032 : i32
      %ne3A_1034 = arith.constant 0 : i32
      %ne3A_1035 = arith.cmpi ne, %rem3A_1033, %ne3A_1034 : i32
      %lt3A_1036 = arith.constant 0 : i32
      %lt3A_1037 = arith.cmpi slt, %rem3A_1033, %lt3A_1036 : i32
      %lt3A_1038 = arith.constant 0 : i32
      %lt3A_1039 = arith.cmpi slt, %select_n3A_1032, %lt3A_1038 : i32
      %ne3A_1040 = arith.xori %lt3A_1037, %lt3A_1039 : i1
      %and3A_1041 = arith.andi %ne3A_1040, %ne3A_1035 : i1
      %add3A_1042 = arith.addi %rem3A_1033, %select_n3A_1032 : i32
      %select_n3A_1043 = arith.select %and3A_1041, %add3A_1042, %rem3A_1033 : i32
      %mul3A_1044 = arith.constant 16 : i32
      %mul3A_1045 = arith.muli %select_n3A_1043, %mul3A_1044 : i32
      %add3A_1046 = vector.broadcast %mul3A_1045 : i32 to vector<16xi32>
      %add3A_1047 = arith.addi %add3A_1046, %iota3A_413 : vector<16xi32>
      %sub3A_1048 = vector.broadcast %add3A_987 : i32 to vector<16xi32>
      %sub3A_1049 = arith.subi %sub3A_1048, %add3A_1047 : vector<16xi32>
      %ge3A_1050 = arith.constant 0 : i32
      %ge3A_1051 = vector.broadcast %ge3A_1050 : i32 to vector<16xi32>
      %ge3A_1052 = arith.cmpi sge, %sub3A_1049, %ge3A_1051 : vector<16xi32>
      %lt3A_1053 = arith.constant 200 : i32
      %lt3A_1054 = vector.broadcast %lt3A_1053 : i32 to vector<16xi32>
      %lt3A_1055 = arith.cmpi slt, %sub3A_1049, %lt3A_1054 : vector<16xi32>
      %and3A_1056 = arith.andi %ge3A_1052, %lt3A_1055 : vector<16xi1>
      %lt3A_1057 = arith.constant 50 : i32
      %lt3A_1058 = vector.broadcast %lt3A_1057 : i32 to vector<16xi32>
      %lt3A_1059 = arith.cmpi slt, %add3A_1047, %lt3A_1058 : vector<16xi32>
      %and3A_1060 = arith.andi %and3A_1056, %lt3A_1059 : vector<16xi1>
      %jit3A_1061 = arith.constant 0 : i32
      %jit3A_1062 = arith.constant 199 : i32
      %max3A_1063 = vector.broadcast %jit3A_1061 : i32 to vector<16xi32>
      %max3A_1064 = arith.maxsi %max3A_1063, %sub3A_1049 : vector<16xi32>
      %min3A_1065 = vector.broadcast %jit3A_1062 : i32 to vector<16xi32>
      %min3A_1066 = arith.minsi %min3A_1065, %max3A_1064 : vector<16xi32>
      %jit3A_1067 = arith.constant 0 : i32
      %jit3A_1068 = arith.constant 50 : i32
      %max3A_1069 = vector.broadcast %jit3A_1067 : i32 to vector<16xi32>
      %max3A_1070 = arith.maxsi %max3A_1069, %add3A_1047 : vector<16xi32>
      %min3A_1071 = vector.broadcast %jit3A_1068 : i32 to vector<16xi32>
      %min3A_1072 = arith.minsi %min3A_1071, %max3A_1070 : vector<16xi32>
      %lt3A_1073 = arith.constant 50 : i32
      %lt3A_1074 = vector.broadcast %lt3A_1073 : i32 to vector<16xi32>
      %lt3A_1075 = arith.cmpi slt, %add3A_1047, %lt3A_1074 : vector<16xi32>
      %jit3A_1076 = arith.constant 4 : i32
      %eq3A_1077 = arith.constant 0 : i32
      %eq3A_1078 = arith.cmpi eq, %jit3A_1076, %eq3A_1077 : i32
      %jit3A_1079 = arith.constant 1 : i32
      %select_n3A_1080 = arith.select %eq3A_1078, %jit3A_1079, %jit3A_1076 : i32
      %rem3A_1081 = arith.remsi %scan3A_960, %select_n3A_1080 : i32
      %ne3A_1082 = arith.constant 0 : i32
      %ne3A_1083 = arith.cmpi ne, %rem3A_1081, %ne3A_1082 : i32
      %lt3A_1084 = arith.constant 0 : i32
      %lt3A_1085 = arith.cmpi slt, %rem3A_1081, %lt3A_1084 : i32
      %lt3A_1086 = arith.constant 0 : i32
      %lt3A_1087 = arith.cmpi slt, %select_n3A_1080, %lt3A_1086 : i32
      %ne3A_1088 = arith.xori %lt3A_1085, %lt3A_1087 : i1
      %and3A_1089 = arith.andi %ne3A_1088, %ne3A_1083 : i1
      %add3A_1090 = arith.addi %rem3A_1081, %select_n3A_1080 : i32
      %select_n3A_1091 = arith.select %and3A_1089, %add3A_1090, %rem3A_1081 : i32
      %mul3A_1092 = arith.constant 16 : i32
      %mul3A_1093 = arith.muli %select_n3A_1091, %mul3A_1092 : i32
      %get3A_1094 = arith.index_cast %select_n3A_1027 : i32 to index
      %get3A_1095 = arith.index_cast %mul3A_1093 : i32 to index
      %get3A_1096 = tpu.vector_load %arg8[%get3A_1094, %get3A_1095] {strides = array<i32>} : memref<8x64xi32, #tpu.memory_space<vmem>>, vector<1x16xi32>,
      %get3A_1097 = vector.shape_cast %get3A_1096 : vector<1x16xi32> to vector<16xi32>
      %jit3A_1098 = arith.constant 0 : i32
      %broadcast_in_dim3A_1099 = vector.broadcast %jit3A_1098 : i32 to vector<16xi32>
      %select_n3A_1100 = arith.select %lt3A_1075, %get3A_1097, %broadcast_in_dim3A_1099 : vector<16xi1>, vector<16xi32>
      %mul3A_1101 = arith.constant 200 : i32
      %mul3A_1102 = arith.muli %select_n3A_1027, %mul3A_1101 : i32
      %add3A_1103 = vector.broadcast %mul3A_1102 : i32 to vector<16xi32>
      %add3A_1104 = arith.addi %add3A_1103, %min3A_1066 : vector<16xi32>
      %mul3A_1105 = arith.constant 51 : i32
      %mul3A_1106 = vector.broadcast %mul3A_1105 : i32 to vector<16xi32>
      %mul3A_1107 = arith.muli %add3A_1104, %mul3A_1106 : vector<16xi32>
      %add3A_1108 = arith.addi %mul3A_1107, %min3A_1072 : vector<16xi32>
      %mul3A_1109 = arith.constant 512 : i32
      %mul3A_1110 = vector.broadcast %mul3A_1109 : i32 to vector<16xi32>
      %mul3A_1111 = arith.muli %add3A_1108, %mul3A_1110 : vector<16xi32>
      %add3A_1112 = arith.addi %mul3A_1111, %select_n3A_1100 : vector<16xi32>
      %mul3A_1113 = arith.constant 16 : i32
      %mul3A_1114 = arith.muli %scan3A_960, %mul3A_1113 : i32
      %swap3A_1115 = arith.index_cast %mul3A_1114 : i32 to index
      %swap3A_1116 = tpu.vector_load %arg6[%swap3A_1115] {strides = array<i32>} : memref<4096xi32, #tpu.memory_space<vmem>>, vector<16xi32>,
      %swap3A_1117 = vector.shape_cast %swap3A_1116 : vector<16xi32> to vector<16xi32>
      %swap3A_1118 = vector.shape_cast %add3A_1112 : vector<16xi32> to vector<16xi32>
      tpu.vector_store %arg6[%swap3A_1115], %swap3A_1118 {strides = array<i32>} : memref<4096xi32, #tpu.memory_space<vmem>>, vector<16xi32>,
      %scan3A_1119 = arith.constant 0 : i32
      %scan3A_1120 = arith.constant 2 : i32
      %scan3A_1121 = arith.addi %scan3A_814, %scan3A_1120 : i32
      %mul3A_1122 = arith.constant 8 : i32
      %mul3A_1123 = arith.muli %add3A, %mul3A_1122 : i32
      %jit3A_1124 = arith.constant 32 : i32
      %div3A_1125 = arith.divsi %scan3A_1121, %jit3A_1124 : i32
      %sign3A_1126 = arith.constant 0 : i32
      %sign3A_1127 = arith.cmpi sgt, %scan3A_1121, %sign3A_1126 : i32
      %sign3A_1128 = arith.extui %sign3A_1127 : i1 to i32
      %sign3A_1129 = arith.constant 0 : i32
      %sign3A_1130 = arith.cmpi slt, %scan3A_1121, %sign3A_1129 : i32
      %sign3A_1131 = arith.extui %sign3A_1130 : i1 to i32
      %sign3A_1132 = arith.subi %sign3A_1128, %sign3A_1131 : i32
      %sign3A_1133 = arith.constant 0 : i32
      %sign3A_1134 = arith.cmpi sgt, %jit3A_1124, %sign3A_1133 : i32
      %sign3A_1135 = arith.extui %sign3A_1134 : i1 to i32
      %sign3A_1136 = arith.constant 0 : i32
      %sign3A_1137 = arith.cmpi slt, %jit3A_1124, %sign3A_1136 : i32
      %sign3A_1138 = arith.extui %sign3A_1137 : i1 to i32
      %sign3A_1139 = arith.subi %sign3A_1135, %sign3A_1138 : i32
      %ne3A_1140 = arith.cmpi ne, %sign3A_1132, %sign3A_1139 : i32
      %rem3A_1141 = arith.remsi %scan3A_1121, %jit3A_1124 : i32
      %ne3A_1142 = arith.constant 0 : i32
      %ne3A_1143 = arith.cmpi ne, %rem3A_1141, %ne3A_1142 : i32
      %and3A_1144 = arith.andi %ne3A_1140, %ne3A_1143 : i1
      %sub3A_1145 = arith.constant 1 : i32
      %sub3A_1146 = arith.subi %div3A_1125, %sub3A_1145 : i32
      %select_n3A_1147 = arith.select %and3A_1144, %sub3A_1146, %div3A_1125 : i32
      %add3A_1148 = arith.addi %mul3A_1123, %select_n3A_1147 : i32
      %jit3A_1149 = arith.constant 32 : i32
      %eq3A_1150 = arith.constant 0 : i32
      %eq3A_1151 = arith.cmpi eq, %jit3A_1149, %eq3A_1150 : i32
      %jit3A_1152 = arith.constant 1 : i32
      %select_n3A_1153 = arith.select %eq3A_1151, %jit3A_1152, %jit3A_1149 : i32
      %rem3A_1154 = arith.remsi %scan3A_1121, %select_n3A_1153 : i32
      %ne3A_1155 = arith.constant 0 : i32
      %ne3A_1156 = arith.cmpi ne, %rem3A_1154, %ne3A_1155 : i32
      %lt3A_1157 = arith.constant 0 : i32
      %lt3A_1158 = arith.cmpi slt, %rem3A_1154, %lt3A_1157 : i32
      %lt3A_1159 = arith.constant 0 : i32
      %lt3A_1160 = arith.cmpi slt, %select_n3A_1153, %lt3A_1159 : i32
      %ne3A_1161 = arith.xori %lt3A_1158, %lt3A_1160 : i1
      %and3A_1162 = arith.andi %ne3A_1161, %ne3A_1156 : i1
      %add3A_1163 = arith.addi %rem3A_1154, %select_n3A_1153 : i32
      %select_n3A_1164 = arith.select %and3A_1162, %add3A_1163, %rem3A_1154 : i32
      %jit3A_1165 = arith.constant 4 : i32
      %div3A_1166 = arith.divsi %select_n3A_1164, %jit3A_1165 : i32
      %sign3A_1167 = arith.constant 0 : i32
      %sign3A_1168 = arith.cmpi sgt, %select_n3A_1164, %sign3A_1167 : i32
      %sign3A_1169 = arith.extui %sign3A_1168 : i1 to i32
      %sign3A_1170 = arith.constant 0 : i32
      %sign3A_1171 = arith.cmpi slt, %select_n3A_1164, %sign3A_1170 : i32
      %sign3A_1172 = arith.extui %sign3A_1171 : i1 to i32
      %sign3A_1173 = arith.subi %sign3A_1169, %sign3A_1172 : i32
      %sign3A_1174 = arith.constant 0 : i32
      %sign3A_1175 = arith.cmpi sgt, %jit3A_1165, %sign3A_1174 : i32
      %sign3A_1176 = arith.extui %sign3A_1175 : i1 to i32
      %sign3A_1177 = arith.constant 0 : i32
      %sign3A_1178 = arith.cmpi slt, %jit3A_1165, %sign3A_1177 : i32
      %sign3A_1179 = arith.extui %sign3A_1178 : i1 to i32
      %sign3A_1180 = arith.subi %sign3A_1176, %sign3A_1179 : i32
      %ne3A_1181 = arith.cmpi ne, %sign3A_1173, %sign3A_1180 : i32
      %rem3A_1182 = arith.remsi %select_n3A_1164, %jit3A_1165 : i32
      %ne3A_1183 = arith.constant 0 : i32
      %ne3A_1184 = arith.cmpi ne, %rem3A_1182, %ne3A_1183 : i32
      %and3A_1185 = arith.andi %ne3A_1181, %ne3A_1184 : i1
      %sub3A_1186 = arith.constant 1 : i32
      %sub3A_1187 = arith.subi %div3A_1166, %sub3A_1186 : i32
      %select_n3A_1188 = arith.select %and3A_1185, %sub3A_1187, %div3A_1166 : i32
      %jit3A_1189 = arith.constant 4 : i32
      %eq3A_1190 = arith.constant 0 : i32
      %eq3A_1191 = arith.cmpi eq, %jit3A_1189, %eq3A_1190 : i32
      %jit3A_1192 = arith.constant 1 : i32
      %select_n3A_1193 = arith.select %eq3A_1191, %jit3A_1192, %jit3A_1189 : i32
      %rem3A_1194 = arith.remsi %select_n3A_1164, %select_n3A_1193 : i32
      %ne3A_1195 = arith.constant 0 : i32
      %ne3A_1196 = arith.cmpi ne, %rem3A_1194, %ne3A_1195 : i32
      %lt3A_1197 = arith.constant 0 : i32
      %lt3A_1198 = arith.cmpi slt, %rem3A_1194, %lt3A_1197 : i32
      %lt3A_1199 = arith.constant 0 : i32
      %lt3A_1200 = arith.cmpi slt, %select_n3A_1193, %lt3A_1199 : i32
      %ne3A_1201 = arith.xori %lt3A_1198, %lt3A_1200 : i1
      %and3A_1202 = arith.andi %ne3A_1201, %ne3A_1196 : i1
      %add3A_1203 = arith.addi %rem3A_1194, %select_n3A_1193 : i32
      %select_n3A_1204 = arith.select %and3A_1202, %add3A_1203, %rem3A_1194 : i32
      %mul3A_1205 = arith.constant 16 : i32
      %mul3A_1206 = arith.muli %select_n3A_1204, %mul3A_1205 : i32
      %add3A_1207 = vector.broadcast %mul3A_1206 : i32 to vector<16xi32>
      %add3A_1208 = arith.addi %add3A_1207, %iota3A_413 : vector<16xi32>
      %sub3A_1209 = vector.broadcast %add3A_1148 : i32 to vector<16xi32>
      %sub3A_1210 = arith.subi %sub3A_1209, %add3A_1208 : vector<16xi32>
      %ge3A_1211 = arith.constant 0 : i32
      %ge3A_1212 = vector.broadcast %ge3A_1211 : i32 to vector<16xi32>
      %ge3A_1213 = arith.cmpi sge, %sub3A_1210, %ge3A_1212 : vector<16xi32>
      %lt3A_1214 = arith.constant 200 : i32
      %lt3A_1215 = vector.broadcast %lt3A_1214 : i32 to vector<16xi32>
      %lt3A_1216 = arith.cmpi slt, %sub3A_1210, %lt3A_1215 : vector<16xi32>
      %and3A_1217 = arith.andi %ge3A_1213, %lt3A_1216 : vector<16xi1>
      %lt3A_1218 = arith.constant 50 : i32
      %lt3A_1219 = vector.broadcast %lt3A_1218 : i32 to vector<16xi32>
      %lt3A_1220 = arith.cmpi slt, %add3A_1208, %lt3A_1219 : vector<16xi32>
      %and3A_1221 = arith.andi %and3A_1217, %lt3A_1220 : vector<16xi1>
      %jit3A_1222 = arith.constant 0 : i32
      %jit3A_1223 = arith.constant 199 : i32
      %max3A_1224 = vector.broadcast %jit3A_1222 : i32 to vector<16xi32>
      %max3A_1225 = arith.maxsi %max3A_1224, %sub3A_1210 : vector<16xi32>
      %min3A_1226 = vector.broadcast %jit3A_1223 : i32 to vector<16xi32>
      %min3A_1227 = arith.minsi %min3A_1226, %max3A_1225 : vector<16xi32>
      %jit3A_1228 = arith.constant 0 : i32
      %jit3A_1229 = arith.constant 50 : i32
      %max3A_1230 = vector.broadcast %jit3A_1228 : i32 to vector<16xi32>
      %max3A_1231 = arith.maxsi %max3A_1230, %add3A_1208 : vector<16xi32>
      %min3A_1232 = vector.broadcast %jit3A_1229 : i32 to vector<16xi32>
      %min3A_1233 = arith.minsi %min3A_1232, %max3A_1231 : vector<16xi32>
      %lt3A_1234 = arith.constant 50 : i32
      %lt3A_1235 = vector.broadcast %lt3A_1234 : i32 to vector<16xi32>
      %lt3A_1236 = arith.cmpi slt, %add3A_1208, %lt3A_1235 : vector<16xi32>
      %jit3A_1237 = arith.constant 4 : i32
      %eq3A_1238 = arith.constant 0 : i32
      %eq3A_1239 = arith.cmpi eq, %jit3A_1237, %eq3A_1238 : i32
      %jit3A_1240 = arith.constant 1 : i32
      %select_n3A_1241 = arith.select %eq3A_1239, %jit3A_1240, %jit3A_1237 : i32
      %rem3A_1242 = arith.remsi %scan3A_1121, %select_n3A_1241 : i32
      %ne3A_1243 = arith.constant 0 : i32
      %ne3A_1244 = arith.cmpi ne, %rem3A_1242, %ne3A_1243 : i32
      %lt3A_1245 = arith.constant 0 : i32
      %lt3A_1246 = arith.cmpi slt, %rem3A_1242, %lt3A_1245 : i32
      %lt3A_1247 = arith.constant 0 : i32
      %lt3A_1248 = arith.cmpi slt, %select_n3A_1241, %lt3A_1247 : i32
      %ne3A_1249 = arith.xori %lt3A_1246, %lt3A_1248 : i1
      %and3A_1250 = arith.andi %ne3A_1249, %ne3A_1244 : i1
      %add3A_1251 = arith.addi %rem3A_1242, %select_n3A_1241 : i32
      %select_n3A_1252 = arith.select %and3A_1250, %add3A_1251, %rem3A_1242 : i32
      %mul3A_1253 = arith.constant 16 : i32
      %mul3A_1254 = arith.muli %select_n3A_1252, %mul3A_1253 : i32
      %get3A_1255 = arith.index_cast %select_n3A_1188 : i32 to index
      %get3A_1256 = arith.index_cast %mul3A_1254 : i32 to index
      %get3A_1257 = tpu.vector_load %arg8[%get3A_1255, %get3A_1256] {strides = array<i32>} : memref<8x64xi32, #tpu.memory_space<vmem>>, vector<1x16xi32>,
      %get3A_1258 = vector.shape_cast %get3A_1257 : vector<1x16xi32> to vector<16xi32>
      %jit3A_1259 = arith.constant 0 : i32
      %broadcast_in_dim3A_1260 = vector.broadcast %jit3A_1259 : i32 to vector<16xi32>
      %select_n3A_1261 = arith.select %lt3A_1236, %get3A_1258, %broadcast_in_dim3A_1260 : vector<16xi1>, vector<16xi32>
      %mul3A_1262 = arith.constant 200 : i32
      %mul3A_1263 = arith.muli %select_n3A_1188, %mul3A_1262 : i32
      %add3A_1264 = vector.broadcast %mul3A_1263 : i32 to vector<16xi32>
      %add3A_1265 = arith.addi %add3A_1264, %min3A_1227 : vector<16xi32>
      %mul3A_1266 = arith.constant 51 : i32
      %mul3A_1267 = vector.broadcast %mul3A_1266 : i32 to vector<16xi32>
      %mul3A_1268 = arith.muli %add3A_1265, %mul3A_1267 : vector<16xi32>
      %add3A_1269 = arith.addi %mul3A_1268, %min3A_1233 : vector<16xi32>
      %mul3A_1270 = arith.constant 512 : i32
      %mul3A_1271 = vector.broadcast %mul3A_1270 : i32 to vector<16xi32>
      %mul3A_1272 = arith.muli %add3A_1269, %mul3A_1271 : vector<16xi32>
      %add3A_1273 = arith.addi %mul3A_1272, %select_n3A_1261 : vector<16xi32>
      %mul3A_1274 = arith.constant 16 : i32
      %mul3A_1275 = arith.muli %scan3A_1121, %mul3A_1274 : i32
      %swap3A_1276 = arith.index_cast %mul3A_1275 : i32 to index
      %swap3A_1277 = tpu.vector_load %arg6[%swap3A_1276] {strides = array<i32>} : memref<4096xi32, #tpu.memory_space<vmem>>, vector<16xi32>,
      %swap3A_1278 = vector.shape_cast %swap3A_1277 : vector<16xi32> to vector<16xi32>
      %swap3A_1279 = vector.shape_cast %add3A_1273 : vector<16xi32> to vector<16xi32>
      tpu.vector_store %arg6[%swap3A_1276], %swap3A_1279 {strides = array<i32>} : memref<4096xi32, #tpu.memory_space<vmem>>, vector<16xi32>,
      %scan3A_1280 = arith.constant 0 : i32
      %scan3A_1281 = arith.constant 3 : i32
      %scan3A_1282 = arith.addi %scan3A_814, %scan3A_1281 : i32
      %mul3A_1283 = arith.constant 8 : i32
      %mul3A_1284 = arith.muli %add3A, %mul3A_1283 : i32
      %jit3A_1285 = arith.constant 32 : i32
      %div3A_1286 = arith.divsi %scan3A_1282, %jit3A_1285 : i32
      %sign3A_1287 = arith.constant 0 : i32
      %sign3A_1288 = arith.cmpi sgt, %scan3A_1282, %sign3A_1287 : i32
      %sign3A_1289 = arith.extui %sign3A_1288 : i1 to i32
      %sign3A_1290 = arith.constant 0 : i32
      %sign3A_1291 = arith.cmpi slt, %scan3A_1282, %sign3A_1290 : i32
      %sign3A_1292 = arith.extui %sign3A_1291 : i1 to i32
      %sign3A_1293 = arith.subi %sign3A_1289, %sign3A_1292 : i32
      %sign3A_1294 = arith.constant 0 : i32
      %sign3A_1295 = arith.cmpi sgt, %jit3A_1285, %sign3A_1294 : i32
      %sign3A_1296 = arith.extui %sign3A_1295 : i1 to i32
      %sign3A_1297 = arith.constant 0 : i32
      %sign3A_1298 = arith.cmpi slt, %jit3A_1285, %sign3A_1297 : i32
      %sign3A_1299 = arith.extui %sign3A_1298 : i1 to i32
      %sign3A_1300 = arith.subi %sign3A_1296, %sign3A_1299 : i32
      %ne3A_1301 = arith.cmpi ne, %sign3A_1293, %sign3A_1300 : i32
      %rem3A_1302 = arith.remsi %scan3A_1282, %jit3A_1285 : i32
      %ne3A_1303 = arith.constant 0 : i32
      %ne3A_1304 = arith.cmpi ne, %rem3A_1302, %ne3A_1303 : i32
      %and3A_1305 = arith.andi %ne3A_1301, %ne3A_1304 : i1
      %sub3A_1306 = arith.constant 1 : i32
      %sub3A_1307 = arith.subi %div3A_1286, %sub3A_1306 : i32
      %select_n3A_1308 = arith.select %and3A_1305, %sub3A_1307, %div3A_1286 : i32
      %add3A_1309 = arith.addi %mul3A_1284, %select_n3A_1308 : i32
      %jit3A_1310 = arith.constant 32 : i32
      %eq3A_1311 = arith.constant 0 : i32
      %eq3A_1312 = arith.cmpi eq, %jit3A_1310, %eq3A_1311 : i32
      %jit3A_1313 = arith.constant 1 : i32
      %select_n3A_1314 = arith.select %eq3A_1312, %jit3A_1313, %jit3A_1310 : i32
      %rem3A_1315 = arith.remsi %scan3A_1282, %select_n3A_1314 : i32
      %ne3A_1316 = arith.constant 0 : i32
      %ne3A_1317 = arith.cmpi ne, %rem3A_1315, %ne3A_1316 : i32
      %lt3A_1318 = arith.constant 0 : i32
      %lt3A_1319 = arith.cmpi slt, %rem3A_1315, %lt3A_1318 : i32
      %lt3A_1320 = arith.constant 0 : i32
      %lt3A_1321 = arith.cmpi slt, %select_n3A_1314, %lt3A_1320 : i32
      %ne3A_1322 = arith.xori %lt3A_1319, %lt3A_1321 : i1
      %and3A_1323 = arith.andi %ne3A_1322, %ne3A_1317 : i1
      %add3A_1324 = arith.addi %rem3A_1315, %select_n3A_1314 : i32
      %select_n3A_1325 = arith.select %and3A_1323, %add3A_1324, %rem3A_1315 : i32
      %jit3A_1326 = arith.constant 4 : i32
      %div3A_1327 = arith.divsi %select_n3A_1325, %jit3A_1326 : i32
      %sign3A_1328 = arith.constant 0 : i32
      %sign3A_1329 = arith.cmpi sgt, %select_n3A_1325, %sign3A_1328 : i32
      %sign3A_1330 = arith.extui %sign3A_1329 : i1 to i32
      %sign3A_1331 = arith.constant 0 : i32
      %sign3A_1332 = arith.cmpi slt, %select_n3A_1325, %sign3A_1331 : i32
      %sign3A_1333 = arith.extui %sign3A_1332 : i1 to i32
      %sign3A_1334 = arith.subi %sign3A_1330, %sign3A_1333 : i32
      %sign3A_1335 = arith.constant 0 : i32
      %sign3A_1336 = arith.cmpi sgt, %jit3A_1326, %sign3A_1335 : i32
      %sign3A_1337 = arith.extui %sign3A_1336 : i1 to i32
      %sign3A_1338 = arith.constant 0 : i32
      %sign3A_1339 = arith.cmpi slt, %jit3A_1326, %sign3A_1338 : i32
      %sign3A_1340 = arith.extui %sign3A_1339 : i1 to i32
      %sign3A_1341 = arith.subi %sign3A_1337, %sign3A_1340 : i32
      %ne3A_1342 = arith.cmpi ne, %sign3A_1334, %sign3A_1341 : i32
      %rem3A_1343 = arith.remsi %select_n3A_1325, %jit3A_1326 : i32
      %ne3A_1344 = arith.constant 0 : i32
      %ne3A_1345 = arith.cmpi ne, %rem3A_1343, %ne3A_1344 : i32
      %and3A_1346 = arith.andi %ne3A_1342, %ne3A_1345 : i1
      %sub3A_1347 = arith.constant 1 : i32
      %sub3A_1348 = arith.subi %div3A_1327, %sub3A_1347 : i32
      %select_n3A_1349 = arith.select %and3A_1346, %sub3A_1348, %div3A_1327 : i32
      %jit3A_1350 = arith.constant 4 : i32
      %eq3A_1351 = arith.constant 0 : i32
      %eq3A_1352 = arith.cmpi eq, %jit3A_1350, %eq3A_1351 : i32
      %jit3A_1353 = arith.constant 1 : i32
      %select_n3A_1354 = arith.select %eq3A_1352, %jit3A_1353, %jit3A_1350 : i32
      %rem3A_1355 = arith.remsi %select_n3A_1325, %select_n3A_1354 : i32
      %ne3A_1356 = arith.constant 0 : i32
      %ne3A_1357 = arith.cmpi ne, %rem3A_1355, %ne3A_1356 : i32
      %lt3A_1358 = arith.constant 0 : i32
      %lt3A_1359 = arith.cmpi slt, %rem3A_1355, %lt3A_1358 : i32
      %lt3A_1360 = arith.constant 0 : i32
      %lt3A_1361 = arith.cmpi slt, %select_n3A_1354, %lt3A_1360 : i32
      %ne3A_1362 = arith.xori %lt3A_1359, %lt3A_1361 : i1
      %and3A_1363 = arith.andi %ne3A_1362, %ne3A_1357 : i1
      %add3A_1364 = arith.addi %rem3A_1355, %select_n3A_1354 : i32
      %select_n3A_1365 = arith.select %and3A_1363, %add3A_1364, %rem3A_1355 : i32
      %mul3A_1366 = arith.constant 16 : i32
      %mul3A_1367 = arith.muli %select_n3A_1365, %mul3A_1366 : i32
      %add3A_1368 = vector.broadcast %mul3A_1367 : i32 to vector<16xi32>
      %add3A_1369 = arith.addi %add3A_1368, %iota3A_413 : vector<16xi32>
      %sub3A_1370 = vector.broadcast %add3A_1309 : i32 to vector<16xi32>
      %sub3A_1371 = arith.subi %sub3A_1370, %add3A_1369 : vector<16xi32>
      %ge3A_1372 = arith.constant 0 : i32
      %ge3A_1373 = vector.broadcast %ge3A_1372 : i32 to vector<16xi32>
      %ge3A_1374 = arith.cmpi sge, %sub3A_1371, %ge3A_1373 : vector<16xi32>
      %lt3A_1375 = arith.constant 200 : i32
      %lt3A_1376 = vector.broadcast %lt3A_1375 : i32 to vector<16xi32>
      %lt3A_1377 = arith.cmpi slt, %sub3A_1371, %lt3A_1376 : vector<16xi32>
      %and3A_1378 = arith.andi %ge3A_1374, %lt3A_1377 : vector<16xi1>
      %lt3A_1379 = arith.constant 50 : i32
      %lt3A_1380 = vector.broadcast %lt3A_1379 : i32 to vector<16xi32>
      %lt3A_1381 = arith.cmpi slt, %add3A_1369, %lt3A_1380 : vector<16xi32>
      %and3A_1382 = arith.andi %and3A_1378, %lt3A_1381 : vector<16xi1>
      %jit3A_1383 = arith.constant 0 : i32
      %jit3A_1384 = arith.constant 199 : i32
      %max3A_1385 = vector.broadcast %jit3A_1383 : i32 to vector<16xi32>
      %max3A_1386 = arith.maxsi %max3A_1385, %sub3A_1371 : vector<16xi32>
      %min3A_1387 = vector.broadcast %jit3A_1384 : i32 to vector<16xi32>
      %min3A_1388 = arith.minsi %min3A_1387, %max3A_1386 : vector<16xi32>
      %jit3A_1389 = arith.constant 0 : i32
      %jit3A_1390 = arith.constant 50 : i32
      %max3A_1391 = vector.broadcast %jit3A_1389 : i32 to vector<16xi32>
      %max3A_1392 = arith.maxsi %max3A_1391, %add3A_1369 : vector<16xi32>
      %min3A_1393 = vector.broadcast %jit3A_1390 : i32 to vector<16xi32>
      %min3A_1394 = arith.minsi %min3A_1393, %max3A_1392 : vector<16xi32>
      %lt3A_1395 = arith.constant 50 : i32
      %lt3A_1396 = vector.broadcast %lt3A_1395 : i32 to vector<16xi32>
      %lt3A_1397 = arith.cmpi slt, %add3A_1369, %lt3A_1396 : vector<16xi32>
      %jit3A_1398 = arith.constant 4 : i32
      %eq3A_1399 = arith.constant 0 : i32
      %eq3A_1400 = arith.cmpi eq, %jit3A_1398, %eq3A_1399 : i32
      %jit3A_1401 = arith.constant 1 : i32
      %select_n3A_1402 = arith.select %eq3A_1400, %jit3A_1401, %jit3A_1398 : i32
      %rem3A_1403 = arith.remsi %scan3A_1282, %select_n3A_1402 : i32
      %ne3A_1404 = arith.constant 0 : i32
      %ne3A_1405 = arith.cmpi ne, %rem3A_1403, %ne3A_1404 : i32
      %lt3A_1406 = arith.constant 0 : i32
      %lt3A_1407 = arith.cmpi slt, %rem3A_1403, %lt3A_1406 : i32
      %lt3A_1408 = arith.constant 0 : i32
      %lt3A_1409 = arith.cmpi slt, %select_n3A_1402, %lt3A_1408 : i32
      %ne3A_1410 = arith.xori %lt3A_1407, %lt3A_1409 : i1
      %and3A_1411 = arith.andi %ne3A_1410, %ne3A_1405 : i1
      %add3A_1412 = arith.addi %rem3A_1403, %select_n3A_1402 : i32
      %select_n3A_1413 = arith.select %and3A_1411, %add3A_1412, %rem3A_1403 : i32
      %mul3A_1414 = arith.constant 16 : i32
      %mul3A_1415 = arith.muli %select_n3A_1413, %mul3A_1414 : i32
      %get3A_1416 = arith.index_cast %select_n3A_1349 : i32 to index
      %get3A_1417 = arith.index_cast %mul3A_1415 : i32 to index
      %get3A_1418 = tpu.vector_load %arg8[%get3A_1416, %get3A_1417] {strides = array<i32>} : memref<8x64xi32, #tpu.memory_space<vmem>>, vector<1x16xi32>,
      %get3A_1419 = vector.shape_cast %get3A_1418 : vector<1x16xi32> to vector<16xi32>
      %jit3A_1420 = arith.constant 0 : i32
      %broadcast_in_dim3A_1421 = vector.broadcast %jit3A_1420 : i32 to vector<16xi32>
      %select_n3A_1422 = arith.select %lt3A_1397, %get3A_1419, %broadcast_in_dim3A_1421 : vector<16xi1>, vector<16xi32>
      %mul3A_1423 = arith.constant 200 : i32
      %mul3A_1424 = arith.muli %select_n3A_1349, %mul3A_1423 : i32
      %add3A_1425 = vector.broadcast %mul3A_1424 : i32 to vector<16xi32>
      %add3A_1426 = arith.addi %add3A_1425, %min3A_1388 : vector<16xi32>
      %mul3A_1427 = arith.constant 51 : i32
      %mul3A_1428 = vector.broadcast %mul3A_1427 : i32 to vector<16xi32>
      %mul3A_1429 = arith.muli %add3A_1426, %mul3A_1428 : vector<16xi32>
      %add3A_1430 = arith.addi %mul3A_1429, %min3A_1394 : vector<16xi32>
      %mul3A_1431 = arith.constant 512 : i32
      %mul3A_1432 = vector.broadcast %mul3A_1431 : i32 to vector<16xi32>
      %mul3A_1433 = arith.muli %add3A_1430, %mul3A_1432 : vector<16xi32>
      %add3A_1434 = arith.addi %mul3A_1433, %select_n3A_1422 : vector<16xi32>
      %mul3A_1435 = arith.constant 16 : i32
      %mul3A_1436 = arith.muli %scan3A_1282, %mul3A_1435 : i32
      %swap3A_1437 = arith.index_cast %mul3A_1436 : i32 to index
      %swap3A_1438 = tpu.vector_load %arg6[%swap3A_1437] {strides = array<i32>} : memref<4096xi32, #tpu.memory_space<vmem>>, vector<16xi32>,
      %swap3A_1439 = vector.shape_cast %swap3A_1438 : vector<16xi32> to vector<16xi32>
      %swap3A_1440 = vector.shape_cast %add3A_1434 : vector<16xi32> to vector<16xi32>
      tpu.vector_store %arg6[%swap3A_1437], %swap3A_1440 {strides = array<i32>} : memref<4096xi32, #tpu.memory_space<vmem>>, vector<16xi32>,
      %scan3A_1441 = arith.constant 0 : i32
      scf.yield %scan3A_1441 : i32
    }
    %scan3A_420 = arith.constant 256 : i32
    %dma_start3A_421 = arith.constant 0 : i32
    %dma_start3A_422 = tpu.memref_slice %arg7[%dma_start3A_421] : memref<4096xf32, #tpu.memory_space<vmem>> -> memref<128xf32, #tpu.memory_space<vmem>>
    %dma_start3A_423 = arith.constant 0 : i32
    %dma_start3A_424 = tpu.memref_slice %arg6[%dma_start3A_423] : memref<4096xi32, #tpu.memory_space<vmem>> -> memref<128xi32, #tpu.memory_space<vmem>>
    %dma_start3A_425 = arith.constant 0 : i32
    %dma_start3A_426 = tpu.memref_slice %arg2[%dma_start3A_425] : memref<41779200xf32, #tpu.memory_space<hbm>> -> memref<41779200xf32, #tpu.memory_space<hbm>>
    tpu.enqueue_indirect_dma source(%dma_start3A_426 : memref<41779200xf32, #tpu.memory_space<hbm>>) target(%dma_start3A_422 : memref<128xf32, #tpu.memory_space<vmem>>) offsets(%dma_start3A_424 : memref<128xi32, #tpu.memory_space<vmem>>) semaphore(%arg9 : memref<!tpu.dma_semaphore, #tpu.memory_space<semaphore_mem>>)
    %dma_start3A_427 = arith.constant 128 : i32
    %dma_start3A_428 = tpu.memref_slice %arg7[%dma_start3A_427] : memref<4096xf32, #tpu.memory_space<vmem>> -> memref<128xf32, #tpu.memory_space<vmem>>
    %dma_start3A_429 = arith.constant 128 : i32
    %dma_start3A_430 = tpu.memref_slice %arg6[%dma_start3A_429] : memref<4096xi32, #tpu.memory_space<vmem>> -> memref<128xi32, #tpu.memory_space<vmem>>
    %dma_start3A_431 = arith.constant 0 : i32
    %dma_start3A_432 = tpu.memref_slice %arg2[%dma_start3A_431] : memref<41779200xf32, #tpu.memory_space<hbm>> -> memref<41779200xf32, #tpu.memory_space<hbm>>
    tpu.enqueue_indirect_dma source(%dma_start3A_432 : memref<41779200xf32, #tpu.memory_space<hbm>>) target(%dma_start3A_428 : memref<128xf32, #tpu.memory_space<vmem>>) offsets(%dma_start3A_430 : memref<128xi32, #tpu.memory_space<vmem>>) semaphore(%arg9 : memref<!tpu.dma_semaphore, #tpu.memory_space<semaphore_mem>>)
    %dma_start3A_433 = arith.constant 256 : i32
    %dma_start3A_434 = tpu.memref_slice %arg7[%dma_start3A_433] : memref<4096xf32, #tpu.memory_space<vmem>> -> memref<128xf32, #tpu.memory_space<vmem>>
    %dma_start3A_435 = arith.constant 256 : i32
    %dma_start3A_436 = tpu.memref_slice %arg6[%dma_start3A_435] : memref<4096xi32, #tpu.memory_space<vmem>> -> memref<128xi32, #tpu.memory_space<vmem>>
    %dma_start3A_437 = arith.constant 0 : i32
    %dma_start3A_438 = tpu.memref_slice %arg2[%dma_start3A_437] : memref<41779200xf32, #tpu.memory_space<hbm>> -> memref<41779200xf32, #tpu.memory_space<hbm>>
    tpu.enqueue_indirect_dma source(%dma_start3A_438 : memref<41779200xf32, #tpu.memory_space<hbm>>) target(%dma_start3A_434 : memref<128xf32, #tpu.memory_space<vmem>>) offsets(%dma_start3A_436 : memref<128xi32, #tpu.memory_space<vmem>>) semaphore(%arg9 : memref<!tpu.dma_semaphore, #tpu.memory_space<semaphore_mem>>)
    %dma_start3A_439 = arith.constant 384 : i32
    %dma_start3A_440 = tpu.memref_slice %arg7[%dma_start3A_439] : memref<4096xf32, #tpu.memory_space<vmem>> -> memref<128xf32, #tpu.memory_space<vmem>>
    %dma_start3A_441 = arith.constant 384 : i32
    %dma_start3A_442 = tpu.memref_slice %arg6[%dma_start3A_441] : memref<4096xi32, #tpu.memory_space<vmem>> -> memref<128xi32, #tpu.memory_space<vmem>>
    %dma_start3A_443 = arith.constant 0 : i32
    %dma_start3A_444 = tpu.memref_slice %arg2[%dma_start3A_443] : memref<41779200xf32, #tpu.memory_space<hbm>> -> memref<41779200xf32, #tpu.memory_space<hbm>>
    tpu.enqueue_indirect_dma source(%dma_start3A_444 : memref<41779200xf32, #tpu.memory_space<hbm>>) target(%dma_start3A_440 : memref<128xf32, #tpu.memory_space<vmem>>) offsets(%dma_start3A_442 : memref<128xi32, #tpu.memory_space<vmem>>) semaphore(%arg9 : memref<!tpu.dma_semaphore, #tpu.memory_space<semaphore_mem>>)
    %dma_start3A_445 = arith.constant 512 : i32
    %dma_start3A_446 = tpu.memref_slice %arg7[%dma_start3A_445] : memref<4096xf32, #tpu.memory_space<vmem>> -> memref<128xf32, #tpu.memory_space<vmem>>
    %dma_start3A_447 = arith.constant 512 : i32
    %dma_start3A_448 = tpu.memref_slice %arg6[%dma_start3A_447] : memref<4096xi32, #tpu.memory_space<vmem>> -> memref<128xi32, #tpu.memory_space<vmem>>
    %dma_start3A_449 = arith.constant 0 : i32
    %dma_start3A_450 = tpu.memref_slice %arg2[%dma_start3A_449] : memref<41779200xf32, #tpu.memory_space<hbm>> -> memref<41779200xf32, #tpu.memory_space<hbm>>
    tpu.enqueue_indirect_dma source(%dma_start3A_450 : memref<41779200xf32, #tpu.memory_space<hbm>>) target(%dma_start3A_446 : memref<128xf32, #tpu.memory_space<vmem>>) offsets(%dma_start3A_448 : memref<128xi32, #tpu.memory_space<vmem>>) semaphore(%arg9 : memref<!tpu.dma_semaphore, #tpu.memory_space<semaphore_mem>>)
    %dma_start3A_451 = arith.constant 640 : i32
    %dma_start3A_452 = tpu.memref_slice %arg7[%dma_start3A_451] : memref<4096xf32, #tpu.memory_space<vmem>> -> memref<128xf32, #tpu.memory_space<vmem>>
    %dma_start3A_453 = arith.constant 640 : i32
    %dma_start3A_454 = tpu.memref_slice %arg6[%dma_start3A_453] : memref<4096xi32, #tpu.memory_space<vmem>> -> memref<128xi32, #tpu.memory_space<vmem>>
    %dma_start3A_455 = arith.constant 0 : i32
    %dma_start3A_456 = tpu.memref_slice %arg2[%dma_start3A_455] : memref<41779200xf32, #tpu.memory_space<hbm>> -> memref<41779200xf32, #tpu.memory_space<hbm>>
    tpu.enqueue_indirect_dma source(%dma_start3A_456 : memref<41779200xf32, #tpu.memory_space<hbm>>) target(%dma_start3A_452 : memref<128xf32, #tpu.memory_space<vmem>>) offsets(%dma_start3A_454 : memref<128xi32, #tpu.memory_space<vmem>>) semaphore(%arg9 : memref<!tpu.dma_semaphore, #tpu.memory_space<semaphore_mem>>)
    %dma_start3A_457 = arith.constant 768 : i32
    %dma_start3A_458 = tpu.memref_slice %arg7[%dma_start3A_457] : memref<4096xf32, #tpu.memory_space<vmem>> -> memref<128xf32, #tpu.memory_space<vmem>>
    %dma_start3A_459 = arith.constant 768 : i32
    %dma_start3A_460 = tpu.memref_slice %arg6[%dma_start3A_459] : memref<4096xi32, #tpu.memory_space<vmem>> -> memref<128xi32, #tpu.memory_space<vmem>>
    %dma_start3A_461 = arith.constant 0 : i32
    %dma_start3A_462 = tpu.memref_slice %arg2[%dma_start3A_461] : memref<41779200xf32, #tpu.memory_space<hbm>> -> memref<41779200xf32, #tpu.memory_space<hbm>>
    tpu.enqueue_indirect_dma source(%dma_start3A_462 : memref<41779200xf32, #tpu.memory_space<hbm>>) target(%dma_start3A_458 : memref<128xf32, #tpu.memory_space<vmem>>) offsets(%dma_start3A_460 : memref<128xi32, #tpu.memory_space<vmem>>) semaphore(%arg9 : memref<!tpu.dma_semaphore, #tpu.memory_space<semaphore_mem>>)
    %dma_start3A_463 = arith.constant 896 : i32
    %dma_start3A_464 = tpu.memref_slice %arg7[%dma_start3A_463] : memref<4096xf32, #tpu.memory_space<vmem>> -> memref<128xf32, #tpu.memory_space<vmem>>
    %dma_start3A_465 = arith.constant 896 : i32
    %dma_start3A_466 = tpu.memref_slice %arg6[%dma_start3A_465] : memref<4096xi32, #tpu.memory_space<vmem>> -> memref<128xi32, #tpu.memory_space<vmem>>
    %dma_start3A_467 = arith.constant 0 : i32
    %dma_start3A_468 = tpu.memref_slice %arg2[%dma_start3A_467] : memref<41779200xf32, #tpu.memory_space<hbm>> -> memref<41779200xf32, #tpu.memory_space<hbm>>
    tpu.enqueue_indirect_dma source(%dma_start3A_468 : memref<41779200xf32, #tpu.memory_space<hbm>>) target(%dma_start3A_464 : memref<128xf32, #tpu.memory_space<vmem>>) offsets(%dma_start3A_466 : memref<128xi32, #tpu.memory_space<vmem>>) semaphore(%arg9 : memref<!tpu.dma_semaphore, #tpu.memory_space<semaphore_mem>>)
    %dma_start3A_469 = arith.constant 1024 : i32
    %dma_start3A_470 = tpu.memref_slice %arg7[%dma_start3A_469] : memref<4096xf32, #tpu.memory_space<vmem>> -> memref<128xf32, #tpu.memory_space<vmem>>
    %dma_start3A_471 = arith.constant 1024 : i32
    %dma_start3A_472 = tpu.memref_slice %arg6[%dma_start3A_471] : memref<4096xi32, #tpu.memory_space<vmem>> -> memref<128xi32, #tpu.memory_space<vmem>>
    %dma_start3A_473 = arith.constant 0 : i32
    %dma_start3A_474 = tpu.memref_slice %arg2[%dma_start3A_473] : memref<41779200xf32, #tpu.memory_space<hbm>> -> memref<41779200xf32, #tpu.memory_space<hbm>>
    tpu.enqueue_indirect_dma source(%dma_start3A_474 : memref<41779200xf32, #tpu.memory_space<hbm>>) target(%dma_start3A_470 : memref<128xf32, #tpu.memory_space<vmem>>) offsets(%dma_start3A_472 : memref<128xi32, #tpu.memory_space<vmem>>) semaphore(%arg9 : memref<!tpu.dma_semaphore, #tpu.memory_space<semaphore_mem>>)
    %dma_start3A_475 = arith.constant 1152 : i32
    %dma_start3A_476 = tpu.memref_slice %arg7[%dma_start3A_475] : memref<4096xf32, #tpu.memory_space<vmem>> -> memref<128xf32, #tpu.memory_space<vmem>>
    %dma_start3A_477 = arith.constant 1152 : i32
    %dma_start3A_478 = tpu.memref_slice %arg6[%dma_start3A_477] : memref<4096xi32, #tpu.memory_space<vmem>> -> memref<128xi32, #tpu.memory_space<vmem>>
    %dma_start3A_479 = arith.constant 0 : i32
    %dma_start3A_480 = tpu.memref_slice %arg2[%dma_start3A_479] : memref<41779200xf32, #tpu.memory_space<hbm>> -> memref<41779200xf32, #tpu.memory_space<hbm>>
    tpu.enqueue_indirect_dma source(%dma_start3A_480 : memref<41779200xf32, #tpu.memory_space<hbm>>) target(%dma_start3A_476 : memref<128xf32, #tpu.memory_space<vmem>>) offsets(%dma_start3A_478 : memref<128xi32, #tpu.memory_space<vmem>>) semaphore(%arg9 : memref<!tpu.dma_semaphore, #tpu.memory_space<semaphore_mem>>)
    %dma_start3A_481 = arith.constant 1280 : i32
    %dma_start3A_482 = tpu.memref_slice %arg7[%dma_start3A_481] : memref<4096xf32, #tpu.memory_space<vmem>> -> memref<128xf32, #tpu.memory_space<vmem>>
    %dma_start3A_483 = arith.constant 1280 : i32
    %dma_start3A_484 = tpu.memref_slice %arg6[%dma_start3A_483] : memref<4096xi32, #tpu.memory_space<vmem>> -> memref<128xi32, #tpu.memory_space<vmem>>
    %dma_start3A_485 = arith.constant 0 : i32
    %dma_start3A_486 = tpu.memref_slice %arg2[%dma_start3A_485] : memref<41779200xf32, #tpu.memory_space<hbm>> -> memref<41779200xf32, #tpu.memory_space<hbm>>
    tpu.enqueue_indirect_dma source(%dma_start3A_486 : memref<41779200xf32, #tpu.memory_space<hbm>>) target(%dma_start3A_482 : memref<128xf32, #tpu.memory_space<vmem>>) offsets(%dma_start3A_484 : memref<128xi32, #tpu.memory_space<vmem>>) semaphore(%arg9 : memref<!tpu.dma_semaphore, #tpu.memory_space<semaphore_mem>>)
    %dma_start3A_487 = arith.constant 1408 : i32
    %dma_start3A_488 = tpu.memref_slice %arg7[%dma_start3A_487] : memref<4096xf32, #tpu.memory_space<vmem>> -> memref<128xf32, #tpu.memory_space<vmem>>
    %dma_start3A_489 = arith.constant 1408 : i32
    %dma_start3A_490 = tpu.memref_slice %arg6[%dma_start3A_489] : memref<4096xi32, #tpu.memory_space<vmem>> -> memref<128xi32, #tpu.memory_space<vmem>>
    %dma_start3A_491 = arith.constant 0 : i32
    %dma_start3A_492 = tpu.memref_slice %arg2[%dma_start3A_491] : memref<41779200xf32, #tpu.memory_space<hbm>> -> memref<41779200xf32, #tpu.memory_space<hbm>>
    tpu.enqueue_indirect_dma source(%dma_start3A_492 : memref<41779200xf32, #tpu.memory_space<hbm>>) target(%dma_start3A_488 : memref<128xf32, #tpu.memory_space<vmem>>) offsets(%dma_start3A_490 : memref<128xi32, #tpu.memory_space<vmem>>) semaphore(%arg9 : memref<!tpu.dma_semaphore, #tpu.memory_space<semaphore_mem>>)
    %dma_start3A_493 = arith.constant 1536 : i32
    %dma_start3A_494 = tpu.memref_slice %arg7[%dma_start3A_493] : memref<4096xf32, #tpu.memory_space<vmem>> -> memref<128xf32, #tpu.memory_space<vmem>>
    %dma_start3A_495 = arith.constant 1536 : i32
    %dma_start3A_496 = tpu.memref_slice %arg6[%dma_start3A_495] : memref<4096xi32, #tpu.memory_space<vmem>> -> memref<128xi32, #tpu.memory_space<vmem>>
    %dma_start3A_497 = arith.constant 0 : i32
    %dma_start3A_498 = tpu.memref_slice %arg2[%dma_start3A_497] : memref<41779200xf32, #tpu.memory_space<hbm>> -> memref<41779200xf32, #tpu.memory_space<hbm>>
    tpu.enqueue_indirect_dma source(%dma_start3A_498 : memref<41779200xf32, #tpu.memory_space<hbm>>) target(%dma_start3A_494 : memref<128xf32, #tpu.memory_space<vmem>>) offsets(%dma_start3A_496 : memref<128xi32, #tpu.memory_space<vmem>>) semaphore(%arg9 : memref<!tpu.dma_semaphore, #tpu.memory_space<semaphore_mem>>)
    %dma_start3A_499 = arith.constant 1664 : i32
    %dma_start3A_500 = tpu.memref_slice %arg7[%dma_start3A_499] : memref<4096xf32, #tpu.memory_space<vmem>> -> memref<128xf32, #tpu.memory_space<vmem>>
    %dma_start3A_501 = arith.constant 1664 : i32
    %dma_start3A_502 = tpu.memref_slice %arg6[%dma_start3A_501] : memref<4096xi32, #tpu.memory_space<vmem>> -> memref<128xi32, #tpu.memory_space<vmem>>
    %dma_start3A_503 = arith.constant 0 : i32
    %dma_start3A_504 = tpu.memref_slice %arg2[%dma_start3A_503] : memref<41779200xf32, #tpu.memory_space<hbm>> -> memref<41779200xf32, #tpu.memory_space<hbm>>
    tpu.enqueue_indirect_dma source(%dma_start3A_504 : memref<41779200xf32, #tpu.memory_space<hbm>>) target(%dma_start3A_500 : memref<128xf32, #tpu.memory_space<vmem>>) offsets(%dma_start3A_502 : memref<128xi32, #tpu.memory_space<vmem>>) semaphore(%arg9 : memref<!tpu.dma_semaphore, #tpu.memory_space<semaphore_mem>>)
    %dma_start3A_505 = arith.constant 1792 : i32
    %dma_start3A_506 = tpu.memref_slice %arg7[%dma_start3A_505] : memref<4096xf32, #tpu.memory_space<vmem>> -> memref<128xf32, #tpu.memory_space<vmem>>
    %dma_start3A_507 = arith.constant 1792 : i32
    %dma_start3A_508 = tpu.memref_slice %arg6[%dma_start3A_507] : memref<4096xi32, #tpu.memory_space<vmem>> -> memref<128xi32, #tpu.memory_space<vmem>>
    %dma_start3A_509 = arith.constant 0 : i32
    %dma_start3A_510 = tpu.memref_slice %arg2[%dma_start3A_509] : memref<41779200xf32, #tpu.memory_space<hbm>> -> memref<41779200xf32, #tpu.memory_space<hbm>>
    tpu.enqueue_indirect_dma source(%dma_start3A_510 : memref<41779200xf32, #tpu.memory_space<hbm>>) target(%dma_start3A_506 : memref<128xf32, #tpu.memory_space<vmem>>) offsets(%dma_start3A_508 : memref<128xi32, #tpu.memory_space<vmem>>) semaphore(%arg9 : memref<!tpu.dma_semaphore, #tpu.memory_space<semaphore_mem>>)
    %dma_start3A_511 = arith.constant 1920 : i32
    %dma_start3A_512 = tpu.memref_slice %arg7[%dma_start3A_511] : memref<4096xf32, #tpu.memory_space<vmem>> -> memref<128xf32, #tpu.memory_space<vmem>>
    %dma_start3A_513 = arith.constant 1920 : i32
    %dma_start3A_514 = tpu.memref_slice %arg6[%dma_start3A_513] : memref<4096xi32, #tpu.memory_space<vmem>> -> memref<128xi32, #tpu.memory_space<vmem>>
    %dma_start3A_515 = arith.constant 0 : i32
    %dma_start3A_516 = tpu.memref_slice %arg2[%dma_start3A_515] : memref<41779200xf32, #tpu.memory_space<hbm>> -> memref<41779200xf32, #tpu.memory_space<hbm>>
    tpu.enqueue_indirect_dma source(%dma_start3A_516 : memref<41779200xf32, #tpu.memory_space<hbm>>) target(%dma_start3A_512 : memref<128xf32, #tpu.memory_space<vmem>>) offsets(%dma_start3A_514 : memref<128xi32, #tpu.memory_space<vmem>>) semaphore(%arg9 : memref<!tpu.dma_semaphore, #tpu.memory_space<semaphore_mem>>)
    %dma_start3A_517 = arith.constant 2048 : i32
    %dma_start3A_518 = tpu.memref_slice %arg7[%dma_start3A_517] : memref<4096xf32, #tpu.memory_space<vmem>> -> memref<128xf32, #tpu.memory_space<vmem>>
    %dma_start3A_519 = arith.constant 2048 : i32
    %dma_start3A_520 = tpu.memref_slice %arg6[%dma_start3A_519] : memref<4096xi32, #tpu.memory_space<vmem>> -> memref<128xi32, #tpu.memory_space<vmem>>
    %dma_start3A_521 = arith.constant 0 : i32
    %dma_start3A_522 = tpu.memref_slice %arg2[%dma_start3A_521] : memref<41779200xf32, #tpu.memory_space<hbm>> -> memref<41779200xf32, #tpu.memory_space<hbm>>
    tpu.enqueue_indirect_dma source(%dma_start3A_522 : memref<41779200xf32, #tpu.memory_space<hbm>>) target(%dma_start3A_518 : memref<128xf32, #tpu.memory_space<vmem>>) offsets(%dma_start3A_520 : memref<128xi32, #tpu.memory_space<vmem>>) semaphore(%arg9 : memref<!tpu.dma_semaphore, #tpu.memory_space<semaphore_mem>>)
    %dma_start3A_523 = arith.constant 2176 : i32
    %dma_start3A_524 = tpu.memref_slice %arg7[%dma_start3A_523] : memref<4096xf32, #tpu.memory_space<vmem>> -> memref<128xf32, #tpu.memory_space<vmem>>
    %dma_start3A_525 = arith.constant 2176 : i32
    %dma_start3A_526 = tpu.memref_slice %arg6[%dma_start3A_525] : memref<4096xi32, #tpu.memory_space<vmem>> -> memref<128xi32, #tpu.memory_space<vmem>>
    %dma_start3A_527 = arith.constant 0 : i32
    %dma_start3A_528 = tpu.memref_slice %arg2[%dma_start3A_527] : memref<41779200xf32, #tpu.memory_space<hbm>> -> memref<41779200xf32, #tpu.memory_space<hbm>>
    tpu.enqueue_indirect_dma source(%dma_start3A_528 : memref<41779200xf32, #tpu.memory_space<hbm>>) target(%dma_start3A_524 : memref<128xf32, #tpu.memory_space<vmem>>) offsets(%dma_start3A_526 : memref<128xi32, #tpu.memory_space<vmem>>) semaphore(%arg9 : memref<!tpu.dma_semaphore, #tpu.memory_space<semaphore_mem>>)
    %dma_start3A_529 = arith.constant 2304 : i32
    %dma_start3A_530 = tpu.memref_slice %arg7[%dma_start3A_529] : memref<4096xf32, #tpu.memory_space<vmem>> -> memref<128xf32, #tpu.memory_space<vmem>>
    %dma_start3A_531 = arith.constant 2304 : i32
    %dma_start3A_532 = tpu.memref_slice %arg6[%dma_start3A_531] : memref<4096xi32, #tpu.memory_space<vmem>> -> memref<128xi32, #tpu.memory_space<vmem>>
    %dma_start3A_533 = arith.constant 0 : i32
    %dma_start3A_534 = tpu.memref_slice %arg2[%dma_start3A_533] : memref<41779200xf32, #tpu.memory_space<hbm>> -> memref<41779200xf32, #tpu.memory_space<hbm>>
    tpu.enqueue_indirect_dma source(%dma_start3A_534 : memref<41779200xf32, #tpu.memory_space<hbm>>) target(%dma_start3A_530 : memref<128xf32, #tpu.memory_space<vmem>>) offsets(%dma_start3A_532 : memref<128xi32, #tpu.memory_space<vmem>>) semaphore(%arg9 : memref<!tpu.dma_semaphore, #tpu.memory_space<semaphore_mem>>)
    %dma_start3A_535 = arith.constant 2432 : i32
    %dma_start3A_536 = tpu.memref_slice %arg7[%dma_start3A_535] : memref<4096xf32, #tpu.memory_space<vmem>> -> memref<128xf32, #tpu.memory_space<vmem>>
    %dma_start3A_537 = arith.constant 2432 : i32
    %dma_start3A_538 = tpu.memref_slice %arg6[%dma_start3A_537] : memref<4096xi32, #tpu.memory_space<vmem>> -> memref<128xi32, #tpu.memory_space<vmem>>
    %dma_start3A_539 = arith.constant 0 : i32
    %dma_start3A_540 = tpu.memref_slice %arg2[%dma_start3A_539] : memref<41779200xf32, #tpu.memory_space<hbm>> -> memref<41779200xf32, #tpu.memory_space<hbm>>
    tpu.enqueue_indirect_dma source(%dma_start3A_540 : memref<41779200xf32, #tpu.memory_space<hbm>>) target(%dma_start3A_536 : memref<128xf32, #tpu.memory_space<vmem>>) offsets(%dma_start3A_538 : memref<128xi32, #tpu.memory_space<vmem>>) semaphore(%arg9 : memref<!tpu.dma_semaphore, #tpu.memory_space<semaphore_mem>>)
    %dma_start3A_541 = arith.constant 2560 : i32
    %dma_start3A_542 = tpu.memref_slice %arg7[%dma_start3A_541] : memref<4096xf32, #tpu.memory_space<vmem>> -> memref<128xf32, #tpu.memory_space<vmem>>
    %dma_start3A_543 = arith.constant 2560 : i32
    %dma_start3A_544 = tpu.memref_slice %arg6[%dma_start3A_543] : memref<4096xi32, #tpu.memory_space<vmem>> -> memref<128xi32, #tpu.memory_space<vmem>>
    %dma_start3A_545 = arith.constant 0 : i32
    %dma_start3A_546 = tpu.memref_slice %arg2[%dma_start3A_545] : memref<41779200xf32, #tpu.memory_space<hbm>> -> memref<41779200xf32, #tpu.memory_space<hbm>>
    tpu.enqueue_indirect_dma source(%dma_start3A_546 : memref<41779200xf32, #tpu.memory_space<hbm>>) target(%dma_start3A_542 : memref<128xf32, #tpu.memory_space<vmem>>) offsets(%dma_start3A_544 : memref<128xi32, #tpu.memory_space<vmem>>) semaphore(%arg9 : memref<!tpu.dma_semaphore, #tpu.memory_space<semaphore_mem>>)
    %dma_start3A_547 = arith.constant 2688 : i32
    %dma_start3A_548 = tpu.memref_slice %arg7[%dma_start3A_547] : memref<4096xf32, #tpu.memory_space<vmem>> -> memref<128xf32, #tpu.memory_space<vmem>>
    %dma_start3A_549 = arith.constant 2688 : i32
    %dma_start3A_550 = tpu.memref_slice %arg6[%dma_start3A_549] : memref<4096xi32, #tpu.memory_space<vmem>> -> memref<128xi32, #tpu.memory_space<vmem>>
    %dma_start3A_551 = arith.constant 0 : i32
    %dma_start3A_552 = tpu.memref_slice %arg2[%dma_start3A_551] : memref<41779200xf32, #tpu.memory_space<hbm>> -> memref<41779200xf32, #tpu.memory_space<hbm>>
    tpu.enqueue_indirect_dma source(%dma_start3A_552 : memref<41779200xf32, #tpu.memory_space<hbm>>) target(%dma_start3A_548 : memref<128xf32, #tpu.memory_space<vmem>>) offsets(%dma_start3A_550 : memref<128xi32, #tpu.memory_space<vmem>>) semaphore(%arg9 : memref<!tpu.dma_semaphore, #tpu.memory_space<semaphore_mem>>)
    %dma_start3A_553 = arith.constant 2816 : i32
    %dma_start3A_554 = tpu.memref_slice %arg7[%dma_start3A_553] : memref<4096xf32, #tpu.memory_space<vmem>> -> memref<128xf32, #tpu.memory_space<vmem>>
    %dma_start3A_555 = arith.constant 2816 : i32
    %dma_start3A_556 = tpu.memref_slice %arg6[%dma_start3A_555] : memref<4096xi32, #tpu.memory_space<vmem>> -> memref<128xi32, #tpu.memory_space<vmem>>
    %dma_start3A_557 = arith.constant 0 : i32
    %dma_start3A_558 = tpu.memref_slice %arg2[%dma_start3A_557] : memref<41779200xf32, #tpu.memory_space<hbm>> -> memref<41779200xf32, #tpu.memory_space<hbm>>
    tpu.enqueue_indirect_dma source(%dma_start3A_558 : memref<41779200xf32, #tpu.memory_space<hbm>>) target(%dma_start3A_554 : memref<128xf32, #tpu.memory_space<vmem>>) offsets(%dma_start3A_556 : memref<128xi32, #tpu.memory_space<vmem>>) semaphore(%arg9 : memref<!tpu.dma_semaphore, #tpu.memory_space<semaphore_mem>>)
    %dma_start3A_559 = arith.constant 2944 : i32
    %dma_start3A_560 = tpu.memref_slice %arg7[%dma_start3A_559] : memref<4096xf32, #tpu.memory_space<vmem>> -> memref<128xf32, #tpu.memory_space<vmem>>
    %dma_start3A_561 = arith.constant 2944 : i32
    %dma_start3A_562 = tpu.memref_slice %arg6[%dma_start3A_561] : memref<4096xi32, #tpu.memory_space<vmem>> -> memref<128xi32, #tpu.memory_space<vmem>>
    %dma_start3A_563 = arith.constant 0 : i32
    %dma_start3A_564 = tpu.memref_slice %arg2[%dma_start3A_563] : memref<41779200xf32, #tpu.memory_space<hbm>> -> memref<41779200xf32, #tpu.memory_space<hbm>>
    tpu.enqueue_indirect_dma source(%dma_start3A_564 : memref<41779200xf32, #tpu.memory_space<hbm>>) target(%dma_start3A_560 : memref<128xf32, #tpu.memory_space<vmem>>) offsets(%dma_start3A_562 : memref<128xi32, #tpu.memory_space<vmem>>) semaphore(%arg9 : memref<!tpu.dma_semaphore, #tpu.memory_space<semaphore_mem>>)
    %dma_start3A_565 = arith.constant 3072 : i32
    %dma_start3A_566 = tpu.memref_slice %arg7[%dma_start3A_565] : memref<4096xf32, #tpu.memory_space<vmem>> -> memref<128xf32, #tpu.memory_space<vmem>>
    %dma_start3A_567 = arith.constant 3072 : i32
    %dma_start3A_568 = tpu.memref_slice %arg6[%dma_start3A_567] : memref<4096xi32, #tpu.memory_space<vmem>> -> memref<128xi32, #tpu.memory_space<vmem>>
    %dma_start3A_569 = arith.constant 0 : i32
    %dma_start3A_570 = tpu.memref_slice %arg2[%dma_start3A_569] : memref<41779200xf32, #tpu.memory_space<hbm>> -> memref<41779200xf32, #tpu.memory_space<hbm>>
    tpu.enqueue_indirect_dma source(%dma_start3A_570 : memref<41779200xf32, #tpu.memory_space<hbm>>) target(%dma_start3A_566 : memref<128xf32, #tpu.memory_space<vmem>>) offsets(%dma_start3A_568 : memref<128xi32, #tpu.memory_space<vmem>>) semaphore(%arg9 : memref<!tpu.dma_semaphore, #tpu.memory_space<semaphore_mem>>)
    %dma_start3A_571 = arith.constant 3200 : i32
    %dma_start3A_572 = tpu.memref_slice %arg7[%dma_start3A_571] : memref<4096xf32, #tpu.memory_space<vmem>> -> memref<128xf32, #tpu.memory_space<vmem>>
    %dma_start3A_573 = arith.constant 3200 : i32
    %dma_start3A_574 = tpu.memref_slice %arg6[%dma_start3A_573] : memref<4096xi32, #tpu.memory_space<vmem>> -> memref<128xi32, #tpu.memory_space<vmem>>
    %dma_start3A_575 = arith.constant 0 : i32
    %dma_start3A_576 = tpu.memref_slice %arg2[%dma_start3A_575] : memref<41779200xf32, #tpu.memory_space<hbm>> -> memref<41779200xf32, #tpu.memory_space<hbm>>
    tpu.enqueue_indirect_dma source(%dma_start3A_576 : memref<41779200xf32, #tpu.memory_space<hbm>>) target(%dma_start3A_572 : memref<128xf32, #tpu.memory_space<vmem>>) offsets(%dma_start3A_574 : memref<128xi32, #tpu.memory_space<vmem>>) semaphore(%arg9 : memref<!tpu.dma_semaphore, #tpu.memory_space<semaphore_mem>>)
    %dma_start3A_577 = arith.constant 3328 : i32
    %dma_start3A_578 = tpu.memref_slice %arg7[%dma_start3A_577] : memref<4096xf32, #tpu.memory_space<vmem>> -> memref<128xf32, #tpu.memory_space<vmem>>
    %dma_start3A_579 = arith.constant 3328 : i32
    %dma_start3A_580 = tpu.memref_slice %arg6[%dma_start3A_579] : memref<4096xi32, #tpu.memory_space<vmem>> -> memref<128xi32, #tpu.memory_space<vmem>>
    %dma_start3A_581 = arith.constant 0 : i32
    %dma_start3A_582 = tpu.memref_slice %arg2[%dma_start3A_581] : memref<41779200xf32, #tpu.memory_space<hbm>> -> memref<41779200xf32, #tpu.memory_space<hbm>>
    tpu.enqueue_indirect_dma source(%dma_start3A_582 : memref<41779200xf32, #tpu.memory_space<hbm>>) target(%dma_start3A_578 : memref<128xf32, #tpu.memory_space<vmem>>) offsets(%dma_start3A_580 : memref<128xi32, #tpu.memory_space<vmem>>) semaphore(%arg9 : memref<!tpu.dma_semaphore, #tpu.memory_space<semaphore_mem>>)
    %dma_start3A_583 = arith.constant 3456 : i32
    %dma_start3A_584 = tpu.memref_slice %arg7[%dma_start3A_583] : memref<4096xf32, #tpu.memory_space<vmem>> -> memref<128xf32, #tpu.memory_space<vmem>>
    %dma_start3A_585 = arith.constant 3456 : i32
    %dma_start3A_586 = tpu.memref_slice %arg6[%dma_start3A_585] : memref<4096xi32, #tpu.memory_space<vmem>> -> memref<128xi32, #tpu.memory_space<vmem>>
    %dma_start3A_587 = arith.constant 0 : i32
    %dma_start3A_588 = tpu.memref_slice %arg2[%dma_start3A_587] : memref<41779200xf32, #tpu.memory_space<hbm>> -> memref<41779200xf32, #tpu.memory_space<hbm>>
    tpu.enqueue_indirect_dma source(%dma_start3A_588 : memref<41779200xf32, #tpu.memory_space<hbm>>) target(%dma_start3A_584 : memref<128xf32, #tpu.memory_space<vmem>>) offsets(%dma_start3A_586 : memref<128xi32, #tpu.memory_space<vmem>>) semaphore(%arg9 : memref<!tpu.dma_semaphore, #tpu.memory_space<semaphore_mem>>)
    %dma_start3A_589 = arith.constant 3584 : i32
    %dma_start3A_590 = tpu.memref_slice %arg7[%dma_start3A_589] : memref<4096xf32, #tpu.memory_space<vmem>> -> memref<128xf32, #tpu.memory_space<vmem>>
    %dma_start3A_591 = arith.constant 3584 : i32
    %dma_start3A_592 = tpu.memref_slice %arg6[%dma_start3A_591] : memref<4096xi32, #tpu.memory_space<vmem>> -> memref<128xi32, #tpu.memory_space<vmem>>
    %dma_start3A_593 = arith.constant 0 : i32
    %dma_start3A_594 = tpu.memref_slice %arg2[%dma_start3A_593] : memref<41779200xf32, #tpu.memory_space<hbm>> -> memref<41779200xf32, #tpu.memory_space<hbm>>
    tpu.enqueue_indirect_dma source(%dma_start3A_594 : memref<41779200xf32, #tpu.memory_space<hbm>>) target(%dma_start3A_590 : memref<128xf32, #tpu.memory_space<vmem>>) offsets(%dma_start3A_592 : memref<128xi32, #tpu.memory_space<vmem>>) semaphore(%arg9 : memref<!tpu.dma_semaphore, #tpu.memory_space<semaphore_mem>>)
    %dma_start3A_595 = arith.constant 3712 : i32
    %dma_start3A_596 = tpu.memref_slice %arg7[%dma_start3A_595] : memref<4096xf32, #tpu.memory_space<vmem>> -> memref<128xf32, #tpu.memory_space<vmem>>
    %dma_start3A_597 = arith.constant 3712 : i32
    %dma_start3A_598 = tpu.memref_slice %arg6[%dma_start3A_597] : memref<4096xi32, #tpu.memory_space<vmem>> -> memref<128xi32, #tpu.memory_space<vmem>>
    %dma_start3A_599 = arith.constant 0 : i32
    %dma_start3A_600 = tpu.memref_slice %arg2[%dma_start3A_599] : memref<41779200xf32, #tpu.memory_space<hbm>> -> memref<41779200xf32, #tpu.memory_space<hbm>>
    tpu.enqueue_indirect_dma source(%dma_start3A_600 : memref<41779200xf32, #tpu.memory_space<hbm>>) target(%dma_start3A_596 : memref<128xf32, #tpu.memory_space<vmem>>) offsets(%dma_start3A_598 : memref<128xi32, #tpu.memory_space<vmem>>) semaphore(%arg9 : memref<!tpu.dma_semaphore, #tpu.memory_space<semaphore_mem>>)
    %dma_start3A_601 = arith.constant 3840 : i32
    %dma_start3A_602 = tpu.memref_slice %arg7[%dma_start3A_601] : memref<4096xf32, #tpu.memory_space<vmem>> -> memref<128xf32, #tpu.memory_space<vmem>>
    %dma_start3A_603 = arith.constant 3840 : i32
    %dma_start3A_604 = tpu.memref_slice %arg6[%dma_start3A_603] : memref<4096xi32, #tpu.memory_space<vmem>> -> memref<128xi32, #tpu.memory_space<vmem>>
    %dma_start3A_605 = arith.constant 0 : i32
    %dma_start3A_606 = tpu.memref_slice %arg2[%dma_start3A_605] : memref<41779200xf32, #tpu.memory_space<hbm>> -> memref<41779200xf32, #tpu.memory_space<hbm>>
    tpu.enqueue_indirect_dma source(%dma_start3A_606 : memref<41779200xf32, #tpu.memory_space<hbm>>) target(%dma_start3A_602 : memref<128xf32, #tpu.memory_space<vmem>>) offsets(%dma_start3A_604 : memref<128xi32, #tpu.memory_space<vmem>>) semaphore(%arg9 : memref<!tpu.dma_semaphore, #tpu.memory_space<semaphore_mem>>)
    %dma_start3A_607 = arith.constant 3968 : i32
    %dma_start3A_608 = tpu.memref_slice %arg7[%dma_start3A_607] : memref<4096xf32, #tpu.memory_space<vmem>> -> memref<128xf32, #tpu.memory_space<vmem>>
    %dma_start3A_609 = arith.constant 3968 : i32
    %dma_start3A_610 = tpu.memref_slice %arg6[%dma_start3A_609] : memref<4096xi32, #tpu.memory_space<vmem>> -> memref<128xi32, #tpu.memory_space<vmem>>
    %dma_start3A_611 = arith.constant 0 : i32
    %dma_start3A_612 = tpu.memref_slice %arg2[%dma_start3A_611] : memref<41779200xf32, #tpu.memory_space<hbm>> -> memref<41779200xf32, #tpu.memory_space<hbm>>
    tpu.enqueue_indirect_dma source(%dma_start3A_612 : memref<41779200xf32, #tpu.memory_space<hbm>>) target(%dma_start3A_608 : memref<128xf32, #tpu.memory_space<vmem>>) offsets(%dma_start3A_610 : memref<128xi32, #tpu.memory_space<vmem>>) semaphore(%arg9 : memref<!tpu.dma_semaphore, #tpu.memory_space<semaphore_mem>>)
    %dma_wait3A_613 = arith.constant 0 : i32
    %dma_wait3A_614 = tpu.memref_slice %arg7[%dma_wait3A_613] : memref<4096xf32, #tpu.memory_space<vmem>> -> memref<128xf32, #tpu.memory_space<vmem>>
    %dma_wait3A_615 = arith.constant 0 : i32
    %dma_wait3A_616 = tpu.memref_slice %arg6[%dma_wait3A_615] : memref<4096xi32, #tpu.memory_space<vmem>> -> memref<128xi32, #tpu.memory_space<vmem>>
    %dma_wait3A_617 = arith.constant 0 : i32
    %dma_wait3A_618 = tpu.memref_slice %arg2[%dma_wait3A_617] : memref<41779200xf32, #tpu.memory_space<hbm>> -> memref<41779200xf32, #tpu.memory_space<hbm>>
    tpu.wait_indirect_dma semaphore(%arg9 : memref<!tpu.dma_semaphore, #tpu.memory_space<semaphore_mem>>) src(%dma_wait3A_618 : memref<41779200xf32, #tpu.memory_space<hbm>>) dst(%dma_wait3A_614 : memref<128xf32, #tpu.memory_space<vmem>>)
    %dma_wait3A_619 = arith.constant 128 : i32
    %dma_wait3A_620 = tpu.memref_slice %arg7[%dma_wait3A_619] : memref<4096xf32, #tpu.memory_space<vmem>> -> memref<128xf32, #tpu.memory_space<vmem>>
    %dma_wait3A_621 = arith.constant 128 : i32
    %dma_wait3A_622 = tpu.memref_slice %arg6[%dma_wait3A_621] : memref<4096xi32, #tpu.memory_space<vmem>> -> memref<128xi32, #tpu.memory_space<vmem>>
    %dma_wait3A_623 = arith.constant 0 : i32
    %dma_wait3A_624 = tpu.memref_slice %arg2[%dma_wait3A_623] : memref<41779200xf32, #tpu.memory_space<hbm>> -> memref<41779200xf32, #tpu.memory_space<hbm>>
    tpu.wait_indirect_dma semaphore(%arg9 : memref<!tpu.dma_semaphore, #tpu.memory_space<semaphore_mem>>) src(%dma_wait3A_624 : memref<41779200xf32, #tpu.memory_space<hbm>>) dst(%dma_wait3A_620 : memref<128xf32, #tpu.memory_space<vmem>>)
    %dma_wait3A_625 = arith.constant 256 : i32
    %dma_wait3A_626 = tpu.memref_slice %arg7[%dma_wait3A_625] : memref<4096xf32, #tpu.memory_space<vmem>> -> memref<128xf32, #tpu.memory_space<vmem>>
    %dma_wait3A_627 = arith.constant 256 : i32
    %dma_wait3A_628 = tpu.memref_slice %arg6[%dma_wait3A_627] : memref<4096xi32, #tpu.memory_space<vmem>> -> memref<128xi32, #tpu.memory_space<vmem>>
    %dma_wait3A_629 = arith.constant 0 : i32
    %dma_wait3A_630 = tpu.memref_slice %arg2[%dma_wait3A_629] : memref<41779200xf32, #tpu.memory_space<hbm>> -> memref<41779200xf32, #tpu.memory_space<hbm>>
    tpu.wait_indirect_dma semaphore(%arg9 : memref<!tpu.dma_semaphore, #tpu.memory_space<semaphore_mem>>) src(%dma_wait3A_630 : memref<41779200xf32, #tpu.memory_space<hbm>>) dst(%dma_wait3A_626 : memref<128xf32, #tpu.memory_space<vmem>>)
    %dma_wait3A_631 = arith.constant 384 : i32
    %dma_wait3A_632 = tpu.memref_slice %arg7[%dma_wait3A_631] : memref<4096xf32, #tpu.memory_space<vmem>> -> memref<128xf32, #tpu.memory_space<vmem>>
    %dma_wait3A_633 = arith.constant 384 : i32
    %dma_wait3A_634 = tpu.memref_slice %arg6[%dma_wait3A_633] : memref<4096xi32, #tpu.memory_space<vmem>> -> memref<128xi32, #tpu.memory_space<vmem>>
    %dma_wait3A_635 = arith.constant 0 : i32
    %dma_wait3A_636 = tpu.memref_slice %arg2[%dma_wait3A_635] : memref<41779200xf32, #tpu.memory_space<hbm>> -> memref<41779200xf32, #tpu.memory_space<hbm>>
    tpu.wait_indirect_dma semaphore(%arg9 : memref<!tpu.dma_semaphore, #tpu.memory_space<semaphore_mem>>) src(%dma_wait3A_636 : memref<41779200xf32, #tpu.memory_space<hbm>>) dst(%dma_wait3A_632 : memref<128xf32, #tpu.memory_space<vmem>>)
    %dma_wait3A_637 = arith.constant 512 : i32
    %dma_wait3A_638 = tpu.memref_slice %arg7[%dma_wait3A_637] : memref<4096xf32, #tpu.memory_space<vmem>> -> memref<128xf32, #tpu.memory_space<vmem>>
    %dma_wait3A_639 = arith.constant 512 : i32
    %dma_wait3A_640 = tpu.memref_slice %arg6[%dma_wait3A_639] : memref<4096xi32, #tpu.memory_space<vmem>> -> memref<128xi32, #tpu.memory_space<vmem>>
    %dma_wait3A_641 = arith.constant 0 : i32
    %dma_wait3A_642 = tpu.memref_slice %arg2[%dma_wait3A_641] : memref<41779200xf32, #tpu.memory_space<hbm>> -> memref<41779200xf32, #tpu.memory_space<hbm>>
    tpu.wait_indirect_dma semaphore(%arg9 : memref<!tpu.dma_semaphore, #tpu.memory_space<semaphore_mem>>) src(%dma_wait3A_642 : memref<41779200xf32, #tpu.memory_space<hbm>>) dst(%dma_wait3A_638 : memref<128xf32, #tpu.memory_space<vmem>>)
    %dma_wait3A_643 = arith.constant 640 : i32
    %dma_wait3A_644 = tpu.memref_slice %arg7[%dma_wait3A_643] : memref<4096xf32, #tpu.memory_space<vmem>> -> memref<128xf32, #tpu.memory_space<vmem>>
    %dma_wait3A_645 = arith.constant 640 : i32
    %dma_wait3A_646 = tpu.memref_slice %arg6[%dma_wait3A_645] : memref<4096xi32, #tpu.memory_space<vmem>> -> memref<128xi32, #tpu.memory_space<vmem>>
    %dma_wait3A_647 = arith.constant 0 : i32
    %dma_wait3A_648 = tpu.memref_slice %arg2[%dma_wait3A_647] : memref<41779200xf32, #tpu.memory_space<hbm>> -> memref<41779200xf32, #tpu.memory_space<hbm>>
    tpu.wait_indirect_dma semaphore(%arg9 : memref<!tpu.dma_semaphore, #tpu.memory_space<semaphore_mem>>) src(%dma_wait3A_648 : memref<41779200xf32, #tpu.memory_space<hbm>>) dst(%dma_wait3A_644 : memref<128xf32, #tpu.memory_space<vmem>>)
    %dma_wait3A_649 = arith.constant 768 : i32
    %dma_wait3A_650 = tpu.memref_slice %arg7[%dma_wait3A_649] : memref<4096xf32, #tpu.memory_space<vmem>> -> memref<128xf32, #tpu.memory_space<vmem>>
    %dma_wait3A_651 = arith.constant 768 : i32
    %dma_wait3A_652 = tpu.memref_slice %arg6[%dma_wait3A_651] : memref<4096xi32, #tpu.memory_space<vmem>> -> memref<128xi32, #tpu.memory_space<vmem>>
    %dma_wait3A_653 = arith.constant 0 : i32
    %dma_wait3A_654 = tpu.memref_slice %arg2[%dma_wait3A_653] : memref<41779200xf32, #tpu.memory_space<hbm>> -> memref<41779200xf32, #tpu.memory_space<hbm>>
    tpu.wait_indirect_dma semaphore(%arg9 : memref<!tpu.dma_semaphore, #tpu.memory_space<semaphore_mem>>) src(%dma_wait3A_654 : memref<41779200xf32, #tpu.memory_space<hbm>>) dst(%dma_wait3A_650 : memref<128xf32, #tpu.memory_space<vmem>>)
    %dma_wait3A_655 = arith.constant 896 : i32
    %dma_wait3A_656 = tpu.memref_slice %arg7[%dma_wait3A_655] : memref<4096xf32, #tpu.memory_space<vmem>> -> memref<128xf32, #tpu.memory_space<vmem>>
    %dma_wait3A_657 = arith.constant 896 : i32
    %dma_wait3A_658 = tpu.memref_slice %arg6[%dma_wait3A_657] : memref<4096xi32, #tpu.memory_space<vmem>> -> memref<128xi32, #tpu.memory_space<vmem>>
    %dma_wait3A_659 = arith.constant 0 : i32
    %dma_wait3A_660 = tpu.memref_slice %arg2[%dma_wait3A_659] : memref<41779200xf32, #tpu.memory_space<hbm>> -> memref<41779200xf32, #tpu.memory_space<hbm>>
    tpu.wait_indirect_dma semaphore(%arg9 : memref<!tpu.dma_semaphore, #tpu.memory_space<semaphore_mem>>) src(%dma_wait3A_660 : memref<41779200xf32, #tpu.memory_space<hbm>>) dst(%dma_wait3A_656 : memref<128xf32, #tpu.memory_space<vmem>>)
    %dma_wait3A_661 = arith.constant 1024 : i32
    %dma_wait3A_662 = tpu.memref_slice %arg7[%dma_wait3A_661] : memref<4096xf32, #tpu.memory_space<vmem>> -> memref<128xf32, #tpu.memory_space<vmem>>
    %dma_wait3A_663 = arith.constant 1024 : i32
    %dma_wait3A_664 = tpu.memref_slice %arg6[%dma_wait3A_663] : memref<4096xi32, #tpu.memory_space<vmem>> -> memref<128xi32, #tpu.memory_space<vmem>>
    %dma_wait3A_665 = arith.constant 0 : i32
    %dma_wait3A_666 = tpu.memref_slice %arg2[%dma_wait3A_665] : memref<41779200xf32, #tpu.memory_space<hbm>> -> memref<41779200xf32, #tpu.memory_space<hbm>>
    tpu.wait_indirect_dma semaphore(%arg9 : memref<!tpu.dma_semaphore, #tpu.memory_space<semaphore_mem>>) src(%dma_wait3A_666 : memref<41779200xf32, #tpu.memory_space<hbm>>) dst(%dma_wait3A_662 : memref<128xf32, #tpu.memory_space<vmem>>)
    %dma_wait3A_667 = arith.constant 1152 : i32
    %dma_wait3A_668 = tpu.memref_slice %arg7[%dma_wait3A_667] : memref<4096xf32, #tpu.memory_space<vmem>> -> memref<128xf32, #tpu.memory_space<vmem>>
    %dma_wait3A_669 = arith.constant 1152 : i32
    %dma_wait3A_670 = tpu.memref_slice %arg6[%dma_wait3A_669] : memref<4096xi32, #tpu.memory_space<vmem>> -> memref<128xi32, #tpu.memory_space<vmem>>
    %dma_wait3A_671 = arith.constant 0 : i32
    %dma_wait3A_672 = tpu.memref_slice %arg2[%dma_wait3A_671] : memref<41779200xf32, #tpu.memory_space<hbm>> -> memref<41779200xf32, #tpu.memory_space<hbm>>
    tpu.wait_indirect_dma semaphore(%arg9 : memref<!tpu.dma_semaphore, #tpu.memory_space<semaphore_mem>>) src(%dma_wait3A_672 : memref<41779200xf32, #tpu.memory_space<hbm>>) dst(%dma_wait3A_668 : memref<128xf32, #tpu.memory_space<vmem>>)
    %dma_wait3A_673 = arith.constant 1280 : i32
    %dma_wait3A_674 = tpu.memref_slice %arg7[%dma_wait3A_673] : memref<4096xf32, #tpu.memory_space<vmem>> -> memref<128xf32, #tpu.memory_space<vmem>>
    %dma_wait3A_675 = arith.constant 1280 : i32
    %dma_wait3A_676 = tpu.memref_slice %arg6[%dma_wait3A_675] : memref<4096xi32, #tpu.memory_space<vmem>> -> memref<128xi32, #tpu.memory_space<vmem>>
    %dma_wait3A_677 = arith.constant 0 : i32
    %dma_wait3A_678 = tpu.memref_slice %arg2[%dma_wait3A_677] : memref<41779200xf32, #tpu.memory_space<hbm>> -> memref<41779200xf32, #tpu.memory_space<hbm>>
    tpu.wait_indirect_dma semaphore(%arg9 : memref<!tpu.dma_semaphore, #tpu.memory_space<semaphore_mem>>) src(%dma_wait3A_678 : memref<41779200xf32, #tpu.memory_space<hbm>>) dst(%dma_wait3A_674 : memref<128xf32, #tpu.memory_space<vmem>>)
    %dma_wait3A_679 = arith.constant 1408 : i32
    %dma_wait3A_680 = tpu.memref_slice %arg7[%dma_wait3A_679] : memref<4096xf32, #tpu.memory_space<vmem>> -> memref<128xf32, #tpu.memory_space<vmem>>
    %dma_wait3A_681 = arith.constant 1408 : i32
    %dma_wait3A_682 = tpu.memref_slice %arg6[%dma_wait3A_681] : memref<4096xi32, #tpu.memory_space<vmem>> -> memref<128xi32, #tpu.memory_space<vmem>>
    %dma_wait3A_683 = arith.constant 0 : i32
    %dma_wait3A_684 = tpu.memref_slice %arg2[%dma_wait3A_683] : memref<41779200xf32, #tpu.memory_space<hbm>> -> memref<41779200xf32, #tpu.memory_space<hbm>>
    tpu.wait_indirect_dma semaphore(%arg9 : memref<!tpu.dma_semaphore, #tpu.memory_space<semaphore_mem>>) src(%dma_wait3A_684 : memref<41779200xf32, #tpu.memory_space<hbm>>) dst(%dma_wait3A_680 : memref<128xf32, #tpu.memory_space<vmem>>)
    %dma_wait3A_685 = arith.constant 1536 : i32
    %dma_wait3A_686 = tpu.memref_slice %arg7[%dma_wait3A_685] : memref<4096xf32, #tpu.memory_space<vmem>> -> memref<128xf32, #tpu.memory_space<vmem>>
    %dma_wait3A_687 = arith.constant 1536 : i32
    %dma_wait3A_688 = tpu.memref_slice %arg6[%dma_wait3A_687] : memref<4096xi32, #tpu.memory_space<vmem>> -> memref<128xi32, #tpu.memory_space<vmem>>
    %dma_wait3A_689 = arith.constant 0 : i32
    %dma_wait3A_690 = tpu.memref_slice %arg2[%dma_wait3A_689] : memref<41779200xf32, #tpu.memory_space<hbm>> -> memref<41779200xf32, #tpu.memory_space<hbm>>
    tpu.wait_indirect_dma semaphore(%arg9 : memref<!tpu.dma_semaphore, #tpu.memory_space<semaphore_mem>>) src(%dma_wait3A_690 : memref<41779200xf32, #tpu.memory_space<hbm>>) dst(%dma_wait3A_686 : memref<128xf32, #tpu.memory_space<vmem>>)
    %dma_wait3A_691 = arith.constant 1664 : i32
    %dma_wait3A_692 = tpu.memref_slice %arg7[%dma_wait3A_691] : memref<4096xf32, #tpu.memory_space<vmem>> -> memref<128xf32, #tpu.memory_space<vmem>>
    %dma_wait3A_693 = arith.constant 1664 : i32
    %dma_wait3A_694 = tpu.memref_slice %arg6[%dma_wait3A_693] : memref<4096xi32, #tpu.memory_space<vmem>> -> memref<128xi32, #tpu.memory_space<vmem>>
    %dma_wait3A_695 = arith.constant 0 : i32
    %dma_wait3A_696 = tpu.memref_slice %arg2[%dma_wait3A_695] : memref<41779200xf32, #tpu.memory_space<hbm>> -> memref<41779200xf32, #tpu.memory_space<hbm>>
    tpu.wait_indirect_dma semaphore(%arg9 : memref<!tpu.dma_semaphore, #tpu.memory_space<semaphore_mem>>) src(%dma_wait3A_696 : memref<41779200xf32, #tpu.memory_space<hbm>>) dst(%dma_wait3A_692 : memref<128xf32, #tpu.memory_space<vmem>>)
    %dma_wait3A_697 = arith.constant 1792 : i32
    %dma_wait3A_698 = tpu.memref_slice %arg7[%dma_wait3A_697] : memref<4096xf32, #tpu.memory_space<vmem>> -> memref<128xf32, #tpu.memory_space<vmem>>
    %dma_wait3A_699 = arith.constant 1792 : i32
    %dma_wait3A_700 = tpu.memref_slice %arg6[%dma_wait3A_699] : memref<4096xi32, #tpu.memory_space<vmem>> -> memref<128xi32, #tpu.memory_space<vmem>>
    %dma_wait3A_701 = arith.constant 0 : i32
    %dma_wait3A_702 = tpu.memref_slice %arg2[%dma_wait3A_701] : memref<41779200xf32, #tpu.memory_space<hbm>> -> memref<41779200xf32, #tpu.memory_space<hbm>>
    tpu.wait_indirect_dma semaphore(%arg9 : memref<!tpu.dma_semaphore, #tpu.memory_space<semaphore_mem>>) src(%dma_wait3A_702 : memref<41779200xf32, #tpu.memory_space<hbm>>) dst(%dma_wait3A_698 : memref<128xf32, #tpu.memory_space<vmem>>)
    %dma_wait3A_703 = arith.constant 1920 : i32
    %dma_wait3A_704 = tpu.memref_slice %arg7[%dma_wait3A_703] : memref<4096xf32, #tpu.memory_space<vmem>> -> memref<128xf32, #tpu.memory_space<vmem>>
    %dma_wait3A_705 = arith.constant 1920 : i32
    %dma_wait3A_706 = tpu.memref_slice %arg6[%dma_wait3A_705] : memref<4096xi32, #tpu.memory_space<vmem>> -> memref<128xi32, #tpu.memory_space<vmem>>
    %dma_wait3A_707 = arith.constant 0 : i32
    %dma_wait3A_708 = tpu.memref_slice %arg2[%dma_wait3A_707] : memref<41779200xf32, #tpu.memory_space<hbm>> -> memref<41779200xf32, #tpu.memory_space<hbm>>
    tpu.wait_indirect_dma semaphore(%arg9 : memref<!tpu.dma_semaphore, #tpu.memory_space<semaphore_mem>>) src(%dma_wait3A_708 : memref<41779200xf32, #tpu.memory_space<hbm>>) dst(%dma_wait3A_704 : memref<128xf32, #tpu.memory_space<vmem>>)
    %dma_wait3A_709 = arith.constant 2048 : i32
    %dma_wait3A_710 = tpu.memref_slice %arg7[%dma_wait3A_709] : memref<4096xf32, #tpu.memory_space<vmem>> -> memref<128xf32, #tpu.memory_space<vmem>>
    %dma_wait3A_711 = arith.constant 2048 : i32
    %dma_wait3A_712 = tpu.memref_slice %arg6[%dma_wait3A_711] : memref<4096xi32, #tpu.memory_space<vmem>> -> memref<128xi32, #tpu.memory_space<vmem>>
    %dma_wait3A_713 = arith.constant 0 : i32
    %dma_wait3A_714 = tpu.memref_slice %arg2[%dma_wait3A_713] : memref<41779200xf32, #tpu.memory_space<hbm>> -> memref<41779200xf32, #tpu.memory_space<hbm>>
    tpu.wait_indirect_dma semaphore(%arg9 : memref<!tpu.dma_semaphore, #tpu.memory_space<semaphore_mem>>) src(%dma_wait3A_714 : memref<41779200xf32, #tpu.memory_space<hbm>>) dst(%dma_wait3A_710 : memref<128xf32, #tpu.memory_space<vmem>>)
    %dma_wait3A_715 = arith.constant 2176 : i32
    %dma_wait3A_716 = tpu.memref_slice %arg7[%dma_wait3A_715] : memref<4096xf32, #tpu.memory_space<vmem>> -> memref<128xf32, #tpu.memory_space<vmem>>
    %dma_wait3A_717 = arith.constant 2176 : i32
    %dma_wait3A_718 = tpu.memref_slice %arg6[%dma_wait3A_717] : memref<4096xi32, #tpu.memory_space<vmem>> -> memref<128xi32, #tpu.memory_space<vmem>>
    %dma_wait3A_719 = arith.constant 0 : i32
    %dma_wait3A_720 = tpu.memref_slice %arg2[%dma_wait3A_719] : memref<41779200xf32, #tpu.memory_space<hbm>> -> memref<41779200xf32, #tpu.memory_space<hbm>>
    tpu.wait_indirect_dma semaphore(%arg9 : memref<!tpu.dma_semaphore, #tpu.memory_space<semaphore_mem>>) src(%dma_wait3A_720 : memref<41779200xf32, #tpu.memory_space<hbm>>) dst(%dma_wait3A_716 : memref<128xf32, #tpu.memory_space<vmem>>)
    %dma_wait3A_721 = arith.constant 2304 : i32
    %dma_wait3A_722 = tpu.memref_slice %arg7[%dma_wait3A_721] : memref<4096xf32, #tpu.memory_space<vmem>> -> memref<128xf32, #tpu.memory_space<vmem>>
    %dma_wait3A_723 = arith.constant 2304 : i32
    %dma_wait3A_724 = tpu.memref_slice %arg6[%dma_wait3A_723] : memref<4096xi32, #tpu.memory_space<vmem>> -> memref<128xi32, #tpu.memory_space<vmem>>
    %dma_wait3A_725 = arith.constant 0 : i32
    %dma_wait3A_726 = tpu.memref_slice %arg2[%dma_wait3A_725] : memref<41779200xf32, #tpu.memory_space<hbm>> -> memref<41779200xf32, #tpu.memory_space<hbm>>
    tpu.wait_indirect_dma semaphore(%arg9 : memref<!tpu.dma_semaphore, #tpu.memory_space<semaphore_mem>>) src(%dma_wait3A_726 : memref<41779200xf32, #tpu.memory_space<hbm>>) dst(%dma_wait3A_722 : memref<128xf32, #tpu.memory_space<vmem>>)
    %dma_wait3A_727 = arith.constant 2432 : i32
    %dma_wait3A_728 = tpu.memref_slice %arg7[%dma_wait3A_727] : memref<4096xf32, #tpu.memory_space<vmem>> -> memref<128xf32, #tpu.memory_space<vmem>>
    %dma_wait3A_729 = arith.constant 2432 : i32
    %dma_wait3A_730 = tpu.memref_slice %arg6[%dma_wait3A_729] : memref<4096xi32, #tpu.memory_space<vmem>> -> memref<128xi32, #tpu.memory_space<vmem>>
    %dma_wait3A_731 = arith.constant 0 : i32
    %dma_wait3A_732 = tpu.memref_slice %arg2[%dma_wait3A_731] : memref<41779200xf32, #tpu.memory_space<hbm>> -> memref<41779200xf32, #tpu.memory_space<hbm>>
    tpu.wait_indirect_dma semaphore(%arg9 : memref<!tpu.dma_semaphore, #tpu.memory_space<semaphore_mem>>) src(%dma_wait3A_732 : memref<41779200xf32, #tpu.memory_space<hbm>>) dst(%dma_wait3A_728 : memref<128xf32, #tpu.memory_space<vmem>>)
    %dma_wait3A_733 = arith.constant 2560 : i32
    %dma_wait3A_734 = tpu.memref_slice %arg7[%dma_wait3A_733] : memref<4096xf32, #tpu.memory_space<vmem>> -> memref<128xf32, #tpu.memory_space<vmem>>
    %dma_wait3A_735 = arith.constant 2560 : i32
    %dma_wait3A_736 = tpu.memref_slice %arg6[%dma_wait3A_735] : memref<4096xi32, #tpu.memory_space<vmem>> -> memref<128xi32, #tpu.memory_space<vmem>>
    %dma_wait3A_737 = arith.constant 0 : i32
    %dma_wait3A_738 = tpu.memref_slice %arg2[%dma_wait3A_737] : memref<41779200xf32, #tpu.memory_space<hbm>> -> memref<41779200xf32, #tpu.memory_space<hbm>>
    tpu.wait_indirect_dma semaphore(%arg9 : memref<!tpu.dma_semaphore, #tpu.memory_space<semaphore_mem>>) src(%dma_wait3A_738 : memref<41779200xf32, #tpu.memory_space<hbm>>) dst(%dma_wait3A_734 : memref<128xf32, #tpu.memory_space<vmem>>)
    %dma_wait3A_739 = arith.constant 2688 : i32
    %dma_wait3A_740 = tpu.memref_slice %arg7[%dma_wait3A_739] : memref<4096xf32, #tpu.memory_space<vmem>> -> memref<128xf32, #tpu.memory_space<vmem>>
    %dma_wait3A_741 = arith.constant 2688 : i32
    %dma_wait3A_742 = tpu.memref_slice %arg6[%dma_wait3A_741] : memref<4096xi32, #tpu.memory_space<vmem>> -> memref<128xi32, #tpu.memory_space<vmem>>
    %dma_wait3A_743 = arith.constant 0 : i32
    %dma_wait3A_744 = tpu.memref_slice %arg2[%dma_wait3A_743] : memref<41779200xf32, #tpu.memory_space<hbm>> -> memref<41779200xf32, #tpu.memory_space<hbm>>
    tpu.wait_indirect_dma semaphore(%arg9 : memref<!tpu.dma_semaphore, #tpu.memory_space<semaphore_mem>>) src(%dma_wait3A_744 : memref<41779200xf32, #tpu.memory_space<hbm>>) dst(%dma_wait3A_740 : memref<128xf32, #tpu.memory_space<vmem>>)
    %dma_wait3A_745 = arith.constant 2816 : i32
    %dma_wait3A_746 = tpu.memref_slice %arg7[%dma_wait3A_745] : memref<4096xf32, #tpu.memory_space<vmem>> -> memref<128xf32, #tpu.memory_space<vmem>>
    %dma_wait3A_747 = arith.constant 2816 : i32
    %dma_wait3A_748 = tpu.memref_slice %arg6[%dma_wait3A_747] : memref<4096xi32, #tpu.memory_space<vmem>> -> memref<128xi32, #tpu.memory_space<vmem>>
    %dma_wait3A_749 = arith.constant 0 : i32
    %dma_wait3A_750 = tpu.memref_slice %arg2[%dma_wait3A_749] : memref<41779200xf32, #tpu.memory_space<hbm>> -> memref<41779200xf32, #tpu.memory_space<hbm>>
    tpu.wait_indirect_dma semaphore(%arg9 : memref<!tpu.dma_semaphore, #tpu.memory_space<semaphore_mem>>) src(%dma_wait3A_750 : memref<41779200xf32, #tpu.memory_space<hbm>>) dst(%dma_wait3A_746 : memref<128xf32, #tpu.memory_space<vmem>>)
    %dma_wait3A_751 = arith.constant 2944 : i32
    %dma_wait3A_752 = tpu.memref_slice %arg7[%dma_wait3A_751] : memref<4096xf32, #tpu.memory_space<vmem>> -> memref<128xf32, #tpu.memory_space<vmem>>
    %dma_wait3A_753 = arith.constant 2944 : i32
    %dma_wait3A_754 = tpu.memref_slice %arg6[%dma_wait3A_753] : memref<4096xi32, #tpu.memory_space<vmem>> -> memref<128xi32, #tpu.memory_space<vmem>>
    %dma_wait3A_755 = arith.constant 0 : i32
    %dma_wait3A_756 = tpu.memref_slice %arg2[%dma_wait3A_755] : memref<41779200xf32, #tpu.memory_space<hbm>> -> memref<41779200xf32, #tpu.memory_space<hbm>>
    tpu.wait_indirect_dma semaphore(%arg9 : memref<!tpu.dma_semaphore, #tpu.memory_space<semaphore_mem>>) src(%dma_wait3A_756 : memref<41779200xf32, #tpu.memory_space<hbm>>) dst(%dma_wait3A_752 : memref<128xf32, #tpu.memory_space<vmem>>)
    %dma_wait3A_757 = arith.constant 3072 : i32
    %dma_wait3A_758 = tpu.memref_slice %arg7[%dma_wait3A_757] : memref<4096xf32, #tpu.memory_space<vmem>> -> memref<128xf32, #tpu.memory_space<vmem>>
    %dma_wait3A_759 = arith.constant 3072 : i32
    %dma_wait3A_760 = tpu.memref_slice %arg6[%dma_wait3A_759] : memref<4096xi32, #tpu.memory_space<vmem>> -> memref<128xi32, #tpu.memory_space<vmem>>
    %dma_wait3A_761 = arith.constant 0 : i32
    %dma_wait3A_762 = tpu.memref_slice %arg2[%dma_wait3A_761] : memref<41779200xf32, #tpu.memory_space<hbm>> -> memref<41779200xf32, #tpu.memory_space<hbm>>
    tpu.wait_indirect_dma semaphore(%arg9 : memref<!tpu.dma_semaphore, #tpu.memory_space<semaphore_mem>>) src(%dma_wait3A_762 : memref<41779200xf32, #tpu.memory_space<hbm>>) dst(%dma_wait3A_758 : memref<128xf32, #tpu.memory_space<vmem>>)
    %dma_wait3A_763 = arith.constant 3200 : i32
    %dma_wait3A_764 = tpu.memref_slice %arg7[%dma_wait3A_763] : memref<4096xf32, #tpu.memory_space<vmem>> -> memref<128xf32, #tpu.memory_space<vmem>>
    %dma_wait3A_765 = arith.constant 3200 : i32
    %dma_wait3A_766 = tpu.memref_slice %arg6[%dma_wait3A_765] : memref<4096xi32, #tpu.memory_space<vmem>> -> memref<128xi32, #tpu.memory_space<vmem>>
    %dma_wait3A_767 = arith.constant 0 : i32
    %dma_wait3A_768 = tpu.memref_slice %arg2[%dma_wait3A_767] : memref<41779200xf32, #tpu.memory_space<hbm>> -> memref<41779200xf32, #tpu.memory_space<hbm>>
    tpu.wait_indirect_dma semaphore(%arg9 : memref<!tpu.dma_semaphore, #tpu.memory_space<semaphore_mem>>) src(%dma_wait3A_768 : memref<41779200xf32, #tpu.memory_space<hbm>>) dst(%dma_wait3A_764 : memref<128xf32, #tpu.memory_space<vmem>>)
    %dma_wait3A_769 = arith.constant 3328 : i32
    %dma_wait3A_770 = tpu.memref_slice %arg7[%dma_wait3A_769] : memref<4096xf32, #tpu.memory_space<vmem>> -> memref<128xf32, #tpu.memory_space<vmem>>
    %dma_wait3A_771 = arith.constant 3328 : i32
    %dma_wait3A_772 = tpu.memref_slice %arg6[%dma_wait3A_771] : memref<4096xi32, #tpu.memory_space<vmem>> -> memref<128xi32, #tpu.memory_space<vmem>>
    %dma_wait3A_773 = arith.constant 0 : i32
    %dma_wait3A_774 = tpu.memref_slice %arg2[%dma_wait3A_773] : memref<41779200xf32, #tpu.memory_space<hbm>> -> memref<41779200xf32, #tpu.memory_space<hbm>>
    tpu.wait_indirect_dma semaphore(%arg9 : memref<!tpu.dma_semaphore, #tpu.memory_space<semaphore_mem>>) src(%dma_wait3A_774 : memref<41779200xf32, #tpu.memory_space<hbm>>) dst(%dma_wait3A_770 : memref<128xf32, #tpu.memory_space<vmem>>)
    %dma_wait3A_775 = arith.constant 3456 : i32
    %dma_wait3A_776 = tpu.memref_slice %arg7[%dma_wait3A_775] : memref<4096xf32, #tpu.memory_space<vmem>> -> memref<128xf32, #tpu.memory_space<vmem>>
    %dma_wait3A_777 = arith.constant 3456 : i32
    %dma_wait3A_778 = tpu.memref_slice %arg6[%dma_wait3A_777] : memref<4096xi32, #tpu.memory_space<vmem>> -> memref<128xi32, #tpu.memory_space<vmem>>
    %dma_wait3A_779 = arith.constant 0 : i32
    %dma_wait3A_780 = tpu.memref_slice %arg2[%dma_wait3A_779] : memref<41779200xf32, #tpu.memory_space<hbm>> -> memref<41779200xf32, #tpu.memory_space<hbm>>
    tpu.wait_indirect_dma semaphore(%arg9 : memref<!tpu.dma_semaphore, #tpu.memory_space<semaphore_mem>>) src(%dma_wait3A_780 : memref<41779200xf32, #tpu.memory_space<hbm>>) dst(%dma_wait3A_776 : memref<128xf32, #tpu.memory_space<vmem>>)
    %dma_wait3A_781 = arith.constant 3584 : i32
    %dma_wait3A_782 = tpu.memref_slice %arg7[%dma_wait3A_781] : memref<4096xf32, #tpu.memory_space<vmem>> -> memref<128xf32, #tpu.memory_space<vmem>>
    %dma_wait3A_783 = arith.constant 3584 : i32
    %dma_wait3A_784 = tpu.memref_slice %arg6[%dma_wait3A_783] : memref<4096xi32, #tpu.memory_space<vmem>> -> memref<128xi32, #tpu.memory_space<vmem>>
    %dma_wait3A_785 = arith.constant 0 : i32
    %dma_wait3A_786 = tpu.memref_slice %arg2[%dma_wait3A_785] : memref<41779200xf32, #tpu.memory_space<hbm>> -> memref<41779200xf32, #tpu.memory_space<hbm>>
    tpu.wait_indirect_dma semaphore(%arg9 : memref<!tpu.dma_semaphore, #tpu.memory_space<semaphore_mem>>) src(%dma_wait3A_786 : memref<41779200xf32, #tpu.memory_space<hbm>>) dst(%dma_wait3A_782 : memref<128xf32, #tpu.memory_space<vmem>>)
    %dma_wait3A_787 = arith.constant 3712 : i32
    %dma_wait3A_788 = tpu.memref_slice %arg7[%dma_wait3A_787] : memref<4096xf32, #tpu.memory_space<vmem>> -> memref<128xf32, #tpu.memory_space<vmem>>
    %dma_wait3A_789 = arith.constant 3712 : i32
    %dma_wait3A_790 = tpu.memref_slice %arg6[%dma_wait3A_789] : memref<4096xi32, #tpu.memory_space<vmem>> -> memref<128xi32, #tpu.memory_space<vmem>>
    %dma_wait3A_791 = arith.constant 0 : i32
    %dma_wait3A_792 = tpu.memref_slice %arg2[%dma_wait3A_791] : memref<41779200xf32, #tpu.memory_space<hbm>> -> memref<41779200xf32, #tpu.memory_space<hbm>>
    tpu.wait_indirect_dma semaphore(%arg9 : memref<!tpu.dma_semaphore, #tpu.memory_space<semaphore_mem>>) src(%dma_wait3A_792 : memref<41779200xf32, #tpu.memory_space<hbm>>) dst(%dma_wait3A_788 : memref<128xf32, #tpu.memory_space<vmem>>)
    %dma_wait3A_793 = arith.constant 3840 : i32
    %dma_wait3A_794 = tpu.memref_slice %arg7[%dma_wait3A_793] : memref<4096xf32, #tpu.memory_space<vmem>> -> memref<128xf32, #tpu.memory_space<vmem>>
    %dma_wait3A_795 = arith.constant 3840 : i32
    %dma_wait3A_796 = tpu.memref_slice %arg6[%dma_wait3A_795] : memref<4096xi32, #tpu.memory_space<vmem>> -> memref<128xi32, #tpu.memory_space<vmem>>
    %dma_wait3A_797 = arith.constant 0 : i32
    %dma_wait3A_798 = tpu.memref_slice %arg2[%dma_wait3A_797] : memref<41779200xf32, #tpu.memory_space<hbm>> -> memref<41779200xf32, #tpu.memory_space<hbm>>
    tpu.wait_indirect_dma semaphore(%arg9 : memref<!tpu.dma_semaphore, #tpu.memory_space<semaphore_mem>>) src(%dma_wait3A_798 : memref<41779200xf32, #tpu.memory_space<hbm>>) dst(%dma_wait3A_794 : memref<128xf32, #tpu.memory_space<vmem>>)
    %dma_wait3A_799 = arith.constant 3968 : i32
    %dma_wait3A_800 = tpu.memref_slice %arg7[%dma_wait3A_799] : memref<4096xf32, #tpu.memory_space<vmem>> -> memref<128xf32, #tpu.memory_space<vmem>>
    %dma_wait3A_801 = arith.constant 3968 : i32
    %dma_wait3A_802 = tpu.memref_slice %arg6[%dma_wait3A_801] : memref<4096xi32, #tpu.memory_space<vmem>> -> memref<128xi32, #tpu.memory_space<vmem>>
    %dma_wait3A_803 = arith.constant 0 : i32
    %dma_wait3A_804 = tpu.memref_slice %arg2[%dma_wait3A_803] : memref<41779200xf32, #tpu.memory_space<hbm>> -> memref<41779200xf32, #tpu.memory_space<hbm>>
    tpu.wait_indirect_dma semaphore(%arg9 : memref<!tpu.dma_semaphore, #tpu.memory_space<semaphore_mem>>) src(%dma_wait3A_804 : memref<41779200xf32, #tpu.memory_space<hbm>>) dst(%dma_wait3A_800 : memref<128xf32, #tpu.memory_space<vmem>>)
    %scan3A_805 = arith.constant 0 : i32
    %scan3A_806 = arith.constant 0 : i32
    %scan3A_807 = arith.constant 256 : i32
    %scan3A_808 = arith.addi %scan3A_806, %scan3A_807 : i32
    %scan3A_809 = arith.constant 4 : i32
    %scan3A_810 = scf.for %scan3A_814 = %scan3A_806 to %scan3A_808 step %scan3A_809 iter_args(%scan3A_815 = %scan3A_805) -> (i32)  : i32 {
      %mul3A_816 = arith.constant 8 : i32
      %mul3A_817 = arith.muli %add3A, %mul3A_816 : i32
      %jit3A = arith.constant 32 : i32
      %div3A = arith.divsi %scan3A_814, %jit3A : i32
      %sign3A = arith.constant 0 : i32
      %sign3A_818 = arith.cmpi sgt, %scan3A_814, %sign3A : i32
      %sign3A_819 = arith.extui %sign3A_818 : i1 to i32
      %sign3A_820 = arith.constant 0 : i32
      %sign3A_821 = arith.cmpi slt, %scan3A_814, %sign3A_820 : i32
      %sign3A_822 = arith.extui %sign3A_821 : i1 to i32
      %sign3A_823 = arith.subi %sign3A_819, %sign3A_822 : i32
      %sign3A_824 = arith.constant 0 : i32
      %sign3A_825 = arith.cmpi sgt, %jit3A, %sign3A_824 : i32
      %sign3A_826 = arith.extui %sign3A_825 : i1 to i32
      %sign3A_827 = arith.constant 0 : i32
      %sign3A_828 = arith.cmpi slt, %jit3A, %sign3A_827 : i32
      %sign3A_829 = arith.extui %sign3A_828 : i1 to i32
      %sign3A_830 = arith.subi %sign3A_826, %sign3A_829 : i32
      %ne3A = arith.cmpi ne, %sign3A_823, %sign3A_830 : i32
      %rem3A = arith.remsi %scan3A_814, %jit3A : i32
      %ne3A_831 = arith.constant 0 : i32
      %ne3A_832 = arith.cmpi ne, %rem3A, %ne3A_831 : i32
      %and3A = arith.andi %ne3A, %ne3A_832 : i1
      %sub3A = arith.constant 1 : i32
      %sub3A_833 = arith.subi %div3A, %sub3A : i32
      %select_n3A = arith.select %and3A, %sub3A_833, %div3A : i32
      %add3A_834 = arith.addi %mul3A_817, %select_n3A : i32
      %jit3A_835 = arith.constant 32 : i32
      %eq3A = arith.constant 0 : i32
      %eq3A_836 = arith.cmpi eq, %jit3A_835, %eq3A : i32
      %jit3A_837 = arith.constant 1 : i32
      %select_n3A_838 = arith.select %eq3A_836, %jit3A_837, %jit3A_835 : i32
      %rem3A_839 = arith.remsi %scan3A_814, %select_n3A_838 : i32
      %ne3A_840 = arith.constant 0 : i32
      %ne3A_841 = arith.cmpi ne, %rem3A_839, %ne3A_840 : i32
      %lt3A = arith.constant 0 : i32
      %lt3A_842 = arith.cmpi slt, %rem3A_839, %lt3A : i32
      %lt3A_843 = arith.constant 0 : i32
      %lt3A_844 = arith.cmpi slt, %select_n3A_838, %lt3A_843 : i32
      %ne3A_845 = arith.xori %lt3A_842, %lt3A_844 : i1
      %and3A_846 = arith.andi %ne3A_845, %ne3A_841 : i1
      %add3A_847 = arith.addi %rem3A_839, %select_n3A_838 : i32
      %select_n3A_848 = arith.select %and3A_846, %add3A_847, %rem3A_839 : i32
      %jit3A_849 = arith.constant 4 : i32
      %div3A_850 = arith.divsi %select_n3A_848, %jit3A_849 : i32
      %sign3A_851 = arith.constant 0 : i32
      %sign3A_852 = arith.cmpi sgt, %select_n3A_848, %sign3A_851 : i32
      %sign3A_853 = arith.extui %sign3A_852 : i1 to i32
      %sign3A_854 = arith.constant 0 : i32
      %sign3A_855 = arith.cmpi slt, %select_n3A_848, %sign3A_854 : i32
      %sign3A_856 = arith.extui %sign3A_855 : i1 to i32
      %sign3A_857 = arith.subi %sign3A_853, %sign3A_856 : i32
      %sign3A_858 = arith.constant 0 : i32
      %sign3A_859 = arith.cmpi sgt, %jit3A_849, %sign3A_858 : i32
      %sign3A_860 = arith.extui %sign3A_859 : i1 to i32
      %sign3A_861 = arith.constant 0 : i32
      %sign3A_862 = arith.cmpi slt, %jit3A_849, %sign3A_861 : i32
      %sign3A_863 = arith.extui %sign3A_862 : i1 to i32
      %sign3A_864 = arith.subi %sign3A_860, %sign3A_863 : i32
      %ne3A_865 = arith.cmpi ne, %sign3A_857, %sign3A_864 : i32
      %rem3A_866 = arith.remsi %select_n3A_848, %jit3A_849 : i32
      %ne3A_867 = arith.constant 0 : i32
      %ne3A_868 = arith.cmpi ne, %rem3A_866, %ne3A_867 : i32
      %and3A_869 = arith.andi %ne3A_865, %ne3A_868 : i1
      %sub3A_870 = arith.constant 1 : i32
      %sub3A_871 = arith.subi %div3A_850, %sub3A_870 : i32
      %select_n3A_872 = arith.select %and3A_869, %sub3A_871, %div3A_850 : i32
      %jit3A_873 = arith.constant 4 : i32
      %eq3A_874 = arith.constant 0 : i32
      %eq3A_875 = arith.cmpi eq, %jit3A_873, %eq3A_874 : i32
      %jit3A_876 = arith.constant 1 : i32
      %select_n3A_877 = arith.select %eq3A_875, %jit3A_876, %jit3A_873 : i32
      %rem3A_878 = arith.remsi %select_n3A_848, %select_n3A_877 : i32
      %ne3A_879 = arith.constant 0 : i32
      %ne3A_880 = arith.cmpi ne, %rem3A_878, %ne3A_879 : i32
      %lt3A_881 = arith.constant 0 : i32
      %lt3A_882 = arith.cmpi slt, %rem3A_878, %lt3A_881 : i32
      %lt3A_883 = arith.constant 0 : i32
      %lt3A_884 = arith.cmpi slt, %select_n3A_877, %lt3A_883 : i32
      %ne3A_885 = arith.xori %lt3A_882, %lt3A_884 : i1
      %and3A_886 = arith.andi %ne3A_885, %ne3A_880 : i1
      %add3A_887 = arith.addi %rem3A_878, %select_n3A_877 : i32
      %select_n3A_888 = arith.select %and3A_886, %add3A_887, %rem3A_878 : i32
      %mul3A_889 = arith.constant 16 : i32
      %mul3A_890 = arith.muli %select_n3A_888, %mul3A_889 : i32
      %add3A_891 = vector.broadcast %mul3A_890 : i32 to vector<16xi32>
      %add3A_892 = arith.addi %add3A_891, %iota3A_413 : vector<16xi32>
      %sub3A_893 = vector.broadcast %add3A_834 : i32 to vector<16xi32>
      %sub3A_894 = arith.subi %sub3A_893, %add3A_892 : vector<16xi32>
      %ge3A = arith.constant 0 : i32
      %ge3A_895 = vector.broadcast %ge3A : i32 to vector<16xi32>
      %ge3A_896 = arith.cmpi sge, %sub3A_894, %ge3A_895 : vector<16xi32>
      %lt3A_897 = arith.constant 200 : i32
      %lt3A_898 = vector.broadcast %lt3A_897 : i32 to vector<16xi32>
      %lt3A_899 = arith.cmpi slt, %sub3A_894, %lt3A_898 : vector<16xi32>
      %and3A_900 = arith.andi %ge3A_896, %lt3A_899 : vector<16xi1>
      %lt3A_901 = arith.constant 50 : i32
      %lt3A_902 = vector.broadcast %lt3A_901 : i32 to vector<16xi32>
      %lt3A_903 = arith.cmpi slt, %add3A_892, %lt3A_902 : vector<16xi32>
      %and3A_904 = arith.andi %and3A_900, %lt3A_903 : vector<16xi1>
      %mul3A_905 = arith.constant 16 : i32
      %mul3A_906 = arith.muli %scan3A_814, %mul3A_905 : i32
      %get3A = arith.index_cast %mul3A_906 : i32 to index
      %get3A_907 = tpu.vector_load %arg7[%get3A] {strides = array<i32>} : memref<4096xf32, #tpu.memory_space<vmem>>, vector<16xf32>,
      %get3A_908 = vector.shape_cast %get3A_907 : vector<16xf32> to vector<16xf32>
      %jit3A_909 = arith.constant -1.000000e+30 : f32
      %broadcast_in_dim3A = vector.broadcast %jit3A_909 : f32 to vector<16xf32>
      %select_n3A_910 = arith.select %and3A_904, %get3A_908, %broadcast_in_dim3A : vector<16xi1>, vector<16xf32>
      %mul3A_911 = arith.constant 16 : i32
      %mul3A_912 = arith.muli %scan3A_814, %mul3A_911 : i32
      %swap3A = arith.index_cast %mul3A_912 : i32 to index
      %swap3A_913 = tpu.vector_load %arg7[%swap3A] {strides = array<i32>} : memref<4096xf32, #tpu.memory_space<vmem>>, vector<16xf32>,
      %swap3A_914 = vector.shape_cast %swap3A_913 : vector<16xf32> to vector<16xf32>
      %swap3A_915 = vector.shape_cast %select_n3A_910 : vector<16xf32> to vector<16xf32>
      tpu.vector_store %arg7[%swap3A], %swap3A_915 {strides = array<i32>} : memref<4096xf32, #tpu.memory_space<vmem>>, vector<16xf32>,
      %scan3A_916 = arith.constant 0 : i32
      %scan3A_917 = arith.constant 1 : i32
      %scan3A_918 = arith.addi %scan3A_814, %scan3A_917 : i32
      %mul3A_919 = arith.constant 8 : i32
      %mul3A_920 = arith.muli %add3A, %mul3A_919 : i32
      %jit3A_921 = arith.constant 32 : i32
      %div3A_922 = arith.divsi %scan3A_918, %jit3A_921 : i32
      %sign3A_923 = arith.constant 0 : i32
      %sign3A_924 = arith.cmpi sgt, %scan3A_918, %sign3A_923 : i32
      %sign3A_925 = arith.extui %sign3A_924 : i1 to i32
      %sign3A_926 = arith.constant 0 : i32
      %sign3A_927 = arith.cmpi slt, %scan3A_918, %sign3A_926 : i32
      %sign3A_928 = arith.extui %sign3A_927 : i1 to i32
      %sign3A_929 = arith.subi %sign3A_925, %sign3A_928 : i32
      %sign3A_930 = arith.constant 0 : i32
      %sign3A_931 = arith.cmpi sgt, %jit3A_921, %sign3A_930 : i32
      %sign3A_932 = arith.extui %sign3A_931 : i1 to i32
      %sign3A_933 = arith.constant 0 : i32
      %sign3A_934 = arith.cmpi slt, %jit3A_921, %sign3A_933 : i32
      %sign3A_935 = arith.extui %sign3A_934 : i1 to i32
      %sign3A_936 = arith.subi %sign3A_932, %sign3A_935 : i32
      %ne3A_937 = arith.cmpi ne, %sign3A_929, %sign3A_936 : i32
      %rem3A_938 = arith.remsi %scan3A_918, %jit3A_921 : i32
      %ne3A_939 = arith.constant 0 : i32
      %ne3A_940 = arith.cmpi ne, %rem3A_938, %ne3A_939 : i32
      %and3A_941 = arith.andi %ne3A_937, %ne3A_940 : i1
      %sub3A_942 = arith.constant 1 : i32
      %sub3A_943 = arith.subi %div3A_922, %sub3A_942 : i32
      %select_n3A_944 = arith.select %and3A_941, %sub3A_943, %div3A_922 : i32
      %add3A_945 = arith.addi %mul3A_920, %select_n3A_944 : i32
      %jit3A_946 = arith.constant 32 : i32
      %eq3A_947 = arith.constant 0 : i32
      %eq3A_948 = arith.cmpi eq, %jit3A_946, %eq3A_947 : i32
      %jit3A_949 = arith.constant 1 : i32
      %select_n3A_950 = arith.select %eq3A_948, %jit3A_949, %jit3A_946 : i32
      %rem3A_951 = arith.remsi %scan3A_918, %select_n3A_950 : i32
      %ne3A_952 = arith.constant 0 : i32
      %ne3A_953 = arith.cmpi ne, %rem3A_951, %ne3A_952 : i32
      %lt3A_954 = arith.constant 0 : i32
      %lt3A_955 = arith.cmpi slt, %rem3A_951, %lt3A_954 : i32
      %lt3A_956 = arith.constant 0 : i32
      %lt3A_957 = arith.cmpi slt, %select_n3A_950, %lt3A_956 : i32
      %ne3A_958 = arith.xori %lt3A_955, %lt3A_957 : i1
      %and3A_959 = arith.andi %ne3A_958, %ne3A_953 : i1
      %add3A_960 = arith.addi %rem3A_951, %select_n3A_950 : i32
      %select_n3A_961 = arith.select %and3A_959, %add3A_960, %rem3A_951 : i32
      %jit3A_962 = arith.constant 4 : i32
      %div3A_963 = arith.divsi %select_n3A_961, %jit3A_962 : i32
      %sign3A_964 = arith.constant 0 : i32
      %sign3A_965 = arith.cmpi sgt, %select_n3A_961, %sign3A_964 : i32
      %sign3A_966 = arith.extui %sign3A_965 : i1 to i32
      %sign3A_967 = arith.constant 0 : i32
      %sign3A_968 = arith.cmpi slt, %select_n3A_961, %sign3A_967 : i32
      %sign3A_969 = arith.extui %sign3A_968 : i1 to i32
      %sign3A_970 = arith.subi %sign3A_966, %sign3A_969 : i32
      %sign3A_971 = arith.constant 0 : i32
      %sign3A_972 = arith.cmpi sgt, %jit3A_962, %sign3A_971 : i32
      %sign3A_973 = arith.extui %sign3A_972 : i1 to i32
      %sign3A_974 = arith.constant 0 : i32
      %sign3A_975 = arith.cmpi slt, %jit3A_962, %sign3A_974 : i32
      %sign3A_976 = arith.extui %sign3A_975 : i1 to i32
      %sign3A_977 = arith.subi %sign3A_973, %sign3A_976 : i32
      %ne3A_978 = arith.cmpi ne, %sign3A_970, %sign3A_977 : i32
      %rem3A_979 = arith.remsi %select_n3A_961, %jit3A_962 : i32
      %ne3A_980 = arith.constant 0 : i32
      %ne3A_981 = arith.cmpi ne, %rem3A_979, %ne3A_980 : i32
      %and3A_982 = arith.andi %ne3A_978, %ne3A_981 : i1
      %sub3A_983 = arith.constant 1 : i32
      %sub3A_984 = arith.subi %div3A_963, %sub3A_983 : i32
      %select_n3A_985 = arith.select %and3A_982, %sub3A_984, %div3A_963 : i32
      %jit3A_986 = arith.constant 4 : i32
      %eq3A_987 = arith.constant 0 : i32
      %eq3A_988 = arith.cmpi eq, %jit3A_986, %eq3A_987 : i32
      %jit3A_989 = arith.constant 1 : i32
      %select_n3A_990 = arith.select %eq3A_988, %jit3A_989, %jit3A_986 : i32
      %rem3A_991 = arith.remsi %select_n3A_961, %select_n3A_990 : i32
      %ne3A_992 = arith.constant 0 : i32
      %ne3A_993 = arith.cmpi ne, %rem3A_991, %ne3A_992 : i32
      %lt3A_994 = arith.constant 0 : i32
      %lt3A_995 = arith.cmpi slt, %rem3A_991, %lt3A_994 : i32
      %lt3A_996 = arith.constant 0 : i32
      %lt3A_997 = arith.cmpi slt, %select_n3A_990, %lt3A_996 : i32
      %ne3A_998 = arith.xori %lt3A_995, %lt3A_997 : i1
      %and3A_999 = arith.andi %ne3A_998, %ne3A_993 : i1
      %add3A_1000 = arith.addi %rem3A_991, %select_n3A_990 : i32
      %select_n3A_1001 = arith.select %and3A_999, %add3A_1000, %rem3A_991 : i32
      %mul3A_1002 = arith.constant 16 : i32
      %mul3A_1003 = arith.muli %select_n3A_1001, %mul3A_1002 : i32
      %add3A_1004 = vector.broadcast %mul3A_1003 : i32 to vector<16xi32>
      %add3A_1005 = arith.addi %add3A_1004, %iota3A_413 : vector<16xi32>
      %sub3A_1006 = vector.broadcast %add3A_945 : i32 to vector<16xi32>
      %sub3A_1007 = arith.subi %sub3A_1006, %add3A_1005 : vector<16xi32>
      %ge3A_1008 = arith.constant 0 : i32
      %ge3A_1009 = vector.broadcast %ge3A_1008 : i32 to vector<16xi32>
      %ge3A_1010 = arith.cmpi sge, %sub3A_1007, %ge3A_1009 : vector<16xi32>
      %lt3A_1011 = arith.constant 200 : i32
      %lt3A_1012 = vector.broadcast %lt3A_1011 : i32 to vector<16xi32>
      %lt3A_1013 = arith.cmpi slt, %sub3A_1007, %lt3A_1012 : vector<16xi32>
      %and3A_1014 = arith.andi %ge3A_1010, %lt3A_1013 : vector<16xi1>
      %lt3A_1015 = arith.constant 50 : i32
      %lt3A_1016 = vector.broadcast %lt3A_1015 : i32 to vector<16xi32>
      %lt3A_1017 = arith.cmpi slt, %add3A_1005, %lt3A_1016 : vector<16xi32>
      %and3A_1018 = arith.andi %and3A_1014, %lt3A_1017 : vector<16xi1>
      %mul3A_1019 = arith.constant 16 : i32
      %mul3A_1020 = arith.muli %scan3A_918, %mul3A_1019 : i32
      %get3A_1021 = arith.index_cast %mul3A_1020 : i32 to index
      %get3A_1022 = tpu.vector_load %arg7[%get3A_1021] {strides = array<i32>} : memref<4096xf32, #tpu.memory_space<vmem>>, vector<16xf32>,
      %get3A_1023 = vector.shape_cast %get3A_1022 : vector<16xf32> to vector<16xf32>
      %jit3A_1024 = arith.constant -1.000000e+30 : f32
      %broadcast_in_dim3A_1025 = vector.broadcast %jit3A_1024 : f32 to vector<16xf32>
      %select_n3A_1026 = arith.select %and3A_1018, %get3A_1023, %broadcast_in_dim3A_1025 : vector<16xi1>, vector<16xf32>
      %mul3A_1027 = arith.constant 16 : i32
      %mul3A_1028 = arith.muli %scan3A_918, %mul3A_1027 : i32
      %swap3A_1029 = arith.index_cast %mul3A_1028 : i32 to index
      %swap3A_1030 = tpu.vector_load %arg7[%swap3A_1029] {strides = array<i32>} : memref<4096xf32, #tpu.memory_space<vmem>>, vector<16xf32>,
      %swap3A_1031 = vector.shape_cast %swap3A_1030 : vector<16xf32> to vector<16xf32>
      %swap3A_1032 = vector.shape_cast %select_n3A_1026 : vector<16xf32> to vector<16xf32>
      tpu.vector_store %arg7[%swap3A_1029], %swap3A_1032 {strides = array<i32>} : memref<4096xf32, #tpu.memory_space<vmem>>, vector<16xf32>,
      %scan3A_1033 = arith.constant 0 : i32
      %scan3A_1034 = arith.constant 2 : i32
      %scan3A_1035 = arith.addi %scan3A_814, %scan3A_1034 : i32
      %mul3A_1036 = arith.constant 8 : i32
      %mul3A_1037 = arith.muli %add3A, %mul3A_1036 : i32
      %jit3A_1038 = arith.constant 32 : i32
      %div3A_1039 = arith.divsi %scan3A_1035, %jit3A_1038 : i32
      %sign3A_1040 = arith.constant 0 : i32
      %sign3A_1041 = arith.cmpi sgt, %scan3A_1035, %sign3A_1040 : i32
      %sign3A_1042 = arith.extui %sign3A_1041 : i1 to i32
      %sign3A_1043 = arith.constant 0 : i32
      %sign3A_1044 = arith.cmpi slt, %scan3A_1035, %sign3A_1043 : i32
      %sign3A_1045 = arith.extui %sign3A_1044 : i1 to i32
      %sign3A_1046 = arith.subi %sign3A_1042, %sign3A_1045 : i32
      %sign3A_1047 = arith.constant 0 : i32
      %sign3A_1048 = arith.cmpi sgt, %jit3A_1038, %sign3A_1047 : i32
      %sign3A_1049 = arith.extui %sign3A_1048 : i1 to i32
      %sign3A_1050 = arith.constant 0 : i32
      %sign3A_1051 = arith.cmpi slt, %jit3A_1038, %sign3A_1050 : i32
      %sign3A_1052 = arith.extui %sign3A_1051 : i1 to i32
      %sign3A_1053 = arith.subi %sign3A_1049, %sign3A_1052 : i32
      %ne3A_1054 = arith.cmpi ne, %sign3A_1046, %sign3A_1053 : i32
      %rem3A_1055 = arith.remsi %scan3A_1035, %jit3A_1038 : i32
      %ne3A_1056 = arith.constant 0 : i32
      %ne3A_1057 = arith.cmpi ne, %rem3A_1055, %ne3A_1056 : i32
      %and3A_1058 = arith.andi %ne3A_1054, %ne3A_1057 : i1
      %sub3A_1059 = arith.constant 1 : i32
      %sub3A_1060 = arith.subi %div3A_1039, %sub3A_1059 : i32
      %select_n3A_1061 = arith.select %and3A_1058, %sub3A_1060, %div3A_1039 : i32
      %add3A_1062 = arith.addi %mul3A_1037, %select_n3A_1061 : i32
      %jit3A_1063 = arith.constant 32 : i32
      %eq3A_1064 = arith.constant 0 : i32
      %eq3A_1065 = arith.cmpi eq, %jit3A_1063, %eq3A_1064 : i32
      %jit3A_1066 = arith.constant 1 : i32
      %select_n3A_1067 = arith.select %eq3A_1065, %jit3A_1066, %jit3A_1063 : i32
      %rem3A_1068 = arith.remsi %scan3A_1035, %select_n3A_1067 : i32
      %ne3A_1069 = arith.constant 0 : i32
      %ne3A_1070 = arith.cmpi ne, %rem3A_1068, %ne3A_1069 : i32
      %lt3A_1071 = arith.constant 0 : i32
      %lt3A_1072 = arith.cmpi slt, %rem3A_1068, %lt3A_1071 : i32
      %lt3A_1073 = arith.constant 0 : i32
      %lt3A_1074 = arith.cmpi slt, %select_n3A_1067, %lt3A_1073 : i32
      %ne3A_1075 = arith.xori %lt3A_1072, %lt3A_1074 : i1
      %and3A_1076 = arith.andi %ne3A_1075, %ne3A_1070 : i1
      %add3A_1077 = arith.addi %rem3A_1068, %select_n3A_1067 : i32
      %select_n3A_1078 = arith.select %and3A_1076, %add3A_1077, %rem3A_1068 : i32
      %jit3A_1079 = arith.constant 4 : i32
      %div3A_1080 = arith.divsi %select_n3A_1078, %jit3A_1079 : i32
      %sign3A_1081 = arith.constant 0 : i32
      %sign3A_1082 = arith.cmpi sgt, %select_n3A_1078, %sign3A_1081 : i32
      %sign3A_1083 = arith.extui %sign3A_1082 : i1 to i32
      %sign3A_1084 = arith.constant 0 : i32
      %sign3A_1085 = arith.cmpi slt, %select_n3A_1078, %sign3A_1084 : i32
      %sign3A_1086 = arith.extui %sign3A_1085 : i1 to i32
      %sign3A_1087 = arith.subi %sign3A_1083, %sign3A_1086 : i32
      %sign3A_1088 = arith.constant 0 : i32
      %sign3A_1089 = arith.cmpi sgt, %jit3A_1079, %sign3A_1088 : i32
      %sign3A_1090 = arith.extui %sign3A_1089 : i1 to i32
      %sign3A_1091 = arith.constant 0 : i32
      %sign3A_1092 = arith.cmpi slt, %jit3A_1079, %sign3A_1091 : i32
      %sign3A_1093 = arith.extui %sign3A_1092 : i1 to i32
      %sign3A_1094 = arith.subi %sign3A_1090, %sign3A_1093 : i32
      %ne3A_1095 = arith.cmpi ne, %sign3A_1087, %sign3A_1094 : i32
      %rem3A_1096 = arith.remsi %select_n3A_1078, %jit3A_1079 : i32
      %ne3A_1097 = arith.constant 0 : i32
      %ne3A_1098 = arith.cmpi ne, %rem3A_1096, %ne3A_1097 : i32
      %and3A_1099 = arith.andi %ne3A_1095, %ne3A_1098 : i1
      %sub3A_1100 = arith.constant 1 : i32
      %sub3A_1101 = arith.subi %div3A_1080, %sub3A_1100 : i32
      %select_n3A_1102 = arith.select %and3A_1099, %sub3A_1101, %div3A_1080 : i32
      %jit3A_1103 = arith.constant 4 : i32
      %eq3A_1104 = arith.constant 0 : i32
      %eq3A_1105 = arith.cmpi eq, %jit3A_1103, %eq3A_1104 : i32
      %jit3A_1106 = arith.constant 1 : i32
      %select_n3A_1107 = arith.select %eq3A_1105, %jit3A_1106, %jit3A_1103 : i32
      %rem3A_1108 = arith.remsi %select_n3A_1078, %select_n3A_1107 : i32
      %ne3A_1109 = arith.constant 0 : i32
      %ne3A_1110 = arith.cmpi ne, %rem3A_1108, %ne3A_1109 : i32
      %lt3A_1111 = arith.constant 0 : i32
      %lt3A_1112 = arith.cmpi slt, %rem3A_1108, %lt3A_1111 : i32
      %lt3A_1113 = arith.constant 0 : i32
      %lt3A_1114 = arith.cmpi slt, %select_n3A_1107, %lt3A_1113 : i32
      %ne3A_1115 = arith.xori %lt3A_1112, %lt3A_1114 : i1
      %and3A_1116 = arith.andi %ne3A_1115, %ne3A_1110 : i1
      %add3A_1117 = arith.addi %rem3A_1108, %select_n3A_1107 : i32
      %select_n3A_1118 = arith.select %and3A_1116, %add3A_1117, %rem3A_1108 : i32
      %mul3A_1119 = arith.constant 16 : i32
      %mul3A_1120 = arith.muli %select_n3A_1118, %mul3A_1119 : i32
      %add3A_1121 = vector.broadcast %mul3A_1120 : i32 to vector<16xi32>
      %add3A_1122 = arith.addi %add3A_1121, %iota3A_413 : vector<16xi32>
      %sub3A_1123 = vector.broadcast %add3A_1062 : i32 to vector<16xi32>
      %sub3A_1124 = arith.subi %sub3A_1123, %add3A_1122 : vector<16xi32>
      %ge3A_1125 = arith.constant 0 : i32
      %ge3A_1126 = vector.broadcast %ge3A_1125 : i32 to vector<16xi32>
      %ge3A_1127 = arith.cmpi sge, %sub3A_1124, %ge3A_1126 : vector<16xi32>
      %lt3A_1128 = arith.constant 200 : i32
      %lt3A_1129 = vector.broadcast %lt3A_1128 : i32 to vector<16xi32>
      %lt3A_1130 = arith.cmpi slt, %sub3A_1124, %lt3A_1129 : vector<16xi32>
      %and3A_1131 = arith.andi %ge3A_1127, %lt3A_1130 : vector<16xi1>
      %lt3A_1132 = arith.constant 50 : i32
      %lt3A_1133 = vector.broadcast %lt3A_1132 : i32 to vector<16xi32>
      %lt3A_1134 = arith.cmpi slt, %add3A_1122, %lt3A_1133 : vector<16xi32>
      %and3A_1135 = arith.andi %and3A_1131, %lt3A_1134 : vector<16xi1>
      %mul3A_1136 = arith.constant 16 : i32
      %mul3A_1137 = arith.muli %scan3A_1035, %mul3A_1136 : i32
      %get3A_1138 = arith.index_cast %mul3A_1137 : i32 to index
      %get3A_1139 = tpu.vector_load %arg7[%get3A_1138] {strides = array<i32>} : memref<4096xf32, #tpu.memory_space<vmem>>, vector<16xf32>,
      %get3A_1140 = vector.shape_cast %get3A_1139 : vector<16xf32> to vector<16xf32>
      %jit3A_1141 = arith.constant -1.000000e+30 : f32
      %broadcast_in_dim3A_1142 = vector.broadcast %jit3A_1141 : f32 to vector<16xf32>
      %select_n3A_1143 = arith.select %and3A_1135, %get3A_1140, %broadcast_in_dim3A_1142 : vector<16xi1>, vector<16xf32>
      %mul3A_1144 = arith.constant 16 : i32
      %mul3A_1145 = arith.muli %scan3A_1035, %mul3A_1144 : i32
      %swap3A_1146 = arith.index_cast %mul3A_1145 : i32 to index
      %swap3A_1147 = tpu.vector_load %arg7[%swap3A_1146] {strides = array<i32>} : memref<4096xf32, #tpu.memory_space<vmem>>, vector<16xf32>,
      %swap3A_1148 = vector.shape_cast %swap3A_1147 : vector<16xf32> to vector<16xf32>
      %swap3A_1149 = vector.shape_cast %select_n3A_1143 : vector<16xf32> to vector<16xf32>
      tpu.vector_store %arg7[%swap3A_1146], %swap3A_1149 {strides = array<i32>} : memref<4096xf32, #tpu.memory_space<vmem>>, vector<16xf32>,
      %scan3A_1150 = arith.constant 0 : i32
      %scan3A_1151 = arith.constant 3 : i32
      %scan3A_1152 = arith.addi %scan3A_814, %scan3A_1151 : i32
      %mul3A_1153 = arith.constant 8 : i32
      %mul3A_1154 = arith.muli %add3A, %mul3A_1153 : i32
      %jit3A_1155 = arith.constant 32 : i32
      %div3A_1156 = arith.divsi %scan3A_1152, %jit3A_1155 : i32
      %sign3A_1157 = arith.constant 0 : i32
      %sign3A_1158 = arith.cmpi sgt, %scan3A_1152, %sign3A_1157 : i32
      %sign3A_1159 = arith.extui %sign3A_1158 : i1 to i32
      %sign3A_1160 = arith.constant 0 : i32
      %sign3A_1161 = arith.cmpi slt, %scan3A_1152, %sign3A_1160 : i32
      %sign3A_1162 = arith.extui %sign3A_1161 : i1 to i32
      %sign3A_1163 = arith.subi %sign3A_1159, %sign3A_1162 : i32
      %sign3A_1164 = arith.constant 0 : i32
      %sign3A_1165 = arith.cmpi sgt, %jit3A_1155, %sign3A_1164 : i32
      %sign3A_1166 = arith.extui %sign3A_1165 : i1 to i32
      %sign3A_1167 = arith.constant 0 : i32
      %sign3A_1168 = arith.cmpi slt, %jit3A_1155, %sign3A_1167 : i32
      %sign3A_1169 = arith.extui %sign3A_1168 : i1 to i32
      %sign3A_1170 = arith.subi %sign3A_1166, %sign3A_1169 : i32
      %ne3A_1171 = arith.cmpi ne, %sign3A_1163, %sign3A_1170 : i32
      %rem3A_1172 = arith.remsi %scan3A_1152, %jit3A_1155 : i32
      %ne3A_1173 = arith.constant 0 : i32
      %ne3A_1174 = arith.cmpi ne, %rem3A_1172, %ne3A_1173 : i32
      %and3A_1175 = arith.andi %ne3A_1171, %ne3A_1174 : i1
      %sub3A_1176 = arith.constant 1 : i32
      %sub3A_1177 = arith.subi %div3A_1156, %sub3A_1176 : i32
      %select_n3A_1178 = arith.select %and3A_1175, %sub3A_1177, %div3A_1156 : i32
      %add3A_1179 = arith.addi %mul3A_1154, %select_n3A_1178 : i32
      %jit3A_1180 = arith.constant 32 : i32
      %eq3A_1181 = arith.constant 0 : i32
      %eq3A_1182 = arith.cmpi eq, %jit3A_1180, %eq3A_1181 : i32
      %jit3A_1183 = arith.constant 1 : i32
      %select_n3A_1184 = arith.select %eq3A_1182, %jit3A_1183, %jit3A_1180 : i32
      %rem3A_1185 = arith.remsi %scan3A_1152, %select_n3A_1184 : i32
      %ne3A_1186 = arith.constant 0 : i32
      %ne3A_1187 = arith.cmpi ne, %rem3A_1185, %ne3A_1186 : i32
      %lt3A_1188 = arith.constant 0 : i32
      %lt3A_1189 = arith.cmpi slt, %rem3A_1185, %lt3A_1188 : i32
      %lt3A_1190 = arith.constant 0 : i32
      %lt3A_1191 = arith.cmpi slt, %select_n3A_1184, %lt3A_1190 : i32
      %ne3A_1192 = arith.xori %lt3A_1189, %lt3A_1191 : i1
      %and3A_1193 = arith.andi %ne3A_1192, %ne3A_1187 : i1
      %add3A_1194 = arith.addi %rem3A_1185, %select_n3A_1184 : i32
      %select_n3A_1195 = arith.select %and3A_1193, %add3A_1194, %rem3A_1185 : i32
      %jit3A_1196 = arith.constant 4 : i32
      %div3A_1197 = arith.divsi %select_n3A_1195, %jit3A_1196 : i32
      %sign3A_1198 = arith.constant 0 : i32
      %sign3A_1199 = arith.cmpi sgt, %select_n3A_1195, %sign3A_1198 : i32
      %sign3A_1200 = arith.extui %sign3A_1199 : i1 to i32
      %sign3A_1201 = arith.constant 0 : i32
      %sign3A_1202 = arith.cmpi slt, %select_n3A_1195, %sign3A_1201 : i32
      %sign3A_1203 = arith.extui %sign3A_1202 : i1 to i32
      %sign3A_1204 = arith.subi %sign3A_1200, %sign3A_1203 : i32
      %sign3A_1205 = arith.constant 0 : i32
      %sign3A_1206 = arith.cmpi sgt, %jit3A_1196, %sign3A_1205 : i32
      %sign3A_1207 = arith.extui %sign3A_1206 : i1 to i32
      %sign3A_1208 = arith.constant 0 : i32
      %sign3A_1209 = arith.cmpi slt, %jit3A_1196, %sign3A_1208 : i32
      %sign3A_1210 = arith.extui %sign3A_1209 : i1 to i32
      %sign3A_1211 = arith.subi %sign3A_1207, %sign3A_1210 : i32
      %ne3A_1212 = arith.cmpi ne, %sign3A_1204, %sign3A_1211 : i32
      %rem3A_1213 = arith.remsi %select_n3A_1195, %jit3A_1196 : i32
      %ne3A_1214 = arith.constant 0 : i32
      %ne3A_1215 = arith.cmpi ne, %rem3A_1213, %ne3A_1214 : i32
      %and3A_1216 = arith.andi %ne3A_1212, %ne3A_1215 : i1
      %sub3A_1217 = arith.constant 1 : i32
      %sub3A_1218 = arith.subi %div3A_1197, %sub3A_1217 : i32
      %select_n3A_1219 = arith.select %and3A_1216, %sub3A_1218, %div3A_1197 : i32
      %jit3A_1220 = arith.constant 4 : i32
      %eq3A_1221 = arith.constant 0 : i32
      %eq3A_1222 = arith.cmpi eq, %jit3A_1220, %eq3A_1221 : i32
      %jit3A_1223 = arith.constant 1 : i32
      %select_n3A_1224 = arith.select %eq3A_1222, %jit3A_1223, %jit3A_1220 : i32
      %rem3A_1225 = arith.remsi %select_n3A_1195, %select_n3A_1224 : i32
      %ne3A_1226 = arith.constant 0 : i32
      %ne3A_1227 = arith.cmpi ne, %rem3A_1225, %ne3A_1226 : i32
      %lt3A_1228 = arith.constant 0 : i32
      %lt3A_1229 = arith.cmpi slt, %rem3A_1225, %lt3A_1228 : i32
      %lt3A_1230 = arith.constant 0 : i32
      %lt3A_1231 = arith.cmpi slt, %select_n3A_1224, %lt3A_1230 : i32
      %ne3A_1232 = arith.xori %lt3A_1229, %lt3A_1231 : i1
      %and3A_1233 = arith.andi %ne3A_1232, %ne3A_1227 : i1
      %add3A_1234 = arith.addi %rem3A_1225, %select_n3A_1224 : i32
      %select_n3A_1235 = arith.select %and3A_1233, %add3A_1234, %rem3A_1225 : i32
      %mul3A_1236 = arith.constant 16 : i32
      %mul3A_1237 = arith.muli %select_n3A_1235, %mul3A_1236 : i32
      %add3A_1238 = vector.broadcast %mul3A_1237 : i32 to vector<16xi32>
      %add3A_1239 = arith.addi %add3A_1238, %iota3A_413 : vector<16xi32>
      %sub3A_1240 = vector.broadcast %add3A_1179 : i32 to vector<16xi32>
      %sub3A_1241 = arith.subi %sub3A_1240, %add3A_1239 : vector<16xi32>
      %ge3A_1242 = arith.constant 0 : i32
      %ge3A_1243 = vector.broadcast %ge3A_1242 : i32 to vector<16xi32>
      %ge3A_1244 = arith.cmpi sge, %sub3A_1241, %ge3A_1243 : vector<16xi32>
      %lt3A_1245 = arith.constant 200 : i32
      %lt3A_1246 = vector.broadcast %lt3A_1245 : i32 to vector<16xi32>
      %lt3A_1247 = arith.cmpi slt, %sub3A_1241, %lt3A_1246 : vector<16xi32>
      %and3A_1248 = arith.andi %ge3A_1244, %lt3A_1247 : vector<16xi1>
      %lt3A_1249 = arith.constant 50 : i32
      %lt3A_1250 = vector.broadcast %lt3A_1249 : i32 to vector<16xi32>
      %lt3A_1251 = arith.cmpi slt, %add3A_1239, %lt3A_1250 : vector<16xi32>
      %and3A_1252 = arith.andi %and3A_1248, %lt3A_1251 : vector<16xi1>
      %mul3A_1253 = arith.constant 16 : i32
      %mul3A_1254 = arith.muli %scan3A_1152, %mul3A_1253 : i32
      %get3A_1255 = arith.index_cast %mul3A_1254 : i32 to index
      %get3A_1256 = tpu.vector_load %arg7[%get3A_1255] {strides = array<i32>} : memref<4096xf32, #tpu.memory_space<vmem>>, vector<16xf32>,
      %get3A_1257 = vector.shape_cast %get3A_1256 : vector<16xf32> to vector<16xf32>
      %jit3A_1258 = arith.constant -1.000000e+30 : f32
      %broadcast_in_dim3A_1259 = vector.broadcast %jit3A_1258 : f32 to vector<16xf32>
      %select_n3A_1260 = arith.select %and3A_1252, %get3A_1257, %broadcast_in_dim3A_1259 : vector<16xi1>, vector<16xf32>
      %mul3A_1261 = arith.constant 16 : i32
      %mul3A_1262 = arith.muli %scan3A_1152, %mul3A_1261 : i32
      %swap3A_1263 = arith.index_cast %mul3A_1262 : i32 to index
      %swap3A_1264 = tpu.vector_load %arg7[%swap3A_1263] {strides = array<i32>} : memref<4096xf32, #tpu.memory_space<vmem>>, vector<16xf32>,
      %swap3A_1265 = vector.shape_cast %swap3A_1264 : vector<16xf32> to vector<16xf32>
      %swap3A_1266 = vector.shape_cast %select_n3A_1260 : vector<16xf32> to vector<16xf32>
      tpu.vector_store %arg7[%swap3A_1263], %swap3A_1266 {strides = array<i32>} : memref<4096xf32, #tpu.memory_space<vmem>>, vector<16xf32>,
      %scan3A_1267 = arith.constant 0 : i32
      scf.yield %scan3A_1267 : i32
    }
    %scan3A_811 = arith.constant 256 : i32
    %mul3A_812 = arith.constant 4096 : i32
    %mul3A_813 = arith.muli %add3A, %mul3A_812 : i32
    "tpu.region"() ({
      %run_scoped3A_814 = tpu.sem_alloc : memref<!tpu.dma_semaphore, #tpu.memory_space<semaphore_mem>>
      %dma_start3A_815 = tpu.memref_slice %arg5[%mul3A_813] : memref<131072xf32, #tpu.memory_space<hbm>> -> memref<4096xf32, #tpu.memory_space<hbm>>
      %dma_start3A_816 = tpu.memref_slice %arg5[%mul3A_813] : memref<131072xf32, #tpu.memory_space<hbm>> -> memref<4096xf32, #tpu.memory_space<hbm>>
      tpu.enqueue_dma source(%arg7 : memref<4096xf32, #tpu.memory_space<vmem>>) target(%dma_start3A_816 : memref<4096xf32, #tpu.memory_space<hbm>>) target_semaphore(%run_scoped3A_814 : memref<!tpu.dma_semaphore, #tpu.memory_space<semaphore_mem>>)
      %dma_wait3A_817 = tpu.memref_slice %arg5[%mul3A_813] : memref<131072xf32, #tpu.memory_space<hbm>> -> memref<4096xf32, #tpu.memory_space<hbm>>
      %dma_wait3A_818 = tpu.memref_slice %arg5[%mul3A_813] : memref<131072xf32, #tpu.memory_space<hbm>> -> memref<4096xf32, #tpu.memory_space<hbm>>
      tpu.wait_dma2 semaphore(%run_scoped3A_814 : memref<!tpu.dma_semaphore, #tpu.memory_space<semaphore_mem>>) src(%arg7 : memref<4096xf32, #tpu.memory_space<vmem>>) dst(%dma_wait3A_818 : memref<4096xf32, #tpu.memory_space<hbm>>)
      tpu.yield
    }) : () -> ()
    return
  }
}

module attributes {stable_mosaic.version = 14 : i64} {
  func.func @_dp_kernel(%arg0: memref<256x8x64xf32, #tpu.memory_space<vmem>>, %arg1: memref<256x8x64xf32, #tpu.memory_space<vmem>>, %arg2: memref<8x64xi32, #tpu.memory_space<vmem>>, %arg3: memref<8x64xi32, #tpu.memory_space<vmem>>, %arg4: memref<1x1xf32, #tpu.memory_space<vmem>>) attributes {dimension_semantics = [], scalar_prefetch = 0 : i64, scratch_operands = 0 : i64, tpu.core_type = #tpu.core_type<tc>} {
    %iota3A = tpu.iota {dimensions = array<i32: 1>} : vector<8x64xi32>
    %get3A = arith.constant 0 : index
    %get3A_0 = arith.constant 0 : index
    %get3A_1 = vector.load %arg2[%get3A, %get3A_0] : memref<8x64xi32, #tpu.memory_space<vmem>>, vector<8x64xi32>
    %get3A_2 = arith.constant 0 : index
    %get3A_3 = arith.constant 0 : index
    %get3A_4 = vector.load %arg3[%get3A_2, %get3A_3] : memref<8x64xi32, #tpu.memory_space<vmem>>, vector<8x64xi32>
    %eq3A = arith.cmpi eq, %iota3A, %get3A_4 : vector<8x64xi32>
    %eq3A_5 = arith.constant 0 : i32
    %eq3A_6 = vector.broadcast %eq3A_5 : i32 to vector<8x64xi32>
    %eq3A_7 = arith.cmpi eq, %iota3A, %eq3A_6 : vector<8x64xi32>
    %jit3A = arith.constant 0.000000e+00 : f32
    %jit3A_8 = arith.constant -1.000000e+30 : f32
    %broadcast_in_dim3A = vector.broadcast %jit3A : f32 to vector<8x64xf32>
    %broadcast_in_dim3A_9 = vector.broadcast %jit3A_8 : f32 to vector<8x64xf32>
    %select_n3A = arith.select %eq3A_7, %broadcast_in_dim3A, %broadcast_in_dim3A_9 : vector<8x64xi1>, vector<8x64xf32>
    %broadcast_in_dim3A_10 = arith.constant 0.000000e+00 : f32
    %broadcast_in_dim3A_11 = vector.broadcast %broadcast_in_dim3A_10 : f32 to vector<8x64xf32>
    %broadcast_in_dim3A_12 = arith.constant -1.000000e+30 : f32
    %broadcast_in_dim3A_13 = vector.broadcast %broadcast_in_dim3A_12 : f32 to vector<8x1xf32>
    %scan3A = arith.constant 1 : i32
    %scan3A_14 = arith.constant 249 : i32
    %scan3A_15 = arith.addi %scan3A, %scan3A_14 : i32
    %scan3A_16 = arith.constant 1 : i32
    %scan3A_17:2 = scf.for %scan3A_30 = %scan3A to %scan3A_15 step %scan3A_16 iter_args(%scan3A_31 = %select_n3A, %scan3A_32 = %broadcast_in_dim3A_11) -> (vector<8x64xf32>, vector<8x64xf32>)  : i32 {
      %sub3A = arith.constant 1 : i32
      %sub3A_33 = arith.subi %scan3A_30, %sub3A : i32
      %get3A_34 = arith.index_cast %sub3A_33 : i32 to index
      %get3A_35 = arith.constant 0 : index
      %get3A_36 = arith.constant 0 : index
      %get3A_37 = vector.load %arg0[%get3A_34, %get3A_35, %get3A_36] : memref<256x8x64xf32, #tpu.memory_space<vmem>>, vector<1x8x64xf32>
      %get3A_38 = vector.shape_cast %get3A_37 : vector<1x8x64xf32> to vector<8x64xf32>
      %sub3A_39 = arith.constant 1 : i32
      %sub3A_40 = arith.subi %scan3A_30, %sub3A_39 : i32
      %get3A_41 = arith.index_cast %sub3A_40 : i32 to index
      %get3A_42 = arith.constant 0 : index
      %get3A_43 = arith.constant 0 : index
      %get3A_44 = vector.load %arg1[%get3A_41, %get3A_42, %get3A_43] : memref<256x8x64xf32, #tpu.memory_space<vmem>>, vector<1x8x64xf32>
      %get3A_45 = vector.shape_cast %get3A_44 : vector<1x8x64xf32> to vector<8x64xf32>
      %add3A = arith.addf %scan3A_31, %get3A_45 : vector<8x64xf32>
      %slice3A = vector.extract_strided_slice %add3A {offsets = [0, 0], sizes = [8, 63], strides = [1, 1]} : vector<8x64xf32> to vector<8x63xf32>
      %concatenate3A = tpu.concatenate %broadcast_in_dim3A_13, %slice3A in 1 : vector<8x1xf32>, vector<8x63xf32> -> vector<8x64xf32>
      %add3A_46 = arith.addf %scan3A_31, %get3A_38 : vector<8x64xf32>
      %max3A = arith.maximumf %add3A_46, %concatenate3A : vector<8x64xf32>
      %sub3A_47 = arith.subf %add3A_46, %concatenate3A : vector<8x64xf32>
      %abs3A = math.absf %sub3A_47 : vector<8x64xf32>
      %neg3A_48 = arith.constant 0.000000e+00 : f32
      %neg3A_49 = vector.broadcast %neg3A_48 : f32 to vector<8x64xf32>
      %neg3A_50 = arith.subf %neg3A_49, %abs3A : vector<8x64xf32>
      %exp3A = math.exp %neg3A_50 : vector<8x64xf32>
      %log1p3A = math.log1p %exp3A : vector<8x64xf32>
      %add3A_51 = arith.addf %max3A, %log1p3A : vector<8x64xf32>
      %get3A_52 = arith.index_cast %scan3A_30 : i32 to index
      %get3A_53 = arith.constant 0 : index
      %get3A_54 = arith.constant 0 : index
      %get3A_55 = vector.load %arg0[%get3A_52, %get3A_53, %get3A_54] : memref<256x8x64xf32, #tpu.memory_space<vmem>>, vector<1x8x64xf32>
      %get3A_56 = vector.shape_cast %get3A_55 : vector<1x8x64xf32> to vector<8x64xf32>
      %eq3A_57 = vector.broadcast %scan3A_30 : i32 to vector<8x64xi32>
      %eq3A_58 = arith.cmpi eq, %get3A_1, %eq3A_57 : vector<8x64xi32>
      %and3A = arith.andi %eq3A, %eq3A_58 : vector<8x64xi1>
      %add3A_59 = arith.addf %add3A_51, %get3A_56 : vector<8x64xf32>
      %jit3A_60 = arith.constant 0.000000e+00 : f32
      %broadcast_in_dim3A_61 = vector.broadcast %jit3A_60 : f32 to vector<8x64xf32>
      %select_n3A_62 = arith.select %and3A, %add3A_59, %broadcast_in_dim3A_61 : vector<8x64xi1>, vector<8x64xf32>
      %add3A_63 = arith.addf %scan3A_32, %select_n3A_62 : vector<8x64xf32>
      scf.yield %add3A_51, %add3A_63 : vector<8x64xf32>, vector<8x64xf32>
    }
    %scan3A_18 = arith.constant 249 : i32
    %reduce_sum3A = vector.shape_cast %scan3A_17#1 : vector<8x64xf32> to vector<1x8x64xf32>
    %reduce_sum3A_19 = arith.constant dense<0.000000e+00> : vector<1xf32>
    %reduce_sum3A_20 = vector.multi_reduction <add>, %reduce_sum3A, %reduce_sum3A_19 [1, 2] : vector<1x8x64xf32> to vector<1xf32>
    %reduce_sum3A_21 = vector.shape_cast %reduce_sum3A_20 : vector<1xf32> to vector<1x1x1xf32>
    %reduce_sum3A_22 = vector.extract %reduce_sum3A_21[0, 0, 0] : f32 from vector<1x1x1xf32>
    %broadcast_in_dim3A_23 = vector.broadcast %reduce_sum3A_22 : f32 to vector<1x1xf32>
    %neg3A = arith.constant 0.000000e+00 : f32
    %neg3A_24 = vector.broadcast %neg3A : f32 to vector<1x1xf32>
    %neg3A_25 = arith.subf %neg3A_24, %broadcast_in_dim3A_23 : vector<1x1xf32>
    %div3A = arith.constant 8.000000e+00 : f32
    %div3A_26 = vector.broadcast %div3A : f32 to vector<1x1xf32>
    %div3A_27 = arith.divf %neg3A_25, %div3A_26 : vector<1x1xf32>
    %swap3A = arith.constant 0 : index
    %swap3A_28 = arith.constant 0 : index
    %swap3A_29 = vector.load %arg4[%swap3A, %swap3A_28] : memref<1x1xf32, #tpu.memory_space<vmem>>, vector<1x1xf32>
    tpu.vector_store %arg4[%swap3A, %swap3A_28], %div3A_27 {strides = array<i32>} : memref<1x1xf32, #tpu.memory_space<vmem>>, vector<1x1xf32>,
    return
  }
}

</mosaic_0001>

<sc_bundles>
// kernel: kernel.4.cloned.1.call-start
scs
__scs_entry_jumppad:
0x0: {  	(pc) =	sbr.rel $0x88, $3  }
0x1: {  	(tag) =	ssettag $0x0;
	lr =	simm.s32 $0x1  }
0x2: {  	[smem:$0x3F9D] =	sst lr;
	_ =	strace $0xD0000000  }
0x3: {  	_ = 	snop  }
0x4: {  	_ = 	snop  }
0x5: {  	_ = 	snop  }
0x6: {  	_ = 	snop  }
0x7: {  	_ = 	snop  }
__scs_overlays_trampoline_lowered:
0x8: {  	[smem:$0x3FAC] =	sst s0  }
0x9: {  	[smem:$0x3FAD] =	sst s1  }
0xa: {  	[smem:$0x3FAE] =	sst s2  }
0xb: {  	[smem:$0x3FAF] =	sst s3  }
0xc: {  	[smem:$0x3FB0] =	sst s4  }
0xd: {  	[smem:$0x3FB1] =	sst s5  }
0xe: {  	[smem:$0x3FB2] =	sst s6  }
0xf: {  	[smem:$0x3FB3] =	sst s7  }
0x10: {  	[smem:$0x3FB4] =	sst s8  }
0x11: {  	[smem:$0x3FB5] =	sst s9;
	s0 =	simm.s32 @!p0 $0x0  }
0x12: {  	s1 =	sld [smem:$0x3F9B];
	s0 =	simm.s32 @p0 $0x1  }
0x13: {  	[smem:$0x3FB6] =	sst s0;
	s0 =	simm.s32 @!p1 $0x0  }
0x14: {  	s2 =	sld [smem:$0x3F9A];
	s0 =	simm.s32 @p1 $0x1  }
0x15: {  	[smem:$0x3FB7] =	sst s0;
	s0 =	simm.s32 @!p2 $0x0  }
0x16: {  	s3 =	sld [smem:$0x3FDB];
	s0 =	simm.s32 @p2 $0x1  }
0x17: {  	s4 =	simm.s32 $0x1BF5;
	[smem:$0x3FB9] =	sst s0  }
0x18: {  	s0 =	sld [smem:$0x3F9C];
	_ =	swait.ge [sflag:s4], $0x0  }
0x19: {  	s7 =	sld [smem:$0x3F9D]  }
0x1a: {  	s8 =	sadd.s32 $0xFFFFE003, lr  }
0x1b: {  	s9 =	sadd.s32 $0xFFFFFEF7, lr;
	s5 =	simm.s32 $0xFFFFFFFF;
	p2 =	slt.u32 s8, $0xFFFFF086  }
0x1c: {  	p1 =	slt.u32 s9, $0xF7A;
	s5 =	simm.s32 @!p2 $0x0  }
0x1d: {  	s5 =	simm.s32 @p1 $0x1;
	p0 =	seq.s32 s7, s2  }
0x1e: {  	s7 =	smul.u32 @!p0 $0xF7A, s2;
	p2 =	seq.s32 @!p0 s5, $0x0  }
0x1f: {  	s9 =	smul.u32 $0xF7A, s1;
	s8 =	simm.s32 @!p0 $0x1BF5;
	p2 =	por !p2, p0  }
0x20: {  	[sflag:s8] =	ssyncset.s32 @!p0 $0xFFFFF086;
	s6 =	sadd.s32 @!p0 s3, s7;
	s7 =	simm.s32 @!p0 $0x108  }
0x21: {  	s3 =	sadd.s32 s3, s9;
	s6 =	sadd.s32 @!p0 $0x88, s6;
	s7 =	simm.s32 @p2 $0x1082  }
0x22: {  	[simem:s7], [sflag:s8] =	dma.local @!p0 [hbm:s6], $0xF7A  }
0x23: {  	s9 =	sor.u32 $0xD0000000, s2;
	s6 =	simm.s32 $0x108;
	_ =	swait.ge @!p0 [sflag:s8], $0x0  }
0x24: {  	s3 =	sadd.s32 $0x88, s3;
	s6 =	simm.s32 @!p1 $0x1082;
	[sflag:s4] =	ssyncset.s32 $0xFFFFF086  }
0x25: {  	[simem:s6], [sflag:s4] =	dma.local [hbm:s3], $0xF7A  }
0x26: {  	[smem:$0x3F9D] =	sst s1;
	(tag) =	ssettag s2;
	_ =	strace s9  }
0x27: {  	s1 =	sld [smem:$0x3FAD]  }
0x28: {  	s2 =	sld [smem:$0x3FAE]  }
0x29: {  	s4 =	sld [smem:$0x3FB0]  }
0x2a: {  	p0 =	seq.s32 s5, $0x0;
	s5 =	sld [smem:$0x3FB1]  }
0x2b: {  	s6 =	sld [smem:$0x3FB2]  }
0x2c: {  	s7 =	sld [smem:$0x3FB3]  }
0x2d: {  	s3 =	simm.s32 $0x108;
	s8 =	sld [smem:$0x3FB4]  }
0x2e: {  	s3 =	simm.s32 @!p0 $0x1082;
	s9 =	sld [smem:$0x3FB5]  }
0x2f: {  	lr =	sadd.s32 s0, s3;
	s0 =	sld [smem:$0x3FAC]  }
0x30: {  	s3 =	sld [smem:$0x3FAF]  }
0x31: {  	[smem:$0x3FB8] =	sst s10  }
0x32: {  	s10 =	sld [smem:$0x3FB6];
	_ =	sdelay $0x3  }
0x33: {  	p0 =	seq.s32 s10, $0x1;
	s10 =	sld [smem:$0x3FB8];
	_ =	sdelay $0x3  }
0x34: {  	[smem:$0x3FB8] =	sst s10  }
0x35: {  	s10 =	sld [smem:$0x3FB7];
	_ =	sdelay $0x3  }
0x36: {  	p1 =	seq.s32 s10, $0x1;
	s10 =	sld [smem:$0x3FB8];
	_ =	sdelay $0x3  }
0x37: {  	[smem:$0x3FB8] =	sst s10  }
0x38: {  	s10 =	sld [smem:$0x3FB9]  }
0x39: {  	_ = 	snop;
	(pc) =	sbr.ind lr, $3  }
0x3a: {  	_ = 	snop  }
0x3b: {  	_ = 	snop  }
0x3c: {  	p2 =	seq.s32 s10, $0x1;
	s10 =	sld [smem:$0x3FB8]  }
0x3d: {  	_ =	shalt  }
0x3e: {  	_ =	shalt  }
0x3f: {  	_ =	shalt  }
0x40: {  	_ =	shalt  }
0x41: {  	_ =	shalt  }
0x42: {  	_ =	shalt  }
0x43: {  	_ =	shalt  }
0x44: {  	_ =	shalt  }
0x45: {  	_ =	shalt  }
0x46: {  	_ =	shalt  }
0x47: {  	_ =	shalt  }
0x48: {  	_ =	shalt  }
0x49: {  	_ =	shalt  }
0x4a: {  	_ =	shalt  }
0x4b: {  	_ =	shalt  }
0x4c: {  	_ =	shalt  }
0x4d: {  	_ =	shalt  }
0x4e: {  	_ =	shalt  }
0x4f: {  	_ =	shalt  }
0x50: {  	_ =	shalt  }
0x51: {  	_ =	shalt  }
0x52: {  	_ =	shalt  }
0x53: {  	_ =	shalt  }
0x54: {  	_ =	shalt  }
0x55: {  	_ =	shalt  }
0x56: {  	_ =	shalt  }
0x57: {  	_ =	shalt  }
0x58: {  	_ =	shalt  }
0x59: {  	_ =	shalt  }
0x5a: {  	_ =	shalt  }
0x5b: {  	_ =	shalt  }
0x5c: {  	_ =	shalt  }
0x5d: {  	_ =	shalt  }
0x5e: {  	_ =	shalt  }
0x5f: {  	_ =	shalt  }
0x60: {  	_ =	shalt  }
0x61: {  	_ =	shalt  }
0x62: {  	_ =	shalt  }
0x63: {  	_ =	shalt  }
0x64: {  	_ =	shalt  }
0x65: {  	_ =	shalt  }
0x66: {  	_ =	shalt  }
0x67: {  	_ =	shalt  }
0x68: {  	_ =	shalt  }
0x69: {  	_ =	shalt  }
0x6a: {  	_ =	shalt  }
0x6b: {  	_ =	shalt  }
0x6c: {  	_ =	shalt  }
0x6d: {  	_ =	shalt  }
0x6e: {  	_ =	shalt  }
0x6f: {  	_ =	shalt  }
0x70: {  	_ =	shalt  }
0x71: {  	_ =	shalt  }
0x72: {  	_ =	shalt  }
0x73: {  	_ =	shalt  }
0x74: {  	_ =	shalt  }
0x75: {  	_ =	shalt  }
0x76: {  	_ =	shalt  }
0x77: {  	_ =	shalt  }
0x78: {  	_ =	shalt  }
0x79: {  	_ =	shalt  }
0x7a: {  	_ =	shalt  }
0x7b: {  	_ =	shalt  }
0x7c: {  	_ =	shalt  }
0x7d: {  	_ =	shalt  }
0x7e: {  	_ =	shalt  }
0x7f: {  	_ =	shalt  }
0x80: {  	_ =	shalt  }
0x81: {  	_ =	shalt  }
0x82: {  	_ =	shalt  }
0x83: {  	_ =	shalt  }
0x84: {  	_ =	shalt  }
0x85: {  	_ =	shalt  }
0x86: {  	_ =	shalt  }
0x87: {  	_ =	shalt  }
.Lfunc_end0:
.L_simem_size_0:
called_computation_lowered:
.L_overlay_start_0:
0x88: {  	s2 =	sld [smem:$0x3FD9]  }
0x89: {  	s3 =	sld [smem:$0x3FFE];
	_ =	sdelay $0x1  }
0x8a: {  	s1 =	srdreg.scid  }
0x8b: {  	s0 =	sand.u32 $0x1, s1  }
0x8c: {  	s17 =	sshll.u32 s0, $0xA;
	s2 =	sadd.s32 s3, s2  }
0x8d: {  	s2 =	sadd.s32 s2, s17  }
0x8e: {  	[smem:$0x3FC4] =	sst s2  }
0x8f: {  	_ = 	snop  }
0x90: {  	s2 =	sld [smem:$0x3FC8];
	(tm) =	ssettm $0x1  }
0x91: {  	s18 =	sld [smem:$0x3FFB];
	_ =	sdelay $0x3  }
0x92: {  	_ =	strace s18  }
0x93: {  	s3 =	sld [smem:$0x3FFC];
	_ =	sdelay $0x3  }
0x94: {  	_ =	strace s3  }
0x95: {  	s3 =	sld [smem:$0x3FFD];
	_ =	sdelay $0x3  }
0x96: {  	_ =	strace s3  }
0x97: {  	_ =	strace $0x8FFFFFFF  }
0x98: {  	s19 =	sld [smem:$0x3FDB];
	_ =	sdelay $0x1  }
0x99: {  	s4 =	simm.s32 $_scs_section_size  }
0x9a: {  	s5 =	simm.s32 $_size__tile_overlayer_lowered;
	s6 =	simm.s32 $_tile_overlayer_lowered  }
0x9b: {  	s22 =	simm.s32 $0x1BFF;
	s21 =	sshll.u32 s6, $0x1;
	s3 =	sadd.s32 s4, s19  }
0x9c: {  	s7 =	simm.s32 $0x0;
	s20 =	sshll.u32 s5, $0x1;
	s5 =	sadd.s32 s21, s3  }
0x9d: {  	[timem:s7], [sflag:s22] =	dma.local [hbm:s5], s20  }
0x9e: {  	_ =	swait.ge [sflag:s22], s20  }
0x9f: {  	s4 =	ssub.s32 $0x0, s20;
	[sflag:s22] =	ssyncset.done $0x0  }
0xa0: {  	[sflag:s22] =	ssyncadd.s32 s4;
	_ =	sdelay $0x1  }
0xa1: {  	s23 =	simm.s32 $0x1B8B  }
0xa2: {  	_ =	swait.ge [sflag:s23], $0x1  }
0xa3: {  	[sflag:s23] =	ssyncset.done $0x0  }
0xa4: {  	s25 =	simm.s32 $0x1B8E;
	s24 =	sld [smem:$0x3FFE];
	[sflag:s23] =	ssyncadd.s32 $0xFFFFFFFF  }
0xa5: {  	s26 =	simm.s32 $execute0_lowered;
	[smem:$0x3FD2] =	sst s25  }
0xa6: {  	s5 =	sshll.u32 s26, $0x1;
	_ =	strace $0x80000046;
	[dreg:$0x1] =	wrdreg $0xFFFFFFFF  }
0xa7: {  	s28 =	simm.s32 $_size_execute0_lowered;
	s3 =	sadd.s32 s3, s5;
	[dreg:$0x0] =	wrdreg $0x0  }
0xa8: {  	s5 =	sshll.u32 s28, $0x1;
	[dreg:$0x2] =	wrdreg s3  }
0xa9: {  	[dreg:$0x3] =	wrdreg s5  }
0xaa: {  	[dreg:$0x4] =	wrdreg $0xC0  }
0xab: {  	_ =	task [dreg:s7], $0x5FFFF  }
0xac: {  	[dreg:$0x1] =	wrdreg $0xFFFFFFFF  }
0xad: {  	[dreg:$0x0] =	wrdreg $0x60  }
0xae: {  	[dreg:$0x2] =	wrdreg s24  }
0xaf: {  	[dreg:$0x3] =	wrdreg s2  }
0xb0: {  	[dreg:$0x4] =	wrdreg $0x9  }
0xb1: {  	_ =	task.clear_ibuf [dreg:s7], $0x5FFFF;
	_ =	strace $0x90000046  }
0xb2: {  	s29 =	simm.s32 $0x9;
	_ =	strace $0x80000048  }
0xb3: {  	_ =	swait.ge [sflag:s29], $0x1  }
0xb4: {  	[sflag:s29] =	ssyncadd.s32 $0xFFFFFFFF  }
0xb5: {  	_ =	strace $0x90000048  }
0xb6: {  	_ =	sfence  }
0xb7: {  	s30 =	sld [smem:$0x0];
	_ =	sdelay $0x2  }
0xb8: {  	s31 =	sshll.u32 s1, $0xD;
	s1 =	sshrl.u32 s1, $0x2  }
0xb9: {  	s3 =	sand.u32 $0x4000, s31;
	s1 =	sadd.s32 s1, s30  }
0xba: {  	s0 =	sor.u32 s3, s0;
	s1 =	sshll.u32 s1, $0x11  }
0xbb: {  	s0 =	sor.u32 s1, s0  }
0xbc: {  	s0 =	sadd.s32 $0x8F2B, s0  }
0xbd: {  	[sflag:s0] =	ssyncadd.remote.s32 $0x1  }
0xbe: {  	_ =	sfence.sel $0xFFFF  }
0xbf: {  	[dreg:$0x0] =	wrdreg $0xFFFFFFFF;
	(pc) =	sbr.abs _section_cstart, $3  }
0xc0: {  	[dreg:$0x1] =	wrdreg $0xFFFFFFFF  }
0xc1: {  	_ =	task.clear_ibuf [dreg:s7], $0x2FFFF;
	_ =	strace $0x9FFFFFFF  }
0xc2: {  	(tm) =	ssettm $0x7FFFFFFF  }
0xc3: {  	_ =	shalt  }
tec
execute0_lowered:
.L_overlay_start_1:
0x0: {  	(tag) =	ssettag $0x1  }
0x1: {  	s0 =	rddreg [dreg:$0x0]  }
0x2: {  	s11 =	rddreg [dreg:$0x1];
	s3 =	simm.s32 $0x0  }
0x3: {  	s1 =	srdreg.scid;
	s2 =	stileid.u32;
	s16 =	simm.s32 $0x80  }
0x4: {  	s17 =	simm.s32 $0x400;
	s19 =	simm.s32 $0x2;
	s28 =	simm.s32 $0x1000  }
0x5: {  	s18 =	simm.s32 $0x1E00;
	s20 =	simm.s32 $0xE80;
	s21 =	simm.s32 $0x1E80  }
0x6: {  	s22 =	simm.s32 $0xF00;
	s23 =	simm.s32 $0x1F00;
	s24 =	simm.s32 $0xF80  }
0x7: {  	s25 =	simm.s32 $0x1;
	s13 =	simm.s32 $0x0;
	[smem:$0x7FF] =	sst s3  }
0x8: {  	s1 =	sand.u32 $0x1, s1;
	s2 =	sshll.u32 s2, $0x1;
	s4 =	sadd.s32 $0x578C00, s0  }
0x9: {  	s7 =	sadd.s32 $0x30, s11;
	s8 =	sadd.s32 $0x40, s11;
	s9 =	sadd.s32 $0x50, s11  }
0xa: {  	s10 =	sadd.s32 $0x60, s11;
	s2 =	sor.u32 s1, s2;
	s1 =	ssub.s32 $0x2, s1  }
0xb: {  	_ =	strace $0x80000047;
	s5 =	sshll.u32 s2, $0x9;
	s6 =	sshrl.u32 s1, $0x1  }
0xc: {  	v1 =	vlaneseq.u32;
	v2 =	vimm.s32 $0x6400;
	vm0 =	vcmask $0x300;
	s12 =	sshll.u32 s2, $0x3;
	s2 =	simm.s32 $0x1F80;
	s0 =	sadd.s32 s5, s0  }
0xd: {  	v0 =	vmul.u32 $0x200, v1;
	v2 =	vsel vm0, $0x6000, v2;
	vm0 =	vcmask $0x704;
	s1 =	ssub.s32 s1, s6;
	s5 =	sadd.s32 $0x10, s11;
	s30 =	sadd.s32 $0xC00, s0  }
0xe: {  	vm1 =	vmmov $0x3;
	v1 =	vmul.u32 $0xFFFFFFFF, v1;
	v2 =	vsel vm0, $0x6200, v2;
	s6 =	sadd.s32 $0x20, s11;
	s0 =	sadd.s32 $0x4C00, s0;
	[dreg:$0x3] =	wrdreg s30  }
0xf: {  	vm0 =	vmmov $0x7;
	v3 =	vor.u32 $0x4000, v0;
	v4 =	vor.u32 $0x2000, v0;
	s11 =	sadd.s32 $0x70, s11;
	s31 =	smax.u32 s1, $0x1;
	[dreg:$0x4] =	wrdreg s0  }
0x10: {  	v5 =	vadd.s32 $0xFFFFFFF0, v1;
	v6 =	vadd.s32 $0xFFFFFFE0, v1;
	v7 =	vadd.s32 $0xFFFFFFD0, v1;
	s1 =	simm.s32 $0xE00;
	[dreg:$0x5] =	wrdreg s31;
	s0 =	simm.s32 $0x1D80  }
.LBB2_1:
0x11: {  	s14 =	rddreg [dreg:$0x1];
	s15 =	simm.s32 $0x2000  }
0x12: {  	[tilespmem:s15], [sflag:$0x2] =	stream.strided.gather [hbm4b:s14+s16], $0x0, s17, s16, $0x38;
	[tilespmem:$0x2400] =	vst v63  }
0x13: {  	_ = 	snop  }
0x14: {  	[tilespmem:s15], [sflag:$0x2] =	stream.linear.gather [hbm4b:s14+s3], $0x32, $0x38;
	[tilespmem:$0x2400] =	vst v63  }
0x15: {  	_ =	swait.ge [sflag:s19], $0x32  }
0x16: {  	[sflag:s19] =	ssyncset.done $0x0  }
0x17: {  	s15 =	simm.s32 $0x2080;
	[sflag:s19] =	ssyncadd.s32 $0xFFFFFFCE  }
0x18: {  	[tilespmem:s15], [sflag:$0x2] =	stream.strided.gather [hbm4b:s5+s16], $0x0, s17, s16, $0x38;
	[tilespmem:$0x2400] =	vst v63  }
0x19: {  	_ = 	snop  }
0x1a: {  	[tilespmem:s15], [sflag:$0x2] =	stream.linear.gather [hbm4b:s5+s3], $0x32, $0x38;
	[tilespmem:$0x2400] =	vst v63  }
0x1b: {  	_ =	swait.ge [sflag:s19], $0x32  }
0x1c: {  	[sflag:s19] =	ssyncset.done $0x0  }
0x1d: {  	s26 =	simm.s32 $0x2100;
	[sflag:s19] =	ssyncadd.s32 $0xFFFFFFCE  }
0x1e: {  	[tilespmem:s26], [sflag:$0x2] =	stream.strided.gather [hbm4b:s6+s16], $0x0, s17, s16, $0x38;
	[tilespmem:$0x2400] =	vst v63  }
0x1f: {  	_ = 	snop  }
0x20: {  	[tilespmem:s26], [sflag:$0x2] =	stream.linear.gather [hbm4b:s6+s3], $0x32, $0x38;
	[tilespmem:$0x2400] =	vst v63  }
0x21: {  	_ =	swait.ge [sflag:s19], $0x32  }
0x22: {  	[sflag:s19] =	ssyncset.done $0x0  }
0x23: {  	s30 =	simm.s32 $0x2180;
	[sflag:s19] =	ssyncadd.s32 $0xFFFFFFCE  }
0x24: {  	[tilespmem:s30], [sflag:$0x2] =	stream.strided.gather [hbm4b:s7+s16], $0x0, s17, s16, $0x38;
	[tilespmem:$0x2400] =	vst v63  }
0x25: {  	_ = 	snop  }
0x26: {  	[tilespmem:s30], [sflag:$0x2] =	stream.linear.gather [hbm4b:s7+s3], $0x32, $0x38;
	[tilespmem:$0x2400] =	vst v63  }
0x27: {  	_ =	swait.ge [sflag:s19], $0x32  }
0x28: {  	[sflag:s19] =	ssyncset.done $0x0  }
0x29: {  	s31 =	simm.s32 $0x2200;
	[sflag:s19] =	ssyncadd.s32 $0xFFFFFFCE  }
0x2a: {  	[tilespmem:s31], [sflag:$0x2] =	stream.strided.gather [hbm4b:s8+s16], $0x0, s17, s16, $0x38;
	[tilespmem:$0x2400] =	vst v63  }
0x2b: {  	_ = 	snop  }
0x2c: {  	[tilespmem:s31], [sflag:$0x2] =	stream.linear.gather [hbm4b:s8+s3], $0x32, $0x38;
	[tilespmem:$0x2400] =	vst v63  }
0x2d: {  	_ =	swait.ge [sflag:s19], $0x32  }
0x2e: {  	[sflag:s19] =	ssyncset.done $0x0  }
0x2f: {  	s15 =	simm.s32 $0x2280;
	[sflag:s19] =	ssyncadd.s32 $0xFFFFFFCE  }
0x30: {  	[tilespmem:s15], [sflag:$0x2] =	stream.strided.gather [hbm4b:s9+s16], $0x0, s17, s16, $0x38;
	[tilespmem:$0x2400] =	vst v63  }
0x31: {  	_ = 	snop  }
0x32: {  	[tilespmem:s15], [sflag:$0x2] =	stream.linear.gather [hbm4b:s9+s3], $0x32, $0x38;
	[tilespmem:$0x2400] =	vst v63  }
0x33: {  	s30 =	sadd.s32 $0x0, s12;
	_ =	swait.ge [sflag:s19], $0x32  }
0x34: {  	v8 =	vadd.s32 s30, v1;
	[sflag:s19] =	ssyncset.done $0x0  }
0x35: {  	s26 =	simm.s32 $0x2300;
	v9 =	vadd.s32 s30, v5;
	v10 =	vadd.s32 s30, v7;
	v11 =	vadd.s32 s30, v6;
	s30 =	sadd.s32 $0x0, s12;
	[sflag:s19] =	ssyncadd.s32 $0xFFFFFFCE  }
0x36: {  	vm2 =	vgt.s32 v8, $0x0;
	vm3 =	vgt.s32 v10, $0x0;
	[tilespmem:s26], [sflag:$0x2] =	stream.strided.gather [hbm4b:s10+s16], $0x0, s17, s16, $0x38;
	[tilespmem:$0x2400] =	vst v63  }
0x37: {  	vm4 =	vgt.s32 v9, $0x0;
	vm5 =	vgt.s32 v11, $0x0;
	v13 =	vadd.s32 s30, v1;
	s31 =	sand.u32 $0x7, s3  }
0x38: {  	v14 =	vadd.s32 s30, v5;
	v15 =	vadd.s32 s30, v6;
	v10 =	vnsel vm3, $0x0, v10;
	[tilespmem:s26], [sflag:$0x2] =	stream.linear.gather [hbm4b:s10+s3], $0x32, $0x38;
	[tilespmem:$0x2400] =	vst v63  }
0x39: {  	v8 =	vnsel vm2, $0x0, v8;
	v9 =	vnsel vm4, $0x0, v9;
	v11 =	vnsel vm5, $0x0, v11;
	s15 =	smul.u32 $0xC8, s31;
	_ =	swait.ge [sflag:s19], $0x32  }
0x3a: {  	vm3 =	vgt.s32 v13, $0x0;
	v10 =	vmin.u32 v10, $0xC7;
	v8 =	vmin.u32 v8, $0xC7;
	[sflag:s19] =	ssyncset.done $0x0  }
0x3b: {  	v9 =	vmin.u32 v9, $0xC7;
	v11 =	vmin.u32 v11, $0xC7;
	v8 =	vadd.s32 s15, v8;
	s26 =	simm.s32 $0x2380;
	[sflag:s19] =	ssyncadd.s32 $0xFFFFFFCE  }
0x3c: {  	v13 =	vnsel vm3, $0x0, v13;
	v10 =	vadd.s32 s15, v10;
	v12 =	vmul.u32 $0x6600, v8;
	[tilespmem:s26], [sflag:$0x2] =	stream.strided.gather [hbm4b:s11+s16], $0x0, s17, s16, $0x38;
	[tilespmem:$0x2400] =	vst v63  }
0x3d: {  	s14 =	simm.s32 $0x1;
	v13 =	vmin.u32 v13, $0xC7;
	v9 =	vadd.s32 s15, v9;
	v10 =	vmul.u32 $0x6600, v10  }
0x3e: {  	v8 =	vadd.s32 s15, v11;
	v11 =	vadd.s32 v0, v12;
	v12 =	vadd.s32 s30, v7;
	[tilespmem:s26], [sflag:$0x2] =	stream.linear.gather [hbm4b:s11+s3], $0x32, $0x38;
	[tilespmem:$0x2400] =	vst v63  }
0x3f: {  	s31 =	sand.u32 $0x7, s14;
	v9 =	vmul.u32 $0x6600, v9;
	v8 =	vmul.u32 $0x6600, v8;
	vm2 =	vgt.s32 v12, $0x0;
	_ =	swait.ge [sflag:s19], $0x32  }
0x40: {  	v10 =	vadd.s32 v2, v10;
	v12 =	vnsel vm2, $0x0, v12;
	vm2 =	vgt.s32 v14, $0x0;
	s26 =	smul.u32 $0xC8, s31;
	[sflag:s19] =	ssyncset.done $0x0  }
0x41: {  	s15 =	simm.s32 $0x20;
	v14 =	vnsel vm2, $0x0, v14;
	vm2 =	vgt.s32 v15, $0x0;
	v12 =	vmin.u32 v12, $0xC7;
	[sflag:s19] =	ssyncadd.s32 $0xFFFFFFCE  }
0x42: {  	v9 =	vadd.s32 v4, v9;
	v12 =	vadd.s32 s26, v12;
	[tilespmem:s15+$0x10] =	vst v10;
	v10 =	vnsel vm2, $0x0, v15  }
0x43: {  	[tilespmem:s15+$0xFFFFFFE0] =	vst v11;
	v11 =	vmin.u32 v14, $0xC7;
	v14 =	vmin.u32 v10, $0xC7;
	v10 =	vmul.u32 $0x6600, v12  }
0x44: {  	s29 =	simm.s32 $0x4;
	[tilespmem:s15+$0xFFFFFFF0] =	vst v9;
	v12 =	vadd.s32 s26, v13;
	v11 =	vadd.s32 s26, v11;
	v9 =	vadd.s32 s26, v14;
	s26 =	simm.s32 $0x20  }
.LBB2_2:
0x45: {  	s29 =	sadd.s32 $0x4, s29;
	v12 =	vmul.u32 $0x6600, v12;
	v11 =	vmul.u32 $0x6600, v11;
	v10 =	vadd.s32 v2, v10;
	s15 =	sadd.s32 $0x40, s15  }
0x46: {  	s30 =	sshrl.u32 s29, $0x5;
	p0 =	slt.u32 s29, $0xFC;
	[tilespmem:s15+$0x10] =	vst v10;
	v10 =	vadd.s32 v3, v8;
	v8 =	vmul.u32 $0x6600, v9  }
0x47: {  	s14 =	sadd.s32 $0x1, s14;
	s30 =	sadd.s32 s12, s30;
	v9 =	vadd.s32 v0, v12;
	v11 =	vadd.s32 v4, v11;
	[tilespmem:s26+$0x0] =	vst v10;
	s26 =	smov.u32 s15  }
0x48: {  	s31 =	sand.u32 $0x7, s14;
	v10 =	vadd.s32 s30, v1;
	v12 =	vadd.s32 s30, v5;
	v13 =	vadd.s32 s30, v7;
	[tilespmem:s15+$0xFFFFFFE0] =	vst v9  }
0x49: {  	v9 =	vadd.s32 s30, v6;
	s30 =	smul.u32 $0xC8, s31;
	vm2 =	vgt.s32 v10, $0x0;
	vm3 =	vgt.s32 v13, $0x0;
	[tilespmem:s15+$0xFFFFFFF0] =	vst v11  }
.Ltmp0:
0x4a: {  	vm4 =	vgt.s32 v12, $0x0;
	vm5 =	vgt.s32 v9, $0x0;
	v11 =	vnsel vm3, $0x0, v13;
	(pc) =	sbr.rel @p0 .LBB2_2-.Ltmp0, $4  }
0x4b: {  	v10 =	vnsel vm2, $0x0, v10;
	v12 =	vnsel vm4, $0x0, v12;
	v11 =	vmin.u32 v11, $0xC7  }
0x4c: {  	v9 =	vnsel vm5, $0x0, v9;
	v13 =	vmin.u32 v10, $0xC7;
	v10 =	vadd.s32 s30, v11  }
0x4d: {  	v9 =	vmin.u32 v9, $0xC7;
	v11 =	vmin.u32 v12, $0xC7;
	v10 =	vmul.u32 $0x6600, v10  }
0x4e: {  	v12 =	vadd.s32 s30, v13;
	v9 =	vadd.s32 s30, v9;
	v11 =	vadd.s32 s30, v11  }
0x4f: {  	v12 =	vmul.u32 $0x6600, v12;
	v10 =	vadd.s32 v2, v10;
	s14 =	sadd.s32 $0x40, s15  }
0x50: {  	v11 =	vmul.u32 $0x6600, v11;
	v8 =	vadd.s32 v3, v8;
	[tilespmem:s14+$0x10] =	vst v10  }
0x51: {  	v9 =	vmul.u32 $0x6600, v9;
	v10 =	vadd.s32 v0, v12;
	[tilespmem:s26+$0x0] =	vst v8  }
0x52: {  	v8 =	vadd.s32 v4, v11;
	[tilespmem:s14+$0xFFFFFFE0] =	vst v10  }
0x53: {  	[tilespmem:s14+$0xFFFFFFF0] =	vst v8;
	v8 =	vadd.s32 v3, v9  }
0x54: {  	[tilespmem:s14+$0x0] =	vst v8  }
0x55: {  	[tilespmem:s28], [sflag:$0x1] =	stream.indirect.gather [hbm4b:s4+s16], $0x1, s3, s16, $0xb8;
	[tilespmem:$0x2400] =	vst v63  }
0x56: {  	s29 =	simm.s32 $0x1080  }
0x57: {  	[tilespmem:s29], [sflag:$0x1] =	stream.indirect.gather [hbm4b:s4+s16], $0x1, s16, s16, $0xb8;
	[tilespmem:$0x2400] =	vst v63  }
0x58: {  	s30 =	simm.s32 $0x100;
	s31 =	simm.s32 $0x1100  }
0x59: {  	[tilespmem:s31], [sflag:$0x1] =	stream.indirect.gather [hbm4b:s4+s16], $0x1, s30, s16, $0xb8;
	[tilespmem:$0x2400] =	vst v63  }
0x5a: {  	s26 =	simm.s32 $0x180;
	s29 =	simm.s32 $0x1180  }
0x5b: {  	[tilespmem:s29], [sflag:$0x1] =	stream.indirect.gather [hbm4b:s4+s16], $0x1, s26, s16, $0xb8;
	[tilespmem:$0x2400] =	vst v63  }
0x5c: {  	s30 =	simm.s32 $0x200;
	s31 =	simm.s32 $0x1200  }
0x5d: {  	[tilespmem:s31], [sflag:$0x1] =	stream.indirect.gather [hbm4b:s4+s16], $0x1, s30, s16, $0xb8;
	[tilespmem:$0x2400] =	vst v63  }
0x5e: {  	s26 =	simm.s32 $0x280;
	s29 =	simm.s32 $0x1280  }
0x5f: {  	[tilespmem:s29], [sflag:$0x1] =	stream.indirect.gather [hbm4b:s4+s16], $0x1, s26, s16, $0xb8;
	[tilespmem:$0x2400] =	vst v63  }
0x60: {  	s30 =	simm.s32 $0x300;
	s31 =	simm.s32 $0x1300  }
0x61: {  	[tilespmem:s31], [sflag:$0x1] =	stream.indirect.gather [hbm4b:s4+s16], $0x1, s30, s16, $0xb8;
	[tilespmem:$0x2400] =	vst v63  }
0x62: {  	s15 =	simm.s32 $0x380;
	s26 =	simm.s32 $0x1380  }
0x63: {  	[tilespmem:s26], [sflag:$0x1] =	stream.indirect.gather [hbm4b:s4+s16], $0x1, s15, s16, $0xb8;
	[tilespmem:$0x2400] =	vst v63  }
0x64: {  	s29 =	simm.s32 $0x1400  }
0x65: {  	[tilespmem:s29], [sflag:$0x1] =	stream.indirect.gather [hbm4b:s4+s16], $0x1, s17, s16, $0xb8;
	[tilespmem:$0x2400] =	vst v63  }
0x66: {  	s30 =	simm.s32 $0x480;
	s31 =	simm.s32 $0x1480  }
0x67: {  	[tilespmem:s31], [sflag:$0x1] =	stream.indirect.gather [hbm4b:s4+s16], $0x1, s30, s16, $0xb8;
	[tilespmem:$0x2400] =	vst v63  }
0x68: {  	s26 =	simm.s32 $0x500;
	s29 =	simm.s32 $0x1500  }
0x69: {  	[tilespmem:s29], [sflag:$0x1] =	stream.indirect.gather [hbm4b:s4+s16], $0x1, s26, s16, $0xb8;
	[tilespmem:$0x2400] =	vst v63  }
0x6a: {  	s30 =	simm.s32 $0x580;
	s31 =	simm.s32 $0x1580  }
0x6b: {  	[tilespmem:s31], [sflag:$0x1] =	stream.indirect.gather [hbm4b:s4+s16], $0x1, s30, s16, $0xb8;
	[tilespmem:$0x2400] =	vst v63  }
0x6c: {  	s26 =	simm.s32 $0x600;
	s29 =	simm.s32 $0x1600  }
0x6d: {  	[tilespmem:s29], [sflag:$0x1] =	stream.indirect.gather [hbm4b:s4+s16], $0x1, s26, s16, $0xb8;
	[tilespmem:$0x2400] =	vst v63  }
0x6e: {  	s30 =	simm.s32 $0x680;
	s31 =	simm.s32 $0x1680  }
0x6f: {  	[tilespmem:s31], [sflag:$0x1] =	stream.indirect.gather [hbm4b:s4+s16], $0x1, s30, s16, $0xb8;
	[tilespmem:$0x2400] =	vst v63  }
0x70: {  	s26 =	simm.s32 $0x700;
	s29 =	simm.s32 $0x1700  }
0x71: {  	[tilespmem:s29], [sflag:$0x1] =	stream.indirect.gather [hbm4b:s4+s16], $0x1, s26, s16, $0xb8;
	[tilespmem:$0x2400] =	vst v63  }
0x72: {  	s30 =	simm.s32 $0x780;
	s31 =	simm.s32 $0x1780  }
0x73: {  	[tilespmem:s31], [sflag:$0x1] =	stream.indirect.gather [hbm4b:s4+s16], $0x1, s30, s16, $0xb8;
	[tilespmem:$0x2400] =	vst v63  }
0x74: {  	s26 =	simm.s32 $0x800;
	s29 =	simm.s32 $0x1800  }
0x75: {  	[tilespmem:s29], [sflag:$0x1] =	stream.indirect.gather [hbm4b:s4+s16], $0x1, s26, s16, $0xb8;
	[tilespmem:$0x2400] =	vst v63  }
0x76: {  	s30 =	simm.s32 $0x880;
	s31 =	simm.s32 $0x1880  }
0x77: {  	[tilespmem:s31], [sflag:$0x1] =	stream.indirect.gather [hbm4b:s4+s16], $0x1, s30, s16, $0xb8;
	[tilespmem:$0x2400] =	vst v63  }
0x78: {  	s26 =	simm.s32 $0x900;
	s29 =	simm.s32 $0x1900  }
0x79: {  	[tilespmem:s29], [sflag:$0x1] =	stream.indirect.gather [hbm4b:s4+s16], $0x1, s26, s16, $0xb8;
	[tilespmem:$0x2400] =	vst v63  }
0x7a: {  	s30 =	simm.s32 $0x980;
	s31 =	simm.s32 $0x1980  }
0x7b: {  	[tilespmem:s31], [sflag:$0x1] =	stream.indirect.gather [hbm4b:s4+s16], $0x1, s30, s16, $0xb8;
	[tilespmem:$0x2400] =	vst v63  }
0x7c: {  	s26 =	simm.s32 $0xA00;
	s29 =	simm.s32 $0x1A00  }
0x7d: {  	[tilespmem:s29], [sflag:$0x1] =	stream.indirect.gather [hbm4b:s4+s16], $0x1, s26, s16, $0xb8;
	[tilespmem:$0x2400] =	vst v63  }
0x7e: {  	s30 =	simm.s32 $0xA80;
	s31 =	simm.s32 $0x1A80  }
0x7f: {  	[tilespmem:s31], [sflag:$0x1] =	stream.indirect.gather [hbm4b:s4+s16], $0x1, s30, s16, $0xb8;
	[tilespmem:$0x2400] =	vst v63  }
0x80: {  	s26 =	simm.s32 $0xB00;
	s29 =	simm.s32 $0x1B00  }
0x81: {  	[tilespmem:s29], [sflag:$0x1] =	stream.indirect.gather [hbm4b:s4+s16], $0x1, s26, s16, $0xb8;
	[tilespmem:$0x2400] =	vst v63  }
0x82: {  	s30 =	simm.s32 $0xB80;
	s31 =	simm.s32 $0x1B80  }
0x83: {  	[tilespmem:s31], [sflag:$0x1] =	stream.indirect.gather [hbm4b:s4+s16], $0x1, s30, s16, $0xb8;
	[tilespmem:$0x2400] =	vst v63  }
0x84: {  	s26 =	simm.s32 $0xC00;
	s29 =	simm.s32 $0x1C00  }
0x85: {  	[tilespmem:s29], [sflag:$0x1] =	stream.indirect.gather [hbm4b:s4+s16], $0x1, s26, s16, $0xb8;
	[tilespmem:$0x2400] =	vst v63  }
0x86: {  	s30 =	simm.s32 $0xC80;
	s31 =	simm.s32 $0x1C80  }
0x87: {  	[tilespmem:s31], [sflag:$0x1] =	stream.indirect.gather [hbm4b:s4+s16], $0x1, s30, s16, $0xb8;
	[tilespmem:$0x2400] =	vst v63  }
0x88: {  	s26 =	simm.s32 $0xD00;
	s29 =	simm.s32 $0x1D00  }
0x89: {  	[tilespmem:s29], [sflag:$0x1] =	stream.indirect.gather [hbm4b:s4+s16], $0x1, s26, s16, $0xb8;
	[tilespmem:$0x2400] =	vst v63  }
0x8a: {  	s30 =	simm.s32 $0xD80  }
0x8b: {  	[tilespmem:s0], [sflag:$0x1] =	stream.indirect.gather [hbm4b:s4+s16], $0x1, s30, s16, $0xb8;
	[tilespmem:$0x2400] =	vst v63  }
0x8c: {  	_ = 	snop  }
0x8d: {  	[tilespmem:s18], [sflag:$0x1] =	stream.indirect.gather [hbm4b:s4+s16], $0x1, s1, s16, $0xb8;
	[tilespmem:$0x2400] =	vst v63  }
0x8e: {  	_ = 	snop  }
0x8f: {  	[tilespmem:s21], [sflag:$0x1] =	stream.indirect.gather [hbm4b:s4+s16], $0x1, s20, s16, $0xb8;
	[tilespmem:$0x2400] =	vst v63  }
0x90: {  	_ = 	snop  }
0x91: {  	[tilespmem:s23], [sflag:$0x1] =	stream.indirect.gather [hbm4b:s4+s16], $0x1, s22, s16, $0xb8;
	[tilespmem:$0x2400] =	vst v63  }
0x92: {  	_ = 	snop  }
0x93: {  	[tilespmem:s2], [sflag:$0x1] =	stream.indirect.gather [hbm4b:s4+s16], $0x1, s24, s16, $0xb8;
	[tilespmem:$0x2400] =	vst v63  }
0x94: {  	_ =	swait.ge [sflag:s25], $0x80  }
0x95: {  	[sflag:s25] =	ssyncset.done $0x0  }
0x96: {  	[sflag:s25] =	ssyncadd.s32 $0xFFFFFF80  }
0x97: {  	_ =	swait.ge [sflag:s25], $0x80  }
0x98: {  	[sflag:s25] =	ssyncset.done $0x0  }
0x99: {  	[sflag:s25] =	ssyncadd.s32 $0xFFFFFF80  }
0x9a: {  	_ =	swait.ge [sflag:s25], $0x80  }
0x9b: {  	[sflag:s25] =	ssyncset.done $0x0  }
0x9c: {  	[sflag:s25] =	ssyncadd.s32 $0xFFFFFF80  }
0x9d: {  	_ =	swait.ge [sflag:s25], $0x80  }
0x9e: {  	[sflag:s25] =	ssyncset.done $0x0  }
0x9f: {  	[sflag:s25] =	ssyncadd.s32 $0xFFFFFF80  }
0xa0: {  	_ =	swait.ge [sflag:s25], $0x80  }
0xa1: {  	[sflag:s25] =	ssyncset.done $0x0  }
0xa2: {  	[sflag:s25] =	ssyncadd.s32 $0xFFFFFF80  }
0xa3: {  	_ =	swait.ge [sflag:s25], $0x80  }
0xa4: {  	[sflag:s25] =	ssyncset.done $0x0  }
0xa5: {  	[sflag:s25] =	ssyncadd.s32 $0xFFFFFF80  }
0xa6: {  	_ =	swait.ge [sflag:s25], $0x80  }
0xa7: {  	[sflag:s25] =	ssyncset.done $0x0  }
0xa8: {  	[sflag:s25] =	ssyncadd.s32 $0xFFFFFF80  }
0xa9: {  	_ =	swait.ge [sflag:s25], $0x80  }
0xaa: {  	[sflag:s25] =	ssyncset.done $0x0  }
0xab: {  	[sflag:s25] =	ssyncadd.s32 $0xFFFFFF80  }
0xac: {  	_ =	swait.ge [sflag:s25], $0x80  }
0xad: {  	[sflag:s25] =	ssyncset.done $0x0  }
0xae: {  	[sflag:s25] =	ssyncadd.s32 $0xFFFFFF80  }
0xaf: {  	_ =	swait.ge [sflag:s25], $0x80  }
0xb0: {  	[sflag:s25] =	ssyncset.done $0x0  }
0xb1: {  	[sflag:s25] =	ssyncadd.s32 $0xFFFFFF80  }
0xb2: {  	_ =	swait.ge [sflag:s25], $0x80  }
0xb3: {  	[sflag:s25] =	ssyncset.done $0x0  }
0xb4: {  	[sflag:s25] =	ssyncadd.s32 $0xFFFFFF80  }
0xb5: {  	_ =	swait.ge [sflag:s25], $0x80  }
0xb6: {  	[sflag:s25] =	ssyncset.done $0x0  }
0xb7: {  	[sflag:s25] =	ssyncadd.s32 $0xFFFFFF80  }
0xb8: {  	_ =	swait.ge [sflag:s25], $0x80  }
0xb9: {  	[sflag:s25] =	ssyncset.done $0x0  }
0xba: {  	[sflag:s25] =	ssyncadd.s32 $0xFFFFFF80  }
0xbb: {  	_ =	swait.ge [sflag:s25], $0x80  }
0xbc: {  	[sflag:s25] =	ssyncset.done $0x0  }
0xbd: {  	[sflag:s25] =	ssyncadd.s32 $0xFFFFFF80  }
0xbe: {  	_ =	swait.ge [sflag:s25], $0x80  }
0xbf: {  	[sflag:s25] =	ssyncset.done $0x0  }
0xc0: {  	[sflag:s25] =	ssyncadd.s32 $0xFFFFFF80  }
0xc1: {  	_ =	swait.ge [sflag:s25], $0x80  }
0xc2: {  	[sflag:s25] =	ssyncset.done $0x0  }
0xc3: {  	[sflag:s25] =	ssyncadd.s32 $0xFFFFFF80  }
0xc4: {  	_ =	swait.ge [sflag:s25], $0x80  }
0xc5: {  	[sflag:s25] =	ssyncset.done $0x0  }
0xc6: {  	[sflag:s25] =	ssyncadd.s32 $0xFFFFFF80  }
0xc7: {  	_ =	swait.ge [sflag:s25], $0x80  }
0xc8: {  	[sflag:s25] =	ssyncset.done $0x0  }
0xc9: {  	[sflag:s25] =	ssyncadd.s32 $0xFFFFFF80  }
0xca: {  	_ =	swait.ge [sflag:s25], $0x80  }
0xcb: {  	[sflag:s25] =	ssyncset.done $0x0  }
0xcc: {  	[sflag:s25] =	ssyncadd.s32 $0xFFFFFF80  }
0xcd: {  	_ =	swait.ge [sflag:s25], $0x80  }
0xce: {  	[sflag:s25] =	ssyncset.done $0x0  }
0xcf: {  	[sflag:s25] =	ssyncadd.s32 $0xFFFFFF80  }
0xd0: {  	_ =	swait.ge [sflag:s25], $0x80  }
0xd1: {  	[sflag:s25] =	ssyncset.done $0x0  }
0xd2: {  	[sflag:s25] =	ssyncadd.s32 $0xFFFFFF80  }
0xd3: {  	_ =	swait.ge [sflag:s25], $0x80  }
0xd4: {  	[sflag:s25] =	ssyncset.done $0x0  }
0xd5: {  	[sflag:s25] =	ssyncadd.s32 $0xFFFFFF80  }
0xd6: {  	_ =	swait.ge [sflag:s25], $0x80  }
0xd7: {  	[sflag:s25] =	ssyncset.done $0x0  }
0xd8: {  	[sflag:s25] =	ssyncadd.s32 $0xFFFFFF80  }
0xd9: {  	_ =	swait.ge [sflag:s25], $0x80  }
0xda: {  	[sflag:s25] =	ssyncset.done $0x0  }
0xdb: {  	[sflag:s25] =	ssyncadd.s32 $0xFFFFFF80  }
0xdc: {  	_ =	swait.ge [sflag:s25], $0x80  }
0xdd: {  	[sflag:s25] =	ssyncset.done $0x0  }
0xde: {  	[sflag:s25] =	ssyncadd.s32 $0xFFFFFF80  }
0xdf: {  	_ =	swait.ge [sflag:s25], $0x80  }
0xe0: {  	[sflag:s25] =	ssyncset.done $0x0  }
0xe1: {  	[sflag:s25] =	ssyncadd.s32 $0xFFFFFF80  }
0xe2: {  	_ =	swait.ge [sflag:s25], $0x80  }
0xe3: {  	[sflag:s25] =	ssyncset.done $0x0  }
0xe4: {  	[sflag:s25] =	ssyncadd.s32 $0xFFFFFF80  }
0xe5: {  	_ =	swait.ge [sflag:s25], $0x80  }
0xe6: {  	[sflag:s25] =	ssyncset.done $0x0  }
0xe7: {  	[sflag:s25] =	ssyncadd.s32 $0xFFFFFF80  }
0xe8: {  	_ =	swait.ge [sflag:s25], $0x80  }
0xe9: {  	[sflag:s25] =	ssyncset.done $0x0  }
0xea: {  	[sflag:s25] =	ssyncadd.s32 $0xFFFFFF80  }
0xeb: {  	_ =	swait.ge [sflag:s25], $0x80  }
0xec: {  	[sflag:s25] =	ssyncset.done $0x0  }
0xed: {  	[sflag:s25] =	ssyncadd.s32 $0xFFFFFF80  }
0xee: {  	_ =	swait.ge [sflag:s25], $0x80  }
0xef: {  	[sflag:s25] =	ssyncset.done $0x0  }
0xf0: {  	[sflag:s25] =	ssyncadd.s32 $0xFFFFFF80  }
0xf1: {  	_ =	swait.ge [sflag:s25], $0x80  }
0xf2: {  	[sflag:s25] =	ssyncset.done $0x0  }
0xf3: {  	s14 =	simm.s32 $0x1020;
	[sflag:s25] =	ssyncadd.s32 $0xFFFFFF80  }
0xf4: {  	v10 =	vld [tilespmem:s14+$0xFFFFFFE0]  }
0xf5: {  	s31 =	sadd.s32 $0x0, s12;
	v11 =	vld [tilespmem:s14+$0x0]  }
0xf6: {  	v9 =	vadd.s32 s31, v1;
	v8 =	vld [tilespmem:s14+$0x10]  }
0xf7: {  	vm2 =	vlt.u32 v9, $0xC8;
	v9 =	vld [tilespmem:s14+$0xFFFFFFF0]  }
0xf8: {  	v63 =	vadd.s32 s31, v5;
	v13 =	vadd.s32 s31, v6;
	v14 =	vadd.s32 s31, v7  }
0xf9: {  	vm3 =	vlt.u32 v13, $0xC8;
	vm4 =	vlt.u32 v14, $0xC8;
	v10 =	vnsel vm2, $0xF149F2CA, v10  }
0xfa: {  	s15 =	simm.s32 $0x0;
	s26 =	simm.s32 $0x1060;
	vm2 =	vlt.u32 v63, $0xC8;
	[tilespmem:s14+$0xFFFFFFE0] =	vst v10;
	v10 =	vnsel vm3, $0xF149F2CA, v11;
	vm3 =	vmand vm4, vm0  }
.LBB2_4:
0xfb: {  	s15 =	sadd.s32 $0x4, s15;
	v11 =	vld [tilespmem:s26+$0xFFFFFFE0];
	[tilespmem:s14+$0x0] =	vst v10;
	v8 =	vnsel vm3, $0xF149F2CA, v8  }
0xfc: {  	s29 =	sshrl.u32 s15, $0x5;
	v10 =	vld [tilespmem:s26+$0x0];
	p0 =	slt.u32 s15, $0xFC;
	v9 =	vnsel vm2, $0xF149F2CA, v9;
	[tilespmem:s14+$0x10] =	vst v8  }
.Ltmp1:
0xfd: {  	s29 =	sadd.s32 s12, s29;
	v8 =	vld [tilespmem:s26+$0x10];
	[tilespmem:s14+$0xFFFFFFF0] =	vst v9;
	s14 =	smov.u32 s26;
	(pc) =	sbr.rel @p0 .LBB2_4-.Ltmp1, $4  }
0xfe: {  	v12 =	vadd.s32 s29, v1;
	v13 =	vadd.s32 s29, v5;
	v9 =	vld [tilespmem:s26+$0xFFFFFFF0]  }
0xff: {  	v14 =	vadd.s32 s29, v7;
	vm2 =	vlt.u32 v12, $0xC8;
	v12 =	vadd.s32 s29, v6  }
0x100: {  	vm4 =	vlt.u32 v14, $0xC8;
	v11 =	vnsel vm2, $0xF149F2CA, v11;
	vm3 =	vlt.u32 v12, $0xC8  }
0x101: {  	s26 =	sadd.s32 $0x40, s26;
	vm2 =	vlt.u32 v13, $0xC8;
	[tilespmem:s14+$0xFFFFFFE0] =	vst v11;
	v10 =	vnsel vm3, $0xF149F2CA, v10;
	vm3 =	vmand vm4, vm0  }
0x102: {  	[tilespmem:s14+$0x0] =	vst v10;
	v8 =	vnsel vm3, $0xF149F2CA, v8  }
0x103: {  	v9 =	vnsel vm2, $0xF149F2CA, v9;
	[tilespmem:s14+$0x10] =	vst v8  }
0x104: {  	s26 =	simm.s32 $0x0;
	s30 =	rddreg [dreg:$0x3];
	s29 =	sadd.s32 $0x0, s12;
	[tilespmem:s14+$0xFFFFFFF0] =	vst v9  }
0x105: {  	[hbm4b:s30+s26] =	stream.linear.scatter [tilespmem:s28], [sflag:$0x2], $0x1000, $0x38;
	[tilespmem:$0x2400] =	vst v63  }
0x106: {  	v8 =	vadd.s32 s29, v1;
	_ =	swait.ge [sflag:s19], $0x1000  }
0x107: {  	s31 =	sand.u32 $0x7, s26;
	vm2 =	vgt.s32 v8, $0x0;
	[sflag:s19] =	ssyncset.done $0x0  }
0x108: {  	s15 =	smul.u32 $0xC8, s31;
	v8 =	vnsel vm2, $0x0, v8;
	s30 =	sshll.u32 s31, $0x7;
	[sflag:s19] =	ssyncadd.s32 $0xFFFFF000  }
0x109: {  	v8 =	vmin.u32 v8, $0xC7;
	v9 =	vld [tilespmem:s30+$0x2000]  }
0x10a: {  	v8 =	vadd.s32 s15, v8  }
0x10b: {  	v8 =	vmul.u32 $0x6600, v8;
	_ =	sdelay $0x1  }
0x10c: {  	v10 =	vadd.s32 s29, v5;
	v8 =	vadd.s32 v0, v8  }
0x10d: {  	s14 =	simm.s32 $0x20;
	vm2 =	vgt.s32 v10, $0x0;
	v8 =	vadd.s32 v8, v9  }
0x10e: {  	[tilespmem:s14+$0xFFFFFFE0] =	vst v8;
	v8 =	vnsel vm2, $0x0, v10  }
0x10f: {  	v8 =	vmin.u32 v8, $0xC7;
	v9 =	vld [tilespmem:s30+$0x2010]  }
0x110: {  	v8 =	vadd.s32 s15, v8  }
0x111: {  	v8 =	vmul.u32 $0x6600, v8;
	_ =	sdelay $0x1  }
0x112: {  	v10 =	vadd.s32 s29, v6;
	v8 =	vadd.s32 v4, v8  }
0x113: {  	vm2 =	vgt.s32 v10, $0x0;
	v8 =	vadd.s32 v8, v9  }
0x114: {  	[tilespmem:s14+$0xFFFFFFF0] =	vst v8;
	v8 =	vnsel vm2, $0x0, v10  }
0x115: {  	v8 =	vmin.u32 v8, $0xC7;
	v9 =	vld [tilespmem:s30+$0x2020]  }
0x116: {  	v8 =	vadd.s32 s15, v8  }
0x117: {  	v8 =	vmul.u32 $0x6600, v8;
	_ =	sdelay $0x1  }
0x118: {  	v8 =	vadd.s32 v3, v8  }
0x119: {  	v10 =	vadd.s32 s29, v7;
	v8 =	vadd.s32 v8, v9  }
0x11a: {  	vm2 =	vgt.s32 v10, $0x0;
	[tilespmem:s14+$0x0] =	vst v8  }
0x11b: {  	v9 =	vnsel vm2, $0x0, v10;
	v8 =	vld [tilespmem:s30+$0x2030]  }
0x11c: {  	s29 =	simm.s32 $0x0;
	v9 =	vmin.u32 v9, $0xC7  }
.LBB2_6:
0x11d: {  	s29 =	sadd.s32 $0x4, s29;
	v9 =	vadd.s32 s15, v9  }
0x11e: {  	s15 =	sshrl.u32 s29, $0x5;
	p0 =	slt.u32 s29, $0xFC;
	v9 =	vmul.u32 $0x6600, v9  }
0x11f: {  	s30 =	sadd.s32 s12, s15  }
0x120: {  	s26 =	sadd.s32 $0x1, s26;
	v10 =	vadd.s32 s30, v1;
	v8 =	vnsel vm1, $0x0, v8;
	v9 =	vadd.s32 v2, v9  }
0x121: {  	s15 =	sand.u32 $0x7, s26;
	vm2 =	vgt.s32 v10, $0x0;
	v8 =	vadd.s32 v9, v8  }
0x122: {  	s31 =	sshll.u32 s15, $0x7;
	s15 =	smul.u32 $0xC8, s15;
	v9 =	vnsel vm2, $0x0, v10;
	[tilespmem:s14+$0x10] =	vst v8  }
0x123: {  	v8 =	vmin.u32 v9, $0xC7;
	v9 =	vld [tilespmem:s31+$0x2000]  }
0x124: {  	v8 =	vadd.s32 s15, v8  }
0x125: {  	v8 =	vmul.u32 $0x6600, v8;
	_ =	sdelay $0x1  }
0x126: {  	v10 =	vadd.s32 s30, v5;
	v8 =	vadd.s32 v0, v8  }
0x127: {  	s14 =	sadd.s32 $0x40, s14;
	vm2 =	vgt.s32 v10, $0x0;
	v8 =	vadd.s32 v8, v9  }
0x128: {  	[tilespmem:s14+$0xFFFFFFE0] =	vst v8;
	v8 =	vnsel vm2, $0x0, v10  }
0x129: {  	v8 =	vmin.u32 v8, $0xC7;
	v9 =	vld [tilespmem:s31+$0x2010]  }
0x12a: {  	v8 =	vadd.s32 s15, v8  }
0x12b: {  	v8 =	vmul.u32 $0x6600, v8;
	_ =	sdelay $0x1  }
0x12c: {  	v10 =	vadd.s32 s30, v6;
	v8 =	vadd.s32 v4, v8  }
0x12d: {  	vm2 =	vgt.s32 v10, $0x0;
	v8 =	vadd.s32 v8, v9  }
0x12e: {  	[tilespmem:s14+$0xFFFFFFF0] =	vst v8;
	v8 =	vnsel vm2, $0x0, v10  }
0x12f: {  	v8 =	vmin.u32 v8, $0xC7;
	v9 =	vld [tilespmem:s31+$0x2020]  }
0x130: {  	v8 =	vadd.s32 s15, v8  }
0x131: {  	v8 =	vmul.u32 $0x6600, v8;
	_ =	sdelay $0x1  }
.Ltmp2:
0x132: {  	v8 =	vadd.s32 v3, v8;
	(pc) =	sbr.rel @p0 .LBB2_6-.Ltmp2, $4  }
0x133: {  	v8 =	vadd.s32 v8, v9;
	v9 =	vadd.s32 s30, v7  }
0x134: {  	[tilespmem:s14+$0x0] =	vst v8;
	vm2 =	vgt.s32 v9, $0x0  }
0x135: {  	v9 =	vnsel vm2, $0x0, v9;
	v8 =	vld [tilespmem:s31+$0x2030]  }
0x136: {  	v9 =	vmin.u32 v9, $0xC7  }
0x137: {  	v9 =	vadd.s32 s15, v9  }
0x138: {  	v9 =	vmul.u32 $0x6600, v9;
	_ =	sdelay $0x1  }
0x139: {  	v8 =	vnsel vm1, $0x0, v8;
	v9 =	vadd.s32 v2, v9  }
0x13a: {  	v8 =	vadd.s32 v9, v8  }
0x13b: {  	[tilespmem:s14+$0x10] =	vst v8  }
0x13c: {  	[tilespmem:s28], [sflag:$0x1] =	stream.indirect.gather [hbm4b:s4+s16], $0x1, s3, s16, $0xb8;
	[tilespmem:$0x2400] =	vst v63  }
0x13d: {  	s29 =	simm.s32 $0x1080  }
0x13e: {  	[tilespmem:s29], [sflag:$0x1] =	stream.indirect.gather [hbm4b:s4+s16], $0x1, s16, s16, $0xb8;
	[tilespmem:$0x2400] =	vst v63  }
0x13f: {  	s30 =	simm.s32 $0x100;
	s31 =	simm.s32 $0x1100  }
0x140: {  	[tilespmem:s31], [sflag:$0x1] =	stream.indirect.gather [hbm4b:s4+s16], $0x1, s30, s16, $0xb8;
	[tilespmem:$0x2400] =	vst v63  }
0x141: {  	s26 =	simm.s32 $0x180;
	s29 =	simm.s32 $0x1180  }
0x142: {  	[tilespmem:s29], [sflag:$0x1] =	stream.indirect.gather [hbm4b:s4+s16], $0x1, s26, s16, $0xb8;
	[tilespmem:$0x2400] =	vst v63  }
0x143: {  	s30 =	simm.s32 $0x200;
	s31 =	simm.s32 $0x1200  }
0x144: {  	[tilespmem:s31], [sflag:$0x1] =	stream.indirect.gather [hbm4b:s4+s16], $0x1, s30, s16, $0xb8;
	[tilespmem:$0x2400] =	vst v63  }
0x145: {  	s26 =	simm.s32 $0x280;
	s29 =	simm.s32 $0x1280  }
0x146: {  	[tilespmem:s29], [sflag:$0x1] =	stream.indirect.gather [hbm4b:s4+s16], $0x1, s26, s16, $0xb8;
	[tilespmem:$0x2400] =	vst v63  }
0x147: {  	s30 =	simm.s32 $0x300;
	s31 =	simm.s32 $0x1300  }
0x148: {  	[tilespmem:s31], [sflag:$0x1] =	stream.indirect.gather [hbm4b:s4+s16], $0x1, s30, s16, $0xb8;
	[tilespmem:$0x2400] =	vst v63  }
0x149: {  	s15 =	simm.s32 $0x380;
	s26 =	simm.s32 $0x1380  }
0x14a: {  	[tilespmem:s26], [sflag:$0x1] =	stream.indirect.gather [hbm4b:s4+s16], $0x1, s15, s16, $0xb8;
	[tilespmem:$0x2400] =	vst v63  }
0x14b: {  	s29 =	simm.s32 $0x1400  }
0x14c: {  	[tilespmem:s29], [sflag:$0x1] =	stream.indirect.gather [hbm4b:s4+s16], $0x1, s17, s16, $0xb8;
	[tilespmem:$0x2400] =	vst v63  }
0x14d: {  	s30 =	simm.s32 $0x480;
	s31 =	simm.s32 $0x1480  }
0x14e: {  	[tilespmem:s31], [sflag:$0x1] =	stream.indirect.gather [hbm4b:s4+s16], $0x1, s30, s16, $0xb8;
	[tilespmem:$0x2400] =	vst v63  }
0x14f: {  	s26 =	simm.s32 $0x500;
	s29 =	simm.s32 $0x1500  }
0x150: {  	[tilespmem:s29], [sflag:$0x1] =	stream.indirect.gather [hbm4b:s4+s16], $0x1, s26, s16, $0xb8;
	[tilespmem:$0x2400] =	vst v63  }
0x151: {  	s30 =	simm.s32 $0x580;
	s31 =	simm.s32 $0x1580  }
0x152: {  	[tilespmem:s31], [sflag:$0x1] =	stream.indirect.gather [hbm4b:s4+s16], $0x1, s30, s16, $0xb8;
	[tilespmem:$0x2400] =	vst v63  }
0x153: {  	s26 =	simm.s32 $0x600;
	s29 =	simm.s32 $0x1600  }
0x154: {  	[tilespmem:s29], [sflag:$0x1] =	stream.indirect.gather [hbm4b:s4+s16], $0x1, s26, s16, $0xb8;
	[tilespmem:$0x2400] =	vst v63  }
0x155: {  	s30 =	simm.s32 $0x680;
	s31 =	simm.s32 $0x1680  }
0x156: {  	[tilespmem:s31], [sflag:$0x1] =	stream.indirect.gather [hbm4b:s4+s16], $0x1, s30, s16, $0xb8;
	[tilespmem:$0x2400] =	vst v63  }
0x157: {  	s26 =	simm.s32 $0x700;
	s29 =	simm.s32 $0x1700  }
0x158: {  	[tilespmem:s29], [sflag:$0x1] =	stream.indirect.gather [hbm4b:s4+s16], $0x1, s26, s16, $0xb8;
	[tilespmem:$0x2400] =	vst v63  }
0x159: {  	s30 =	simm.s32 $0x780;
	s31 =	simm.s32 $0x1780  }
0x15a: {  	[tilespmem:s31], [sflag:$0x1] =	stream.indirect.gather [hbm4b:s4+s16], $0x1, s30, s16, $0xb8;
	[tilespmem:$0x2400] =	vst v63  }
0x15b: {  	s26 =	simm.s32 $0x800;
	s29 =	simm.s32 $0x1800  }
0x15c: {  	[tilespmem:s29], [sflag:$0x1] =	stream.indirect.gather [hbm4b:s4+s16], $0x1, s26, s16, $0xb8;
	[tilespmem:$0x2400] =	vst v63  }
0x15d: {  	s30 =	simm.s32 $0x880;
	s31 =	simm.s32 $0x1880  }
0x15e: {  	[tilespmem:s31], [sflag:$0x1] =	stream.indirect.gather [hbm4b:s4+s16], $0x1, s30, s16, $0xb8;
	[tilespmem:$0x2400] =	vst v63  }
0x15f: {  	s26 =	simm.s32 $0x900;
	s29 =	simm.s32 $0x1900  }
0x160: {  	[tilespmem:s29], [sflag:$0x1] =	stream.indirect.gather [hbm4b:s4+s16], $0x1, s26, s16, $0xb8;
	[tilespmem:$0x2400] =	vst v63  }
0x161: {  	s30 =	simm.s32 $0x980;
	s31 =	simm.s32 $0x1980  }
0x162: {  	[tilespmem:s31], [sflag:$0x1] =	stream.indirect.gather [hbm4b:s4+s16], $0x1, s30, s16, $0xb8;
	[tilespmem:$0x2400] =	vst v63  }
0x163: {  	s26 =	simm.s32 $0xA00;
	s29 =	simm.s32 $0x1A00  }
0x164: {  	[tilespmem:s29], [sflag:$0x1] =	stream.indirect.gather [hbm4b:s4+s16], $0x1, s26, s16, $0xb8;
	[tilespmem:$0x2400] =	vst v63  }
0x165: {  	s30 =	simm.s32 $0xA80;
	s31 =	simm.s32 $0x1A80  }
0x166: {  	[tilespmem:s31], [sflag:$0x1] =	stream.indirect.gather [hbm4b:s4+s16], $0x1, s30, s16, $0xb8;
	[tilespmem:$0x2400] =	vst v63  }
0x167: {  	s26 =	simm.s32 $0xB00;
	s29 =	simm.s32 $0x1B00  }
0x168: {  	[tilespmem:s29], [sflag:$0x1] =	stream.indirect.gather [hbm4b:s4+s16], $0x1, s26, s16, $0xb8;
	[tilespmem:$0x2400] =	vst v63  }
0x169: {  	s30 =	simm.s32 $0xB80;
	s31 =	simm.s32 $0x1B80  }
0x16a: {  	[tilespmem:s31], [sflag:$0x1] =	stream.indirect.gather [hbm4b:s4+s16], $0x1, s30, s16, $0xb8;
	[tilespmem:$0x2400] =	vst v63  }
0x16b: {  	s26 =	simm.s32 $0xC00;
	s29 =	simm.s32 $0x1C00  }
0x16c: {  	[tilespmem:s29], [sflag:$0x1] =	stream.indirect.gather [hbm4b:s4+s16], $0x1, s26, s16, $0xb8;
	[tilespmem:$0x2400] =	vst v63  }
0x16d: {  	s30 =	simm.s32 $0xC80;
	s31 =	simm.s32 $0x1C80  }
0x16e: {  	[tilespmem:s31], [sflag:$0x1] =	stream.indirect.gather [hbm4b:s4+s16], $0x1, s30, s16, $0xb8;
	[tilespmem:$0x2400] =	vst v63  }
0x16f: {  	s26 =	simm.s32 $0xD00;
	s29 =	simm.s32 $0x1D00  }
0x170: {  	[tilespmem:s29], [sflag:$0x1] =	stream.indirect.gather [hbm4b:s4+s16], $0x1, s26, s16, $0xb8;
	[tilespmem:$0x2400] =	vst v63  }
0x171: {  	s30 =	simm.s32 $0xD80  }
0x172: {  	[tilespmem:s0], [sflag:$0x1] =	stream.indirect.gather [hbm4b:s4+s16], $0x1, s30, s16, $0xb8;
	[tilespmem:$0x2400] =	vst v63  }
0x173: {  	_ = 	snop  }
0x174: {  	[tilespmem:s18], [sflag:$0x1] =	stream.indirect.gather [hbm4b:s4+s16], $0x1, s1, s16, $0xb8;
	[tilespmem:$0x2400] =	vst v63  }
0x175: {  	_ = 	snop  }
0x176: {  	[tilespmem:s21], [sflag:$0x1] =	stream.indirect.gather [hbm4b:s4+s16], $0x1, s20, s16, $0xb8;
	[tilespmem:$0x2400] =	vst v63  }
0x177: {  	_ = 	snop  }
0x178: {  	[tilespmem:s23], [sflag:$0x1] =	stream.indirect.gather [hbm4b:s4+s16], $0x1, s22, s16, $0xb8;
	[tilespmem:$0x2400] =	vst v63  }
0x179: {  	_ = 	snop  }
0x17a: {  	[tilespmem:s2], [sflag:$0x1] =	stream.indirect.gather [hbm4b:s4+s16], $0x1, s24, s16, $0xb8;
	[tilespmem:$0x2400] =	vst v63  }
0x17b: {  	_ =	swait.ge [sflag:s25], $0x80  }
0x17c: {  	[sflag:s25] =	ssyncset.done $0x0  }
0x17d: {  	[sflag:s25] =	ssyncadd.s32 $0xFFFFFF80  }
0x17e: {  	_ =	swait.ge [sflag:s25], $0x80  }
0x17f: {  	[sflag:s25] =	ssyncset.done $0x0  }
0x180: {  	[sflag:s25] =	ssyncadd.s32 $0xFFFFFF80  }
0x181: {  	_ =	swait.ge [sflag:s25], $0x80  }
0x182: {  	[sflag:s25] =	ssyncset.done $0x0  }
0x183: {  	[sflag:s25] =	ssyncadd.s32 $0xFFFFFF80  }
0x184: {  	_ =	swait.ge [sflag:s25], $0x80  }
0x185: {  	[sflag:s25] =	ssyncset.done $0x0  }
0x186: {  	[sflag:s25] =	ssyncadd.s32 $0xFFFFFF80  }
0x187: {  	_ =	swait.ge [sflag:s25], $0x80  }
0x188: {  	[sflag:s25] =	ssyncset.done $0x0  }
0x189: {  	[sflag:s25] =	ssyncadd.s32 $0xFFFFFF80  }
0x18a: {  	_ =	swait.ge [sflag:s25], $0x80  }
0x18b: {  	[sflag:s25] =	ssyncset.done $0x0  }
0x18c: {  	[sflag:s25] =	ssyncadd.s32 $0xFFFFFF80  }
0x18d: {  	_ =	swait.ge [sflag:s25], $0x80  }
0x18e: {  	[sflag:s25] =	ssyncset.done $0x0  }
0x18f: {  	[sflag:s25] =	ssyncadd.s32 $0xFFFFFF80  }
0x190: {  	_ =	swait.ge [sflag:s25], $0x80  }
0x191: {  	[sflag:s25] =	ssyncset.done $0x0  }
0x192: {  	[sflag:s25] =	ssyncadd.s32 $0xFFFFFF80  }
0x193: {  	_ =	swait.ge [sflag:s25], $0x80  }
0x194: {  	[sflag:s25] =	ssyncset.done $0x0  }
0x195: {  	[sflag:s25] =	ssyncadd.s32 $0xFFFFFF80  }
0x196: {  	_ =	swait.ge [sflag:s25], $0x80  }
0x197: {  	[sflag:s25] =	ssyncset.done $0x0  }
0x198: {  	[sflag:s25] =	ssyncadd.s32 $0xFFFFFF80  }
0x199: {  	_ =	swait.ge [sflag:s25], $0x80  }
0x19a: {  	[sflag:s25] =	ssyncset.done $0x0  }
0x19b: {  	[sflag:s25] =	ssyncadd.s32 $0xFFFFFF80  }
0x19c: {  	_ =	swait.ge [sflag:s25], $0x80  }
0x19d: {  	[sflag:s25] =	ssyncset.done $0x0  }
0x19e: {  	[sflag:s25] =	ssyncadd.s32 $0xFFFFFF80  }
0x19f: {  	_ =	swait.ge [sflag:s25], $0x80  }
0x1a0: {  	[sflag:s25] =	ssyncset.done $0x0  }
0x1a1: {  	[sflag:s25] =	ssyncadd.s32 $0xFFFFFF80  }
0x1a2: {  	_ =	swait.ge [sflag:s25], $0x80  }
0x1a3: {  	[sflag:s25] =	ssyncset.done $0x0  }
0x1a4: {  	[sflag:s25] =	ssyncadd.s32 $0xFFFFFF80  }
0x1a5: {  	_ =	swait.ge [sflag:s25], $0x80  }
0x1a6: {  	[sflag:s25] =	ssyncset.done $0x0  }
0x1a7: {  	[sflag:s25] =	ssyncadd.s32 $0xFFFFFF80  }
0x1a8: {  	_ =	swait.ge [sflag:s25], $0x80  }
0x1a9: {  	[sflag:s25] =	ssyncset.done $0x0  }
0x1aa: {  	[sflag:s25] =	ssyncadd.s32 $0xFFFFFF80  }
0x1ab: {  	_ =	swait.ge [sflag:s25], $0x80  }
0x1ac: {  	[sflag:s25] =	ssyncset.done $0x0  }
0x1ad: {  	[sflag:s25] =	ssyncadd.s32 $0xFFFFFF80  }
0x1ae: {  	_ =	swait.ge [sflag:s25], $0x80  }
0x1af: {  	[sflag:s25] =	ssyncset.done $0x0  }
0x1b0: {  	[sflag:s25] =	ssyncadd.s32 $0xFFFFFF80  }
0x1b1: {  	_ =	swait.ge [sflag:s25], $0x80  }
0x1b2: {  	[sflag:s25] =	ssyncset.done $0x0  }
0x1b3: {  	[sflag:s25] =	ssyncadd.s32 $0xFFFFFF80  }
0x1b4: {  	_ =	swait.ge [sflag:s25], $0x80  }
0x1b5: {  	[sflag:s25] =	ssyncset.done $0x0  }
0x1b6: {  	[sflag:s25] =	ssyncadd.s32 $0xFFFFFF80  }
0x1b7: {  	_ =	swait.ge [sflag:s25], $0x80  }
0x1b8: {  	[sflag:s25] =	ssyncset.done $0x0  }
0x1b9: {  	[sflag:s25] =	ssyncadd.s32 $0xFFFFFF80  }
0x1ba: {  	_ =	swait.ge [sflag:s25], $0x80  }
0x1bb: {  	[sflag:s25] =	ssyncset.done $0x0  }
0x1bc: {  	[sflag:s25] =	ssyncadd.s32 $0xFFFFFF80  }
0x1bd: {  	_ =	swait.ge [sflag:s25], $0x80  }
0x1be: {  	[sflag:s25] =	ssyncset.done $0x0  }
0x1bf: {  	[sflag:s25] =	ssyncadd.s32 $0xFFFFFF80  }
0x1c0: {  	_ =	swait.ge [sflag:s25], $0x80  }
0x1c1: {  	[sflag:s25] =	ssyncset.done $0x0  }
0x1c2: {  	[sflag:s25] =	ssyncadd.s32 $0xFFFFFF80  }
0x1c3: {  	_ =	swait.ge [sflag:s25], $0x80  }
0x1c4: {  	[sflag:s25] =	ssyncset.done $0x0  }
0x1c5: {  	[sflag:s25] =	ssyncadd.s32 $0xFFFFFF80  }
0x1c6: {  	_ =	swait.ge [sflag:s25], $0x80  }
0x1c7: {  	[sflag:s25] =	ssyncset.done $0x0  }
0x1c8: {  	[sflag:s25] =	ssyncadd.s32 $0xFFFFFF80  }
0x1c9: {  	_ =	swait.ge [sflag:s25], $0x80  }
0x1ca: {  	[sflag:s25] =	ssyncset.done $0x0  }
0x1cb: {  	[sflag:s25] =	ssyncadd.s32 $0xFFFFFF80  }
0x1cc: {  	_ =	swait.ge [sflag:s25], $0x80  }
0x1cd: {  	[sflag:s25] =	ssyncset.done $0x0  }
0x1ce: {  	[sflag:s25] =	ssyncadd.s32 $0xFFFFFF80  }
0x1cf: {  	_ =	swait.ge [sflag:s25], $0x80  }
0x1d0: {  	[sflag:s25] =	ssyncset.done $0x0  }
0x1d1: {  	[sflag:s25] =	ssyncadd.s32 $0xFFFFFF80  }
0x1d2: {  	_ =	swait.ge [sflag:s25], $0x80  }
0x1d3: {  	[sflag:s25] =	ssyncset.done $0x0  }
0x1d4: {  	[sflag:s25] =	ssyncadd.s32 $0xFFFFFF80  }
0x1d5: {  	_ =	swait.ge [sflag:s25], $0x80  }
0x1d6: {  	[sflag:s25] =	ssyncset.done $0x0  }
0x1d7: {  	[sflag:s25] =	ssyncadd.s32 $0xFFFFFF80  }
0x1d8: {  	_ =	swait.ge [sflag:s25], $0x80  }
0x1d9: {  	[sflag:s25] =	ssyncset.done $0x0  }
0x1da: {  	s14 =	simm.s32 $0x1020;
	[sflag:s25] =	ssyncadd.s32 $0xFFFFFF80  }
0x1db: {  	v10 =	vld [tilespmem:s14+$0xFFFFFFE0]  }
0x1dc: {  	s31 =	sadd.s32 $0x0, s12;
	v11 =	vld [tilespmem:s14+$0x0]  }
0x1dd: {  	v9 =	vadd.s32 s31, v1;
	v8 =	vld [tilespmem:s14+$0x10]  }
0x1de: {  	vm2 =	vlt.u32 v9, $0xC8;
	v9 =	vld [tilespmem:s14+$0xFFFFFFF0]  }
0x1df: {  	v12 =	vadd.s32 s31, v5;
	v13 =	vadd.s32 s31, v6;
	v14 =	vadd.s32 s31, v7  }
0x1e0: {  	vm3 =	vlt.u32 v13, $0xC8;
	vm4 =	vlt.u32 v14, $0xC8;
	v10 =	vnsel vm2, $0xF149F2CA, v10  }
0x1e1: {  	s15 =	simm.s32 $0x0;
	s26 =	simm.s32 $0x1060;
	vm2 =	vlt.u32 v12, $0xC8;
	[tilespmem:s14+$0xFFFFFFE0] =	vst v10;
	v10 =	vnsel vm3, $0xF149F2CA, v11;
	vm3 =	vmand vm4, vm1  }
.LBB2_8:
0x1e2: {  	s15 =	sadd.s32 $0x4, s15;
	v11 =	vld [tilespmem:s26+$0xFFFFFFE0];
	[tilespmem:s14+$0x0] =	vst v10;
	v8 =	vnsel vm3, $0xF149F2CA, v8  }
0x1e3: {  	s29 =	sshrl.u32 s15, $0x5;
	v10 =	vld [tilespmem:s26+$0x0];
	p0 =	slt.u32 s15, $0xFC;
	v9 =	vnsel vm2, $0xF149F2CA, v9;
	[tilespmem:s14+$0x10] =	vst v8  }
.Ltmp3:
0x1e4: {  	s29 =	sadd.s32 s12, s29;
	v8 =	vld [tilespmem:s26+$0x10];
	[tilespmem:s14+$0xFFFFFFF0] =	vst v9;
	s14 =	smov.u32 s26;
	(pc) =	sbr.rel @p0 .LBB2_8-.Ltmp3, $4  }
0x1e5: {  	v12 =	vadd.s32 s29, v1;
	v13 =	vadd.s32 s29, v5;
	v9 =	vld [tilespmem:s26+$0xFFFFFFF0]  }
0x1e6: {  	v14 =	vadd.s32 s29, v7;
	vm2 =	vlt.u32 v12, $0xC8;
	v12 =	vadd.s32 s29, v6  }
0x1e7: {  	vm4 =	vlt.u32 v14, $0xC8;
	v11 =	vnsel vm2, $0xF149F2CA, v11;
	vm3 =	vlt.u32 v12, $0xC8  }
0x1e8: {  	s26 =	sadd.s32 $0x40, s26;
	vm2 =	vlt.u32 v13, $0xC8;
	[tilespmem:s14+$0xFFFFFFE0] =	vst v11;
	v10 =	vnsel vm3, $0xF149F2CA, v10;
	vm3 =	vmand vm4, vm1  }
0x1e9: {  	[tilespmem:s14+$0x0] =	vst v10;
	v8 =	vnsel vm3, $0xF149F2CA, v8  }
0x1ea: {  	v9 =	vnsel vm2, $0xF149F2CA, v9;
	[tilespmem:s14+$0x10] =	vst v8  }
0x1eb: {  	s30 =	rddreg [dreg:$0x4];
	[tilespmem:s14+$0xFFFFFFF0] =	vst v9  }
0x1ec: {  	[hbm4b:s30+s3] =	stream.linear.scatter [tilespmem:s28], [sflag:$0x2], $0x1000, $0x38;
	[tilespmem:$0x2400] =	vst v63  }
0x1ed: {  	_ =	swait.ge [sflag:s19], $0x1000  }
0x1ee: {  	s13 =	sadd.s32 $0x1, s13;
	s31 =	rddreg [dreg:$0x5]  }
0x1ef: {  	p0 =	sne.s32 s13, s31  }
.Ltmp4:
0x1f0: {  	_ = 	snop;
	(pc) =	sbr.rel @p0 .LBB2_1-.Ltmp4, $3  }
0x1f1: {  	_ =	sdelay $0x1  }
0x1f2: {  	[sflag:s19] =	ssyncset.done $0x0  }
0x1f3: {  	[sflag:s19] =	ssyncadd.s32 $0xFFFFF000  }
0x1f4: {  	_ =	sfence.sel $0x180000  }
0x1f5: {  	[bflag:$0x0] =	sbarrier.arrive $0xFFFF  }
0x1f6: {  	_ =	strace $0x90000047  }
0x1f7: {  	s0 =	stileid.u32;
	[bflag:$0x2] =	sbarrier.arrive $0xFFFF  }
0x1f8: {  	p0 =	sne.s32 s0, $0x0;
	s0 =	rddreg [dreg:$0x2]  }
0x1f9: {  	s0 =	sadd.s32 @!p0 $0x100000, s0  }
0x1fa: {  	[sflag:s0] =	ssyncadd.tile.s32 @!p0 $0x1;
	_ =	shalt  }
.Lfunc_end2:
_tile_overlayer_lowered:
.L_overlay_start_2:
0x1fb: {  	(tag) =	ssettag $0x2  }
0x1fc: {  	s0 =	rddreg [dreg:$0x0];
	s2 =	stileid.u32  }
0x1fd: {  	s1 =	rddreg [dreg:$0x1];
	p0 =	sne.s32 s2, $0x0  }
0x1fe: {  	s3 =	rddreg [dreg:$0x2];
	[bflag:$0x3] =	sbarrier.arrive $0xFFFF;
	s2 =	simm.s32 @!p0 $0x1C02  }
0x1ff: {  	[timem:s3], [sflag:s2] =	dma.local @!p0 [hbm:s0], s1  }
0x200: {  	s0 =	simm.s32 @!p0 $0x2  }
0x201: {  	_ =	swait.ge @!p0 [sflag:s0], s1  }
0x202: {  	s1 =	ssub.s32 @!p0 $0x0, s1;
	[sflag:s0] =	ssyncset.done @!p0 $0x0  }
0x203: {  	[sflag:s0] =	ssyncadd.s32 @!p0 s1  }
0x204: {  	[bflag:$0x3] =	sbarrier.arrive $0xFFFF  }
0x205: {  	_ =	shalt  }

</sc_bundles>
